<compile_context>
chip_gen: v7x
topology: tpu7x:2x2x1
jax: 0.10.2.dev20260603
libtpu: 0.0.44.dev20260713+nightly
codegen_flags: <defaults>
</compile_context>

<pallas_src>
import functools

import jax
import jax.numpy as jnp
from jax import lax
from jax.experimental import pallas as pl
from jax.experimental.pallas import tpu as pltpu
from jax.experimental.pallas import tpu_sc as plsc

N = 10000
E = 320000
H = 128
D = 64
T = 10

NC = 2
NS = 16
NW = NC * NS
L = 16

_MESH = plsc.VectorSubcoreMesh(core_axis_name="c", subcore_axis_name="s")

ECK = 128
NPAD = 10112
NPS = NPAD // NS


def _spmm_core(fused, edge_hbm, ew_hbm, x_hbm, tid_hbm, out_hbm, out2_hbm,
               row0_v, col0_v, row1_v, col1_v, ew0_v, ew1_v, rows0_v, rows1_v,
               ridx0_v, ridx1_v, t0_v, t1_v, eidx0_v, eidx1_v, ewc0_v, ewc1_v,
               zrow_v, acc_sh, acc2_sh,
               isem0, isem1, gsem0, gsem1, ssem0, ssem1, wsem0, wsem1):
    E_CHUNKS = E // ECK
    E_ITERS = (E_CHUNKS + NW - 1) // NW
    ZCK = ECK
    ZTAIL = NPS - (NPS // ZCK) * ZCK
    cid = lax.axis_index("c")
    sid = lax.axis_index("s")
    wid = sid * NC + cid

    def zloop(i, carry):
        for hs in range(H // L):
            rows0_v[i, pl.ds(hs * L, L)] = jnp.zeros((L,), jnp.float32)
        if fused:
            zrow_v[pl.ds(i * L, L)] = jnp.zeros((L,), jnp.float32)
        return carry

    lax.fori_loop(0, ZCK, zloop, 0)
    for b in range(NPS // ZCK):
        pltpu.sync_copy(rows0_v, acc_sh.at[pl.ds(sid * NPS + b * ZCK, ZCK)])
    if ZTAIL:
        zbase = sid * NPS + (NPS // ZCK) * ZCK
        pltpu.sync_copy(rows0_v.at[pl.ds(0, ZTAIL)], acc_sh.at[pl.ds(zbase, ZTAIL)])
    if fused:
        ZW = ZCK * L
        fbase = sid * NPS * L
        for b in range((NPS * L) // ZW):
            pltpu.sync_copy(zrow_v, acc2_sh.at[pl.ds(fbase + b * ZW, ZW)])
        FT = NPS * L - ((NPS * L) // ZW) * ZW
        if FT:
            pltpu.sync_copy(zrow_v.at[pl.ds(0, FT)],
                            acc2_sh.at[pl.ds(fbase + ((NPS * L) // ZW) * ZW, FT)])
    plsc.subcore_barrier()

    bufs = ((row0_v, col0_v, ew0_v, rows0_v, ridx0_v, t0_v, eidx0_v, ewc0_v,
             isem0, gsem0, ssem0, wsem0),
            (row1_v, col1_v, ew1_v, rows1_v, ridx1_v, t1_v, eidx1_v, ewc1_v,
             isem1, gsem1, ssem1, wsem1))

    def issue_idx(c, buf):
        rowv, colv, ew = buf[0], buf[1], buf[2]
        isem = buf[8]
        base = c * ECK
        pltpu.async_copy(edge_hbm.at[0, pl.ds(base, ECK)], rowv, isem)
        pltpu.async_copy(edge_hbm.at[1, pl.ds(base, ECK)], colv, isem)
        pltpu.async_copy(ew_hbm.at[pl.ds(base, ECK)], ew, isem)

    def wait_idx(c, buf):
        rowv, colv, ew = buf[0], buf[1], buf[2]
        isem = buf[8]
        base = c * ECK
        pltpu.make_async_copy(edge_hbm.at[0, pl.ds(base, ECK)], rowv, isem).wait()
        pltpu.make_async_copy(edge_hbm.at[1, pl.ds(base, ECK)], colv, isem).wait()
        pltpu.make_async_copy(ew_hbm.at[pl.ds(base, ECK)], ew, isem).wait()

    def issue_gather(buf):
        colv, rows, tv, gsem = buf[1], buf[3], buf[5], buf[9]
        pltpu.async_copy(x_hbm.at[colv], rows, gsem)
        if fused:
            pltpu.async_copy(tid_hbm.at[colv], tv, gsem)

    def wait_gather(buf):
        colv, rows, tv, gsem = buf[1], buf[3], buf[5], buf[9]
        pltpu.make_async_copy(x_hbm.at[colv], rows, gsem).wait()
        if fused:
            pltpu.make_async_copy(tid_hbm.at[colv], tv, gsem).wait()

    def issue_scatter(buf):
        rows, ridx, eidx, ewc, ssem, wsem = (buf[3], buf[4], buf[6], buf[7],
                                             buf[10], buf[11])
        pltpu.async_copy(rows, acc_sh.at[ridx], ssem, add=True)
        if fused:
            pltpu.async_copy(ewc, acc2_sh.at[eidx], wsem, add=True)

    def wait_scatter(buf):
        rows, ridx, eidx, ewc, ssem, wsem = (buf[3], buf[4], buf[6], buf[7],
                                             buf[10], buf[11])
        pltpu.make_async_copy(rows, acc_sh.at[ridx], ssem).wait()
        if fused:
            pltpu.make_async_copy(ewc, acc2_sh.at[eidx], wsem).wait()

    @pl.when(wid < E_CHUNKS)
    def _():
        issue_idx(wid, bufs[0])
        wait_idx(wid, bufs[0])
        issue_gather(bufs[0])

    def step(k, cur, nxt):
        c_cur = wid + k * NW
        c_nxt = c_cur + NW
        rowv, ew, rows, ridx, tv, eidx, ewc = (cur[0], cur[2], cur[3], cur[4],
                                               cur[5], cur[6], cur[7])

        @pl.when(c_nxt < E_CHUNKS)
        def _():
            issue_idx(c_nxt, nxt)

        @pl.when(c_cur < E_CHUNKS)
        def _():
            wait_gather(cur)
            for g in range(ECK // L):
                sl = pl.ds(g * L, L)
                r16 = rowv[sl]
                ridx[sl] = r16
                if fused:
                    eidx[sl] = r16 * L + tv[sl]
                    ewc[sl] = ew[sl]

            def scale(g, c2):
                w16g = ew[pl.ds(g * L, L)]
                for j in range(L):
                    w16 = lax.broadcast_in_dim(w16g[j], (L,), ())
                    e = g * L + j
                    for hs in range(H // L):
                        sl = pl.ds(hs * L, L)
                        rows[e, sl] = rows[e, sl] * w16
                return c2

            lax.fori_loop(0, ECK // L, scale, 0)
            issue_scatter(cur)

        @pl.when(c_nxt < E_CHUNKS)
        def _():
            wait_idx(c_nxt, nxt)

            @pl.when(k >= 1)
            def _():
                wait_scatter(nxt)

            issue_gather(nxt)

    def pair(k2, carry):
        step(2 * k2, bufs[0], bufs[1])
        step(2 * k2 + 1, bufs[1], bufs[0])
        return carry

    lax.fori_loop(0, (E_ITERS + 1) // 2, pair, 0)
    wait_scatter(bufs[0])
    wait_scatter(bufs[1])
    plsc.subcore_barrier()
    pltpu.sync_copy(acc_sh.at[pl.ds(sid * NPS, NPS)],
                    out_hbm.at[cid, pl.ds(sid * NPS, NPS)])
    if fused:
        pltpu.sync_copy(acc2_sh.at[pl.ds(sid * NPS * L, NPS * L)],
                        out2_hbm.at[cid, pl.ds(sid * NPS * L, NPS * L)])


def _spmm_fused_body(edge_hbm, ew_hbm, x_hbm, tid_hbm, out_hbm, out2_hbm,
                     row0, col0, row1, col1, ew0, ew1, rows0, rows1,
                     ridx0, ridx1, t0, t1, eidx0, eidx1, ewc0, ewc1, zrow,
                     acc_sh, acc2_sh,
                     isem0, isem1, gsem0, gsem1, ssem0, ssem1, wsem0, wsem1):
    _spmm_core(True, edge_hbm, ew_hbm, x_hbm, tid_hbm, out_hbm, out2_hbm,
               row0, col0, row1, col1, ew0, ew1, rows0, rows1,
               ridx0, ridx1, t0, t1, eidx0, eidx1, ewc0, ewc1, zrow,
               acc_sh, acc2_sh,
               isem0, isem1, gsem0, gsem1, ssem0, ssem1, wsem0, wsem1)


def _spmm_plain_body(edge_hbm, ew_hbm, x_hbm, out_hbm,
                     row0, col0, row1, col1, ew0, ew1, rows0, rows1,
                     ridx0, ridx1, acc_sh,
                     isem0, isem1, gsem0, gsem1, ssem0, ssem1):
    _spmm_core(False, edge_hbm, ew_hbm, x_hbm, None, out_hbm, None,
               row0, col0, row1, col1, ew0, ew1, rows0, rows1,
               ridx0, ridx1, None, None, None, None, None, None, None,
               acc_sh, None,
               isem0, isem1, gsem0, gsem1, ssem0, ssem1, None, None)


_COMMON_SCRATCH = [
    pltpu.VMEM((ECK,), jnp.int32),
    pltpu.VMEM((ECK,), jnp.int32),
    pltpu.VMEM((ECK,), jnp.int32),
    pltpu.VMEM((ECK,), jnp.int32),
    pltpu.VMEM((ECK,), jnp.float32),
    pltpu.VMEM((ECK,), jnp.float32),
    pltpu.VMEM((ECK, H), jnp.float32),
    pltpu.VMEM((ECK, H), jnp.float32),
    pltpu.VMEM((ECK,), jnp.int32),
    pltpu.VMEM((ECK,), jnp.int32),
]
_SEMS = [pltpu.SemaphoreType.DMA] * 6


@jax.jit
def _spmm_fused(edge_index, edge_weight, node_emb, node_type_ids):
    f = pl.kernel(
        _spmm_fused_body,
        out_type=(jax.ShapeDtypeStruct((NC, NPAD, H), jnp.float32),
                  jax.ShapeDtypeStruct((NC, NPAD * L), jnp.float32)),
        mesh=_MESH,
        scratch_types=_COMMON_SCRATCH + [
            pltpu.VMEM((ECK,), jnp.int32),
            pltpu.VMEM((ECK,), jnp.int32),
            pltpu.VMEM((ECK,), jnp.int32),
            pltpu.VMEM((ECK,), jnp.int32),
            pltpu.VMEM((ECK,), jnp.float32),
            pltpu.VMEM((ECK,), jnp.float32),
            pltpu.VMEM((ECK * L,), jnp.float32),
            pltpu.VMEM_SHARED((NPAD, H), jnp.float32),
            pltpu.VMEM_SHARED((NPAD * L,), jnp.float32),
        ] + _SEMS + [pltpu.SemaphoreType.DMA, pltpu.SemaphoreType.DMA],
    )
    return f(edge_index, edge_weight, node_emb, node_type_ids)


@jax.jit
def _spmm(edge_index, edge_weight, x):
    f = pl.kernel(
        _spmm_plain_body,
        out_type=jax.ShapeDtypeStruct((NC, NPAD, H), jnp.float32),
        mesh=_MESH,
        scratch_types=_COMMON_SCRATCH + [
            pltpu.VMEM_SHARED((NPAD, H), jnp.float32),
        ] + _SEMS,
    )
    return f(edge_index, edge_weight, x)


BR = 2000


def _mm1_body(a_ref, a2_ref, tp_ref, w_ref, bias_ref, o_ref):
    s = a_ref[0] + a_ref[1]
    s = s + jnp.dot(a2_ref[0] + a2_ref[1], tp_ref[...],
                    preferred_element_type=jnp.float32)
    r = jnp.dot(s, w_ref[...], preferred_element_type=jnp.float32) + bias_ref[...]
    o_ref[...] = jnp.maximum(r, 0.0)


def _mm1(parts, parts2, type_pad, w, bias):
    return pl.pallas_call(
        _mm1_body,
        grid=(N // BR,),
        in_specs=[
            pl.BlockSpec((NC, BR, H), lambda i: (0, i, 0)),
            pl.BlockSpec((NC, BR, L), lambda i: (0, i, 0)),
            pl.BlockSpec((L, H), lambda i: (0, 0)),
            pl.BlockSpec((H, H), lambda i: (0, 0)),
            pl.BlockSpec((1, H), lambda i: (0, 0)),
        ],
        out_specs=pl.BlockSpec((BR, H), lambda i: (i, 0)),
        out_shape=jax.ShapeDtypeStruct((N, H), jnp.float32),
    )(parts, parts2, type_pad, w, bias)


def _mm2_body(a_ref, w_ref, bias_ref, o_ref):
    s = a_ref[0] + a_ref[1]
    o_ref[...] = jnp.dot(s, w_ref[...], preferred_element_type=jnp.float32) + bias_ref[...]


def _mm2(parts, w, bias):
    return pl.pallas_call(
        _mm2_body,
        grid=(N // BR,),
        in_specs=[
            pl.BlockSpec((NC, BR, H), lambda i: (0, i, 0)),
            pl.BlockSpec((H, D), lambda i: (0, 0)),
            pl.BlockSpec((1, D), lambda i: (0, 0)),
        ],
        out_specs=pl.BlockSpec((BR, D), lambda i: (i, 0)),
        out_shape=jax.ShapeDtypeStruct((N, D), jnp.float32),
    )(parts, w, bias)


def kernel(node_type_ids, edge_index, edge_weight, node_emb, type_emb, W1, b1, W2, b2):
    s1, s1t = _spmm_fused(edge_index, edge_weight, node_emb, node_type_ids)
    type_pad = jnp.zeros((L, H), jnp.float32).at[:T].set(type_emb)
    h = _mm1(s1, s1t.reshape(NC, NPAD, L), type_pad, W1, b1.reshape(1, H))
    s2 = _spmm(edge_index, edge_weight, h)
    z = _mm2(s2, W2, b2.reshape(1, D))
    return z

# --- scband reference (transcript-rebuilt; emitter-appended) ---
"""Pipeline reference for scband-prime-kgdrug-repurposing-gnn-39058432590091 (READ-ONLY COPY).

The authoritative reference and input builder live on the scoring server;
editing this copy changes nothing except your own understanding.
"""

import jax, jax.numpy as jnp
import numpy as np

N = 10000
E = 320000
H = 128
D = 64
T = 10


def spmm(edge_index, edge_weight, x):
    # sparse.mm(adj, x): out[row] += w * x[col]
    row = edge_index[0]
    col = edge_index[1]
    msgs = edge_weight[:, None] * jnp.take(x, col, axis=0)
    return jax.ops.segment_sum(msgs, row, num_segments=x.shape[0])


def setup_inputs(seed: int = 0) -> dict:
    key = jax.random.key(seed)
    ks = jax.random.split(key, 8)
    node_type_ids = jax.random.randint(ks[0], (N,), 0, T, dtype=jnp.int32)
    edge_index = jax.random.randint(ks[1], (2, E), 0, N, dtype=jnp.int32)
    edge_weight = jax.random.uniform(ks[2], (E,), dtype=jnp.float32)
    node_emb = jax.random.normal(ks[3], (N, H), dtype=jnp.float32) * 0.02
    type_emb = jax.random.normal(ks[4], (T, H), dtype=jnp.float32) * 0.02
    W1 = jax.random.normal(ks[5], (H, H), dtype=jnp.float32) * 0.05
    b1 = jnp.zeros((H,), dtype=jnp.float32)
    W2 = jax.random.normal(ks[6], (H, D), dtype=jnp.float32) * 0.05
    b2 = jnp.zeros((D,), dtype=jnp.float32)
    return {
        'node_type_ids': node_type_ids,
        'edge_index': edge_index,
        'edge_weight': edge_weight,
        'node_emb': node_emb,
        'type_emb': type_emb,
        'W1': W1,
        'b1': b1,
        'W2': W2,
        'b2': b2,
    }


def reference(node_type_ids, edge_index, edge_weight, node_emb, type_emb, W1, b1, W2, b2):
    # encode(node_type_ids, adj)
    # idx = arange(N); x = node_embedding(idx) + type_embedding(node_type_ids)
    x = node_emb + jnp.take(type_emb, node_type_ids, axis=0)
    # h = relu(gcn1(x, adj)) ; gcn = linear(sparse.mm(adj, x))
    h = jax.nn.relu(spmm(edge_index, edge_weight, x) @ W1 + b1)
    # dropout p=0.0 -> identity
    z = spmm(edge_index, edge_weight, h) @ W2 + b2
    return z

if __name__ == "__main__":
    import jax
    _d = setup_inputs()
    print(jax.jit(kernel)(*tuple(_d.values())))

</pallas_src>

<mosaic_0001>
#map = affine_map<(d0, d1) -> (0, 0)>
#map1 = affine_map<(d0, d1) -> (0)>
#map2 = affine_map<(d0, d1) -> (0, 0, 0)>
module attributes {stable_mosaic.version = 14 : i64} {
  func.func @_spmm_fused_body(%arg0: i32, %arg1: i32, %arg2: memref<2x320000xi32, #tpu.memory_space<hbm>>, %arg3: memref<320000xf32, #tpu.memory_space<hbm>>, %arg4: memref<10000x128xf32, #tpu.memory_space<hbm>>, %arg5: memref<10000xi32, #tpu.memory_space<hbm>>, %arg6: memref<2x10112x128xf32, #tpu.memory_space<hbm>>, %arg7: memref<2x161792xf32, #tpu.memory_space<hbm>>, %arg8: memref<128xi32, #tpu.memory_space<vmem>>, %arg9: memref<128xi32, #tpu.memory_space<vmem>>, %arg10: memref<128xi32, #tpu.memory_space<vmem>>, %arg11: memref<128xi32, #tpu.memory_space<vmem>>, %arg12: memref<128xf32, #tpu.memory_space<vmem>>, %arg13: memref<128xf32, #tpu.memory_space<vmem>>, %arg14: memref<128x128xf32, #tpu.memory_space<vmem>>, %arg15: memref<128x128xf32, #tpu.memory_space<vmem>>, %arg16: memref<128xi32, #tpu.memory_space<vmem>>, %arg17: memref<128xi32, #tpu.memory_space<vmem>>, %arg18: memref<128xi32, #tpu.memory_space<vmem>>, %arg19: memref<128xi32, #tpu.memory_space<vmem>>, %arg20: memref<128xi32, #tpu.memory_space<vmem>>, %arg21: memref<128xi32, #tpu.memory_space<vmem>>, %arg22: memref<128xf32, #tpu.memory_space<vmem>>, %arg23: memref<128xf32, #tpu.memory_space<vmem>>, %arg24: memref<2048xf32, #tpu.memory_space<vmem>>, %arg25: memref<10112x128xf32, #tpu.memory_space<vmem_shared>>, %arg26: memref<161792xf32, #tpu.memory_space<vmem_shared>>, %arg27: memref<!tpu.dma_semaphore, #tpu.memory_space<semaphore_mem>>, %arg28: memref<!tpu.dma_semaphore, #tpu.memory_space<semaphore_mem>>, %arg29: memref<!tpu.dma_semaphore, #tpu.memory_space<semaphore_mem>>, %arg30: memref<!tpu.dma_semaphore, #tpu.memory_space<semaphore_mem>>, %arg31: memref<!tpu.dma_semaphore, #tpu.memory_space<semaphore_mem>>, %arg32: memref<!tpu.dma_semaphore, #tpu.memory_space<semaphore_mem>>, %arg33: memref<!tpu.dma_semaphore, #tpu.memory_space<semaphore_mem>>, %arg34: memref<!tpu.dma_semaphore, #tpu.memory_space<semaphore_mem>>) attributes {dimension_semantics = [#tpu.dimension_semantics<core_parallel>, #tpu.dimension_semantics<subcore_parallel>], iteration_bounds = array<i64: 2, 16>, scalar_prefetch = 0 : i64, scratch_operands = 27 : i64, tpu.core_type = #tpu.core_type<sc_vector_subcore>, window_params = [{transform_indices = #map}, {transform_indices = #map1}, {transform_indices = #map}, {transform_indices = #map1}, {transform_indices = #map2}, {transform_indices = #map}]} {
    %mul3A = arith.constant 2 : i32
    %mul3A_0 = arith.muli %arg1, %mul3A : i32
    %add3A = arith.addi %mul3A_0, %arg0 : i32
    %scan3A = arith.constant 0 : i32
    %scan3A_1 = arith.constant 0 : i32
    %scan3A_2 = arith.constant 128 : i32
    %scan3A_3 = arith.addi %scan3A_1, %scan3A_2 : i32
    %scan3A_4 = arith.constant 1 : i32
    scf.for %scan3A_70 = %scan3A_1 to %scan3A_3 step %scan3A_4  : i32 {
      %broadcast_in_dim3A = arith.constant 0.000000e+00 : f32
      %broadcast_in_dim3A_71 = vector.broadcast %broadcast_in_dim3A : f32 to vector<16xf32>
      %swap3A = arith.index_cast %scan3A_70 : i32 to index
      %swap3A_72 = arith.constant 0 : index
      %swap3A_73 = tpu.vector_load %arg14[%swap3A, %swap3A_72] {strides = array<i32>} : memref<128x128xf32, #tpu.memory_space<vmem>>, vector<1x16xf32>,
      %swap3A_74 = vector.shape_cast %swap3A_73 : vector<1x16xf32> to vector<16xf32>
      %swap3A_75 = vector.shape_cast %broadcast_in_dim3A_71 : vector<16xf32> to vector<1x16xf32>
      tpu.vector_store %arg14[%swap3A, %swap3A_72], %swap3A_75 {strides = array<i32>} : memref<128x128xf32, #tpu.memory_space<vmem>>, vector<1x16xf32>,
      %broadcast_in_dim3A_76 = arith.constant 0.000000e+00 : f32
      %broadcast_in_dim3A_77 = vector.broadcast %broadcast_in_dim3A_76 : f32 to vector<16xf32>
      %swap3A_78 = arith.index_cast %scan3A_70 : i32 to index
      %swap3A_79 = arith.constant 16 : index
      %swap3A_80 = tpu.vector_load %arg14[%swap3A_78, %swap3A_79] {strides = array<i32>} : memref<128x128xf32, #tpu.memory_space<vmem>>, vector<1x16xf32>,
      %swap3A_81 = vector.shape_cast %swap3A_80 : vector<1x16xf32> to vector<16xf32>
      %swap3A_82 = vector.shape_cast %broadcast_in_dim3A_77 : vector<16xf32> to vector<1x16xf32>
      tpu.vector_store %arg14[%swap3A_78, %swap3A_79], %swap3A_82 {strides = array<i32>} : memref<128x128xf32, #tpu.memory_space<vmem>>, vector<1x16xf32>,
      %broadcast_in_dim3A_83 = arith.constant 0.000000e+00 : f32
      %broadcast_in_dim3A_84 = vector.broadcast %broadcast_in_dim3A_83 : f32 to vector<16xf32>
      %swap3A_85 = arith.index_cast %scan3A_70 : i32 to index
      %swap3A_86 = arith.constant 32 : index
      %swap3A_87 = tpu.vector_load %arg14[%swap3A_85, %swap3A_86] {strides = array<i32>} : memref<128x128xf32, #tpu.memory_space<vmem>>, vector<1x16xf32>,
      %swap3A_88 = vector.shape_cast %swap3A_87 : vector<1x16xf32> to vector<16xf32>
      %swap3A_89 = vector.shape_cast %broadcast_in_dim3A_84 : vector<16xf32> to vector<1x16xf32>
      tpu.vector_store %arg14[%swap3A_85, %swap3A_86], %swap3A_89 {strides = array<i32>} : memref<128x128xf32, #tpu.memory_space<vmem>>, vector<1x16xf32>,
      %broadcast_in_dim3A_90 = arith.constant 0.000000e+00 : f32
      %broadcast_in_dim3A_91 = vector.broadcast %broadcast_in_dim3A_90 : f32 to vector<16xf32>
      %swap3A_92 = arith.index_cast %scan3A_70 : i32 to index
      %swap3A_93 = arith.constant 48 : index
      %swap3A_94 = tpu.vector_load %arg14[%swap3A_92, %swap3A_93] {strides = array<i32>} : memref<128x128xf32, #tpu.memory_space<vmem>>, vector<1x16xf32>,
      %swap3A_95 = vector.shape_cast %swap3A_94 : vector<1x16xf32> to vector<16xf32>
      %swap3A_96 = vector.shape_cast %broadcast_in_dim3A_91 : vector<16xf32> to vector<1x16xf32>
      tpu.vector_store %arg14[%swap3A_92, %swap3A_93], %swap3A_96 {strides = array<i32>} : memref<128x128xf32, #tpu.memory_space<vmem>>, vector<1x16xf32>,
      %broadcast_in_dim3A_97 = arith.constant 0.000000e+00 : f32
      %broadcast_in_dim3A_98 = vector.broadcast %broadcast_in_dim3A_97 : f32 to vector<16xf32>
      %swap3A_99 = arith.index_cast %scan3A_70 : i32 to index
      %swap3A_100 = arith.constant 64 : index
      %swap3A_101 = tpu.vector_load %arg14[%swap3A_99, %swap3A_100] {strides = array<i32>} : memref<128x128xf32, #tpu.memory_space<vmem>>, vector<1x16xf32>,
      %swap3A_102 = vector.shape_cast %swap3A_101 : vector<1x16xf32> to vector<16xf32>
      %swap3A_103 = vector.shape_cast %broadcast_in_dim3A_98 : vector<16xf32> to vector<1x16xf32>
      tpu.vector_store %arg14[%swap3A_99, %swap3A_100], %swap3A_103 {strides = array<i32>} : memref<128x128xf32, #tpu.memory_space<vmem>>, vector<1x16xf32>,
      %broadcast_in_dim3A_104 = arith.constant 0.000000e+00 : f32
      %broadcast_in_dim3A_105 = vector.broadcast %broadcast_in_dim3A_104 : f32 to vector<16xf32>
      %swap3A_106 = arith.index_cast %scan3A_70 : i32 to index
      %swap3A_107 = arith.constant 80 : index
      %swap3A_108 = tpu.vector_load %arg14[%swap3A_106, %swap3A_107] {strides = array<i32>} : memref<128x128xf32, #tpu.memory_space<vmem>>, vector<1x16xf32>,
      %swap3A_109 = vector.shape_cast %swap3A_108 : vector<1x16xf32> to vector<16xf32>
      %swap3A_110 = vector.shape_cast %broadcast_in_dim3A_105 : vector<16xf32> to vector<1x16xf32>
      tpu.vector_store %arg14[%swap3A_106, %swap3A_107], %swap3A_110 {strides = array<i32>} : memref<128x128xf32, #tpu.memory_space<vmem>>, vector<1x16xf32>,
      %broadcast_in_dim3A_111 = arith.constant 0.000000e+00 : f32
      %broadcast_in_dim3A_112 = vector.broadcast %broadcast_in_dim3A_111 : f32 to vector<16xf32>
      %swap3A_113 = arith.index_cast %scan3A_70 : i32 to index
      %swap3A_114 = arith.constant 96 : index
      %swap3A_115 = tpu.vector_load %arg14[%swap3A_113, %swap3A_114] {strides = array<i32>} : memref<128x128xf32, #tpu.memory_space<vmem>>, vector<1x16xf32>,
      %swap3A_116 = vector.shape_cast %swap3A_115 : vector<1x16xf32> to vector<16xf32>
      %swap3A_117 = vector.shape_cast %broadcast_in_dim3A_112 : vector<16xf32> to vector<1x16xf32>
      tpu.vector_store %arg14[%swap3A_113, %swap3A_114], %swap3A_117 {strides = array<i32>} : memref<128x128xf32, #tpu.memory_space<vmem>>, vector<1x16xf32>,
      %broadcast_in_dim3A_118 = arith.constant 0.000000e+00 : f32
      %broadcast_in_dim3A_119 = vector.broadcast %broadcast_in_dim3A_118 : f32 to vector<16xf32>
      %swap3A_120 = arith.index_cast %scan3A_70 : i32 to index
      %swap3A_121 = arith.constant 112 : index
      %swap3A_122 = tpu.vector_load %arg14[%swap3A_120, %swap3A_121] {strides = array<i32>} : memref<128x128xf32, #tpu.memory_space<vmem>>, vector<1x16xf32>,
      %swap3A_123 = vector.shape_cast %swap3A_122 : vector<1x16xf32> to vector<16xf32>
      %swap3A_124 = vector.shape_cast %broadcast_in_dim3A_119 : vector<16xf32> to vector<1x16xf32>
      tpu.vector_store %arg14[%swap3A_120, %swap3A_121], %swap3A_124 {strides = array<i32>} : memref<128x128xf32, #tpu.memory_space<vmem>>, vector<1x16xf32>,
      %broadcast_in_dim3A_125 = arith.constant 0.000000e+00 : f32
      %broadcast_in_dim3A_126 = vector.broadcast %broadcast_in_dim3A_125 : f32 to vector<16xf32>
      %mul3A_127 = arith.constant 16 : i32
      %mul3A_128 = arith.muli %scan3A_70, %mul3A_127 : i32
      %swap3A_129 = arith.index_cast %mul3A_128 : i32 to index
      %swap3A_130 = tpu.vector_load %arg24[%swap3A_129] {strides = array<i32>} : memref<2048xf32, #tpu.memory_space<vmem>>, vector<16xf32>,
      %swap3A_131 = vector.shape_cast %swap3A_130 : vector<16xf32> to vector<16xf32>
      %swap3A_132 = vector.shape_cast %broadcast_in_dim3A_126 : vector<16xf32> to vector<16xf32>
      tpu.vector_store %arg24[%swap3A_129], %swap3A_132 {strides = array<i32>} : memref<2048xf32, #tpu.memory_space<vmem>>, vector<16xf32>,
    }
    %scan3A_5 = arith.constant 128 : i32
    %mul3A_6 = arith.constant 632 : i32
    %mul3A_7 = arith.muli %arg1, %mul3A_6 : i32
    %add3A_8 = arith.constant 0 : i32
    %add3A_9 = arith.addi %mul3A_7, %add3A_8 : i32
    "tpu.region"() ({
      %run_scoped3A = tpu.sem_alloc : memref<!tpu.dma_semaphore, #tpu.memory_space<semaphore_mem>>
      %dma_start3A = arith.constant 0 : i32
      %dma_start3A_70 = tpu.memref_slice %arg25[%add3A_9, %dma_start3A] : memref<10112x128xf32, #tpu.memory_space<vmem_shared>> -> memref<128x128xf32, #tpu.memory_space<vmem_shared>>
      %dma_start3A_71 = arith.constant 0 : i32
      %dma_start3A_72 = tpu.memref_slice %arg25[%add3A_9, %dma_start3A_71] : memref<10112x128xf32, #tpu.memory_space<vmem_shared>> -> memref<128x128xf32, #tpu.memory_space<vmem_shared>>
      tpu.enqueue_dma source(%arg14 : memref<128x128xf32, #tpu.memory_space<vmem>>) target(%dma_start3A_72 : memref<128x128xf32, #tpu.memory_space<vmem_shared>>) target_semaphore(%run_scoped3A : memref<!tpu.dma_semaphore, #tpu.memory_space<semaphore_mem>>)
      %dma_wait3A_73 = arith.constant 0 : i32
      %dma_wait3A_74 = tpu.memref_slice %arg25[%add3A_9, %dma_wait3A_73] : memref<10112x128xf32, #tpu.memory_space<vmem_shared>> -> memref<128x128xf32, #tpu.memory_space<vmem_shared>>
      %dma_wait3A_75 = arith.constant 0 : i32
      %dma_wait3A_76 = tpu.memref_slice %arg25[%add3A_9, %dma_wait3A_75] : memref<10112x128xf32, #tpu.memory_space<vmem_shared>> -> memref<128x128xf32, #tpu.memory_space<vmem_shared>>
      tpu.wait_dma2 semaphore(%run_scoped3A : memref<!tpu.dma_semaphore, #tpu.memory_space<semaphore_mem>>) src(%arg14 : memref<128x128xf32, #tpu.memory_space<vmem>>) dst(%dma_wait3A_76 : memref<128x128xf32, #tpu.memory_space<vmem_shared>>)
      tpu.yield
    }) : () -> ()
    %mul3A_10 = arith.constant 632 : i32
    %mul3A_11 = arith.muli %arg1, %mul3A_10 : i32
    %add3A_12 = arith.constant 128 : i32
    %add3A_13 = arith.addi %mul3A_11, %add3A_12 : i32
    "tpu.region"() ({
      %run_scoped3A = tpu.sem_alloc : memref<!tpu.dma_semaphore, #tpu.memory_space<semaphore_mem>>
      %dma_start3A = arith.constant 0 : i32
      %dma_start3A_70 = tpu.memref_slice %arg25[%add3A_13, %dma_start3A] : memref<10112x128xf32, #tpu.memory_space<vmem_shared>> -> memref<128x128xf32, #tpu.memory_space<vmem_shared>>
      %dma_start3A_71 = arith.constant 0 : i32
      %dma_start3A_72 = tpu.memref_slice %arg25[%add3A_13, %dma_start3A_71] : memref<10112x128xf32, #tpu.memory_space<vmem_shared>> -> memref<128x128xf32, #tpu.memory_space<vmem_shared>>
      tpu.enqueue_dma source(%arg14 : memref<128x128xf32, #tpu.memory_space<vmem>>) target(%dma_start3A_72 : memref<128x128xf32, #tpu.memory_space<vmem_shared>>) target_semaphore(%run_scoped3A : memref<!tpu.dma_semaphore, #tpu.memory_space<semaphore_mem>>)
      %dma_wait3A_73 = arith.constant 0 : i32
      %dma_wait3A_74 = tpu.memref_slice %arg25[%add3A_13, %dma_wait3A_73] : memref<10112x128xf32, #tpu.memory_space<vmem_shared>> -> memref<128x128xf32, #tpu.memory_space<vmem_shared>>
      %dma_wait3A_75 = arith.constant 0 : i32
      %dma_wait3A_76 = tpu.memref_slice %arg25[%add3A_13, %dma_wait3A_75] : memref<10112x128xf32, #tpu.memory_space<vmem_shared>> -> memref<128x128xf32, #tpu.memory_space<vmem_shared>>
      tpu.wait_dma2 semaphore(%run_scoped3A : memref<!tpu.dma_semaphore, #tpu.memory_space<semaphore_mem>>) src(%arg14 : memref<128x128xf32, #tpu.memory_space<vmem>>) dst(%dma_wait3A_76 : memref<128x128xf32, #tpu.memory_space<vmem_shared>>)
      tpu.yield
    }) : () -> ()
    %mul3A_14 = arith.constant 632 : i32
    %mul3A_15 = arith.muli %arg1, %mul3A_14 : i32
    %add3A_16 = arith.constant 256 : i32
    %add3A_17 = arith.addi %mul3A_15, %add3A_16 : i32
    "tpu.region"() ({
      %run_scoped3A = tpu.sem_alloc : memref<!tpu.dma_semaphore, #tpu.memory_space<semaphore_mem>>
      %dma_start3A = arith.constant 0 : i32
      %dma_start3A_70 = tpu.memref_slice %arg25[%add3A_17, %dma_start3A] : memref<10112x128xf32, #tpu.memory_space<vmem_shared>> -> memref<128x128xf32, #tpu.memory_space<vmem_shared>>
      %dma_start3A_71 = arith.constant 0 : i32
      %dma_start3A_72 = tpu.memref_slice %arg25[%add3A_17, %dma_start3A_71] : memref<10112x128xf32, #tpu.memory_space<vmem_shared>> -> memref<128x128xf32, #tpu.memory_space<vmem_shared>>
      tpu.enqueue_dma source(%arg14 : memref<128x128xf32, #tpu.memory_space<vmem>>) target(%dma_start3A_72 : memref<128x128xf32, #tpu.memory_space<vmem_shared>>) target_semaphore(%run_scoped3A : memref<!tpu.dma_semaphore, #tpu.memory_space<semaphore_mem>>)
      %dma_wait3A_73 = arith.constant 0 : i32
      %dma_wait3A_74 = tpu.memref_slice %arg25[%add3A_17, %dma_wait3A_73] : memref<10112x128xf32, #tpu.memory_space<vmem_shared>> -> memref<128x128xf32, #tpu.memory_space<vmem_shared>>
      %dma_wait3A_75 = arith.constant 0 : i32
      %dma_wait3A_76 = tpu.memref_slice %arg25[%add3A_17, %dma_wait3A_75] : memref<10112x128xf32, #tpu.memory_space<vmem_shared>> -> memref<128x128xf32, #tpu.memory_space<vmem_shared>>
      tpu.wait_dma2 semaphore(%run_scoped3A : memref<!tpu.dma_semaphore, #tpu.memory_space<semaphore_mem>>) src(%arg14 : memref<128x128xf32, #tpu.memory_space<vmem>>) dst(%dma_wait3A_76 : memref<128x128xf32, #tpu.memory_space<vmem_shared>>)
      tpu.yield
    }) : () -> ()
    %mul3A_18 = arith.constant 632 : i32
    %mul3A_19 = arith.muli %arg1, %mul3A_18 : i32
    %add3A_20 = arith.constant 384 : i32
    %add3A_21 = arith.addi %mul3A_19, %add3A_20 : i32
    "tpu.region"() ({
      %run_scoped3A = tpu.sem_alloc : memref<!tpu.dma_semaphore, #tpu.memory_space<semaphore_mem>>
      %dma_start3A = arith.constant 0 : i32
      %dma_start3A_70 = tpu.memref_slice %arg25[%add3A_21, %dma_start3A] : memref<10112x128xf32, #tpu.memory_space<vmem_shared>> -> memref<128x128xf32, #tpu.memory_space<vmem_shared>>
      %dma_start3A_71 = arith.constant 0 : i32
      %dma_start3A_72 = tpu.memref_slice %arg25[%add3A_21, %dma_start3A_71] : memref<10112x128xf32, #tpu.memory_space<vmem_shared>> -> memref<128x128xf32, #tpu.memory_space<vmem_shared>>
      tpu.enqueue_dma source(%arg14 : memref<128x128xf32, #tpu.memory_space<vmem>>) target(%dma_start3A_72 : memref<128x128xf32, #tpu.memory_space<vmem_shared>>) target_semaphore(%run_scoped3A : memref<!tpu.dma_semaphore, #tpu.memory_space<semaphore_mem>>)
      %dma_wait3A_73 = arith.constant 0 : i32
      %dma_wait3A_74 = tpu.memref_slice %arg25[%add3A_21, %dma_wait3A_73] : memref<10112x128xf32, #tpu.memory_space<vmem_shared>> -> memref<128x128xf32, #tpu.memory_space<vmem_shared>>
      %dma_wait3A_75 = arith.constant 0 : i32
      %dma_wait3A_76 = tpu.memref_slice %arg25[%add3A_21, %dma_wait3A_75] : memref<10112x128xf32, #tpu.memory_space<vmem_shared>> -> memref<128x128xf32, #tpu.memory_space<vmem_shared>>
      tpu.wait_dma2 semaphore(%run_scoped3A : memref<!tpu.dma_semaphore, #tpu.memory_space<semaphore_mem>>) src(%arg14 : memref<128x128xf32, #tpu.memory_space<vmem>>) dst(%dma_wait3A_76 : memref<128x128xf32, #tpu.memory_space<vmem_shared>>)
      tpu.yield
    }) : () -> ()
    %mul3A_22 = arith.constant 632 : i32
    %mul3A_23 = arith.muli %arg1, %mul3A_22 : i32
    %add3A_24 = arith.constant 512 : i32
    %add3A_25 = arith.addi %mul3A_23, %add3A_24 : i32
    "tpu.region"() ({
      %run_scoped3A = tpu.sem_alloc : memref<!tpu.dma_semaphore, #tpu.memory_space<semaphore_mem>>
      %dma_start3A = arith.constant 0 : i32
      %dma_start3A_70 = arith.constant 0 : i32
      %dma_start3A_71 = tpu.memref_slice %arg14[%dma_start3A, %dma_start3A_70] : memref<128x128xf32, #tpu.memory_space<vmem>> -> memref<120x128xf32, #tpu.memory_space<vmem>>
      %dma_start3A_72 = arith.constant 0 : i32
      %dma_start3A_73 = tpu.memref_slice %arg25[%add3A_25, %dma_start3A_72] : memref<10112x128xf32, #tpu.memory_space<vmem_shared>> -> memref<120x128xf32, #tpu.memory_space<vmem_shared>>
      %dma_start3A_74 = arith.constant 0 : i32
      %dma_start3A_75 = tpu.memref_slice %arg25[%add3A_25, %dma_start3A_74] : memref<10112x128xf32, #tpu.memory_space<vmem_shared>> -> memref<120x128xf32, #tpu.memory_space<vmem_shared>>
      %dma_start3A_76 = arith.constant 0 : i32
      %dma_start3A_77 = arith.constant 0 : i32
      %dma_start3A_78 = tpu.memref_slice %arg14[%dma_start3A_76, %dma_start3A_77] : memref<128x128xf32, #tpu.memory_space<vmem>> -> memref<120x128xf32, #tpu.memory_space<vmem>>
      tpu.enqueue_dma source(%dma_start3A_78 : memref<120x128xf32, #tpu.memory_space<vmem>>) target(%dma_start3A_75 : memref<120x128xf32, #tpu.memory_space<vmem_shared>>) target_semaphore(%run_scoped3A : memref<!tpu.dma_semaphore, #tpu.memory_space<semaphore_mem>>)
      %dma_wait3A_79 = arith.constant 0 : i32
      %dma_wait3A_80 = arith.constant 0 : i32
      %dma_wait3A_81 = tpu.memref_slice %arg14[%dma_wait3A_79, %dma_wait3A_80] : memref<128x128xf32, #tpu.memory_space<vmem>> -> memref<120x128xf32, #tpu.memory_space<vmem>>
      %dma_wait3A_82 = arith.constant 0 : i32
      %dma_wait3A_83 = tpu.memref_slice %arg25[%add3A_25, %dma_wait3A_82] : memref<10112x128xf32, #tpu.memory_space<vmem_shared>> -> memref<120x128xf32, #tpu.memory_space<vmem_shared>>
      %dma_wait3A_84 = arith.constant 0 : i32
      %dma_wait3A_85 = tpu.memref_slice %arg25[%add3A_25, %dma_wait3A_84] : memref<10112x128xf32, #tpu.memory_space<vmem_shared>> -> memref<120x128xf32, #tpu.memory_space<vmem_shared>>
      %dma_wait3A_86 = arith.constant 0 : i32
      %dma_wait3A_87 = arith.constant 0 : i32
      %dma_wait3A_88 = tpu.memref_slice %arg14[%dma_wait3A_86, %dma_wait3A_87] : memref<128x128xf32, #tpu.memory_space<vmem>> -> memref<120x128xf32, #tpu.memory_space<vmem>>
      tpu.wait_dma2 semaphore(%run_scoped3A : memref<!tpu.dma_semaphore, #tpu.memory_space<semaphore_mem>>) src(%dma_wait3A_88 : memref<120x128xf32, #tpu.memory_space<vmem>>) dst(%dma_wait3A_85 : memref<120x128xf32, #tpu.memory_space<vmem_shared>>)
      tpu.yield
    }) : () -> ()
    %mul3A_26 = arith.constant 632 : i32
    %mul3A_27 = arith.muli %arg1, %mul3A_26 : i32
    %mul3A_28 = arith.constant 16 : i32
    %mul3A_29 = arith.muli %mul3A_27, %mul3A_28 : i32
    %add3A_30 = arith.constant 0 : i32
    %add3A_31 = arith.addi %mul3A_29, %add3A_30 : i32
    "tpu.region"() ({
      %run_scoped3A = tpu.sem_alloc : memref<!tpu.dma_semaphore, #tpu.memory_space<semaphore_mem>>
      %dma_start3A = tpu.memref_slice %arg26[%add3A_31] : memref<161792xf32, #tpu.memory_space<vmem_shared>> -> memref<2048xf32, #tpu.memory_space<vmem_shared>>
      %dma_start3A_70 = tpu.memref_slice %arg26[%add3A_31] : memref<161792xf32, #tpu.memory_space<vmem_shared>> -> memref<2048xf32, #tpu.memory_space<vmem_shared>>
      tpu.enqueue_dma source(%arg24 : memref<2048xf32, #tpu.memory_space<vmem>>) target(%dma_start3A_70 : memref<2048xf32, #tpu.memory_space<vmem_shared>>) target_semaphore(%run_scoped3A : memref<!tpu.dma_semaphore, #tpu.memory_space<semaphore_mem>>)
      %dma_wait3A_71 = tpu.memref_slice %arg26[%add3A_31] : memref<161792xf32, #tpu.memory_space<vmem_shared>> -> memref<2048xf32, #tpu.memory_space<vmem_shared>>
      %dma_wait3A_72 = tpu.memref_slice %arg26[%add3A_31] : memref<161792xf32, #tpu.memory_space<vmem_shared>> -> memref<2048xf32, #tpu.memory_space<vmem_shared>>
      tpu.wait_dma2 semaphore(%run_scoped3A : memref<!tpu.dma_semaphore, #tpu.memory_space<semaphore_mem>>) src(%arg24 : memref<2048xf32, #tpu.memory_space<vmem>>) dst(%dma_wait3A_72 : memref<2048xf32, #tpu.memory_space<vmem_shared>>)
      tpu.yield
    }) : () -> ()
    %add3A_32 = arith.constant 2048 : i32
    %add3A_33 = arith.addi %mul3A_29, %add3A_32 : i32
    "tpu.region"() ({
      %run_scoped3A = tpu.sem_alloc : memref<!tpu.dma_semaphore, #tpu.memory_space<semaphore_mem>>
      %dma_start3A = tpu.memref_slice %arg26[%add3A_33] : memref<161792xf32, #tpu.memory_space<vmem_shared>> -> memref<2048xf32, #tpu.memory_space<vmem_shared>>
      %dma_start3A_70 = tpu.memref_slice %arg26[%add3A_33] : memref<161792xf32, #tpu.memory_space<vmem_shared>> -> memref<2048xf32, #tpu.memory_space<vmem_shared>>
      tpu.enqueue_dma source(%arg24 : memref<2048xf32, #tpu.memory_space<vmem>>) target(%dma_start3A_70 : memref<2048xf32, #tpu.memory_space<vmem_shared>>) target_semaphore(%run_scoped3A : memref<!tpu.dma_semaphore, #tpu.memory_space<semaphore_mem>>)
      %dma_wait3A_71 = tpu.memref_slice %arg26[%add3A_33] : memref<161792xf32, #tpu.memory_space<vmem_shared>> -> memref<2048xf32, #tpu.memory_space<vmem_shared>>
      %dma_wait3A_72 = tpu.memref_slice %arg26[%add3A_33] : memref<161792xf32, #tpu.memory_space<vmem_shared>> -> memref<2048xf32, #tpu.memory_space<vmem_shared>>
      tpu.wait_dma2 semaphore(%run_scoped3A : memref<!tpu.dma_semaphore, #tpu.memory_space<semaphore_mem>>) src(%arg24 : memref<2048xf32, #tpu.memory_space<vmem>>) dst(%dma_wait3A_72 : memref<2048xf32, #tpu.memory_space<vmem_shared>>)
      tpu.yield
    }) : () -> ()
    %add3A_34 = arith.constant 4096 : i32
    %add3A_35 = arith.addi %mul3A_29, %add3A_34 : i32
    "tpu.region"() ({
      %run_scoped3A = tpu.sem_alloc : memref<!tpu.dma_semaphore, #tpu.memory_space<semaphore_mem>>
      %dma_start3A = tpu.memref_slice %arg26[%add3A_35] : memref<161792xf32, #tpu.memory_space<vmem_shared>> -> memref<2048xf32, #tpu.memory_space<vmem_shared>>
      %dma_start3A_70 = tpu.memref_slice %arg26[%add3A_35] : memref<161792xf32, #tpu.memory_space<vmem_shared>> -> memref<2048xf32, #tpu.memory_space<vmem_shared>>
      tpu.enqueue_dma source(%arg24 : memref<2048xf32, #tpu.memory_space<vmem>>) target(%dma_start3A_70 : memref<2048xf32, #tpu.memory_space<vmem_shared>>) target_semaphore(%run_scoped3A : memref<!tpu.dma_semaphore, #tpu.memory_space<semaphore_mem>>)
      %dma_wait3A_71 = tpu.memref_slice %arg26[%add3A_35] : memref<161792xf32, #tpu.memory_space<vmem_shared>> -> memref<2048xf32, #tpu.memory_space<vmem_shared>>
      %dma_wait3A_72 = tpu.memref_slice %arg26[%add3A_35] : memref<161792xf32, #tpu.memory_space<vmem_shared>> -> memref<2048xf32, #tpu.memory_space<vmem_shared>>
      tpu.wait_dma2 semaphore(%run_scoped3A : memref<!tpu.dma_semaphore, #tpu.memory_space<semaphore_mem>>) src(%arg24 : memref<2048xf32, #tpu.memory_space<vmem>>) dst(%dma_wait3A_72 : memref<2048xf32, #tpu.memory_space<vmem_shared>>)
      tpu.yield
    }) : () -> ()
    %add3A_36 = arith.constant 6144 : i32
    %add3A_37 = arith.addi %mul3A_29, %add3A_36 : i32
    "tpu.region"() ({
      %run_scoped3A = tpu.sem_alloc : memref<!tpu.dma_semaphore, #tpu.memory_space<semaphore_mem>>
      %dma_start3A = tpu.memref_slice %arg26[%add3A_37] : memref<161792xf32, #tpu.memory_space<vmem_shared>> -> memref<2048xf32, #tpu.memory_space<vmem_shared>>
      %dma_start3A_70 = tpu.memref_slice %arg26[%add3A_37] : memref<161792xf32, #tpu.memory_space<vmem_shared>> -> memref<2048xf32, #tpu.memory_space<vmem_shared>>
      tpu.enqueue_dma source(%arg24 : memref<2048xf32, #tpu.memory_space<vmem>>) target(%dma_start3A_70 : memref<2048xf32, #tpu.memory_space<vmem_shared>>) target_semaphore(%run_scoped3A : memref<!tpu.dma_semaphore, #tpu.memory_space<semaphore_mem>>)
      %dma_wait3A_71 = tpu.memref_slice %arg26[%add3A_37] : memref<161792xf32, #tpu.memory_space<vmem_shared>> -> memref<2048xf32, #tpu.memory_space<vmem_shared>>
      %dma_wait3A_72 = tpu.memref_slice %arg26[%add3A_37] : memref<161792xf32, #tpu.memory_space<vmem_shared>> -> memref<2048xf32, #tpu.memory_space<vmem_shared>>
      tpu.wait_dma2 semaphore(%run_scoped3A : memref<!tpu.dma_semaphore, #tpu.memory_space<semaphore_mem>>) src(%arg24 : memref<2048xf32, #tpu.memory_space<vmem>>) dst(%dma_wait3A_72 : memref<2048xf32, #tpu.memory_space<vmem_shared>>)
      tpu.yield
    }) : () -> ()
    %add3A_38 = arith.constant 8192 : i32
    %add3A_39 = arith.addi %mul3A_29, %add3A_38 : i32
    "tpu.region"() ({
      %run_scoped3A = tpu.sem_alloc : memref<!tpu.dma_semaphore, #tpu.memory_space<semaphore_mem>>
      %dma_start3A = arith.constant 0 : i32
      %dma_start3A_70 = tpu.memref_slice %arg24[%dma_start3A] : memref<2048xf32, #tpu.memory_space<vmem>> -> memref<1920xf32, #tpu.memory_space<vmem>>
      %dma_start3A_71 = tpu.memref_slice %arg26[%add3A_39] : memref<161792xf32, #tpu.memory_space<vmem_shared>> -> memref<1920xf32, #tpu.memory_space<vmem_shared>>
      %dma_start3A_72 = tpu.memref_slice %arg26[%add3A_39] : memref<161792xf32, #tpu.memory_space<vmem_shared>> -> memref<1920xf32, #tpu.memory_space<vmem_shared>>
      %dma_start3A_73 = arith.constant 0 : i32
      %dma_start3A_74 = tpu.memref_slice %arg24[%dma_start3A_73] : memref<2048xf32, #tpu.memory_space<vmem>> -> memref<1920xf32, #tpu.memory_space<vmem>>
      tpu.enqueue_dma source(%dma_start3A_74 : memref<1920xf32, #tpu.memory_space<vmem>>) target(%dma_start3A_72 : memref<1920xf32, #tpu.memory_space<vmem_shared>>) target_semaphore(%run_scoped3A : memref<!tpu.dma_semaphore, #tpu.memory_space<semaphore_mem>>)
      %dma_wait3A_75 = arith.constant 0 : i32
      %dma_wait3A_76 = tpu.memref_slice %arg24[%dma_wait3A_75] : memref<2048xf32, #tpu.memory_space<vmem>> -> memref<1920xf32, #tpu.memory_space<vmem>>
      %dma_wait3A_77 = tpu.memref_slice %arg26[%add3A_39] : memref<161792xf32, #tpu.memory_space<vmem_shared>> -> memref<1920xf32, #tpu.memory_space<vmem_shared>>
      %dma_wait3A_78 = tpu.memref_slice %arg26[%add3A_39] : memref<161792xf32, #tpu.memory_space<vmem_shared>> -> memref<1920xf32, #tpu.memory_space<vmem_shared>>
      %dma_wait3A_79 = arith.constant 0 : i32
      %dma_wait3A_80 = tpu.memref_slice %arg24[%dma_wait3A_79] : memref<2048xf32, #tpu.memory_space<vmem>> -> memref<1920xf32, #tpu.memory_space<vmem>>
      tpu.wait_dma2 semaphore(%run_scoped3A : memref<!tpu.dma_semaphore, #tpu.memory_space<semaphore_mem>>) src(%dma_wait3A_80 : memref<1920xf32, #tpu.memory_space<vmem>>) dst(%dma_wait3A_78 : memref<1920xf32, #tpu.memory_space<vmem_shared>>)
      tpu.yield
    }) : () -> ()
    %barrier3A = arith.constant 0 : index
    tpu.barrier barrier_id(%barrier3A)
    %lt3A = arith.constant 2500 : i32
    %lt3A_40 = arith.cmpi slt, %add3A, %lt3A : i32
    %convert_element_type3A = arith.extui %lt3A_40 : i1 to i32
    %cond3A = arith.constant 0 : i32
    %cond3A_41 = arith.cmpi ne, %convert_element_type3A, %cond3A : i32
    scf.if %cond3A_41 {
      %mul3A_70 = arith.constant 128 : i32
      %mul3A_71 = arith.muli %add3A, %mul3A_70 : i32
      %dma_start3A = arith.constant 0 : i32
      %dma_start3A_72 = tpu.memref_slice %arg2[%dma_start3A, %mul3A_71] : memref<2x320000xi32, #tpu.memory_space<hbm>> -> memref<1x128xi32, #tpu.memory_space<hbm>>
      %dma_start3A_73 = tpu.memref_squeeze %dma_start3A_72 : memref<1x128xi32, #tpu.memory_space<hbm>> -> memref<128xi32, #tpu.memory_space<hbm>>
      %dma_start3A_74 = tpu.memref_slice %arg2[%dma_start3A, %mul3A_71] : memref<2x320000xi32, #tpu.memory_space<hbm>> -> memref<1x128xi32, #tpu.memory_space<hbm>>
      %dma_start3A_75 = tpu.memref_squeeze %dma_start3A_74 : memref<1x128xi32, #tpu.memory_space<hbm>> -> memref<128xi32, #tpu.memory_space<hbm>>
      tpu.enqueue_dma source(%dma_start3A_75 : memref<128xi32, #tpu.memory_space<hbm>>) target(%arg8 : memref<128xi32, #tpu.memory_space<vmem>>) target_semaphore(%arg27 : memref<!tpu.dma_semaphore, #tpu.memory_space<semaphore_mem>>)
      %dma_start3A_76 = arith.constant 1 : i32
      %dma_start3A_77 = tpu.memref_slice %arg2[%dma_start3A_76, %mul3A_71] : memref<2x320000xi32, #tpu.memory_space<hbm>> -> memref<1x128xi32, #tpu.memory_space<hbm>>
      %dma_start3A_78 = tpu.memref_squeeze %dma_start3A_77 : memref<1x128xi32, #tpu.memory_space<hbm>> -> memref<128xi32, #tpu.memory_space<hbm>>
      %dma_start3A_79 = tpu.memref_slice %arg2[%dma_start3A_76, %mul3A_71] : memref<2x320000xi32, #tpu.memory_space<hbm>> -> memref<1x128xi32, #tpu.memory_space<hbm>>
      %dma_start3A_80 = tpu.memref_squeeze %dma_start3A_79 : memref<1x128xi32, #tpu.memory_space<hbm>> -> memref<128xi32, #tpu.memory_space<hbm>>
      tpu.enqueue_dma source(%dma_start3A_80 : memref<128xi32, #tpu.memory_space<hbm>>) target(%arg9 : memref<128xi32, #tpu.memory_space<vmem>>) target_semaphore(%arg27 : memref<!tpu.dma_semaphore, #tpu.memory_space<semaphore_mem>>)
      %dma_start3A_81 = tpu.memref_slice %arg3[%mul3A_71] : memref<320000xf32, #tpu.memory_space<hbm>> -> memref<128xf32, #tpu.memory_space<hbm>>
      %dma_start3A_82 = tpu.memref_slice %arg3[%mul3A_71] : memref<320000xf32, #tpu.memory_space<hbm>> -> memref<128xf32, #tpu.memory_space<hbm>>
      tpu.enqueue_dma source(%dma_start3A_82 : memref<128xf32, #tpu.memory_space<hbm>>) target(%arg12 : memref<128xf32, #tpu.memory_space<vmem>>) target_semaphore(%arg27 : memref<!tpu.dma_semaphore, #tpu.memory_space<semaphore_mem>>)
      %mul3A_83 = arith.constant 128 : i32
      %mul3A_84 = arith.muli %add3A, %mul3A_83 : i32
      %dma_wait3A_85 = arith.constant 0 : i32
      %dma_wait3A_86 = tpu.memref_slice %arg2[%dma_wait3A_85, %mul3A_84] : memref<2x320000xi32, #tpu.memory_space<hbm>> -> memref<1x128xi32, #tpu.memory_space<hbm>>
      %dma_wait3A_87 = tpu.memref_squeeze %dma_wait3A_86 : memref<1x128xi32, #tpu.memory_space<hbm>> -> memref<128xi32, #tpu.memory_space<hbm>>
      %dma_wait3A_88 = tpu.memref_slice %arg2[%dma_wait3A_85, %mul3A_84] : memref<2x320000xi32, #tpu.memory_space<hbm>> -> memref<1x128xi32, #tpu.memory_space<hbm>>
      %dma_wait3A_89 = tpu.memref_squeeze %dma_wait3A_88 : memref<1x128xi32, #tpu.memory_space<hbm>> -> memref<128xi32, #tpu.memory_space<hbm>>
      tpu.wait_dma2 semaphore(%arg27 : memref<!tpu.dma_semaphore, #tpu.memory_space<semaphore_mem>>) src(%dma_wait3A_89 : memref<128xi32, #tpu.memory_space<hbm>>) dst(%arg8 : memref<128xi32, #tpu.memory_space<vmem>>)
      %dma_wait3A_90 = arith.constant 1 : i32
      %dma_wait3A_91 = tpu.memref_slice %arg2[%dma_wait3A_90, %mul3A_84] : memref<2x320000xi32, #tpu.memory_space<hbm>> -> memref<1x128xi32, #tpu.memory_space<hbm>>
      %dma_wait3A_92 = tpu.memref_squeeze %dma_wait3A_91 : memref<1x128xi32, #tpu.memory_space<hbm>> -> memref<128xi32, #tpu.memory_space<hbm>>
      %dma_wait3A_93 = tpu.memref_slice %arg2[%dma_wait3A_90, %mul3A_84] : memref<2x320000xi32, #tpu.memory_space<hbm>> -> memref<1x128xi32, #tpu.memory_space<hbm>>
      %dma_wait3A_94 = tpu.memref_squeeze %dma_wait3A_93 : memref<1x128xi32, #tpu.memory_space<hbm>> -> memref<128xi32, #tpu.memory_space<hbm>>
      tpu.wait_dma2 semaphore(%arg27 : memref<!tpu.dma_semaphore, #tpu.memory_space<semaphore_mem>>) src(%dma_wait3A_94 : memref<128xi32, #tpu.memory_space<hbm>>) dst(%arg9 : memref<128xi32, #tpu.memory_space<vmem>>)
      %dma_wait3A_95 = tpu.memref_slice %arg3[%mul3A_84] : memref<320000xf32, #tpu.memory_space<hbm>> -> memref<128xf32, #tpu.memory_space<hbm>>
      %dma_wait3A_96 = tpu.memref_slice %arg3[%mul3A_84] : memref<320000xf32, #tpu.memory_space<hbm>> -> memref<128xf32, #tpu.memory_space<hbm>>
      tpu.wait_dma2 semaphore(%arg27 : memref<!tpu.dma_semaphore, #tpu.memory_space<semaphore_mem>>) src(%dma_wait3A_96 : memref<128xf32, #tpu.memory_space<hbm>>) dst(%arg12 : memref<128xf32, #tpu.memory_space<vmem>>)
      %dma_start3A_97 = arith.constant 0 : i32
      %dma_start3A_98 = arith.constant 0 : i32
      %dma_start3A_99 = tpu.memref_slice %arg4[%dma_start3A_97, %dma_start3A_98] : memref<10000x128xf32, #tpu.memory_space<hbm>> -> memref<10000x128xf32, #tpu.memory_space<hbm>>
      tpu.enqueue_indirect_dma source(%dma_start3A_99 : memref<10000x128xf32, #tpu.memory_space<hbm>>) target(%arg14 : memref<128x128xf32, #tpu.memory_space<vmem>>) offsets(%arg9 : memref<128xi32, #tpu.memory_space<vmem>>) semaphore(%arg29 : memref<!tpu.dma_semaphore, #tpu.memory_space<semaphore_mem>>)
      %dma_start3A_100 = arith.constant 0 : i32
      %dma_start3A_101 = tpu.memref_slice %arg5[%dma_start3A_100] : memref<10000xi32, #tpu.memory_space<hbm>> -> memref<10000xi32, #tpu.memory_space<hbm>>
      tpu.enqueue_indirect_dma source(%dma_start3A_101 : memref<10000xi32, #tpu.memory_space<hbm>>) target(%arg18 : memref<128xi32, #tpu.memory_space<vmem>>) offsets(%arg9 : memref<128xi32, #tpu.memory_space<vmem>>) semaphore(%arg29 : memref<!tpu.dma_semaphore, #tpu.memory_space<semaphore_mem>>)
    } else {
    }
    %scan3A_42 = arith.constant 0 : i32
    %scan3A_43 = arith.constant 0 : i32
    %scan3A_44 = arith.constant 40 : i32
    %scan3A_45 = arith.addi %scan3A_43, %scan3A_44 : i32
    %scan3A_46 = arith.constant 1 : i32
    scf.for %scan3A_70 = %scan3A_43 to %scan3A_45 step %scan3A_46  : i32 {
      %mul3A_71 = arith.constant 2 : i32
      %mul3A_72 = arith.muli %mul3A_71, %scan3A_70 : i32
      %mul3A_73 = arith.constant 32 : i32
      %mul3A_74 = arith.muli %mul3A_72, %mul3A_73 : i32
      %add3A_75 = arith.addi %add3A, %mul3A_74 : i32
      %add3A_76 = arith.constant 32 : i32
      %add3A_77 = arith.addi %add3A_75, %add3A_76 : i32
      %lt3A_78 = arith.constant 2500 : i32
      %lt3A_79 = arith.cmpi slt, %add3A_77, %lt3A_78 : i32
      %convert_element_type3A_80 = arith.extui %lt3A_79 : i1 to i32
      %cond3A_81 = arith.constant 0 : i32
      %cond3A_82 = arith.cmpi ne, %convert_element_type3A_80, %cond3A_81 : i32
      scf.if %cond3A_82 {
        %mul3A_117 = arith.constant 128 : i32
        %mul3A_118 = arith.muli %add3A_77, %mul3A_117 : i32
        %dma_start3A = arith.constant 0 : i32
        %dma_start3A_119 = tpu.memref_slice %arg2[%dma_start3A, %mul3A_118] : memref<2x320000xi32, #tpu.memory_space<hbm>> -> memref<1x128xi32, #tpu.memory_space<hbm>>
        %dma_start3A_120 = tpu.memref_squeeze %dma_start3A_119 : memref<1x128xi32, #tpu.memory_space<hbm>> -> memref<128xi32, #tpu.memory_space<hbm>>
        %dma_start3A_121 = tpu.memref_slice %arg2[%dma_start3A, %mul3A_118] : memref<2x320000xi32, #tpu.memory_space<hbm>> -> memref<1x128xi32, #tpu.memory_space<hbm>>
        %dma_start3A_122 = tpu.memref_squeeze %dma_start3A_121 : memref<1x128xi32, #tpu.memory_space<hbm>> -> memref<128xi32, #tpu.memory_space<hbm>>
        tpu.enqueue_dma source(%dma_start3A_122 : memref<128xi32, #tpu.memory_space<hbm>>) target(%arg10 : memref<128xi32, #tpu.memory_space<vmem>>) target_semaphore(%arg28 : memref<!tpu.dma_semaphore, #tpu.memory_space<semaphore_mem>>)
        %dma_start3A_123 = arith.constant 1 : i32
        %dma_start3A_124 = tpu.memref_slice %arg2[%dma_start3A_123, %mul3A_118] : memref<2x320000xi32, #tpu.memory_space<hbm>> -> memref<1x128xi32, #tpu.memory_space<hbm>>
        %dma_start3A_125 = tpu.memref_squeeze %dma_start3A_124 : memref<1x128xi32, #tpu.memory_space<hbm>> -> memref<128xi32, #tpu.memory_space<hbm>>
        %dma_start3A_126 = tpu.memref_slice %arg2[%dma_start3A_123, %mul3A_118] : memref<2x320000xi32, #tpu.memory_space<hbm>> -> memref<1x128xi32, #tpu.memory_space<hbm>>
        %dma_start3A_127 = tpu.memref_squeeze %dma_start3A_126 : memref<1x128xi32, #tpu.memory_space<hbm>> -> memref<128xi32, #tpu.memory_space<hbm>>
        tpu.enqueue_dma source(%dma_start3A_127 : memref<128xi32, #tpu.memory_space<hbm>>) target(%arg11 : memref<128xi32, #tpu.memory_space<vmem>>) target_semaphore(%arg28 : memref<!tpu.dma_semaphore, #tpu.memory_space<semaphore_mem>>)
        %dma_start3A_128 = tpu.memref_slice %arg3[%mul3A_118] : memref<320000xf32, #tpu.memory_space<hbm>> -> memref<128xf32, #tpu.memory_space<hbm>>
        %dma_start3A_129 = tpu.memref_slice %arg3[%mul3A_118] : memref<320000xf32, #tpu.memory_space<hbm>> -> memref<128xf32, #tpu.memory_space<hbm>>
        tpu.enqueue_dma source(%dma_start3A_129 : memref<128xf32, #tpu.memory_space<hbm>>) target(%arg13 : memref<128xf32, #tpu.memory_space<vmem>>) target_semaphore(%arg28 : memref<!tpu.dma_semaphore, #tpu.memory_space<semaphore_mem>>)
      } else {
      }
      %lt3A_83 = arith.constant 2500 : i32
      %lt3A_84 = arith.cmpi slt, %add3A_75, %lt3A_83 : i32
      %convert_element_type3A_85 = arith.extui %lt3A_84 : i1 to i32
      %cond3A_86 = arith.constant 0 : i32
      %cond3A_87 = arith.cmpi ne, %convert_element_type3A_85, %cond3A_86 : i32
      scf.if %cond3A_87 {
        %dma_wait3A_117 = arith.constant 0 : i32
        %dma_wait3A_118 = arith.constant 0 : i32
        %dma_wait3A_119 = tpu.memref_slice %arg4[%dma_wait3A_117, %dma_wait3A_118] : memref<10000x128xf32, #tpu.memory_space<hbm>> -> memref<10000x128xf32, #tpu.memory_space<hbm>>
        tpu.wait_indirect_dma semaphore(%arg29 : memref<!tpu.dma_semaphore, #tpu.memory_space<semaphore_mem>>) src(%dma_wait3A_119 : memref<10000x128xf32, #tpu.memory_space<hbm>>) dst(%arg14 : memref<128x128xf32, #tpu.memory_space<vmem>>)
        %dma_wait3A_120 = arith.constant 0 : i32
        %dma_wait3A_121 = tpu.memref_slice %arg5[%dma_wait3A_120] : memref<10000xi32, #tpu.memory_space<hbm>> -> memref<10000xi32, #tpu.memory_space<hbm>>
        tpu.wait_indirect_dma semaphore(%arg29 : memref<!tpu.dma_semaphore, #tpu.memory_space<semaphore_mem>>) src(%dma_wait3A_121 : memref<10000xi32, #tpu.memory_space<hbm>>) dst(%arg18 : memref<128xi32, #tpu.memory_space<vmem>>)
        %get3A = arith.constant 0 : index
        %get3A_122 = tpu.vector_load %arg8[%get3A] {strides = array<i32>} : memref<128xi32, #tpu.memory_space<vmem>>, vector<16xi32>,
        %get3A_123 = vector.shape_cast %get3A_122 : vector<16xi32> to vector<16xi32>
        %swap3A = arith.constant 0 : index
        %swap3A_124 = tpu.vector_load %arg16[%swap3A] {strides = array<i32>} : memref<128xi32, #tpu.memory_space<vmem>>, vector<16xi32>,
        %swap3A_125 = vector.shape_cast %swap3A_124 : vector<16xi32> to vector<16xi32>
        %swap3A_126 = vector.shape_cast %get3A_123 : vector<16xi32> to vector<16xi32>
        tpu.vector_store %arg16[%swap3A], %swap3A_126 {strides = array<i32>} : memref<128xi32, #tpu.memory_space<vmem>>, vector<16xi32>,
        %mul3A_127 = arith.constant 16 : i32
        %mul3A_128 = vector.broadcast %mul3A_127 : i32 to vector<16xi32>
        %mul3A_129 = arith.muli %get3A_123, %mul3A_128 : vector<16xi32>
        %get3A_130 = arith.constant 0 : index
        %get3A_131 = tpu.vector_load %arg18[%get3A_130] {strides = array<i32>} : memref<128xi32, #tpu.memory_space<vmem>>, vector<16xi32>,
        %get3A_132 = vector.shape_cast %get3A_131 : vector<16xi32> to vector<16xi32>
        %add3A_133 = arith.addi %mul3A_129, %get3A_132 : vector<16xi32>
        %swap3A_134 = arith.constant 0 : index
        %swap3A_135 = tpu.vector_load %arg20[%swap3A_134] {strides = array<i32>} : memref<128xi32, #tpu.memory_space<vmem>>, vector<16xi32>,
        %swap3A_136 = vector.shape_cast %swap3A_135 : vector<16xi32> to vector<16xi32>
        %swap3A_137 = vector.shape_cast %add3A_133 : vector<16xi32> to vector<16xi32>
        tpu.vector_store %arg20[%swap3A_134], %swap3A_137 {strides = array<i32>} : memref<128xi32, #tpu.memory_space<vmem>>, vector<16xi32>,
        %get3A_138 = arith.constant 0 : index
        %get3A_139 = tpu.vector_load %arg12[%get3A_138] {strides = array<i32>} : memref<128xf32, #tpu.memory_space<vmem>>, vector<16xf32>,
        %get3A_140 = vector.shape_cast %get3A_139 : vector<16xf32> to vector<16xf32>
        %swap3A_141 = arith.constant 0 : index
        %swap3A_142 = tpu.vector_load %arg22[%swap3A_141] {strides = array<i32>} : memref<128xf32, #tpu.memory_space<vmem>>, vector<16xf32>,
        %swap3A_143 = vector.shape_cast %swap3A_142 : vector<16xf32> to vector<16xf32>
        %swap3A_144 = vector.shape_cast %get3A_140 : vector<16xf32> to vector<16xf32>
        tpu.vector_store %arg22[%swap3A_141], %swap3A_144 {strides = array<i32>} : memref<128xf32, #tpu.memory_space<vmem>>, vector<16xf32>,
        %get3A_145 = arith.constant 16 : index
        %get3A_146 = tpu.vector_load %arg8[%get3A_145] {strides = array<i32>} : memref<128xi32, #tpu.memory_space<vmem>>, vector<16xi32>,
        %get3A_147 = vector.shape_cast %get3A_146 : vector<16xi32> to vector<16xi32>
        %swap3A_148 = arith.constant 16 : index
        %swap3A_149 = tpu.vector_load %arg16[%swap3A_148] {strides = array<i32>} : memref<128xi32, #tpu.memory_space<vmem>>, vector<16xi32>,
        %swap3A_150 = vector.shape_cast %swap3A_149 : vector<16xi32> to vector<16xi32>
        %swap3A_151 = vector.shape_cast %get3A_147 : vector<16xi32> to vector<16xi32>
        tpu.vector_store %arg16[%swap3A_148], %swap3A_151 {strides = array<i32>} : memref<128xi32, #tpu.memory_space<vmem>>, vector<16xi32>,
        %mul3A_152 = arith.constant 16 : i32
        %mul3A_153 = vector.broadcast %mul3A_152 : i32 to vector<16xi32>
        %mul3A_154 = arith.muli %get3A_147, %mul3A_153 : vector<16xi32>
        %get3A_155 = arith.constant 16 : index
        %get3A_156 = tpu.vector_load %arg18[%get3A_155] {strides = array<i32>} : memref<128xi32, #tpu.memory_space<vmem>>, vector<16xi32>,
        %get3A_157 = vector.shape_cast %get3A_156 : vector<16xi32> to vector<16xi32>
        %add3A_158 = arith.addi %mul3A_154, %get3A_157 : vector<16xi32>
        %swap3A_159 = arith.constant 16 : index
        %swap3A_160 = tpu.vector_load %arg20[%swap3A_159] {strides = array<i32>} : memref<128xi32, #tpu.memory_space<vmem>>, vector<16xi32>,
        %swap3A_161 = vector.shape_cast %swap3A_160 : vector<16xi32> to vector<16xi32>
        %swap3A_162 = vector.shape_cast %add3A_158 : vector<16xi32> to vector<16xi32>
        tpu.vector_store %arg20[%swap3A_159], %swap3A_162 {strides = array<i32>} : memref<128xi32, #tpu.memory_space<vmem>>, vector<16xi32>,
        %get3A_163 = arith.constant 16 : index
        %get3A_164 = tpu.vector_load %arg12[%get3A_163] {strides = array<i32>} : memref<128xf32, #tpu.memory_space<vmem>>, vector<16xf32>,
        %get3A_165 = vector.shape_cast %get3A_164 : vector<16xf32> to vector<16xf32>
        %swap3A_166 = arith.constant 16 : index
        %swap3A_167 = tpu.vector_load %arg22[%swap3A_166] {strides = array<i32>} : memref<128xf32, #tpu.memory_space<vmem>>, vector<16xf32>,
        %swap3A_168 = vector.shape_cast %swap3A_167 : vector<16xf32> to vector<16xf32>
        %swap3A_169 = vector.shape_cast %get3A_165 : vector<16xf32> to vector<16xf32>
        tpu.vector_store %arg22[%swap3A_166], %swap3A_169 {strides = array<i32>} : memref<128xf32, #tpu.memory_space<vmem>>, vector<16xf32>,
        %get3A_170 = arith.constant 32 : index
        %get3A_171 = tpu.vector_load %arg8[%get3A_170] {strides = array<i32>} : memref<128xi32, #tpu.memory_space<vmem>>, vector<16xi32>,
        %get3A_172 = vector.shape_cast %get3A_171 : vector<16xi32> to vector<16xi32>
        %swap3A_173 = arith.constant 32 : index
        %swap3A_174 = tpu.vector_load %arg16[%swap3A_173] {strides = array<i32>} : memref<128xi32, #tpu.memory_space<vmem>>, vector<16xi32>,
        %swap3A_175 = vector.shape_cast %swap3A_174 : vector<16xi32> to vector<16xi32>
        %swap3A_176 = vector.shape_cast %get3A_172 : vector<16xi32> to vector<16xi32>
        tpu.vector_store %arg16[%swap3A_173], %swap3A_176 {strides = array<i32>} : memref<128xi32, #tpu.memory_space<vmem>>, vector<16xi32>,
        %mul3A_177 = arith.constant 16 : i32
        %mul3A_178 = vector.broadcast %mul3A_177 : i32 to vector<16xi32>
        %mul3A_179 = arith.muli %get3A_172, %mul3A_178 : vector<16xi32>
        %get3A_180 = arith.constant 32 : index
        %get3A_181 = tpu.vector_load %arg18[%get3A_180] {strides = array<i32>} : memref<128xi32, #tpu.memory_space<vmem>>, vector<16xi32>,
        %get3A_182 = vector.shape_cast %get3A_181 : vector<16xi32> to vector<16xi32>
        %add3A_183 = arith.addi %mul3A_179, %get3A_182 : vector<16xi32>
        %swap3A_184 = arith.constant 32 : index
        %swap3A_185 = tpu.vector_load %arg20[%swap3A_184] {strides = array<i32>} : memref<128xi32, #tpu.memory_space<vmem>>, vector<16xi32>,
        %swap3A_186 = vector.shape_cast %swap3A_185 : vector<16xi32> to vector<16xi32>
        %swap3A_187 = vector.shape_cast %add3A_183 : vector<16xi32> to vector<16xi32>
        tpu.vector_store %arg20[%swap3A_184], %swap3A_187 {strides = array<i32>} : memref<128xi32, #tpu.memory_space<vmem>>, vector<16xi32>,
        %get3A_188 = arith.constant 32 : index
        %get3A_189 = tpu.vector_load %arg12[%get3A_188] {strides = array<i32>} : memref<128xf32, #tpu.memory_space<vmem>>, vector<16xf32>,
        %get3A_190 = vector.shape_cast %get3A_189 : vector<16xf32> to vector<16xf32>
        %swap3A_191 = arith.constant 32 : index
        %swap3A_192 = tpu.vector_load %arg22[%swap3A_191] {strides = array<i32>} : memref<128xf32, #tpu.memory_space<vmem>>, vector<16xf32>,
        %swap3A_193 = vector.shape_cast %swap3A_192 : vector<16xf32> to vector<16xf32>
        %swap3A_194 = vector.shape_cast %get3A_190 : vector<16xf32> to vector<16xf32>
        tpu.vector_store %arg22[%swap3A_191], %swap3A_194 {strides = array<i32>} : memref<128xf32, #tpu.memory_space<vmem>>, vector<16xf32>,
        %get3A_195 = arith.constant 48 : index
        %get3A_196 = tpu.vector_load %arg8[%get3A_195] {strides = array<i32>} : memref<128xi32, #tpu.memory_space<vmem>>, vector<16xi32>,
        %get3A_197 = vector.shape_cast %get3A_196 : vector<16xi32> to vector<16xi32>
        %swap3A_198 = arith.constant 48 : index
        %swap3A_199 = tpu.vector_load %arg16[%swap3A_198] {strides = array<i32>} : memref<128xi32, #tpu.memory_space<vmem>>, vector<16xi32>,
        %swap3A_200 = vector.shape_cast %swap3A_199 : vector<16xi32> to vector<16xi32>
        %swap3A_201 = vector.shape_cast %get3A_197 : vector<16xi32> to vector<16xi32>
        tpu.vector_store %arg16[%swap3A_198], %swap3A_201 {strides = array<i32>} : memref<128xi32, #tpu.memory_space<vmem>>, vector<16xi32>,
        %mul3A_202 = arith.constant 16 : i32
        %mul3A_203 = vector.broadcast %mul3A_202 : i32 to vector<16xi32>
        %mul3A_204 = arith.muli %get3A_197, %mul3A_203 : vector<16xi32>
        %get3A_205 = arith.constant 48 : index
        %get3A_206 = tpu.vector_load %arg18[%get3A_205] {strides = array<i32>} : memref<128xi32, #tpu.memory_space<vmem>>, vector<16xi32>,
        %get3A_207 = vector.shape_cast %get3A_206 : vector<16xi32> to vector<16xi32>
        %add3A_208 = arith.addi %mul3A_204, %get3A_207 : vector<16xi32>
        %swap3A_209 = arith.constant 48 : index
        %swap3A_210 = tpu.vector_load %arg20[%swap3A_209] {strides = array<i32>} : memref<128xi32, #tpu.memory_space<vmem>>, vector<16xi32>,
        %swap3A_211 = vector.shape_cast %swap3A_210 : vector<16xi32> to vector<16xi32>
        %swap3A_212 = vector.shape_cast %add3A_208 : vector<16xi32> to vector<16xi32>
        tpu.vector_store %arg20[%swap3A_209], %swap3A_212 {strides = array<i32>} : memref<128xi32, #tpu.memory_space<vmem>>, vector<16xi32>,
        %get3A_213 = arith.constant 48 : index
        %get3A_214 = tpu.vector_load %arg12[%get3A_213] {strides = array<i32>} : memref<128xf32, #tpu.memory_space<vmem>>, vector<16xf32>,
        %get3A_215 = vector.shape_cast %get3A_214 : vector<16xf32> to vector<16xf32>
        %swap3A_216 = arith.constant 48 : index
        %swap3A_217 = tpu.vector_load %arg22[%swap3A_216] {strides = array<i32>} : memref<128xf32, #tpu.memory_space<vmem>>, vector<16xf32>,
        %swap3A_218 = vector.shape_cast %swap3A_217 : vector<16xf32> to vector<16xf32>
        %swap3A_219 = vector.shape_cast %get3A_215 : vector<16xf32> to vector<16xf32>
        tpu.vector_store %arg22[%swap3A_216], %swap3A_219 {strides = array<i32>} : memref<128xf32, #tpu.memory_space<vmem>>, vector<16xf32>,
        %get3A_220 = arith.constant 64 : index
        %get3A_221 = tpu.vector_load %arg8[%get3A_220] {strides = array<i32>} : memref<128xi32, #tpu.memory_space<vmem>>, vector<16xi32>,
        %get3A_222 = vector.shape_cast %get3A_221 : vector<16xi32> to vector<16xi32>
        %swap3A_223 = arith.constant 64 : index
        %swap3A_224 = tpu.vector_load %arg16[%swap3A_223] {strides = array<i32>} : memref<128xi32, #tpu.memory_space<vmem>>, vector<16xi32>,
        %swap3A_225 = vector.shape_cast %swap3A_224 : vector<16xi32> to vector<16xi32>
        %swap3A_226 = vector.shape_cast %get3A_222 : vector<16xi32> to vector<16xi32>
        tpu.vector_store %arg16[%swap3A_223], %swap3A_226 {strides = array<i32>} : memref<128xi32, #tpu.memory_space<vmem>>, vector<16xi32>,
        %mul3A_227 = arith.constant 16 : i32
        %mul3A_228 = vector.broadcast %mul3A_227 : i32 to vector<16xi32>
        %mul3A_229 = arith.muli %get3A_222, %mul3A_228 : vector<16xi32>
        %get3A_230 = arith.constant 64 : index
        %get3A_231 = tpu.vector_load %arg18[%get3A_230] {strides = array<i32>} : memref<128xi32, #tpu.memory_space<vmem>>, vector<16xi32>,
        %get3A_232 = vector.shape_cast %get3A_231 : vector<16xi32> to vector<16xi32>
        %add3A_233 = arith.addi %mul3A_229, %get3A_232 : vector<16xi32>
        %swap3A_234 = arith.constant 64 : index
        %swap3A_235 = tpu.vector_load %arg20[%swap3A_234] {strides = array<i32>} : memref<128xi32, #tpu.memory_space<vmem>>, vector<16xi32>,
        %swap3A_236 = vector.shape_cast %swap3A_235 : vector<16xi32> to vector<16xi32>
        %swap3A_237 = vector.shape_cast %add3A_233 : vector<16xi32> to vector<16xi32>
        tpu.vector_store %arg20[%swap3A_234], %swap3A_237 {strides = array<i32>} : memref<128xi32, #tpu.memory_space<vmem>>, vector<16xi32>,
        %get3A_238 = arith.constant 64 : index
        %get3A_239 = tpu.vector_load %arg12[%get3A_238] {strides = array<i32>} : memref<128xf32, #tpu.memory_space<vmem>>, vector<16xf32>,
        %get3A_240 = vector.shape_cast %get3A_239 : vector<16xf32> to vector<16xf32>
        %swap3A_241 = arith.constant 64 : index
        %swap3A_242 = tpu.vector_load %arg22[%swap3A_241] {strides = array<i32>} : memref<128xf32, #tpu.memory_space<vmem>>, vector<16xf32>,
        %swap3A_243 = vector.shape_cast %swap3A_242 : vector<16xf32> to vector<16xf32>
        %swap3A_244 = vector.shape_cast %get3A_240 : vector<16xf32> to vector<16xf32>
        tpu.vector_store %arg22[%swap3A_241], %swap3A_244 {strides = array<i32>} : memref<128xf32, #tpu.memory_space<vmem>>, vector<16xf32>,
        %get3A_245 = arith.constant 80 : index
        %get3A_246 = tpu.vector_load %arg8[%get3A_245] {strides = array<i32>} : memref<128xi32, #tpu.memory_space<vmem>>, vector<16xi32>,
        %get3A_247 = vector.shape_cast %get3A_246 : vector<16xi32> to vector<16xi32>
        %swap3A_248 = arith.constant 80 : index
        %swap3A_249 = tpu.vector_load %arg16[%swap3A_248] {strides = array<i32>} : memref<128xi32, #tpu.memory_space<vmem>>, vector<16xi32>,
        %swap3A_250 = vector.shape_cast %swap3A_249 : vector<16xi32> to vector<16xi32>
        %swap3A_251 = vector.shape_cast %get3A_247 : vector<16xi32> to vector<16xi32>
        tpu.vector_store %arg16[%swap3A_248], %swap3A_251 {strides = array<i32>} : memref<128xi32, #tpu.memory_space<vmem>>, vector<16xi32>,
        %mul3A_252 = arith.constant 16 : i32
        %mul3A_253 = vector.broadcast %mul3A_252 : i32 to vector<16xi32>
        %mul3A_254 = arith.muli %get3A_247, %mul3A_253 : vector<16xi32>
        %get3A_255 = arith.constant 80 : index
        %get3A_256 = tpu.vector_load %arg18[%get3A_255] {strides = array<i32>} : memref<128xi32, #tpu.memory_space<vmem>>, vector<16xi32>,
        %get3A_257 = vector.shape_cast %get3A_256 : vector<16xi32> to vector<16xi32>
        %add3A_258 = arith.addi %mul3A_254, %get3A_257 : vector<16xi32>
        %swap3A_259 = arith.constant 80 : index
        %swap3A_260 = tpu.vector_load %arg20[%swap3A_259] {strides = array<i32>} : memref<128xi32, #tpu.memory_space<vmem>>, vector<16xi32>,
        %swap3A_261 = vector.shape_cast %swap3A_260 : vector<16xi32> to vector<16xi32>
        %swap3A_262 = vector.shape_cast %add3A_258 : vector<16xi32> to vector<16xi32>
        tpu.vector_store %arg20[%swap3A_259], %swap3A_262 {strides = array<i32>} : memref<128xi32, #tpu.memory_space<vmem>>, vector<16xi32>,
        %get3A_263 = arith.constant 80 : index
        %get3A_264 = tpu.vector_load %arg12[%get3A_263] {strides = array<i32>} : memref<128xf32, #tpu.memory_space<vmem>>, vector<16xf32>,
        %get3A_265 = vector.shape_cast %get3A_264 : vector<16xf32> to vector<16xf32>
        %swap3A_266 = arith.constant 80 : index
        %swap3A_267 = tpu.vector_load %arg22[%swap3A_266] {strides = array<i32>} : memref<128xf32, #tpu.memory_space<vmem>>, vector<16xf32>,
        %swap3A_268 = vector.shape_cast %swap3A_267 : vector<16xf32> to vector<16xf32>
        %swap3A_269 = vector.shape_cast %get3A_265 : vector<16xf32> to vector<16xf32>
        tpu.vector_store %arg22[%swap3A_266], %swap3A_269 {strides = array<i32>} : memref<128xf32, #tpu.memory_space<vmem>>, vector<16xf32>,
        %get3A_270 = arith.constant 96 : index
        %get3A_271 = tpu.vector_load %arg8[%get3A_270] {strides = array<i32>} : memref<128xi32, #tpu.memory_space<vmem>>, vector<16xi32>,
        %get3A_272 = vector.shape_cast %get3A_271 : vector<16xi32> to vector<16xi32>
        %swap3A_273 = arith.constant 96 : index
        %swap3A_274 = tpu.vector_load %arg16[%swap3A_273] {strides = array<i32>} : memref<128xi32, #tpu.memory_space<vmem>>, vector<16xi32>,
        %swap3A_275 = vector.shape_cast %swap3A_274 : vector<16xi32> to vector<16xi32>
        %swap3A_276 = vector.shape_cast %get3A_272 : vector<16xi32> to vector<16xi32>
        tpu.vector_store %arg16[%swap3A_273], %swap3A_276 {strides = array<i32>} : memref<128xi32, #tpu.memory_space<vmem>>, vector<16xi32>,
        %mul3A_277 = arith.constant 16 : i32
        %mul3A_278 = vector.broadcast %mul3A_277 : i32 to vector<16xi32>
        %mul3A_279 = arith.muli %get3A_272, %mul3A_278 : vector<16xi32>
        %get3A_280 = arith.constant 96 : index
        %get3A_281 = tpu.vector_load %arg18[%get3A_280] {strides = array<i32>} : memref<128xi32, #tpu.memory_space<vmem>>, vector<16xi32>,
        %get3A_282 = vector.shape_cast %get3A_281 : vector<16xi32> to vector<16xi32>
        %add3A_283 = arith.addi %mul3A_279, %get3A_282 : vector<16xi32>
        %swap3A_284 = arith.constant 96 : index
        %swap3A_285 = tpu.vector_load %arg20[%swap3A_284] {strides = array<i32>} : memref<128xi32, #tpu.memory_space<vmem>>, vector<16xi32>,
        %swap3A_286 = vector.shape_cast %swap3A_285 : vector<16xi32> to vector<16xi32>
        %swap3A_287 = vector.shape_cast %add3A_283 : vector<16xi32> to vector<16xi32>
        tpu.vector_store %arg20[%swap3A_284], %swap3A_287 {strides = array<i32>} : memref<128xi32, #tpu.memory_space<vmem>>, vector<16xi32>,
        %get3A_288 = arith.constant 96 : index
        %get3A_289 = tpu.vector_load %arg12[%get3A_288] {strides = array<i32>} : memref<128xf32, #tpu.memory_space<vmem>>, vector<16xf32>,
        %get3A_290 = vector.shape_cast %get3A_289 : vector<16xf32> to vector<16xf32>
        %swap3A_291 = arith.constant 96 : index
        %swap3A_292 = tpu.vector_load %arg22[%swap3A_291] {strides = array<i32>} : memref<128xf32, #tpu.memory_space<vmem>>, vector<16xf32>,
        %swap3A_293 = vector.shape_cast %swap3A_292 : vector<16xf32> to vector<16xf32>
        %swap3A_294 = vector.shape_cast %get3A_290 : vector<16xf32> to vector<16xf32>
        tpu.vector_store %arg22[%swap3A_291], %swap3A_294 {strides = array<i32>} : memref<128xf32, #tpu.memory_space<vmem>>, vector<16xf32>,
        %get3A_295 = arith.constant 112 : index
        %get3A_296 = tpu.vector_load %arg8[%get3A_295] {strides = array<i32>} : memref<128xi32, #tpu.memory_space<vmem>>, vector<16xi32>,
        %get3A_297 = vector.shape_cast %get3A_296 : vector<16xi32> to vector<16xi32>
        %swap3A_298 = arith.constant 112 : index
        %swap3A_299 = tpu.vector_load %arg16[%swap3A_298] {strides = array<i32>} : memref<128xi32, #tpu.memory_space<vmem>>, vector<16xi32>,
        %swap3A_300 = vector.shape_cast %swap3A_299 : vector<16xi32> to vector<16xi32>
        %swap3A_301 = vector.shape_cast %get3A_297 : vector<16xi32> to vector<16xi32>
        tpu.vector_store %arg16[%swap3A_298], %swap3A_301 {strides = array<i32>} : memref<128xi32, #tpu.memory_space<vmem>>, vector<16xi32>,
        %mul3A_302 = arith.constant 16 : i32
        %mul3A_303 = vector.broadcast %mul3A_302 : i32 to vector<16xi32>
        %mul3A_304 = arith.muli %get3A_297, %mul3A_303 : vector<16xi32>
        %get3A_305 = arith.constant 112 : index
        %get3A_306 = tpu.vector_load %arg18[%get3A_305] {strides = array<i32>} : memref<128xi32, #tpu.memory_space<vmem>>, vector<16xi32>,
        %get3A_307 = vector.shape_cast %get3A_306 : vector<16xi32> to vector<16xi32>
        %add3A_308 = arith.addi %mul3A_304, %get3A_307 : vector<16xi32>
        %swap3A_309 = arith.constant 112 : index
        %swap3A_310 = tpu.vector_load %arg20[%swap3A_309] {strides = array<i32>} : memref<128xi32, #tpu.memory_space<vmem>>, vector<16xi32>,
        %swap3A_311 = vector.shape_cast %swap3A_310 : vector<16xi32> to vector<16xi32>
        %swap3A_312 = vector.shape_cast %add3A_308 : vector<16xi32> to vector<16xi32>
        tpu.vector_store %arg20[%swap3A_309], %swap3A_312 {strides = array<i32>} : memref<128xi32, #tpu.memory_space<vmem>>, vector<16xi32>,
        %get3A_313 = arith.constant 112 : index
        %get3A_314 = tpu.vector_load %arg12[%get3A_313] {strides = array<i32>} : memref<128xf32, #tpu.memory_space<vmem>>, vector<16xf32>,
        %get3A_315 = vector.shape_cast %get3A_314 : vector<16xf32> to vector<16xf32>
        %swap3A_316 = arith.constant 112 : index
        %swap3A_317 = tpu.vector_load %arg22[%swap3A_316] {strides = array<i32>} : memref<128xf32, #tpu.memory_space<vmem>>, vector<16xf32>,
        %swap3A_318 = vector.shape_cast %swap3A_317 : vector<16xf32> to vector<16xf32>
        %swap3A_319 = vector.shape_cast %get3A_315 : vector<16xf32> to vector<16xf32>
        tpu.vector_store %arg22[%swap3A_316], %swap3A_319 {strides = array<i32>} : memref<128xf32, #tpu.memory_space<vmem>>, vector<16xf32>,
        %scan3A_320 = arith.constant 0 : i32
        %scan3A_321 = arith.constant 0 : i32
        %scan3A_322 = arith.constant 8 : i32
        %scan3A_323 = arith.addi %scan3A_321, %scan3A_322 : i32
        %scan3A_324 = arith.constant 1 : i32
        scf.for %scan3A_330 = %scan3A_321 to %scan3A_323 step %scan3A_324  : i32 {
          %mul3A_331 = arith.constant 16 : i32
          %mul3A_332 = arith.muli %scan3A_330, %mul3A_331 : i32
          %get3A_333 = arith.index_cast %mul3A_332 : i32 to index
          %get3A_334 = tpu.vector_load %arg12[%get3A_333] {strides = array<i32>} : memref<128xf32, #tpu.memory_space<vmem>>, vector<16xf32>,
          %get3A_335 = vector.shape_cast %get3A_334 : vector<16xf32> to vector<16xf32>
          %slice3A = vector.extract_strided_slice %get3A_335 {offsets = [0], sizes = [1], strides = [1]} : vector<16xf32> to vector<1xf32>
          %squeeze3A = vector.extract %slice3A[0] : f32 from vector<1xf32>
          %broadcast_in_dim3A = vector.broadcast %squeeze3A : f32 to vector<16xf32>
          %mul3A_336 = arith.constant 16 : i32
          %mul3A_337 = arith.muli %scan3A_330, %mul3A_336 : i32
          %add3A_338 = arith.constant 0 : i32
          %add3A_339 = arith.addi %mul3A_337, %add3A_338 : i32
          %get3A_340 = arith.index_cast %add3A_339 : i32 to index
          %get3A_341 = arith.constant 0 : index
          %get3A_342 = tpu.vector_load %arg14[%get3A_340, %get3A_341] {strides = array<i32>} : memref<128x128xf32, #tpu.memory_space<vmem>>, vector<1x16xf32>,
          %get3A_343 = vector.shape_cast %get3A_342 : vector<1x16xf32> to vector<16xf32>
          %mul3A_344 = arith.mulf %get3A_343, %broadcast_in_dim3A : vector<16xf32>
          %swap3A_345 = arith.index_cast %add3A_339 : i32 to index
          %swap3A_346 = arith.constant 0 : index
          %swap3A_347 = tpu.vector_load %arg14[%swap3A_345, %swap3A_346] {strides = array<i32>} : memref<128x128xf32, #tpu.memory_space<vmem>>, vector<1x16xf32>,
          %swap3A_348 = vector.shape_cast %swap3A_347 : vector<1x16xf32> to vector<16xf32>
          %swap3A_349 = vector.shape_cast %mul3A_344 : vector<16xf32> to vector<1x16xf32>
          tpu.vector_store %arg14[%swap3A_345, %swap3A_346], %swap3A_349 {strides = array<i32>} : memref<128x128xf32, #tpu.memory_space<vmem>>, vector<1x16xf32>,
          %get3A_350 = arith.index_cast %add3A_339 : i32 to index
          %get3A_351 = arith.constant 16 : index
          %get3A_352 = tpu.vector_load %arg14[%get3A_350, %get3A_351] {strides = array<i32>} : memref<128x128xf32, #tpu.memory_space<vmem>>, vector<1x16xf32>,
          %get3A_353 = vector.shape_cast %get3A_352 : vector<1x16xf32> to vector<16xf32>
          %mul3A_354 = arith.mulf %get3A_353, %broadcast_in_dim3A : vector<16xf32>
          %swap3A_355 = arith.index_cast %add3A_339 : i32 to index
          %swap3A_356 = arith.constant 16 : index
          %swap3A_357 = tpu.vector_load %arg14[%swap3A_355, %swap3A_356] {strides = array<i32>} : memref<128x128xf32, #tpu.memory_space<vmem>>, vector<1x16xf32>,
          %swap3A_358 = vector.shape_cast %swap3A_357 : vector<1x16xf32> to vector<16xf32>
          %swap3A_359 = vector.shape_cast %mul3A_354 : vector<16xf32> to vector<1x16xf32>
          tpu.vector_store %arg14[%swap3A_355, %swap3A_356], %swap3A_359 {strides = array<i32>} : memref<128x128xf32, #tpu.memory_space<vmem>>, vector<1x16xf32>,
          %get3A_360 = arith.index_cast %add3A_339 : i32 to index
          %get3A_361 = arith.constant 32 : index
          %get3A_362 = tpu.vector_load %arg14[%get3A_360, %get3A_361] {strides = array<i32>} : memref<128x128xf32, #tpu.memory_space<vmem>>, vector<1x16xf32>,
          %get3A_363 = vector.shape_cast %get3A_362 : vector<1x16xf32> to vector<16xf32>
          %mul3A_364 = arith.mulf %get3A_363, %broadcast_in_dim3A : vector<16xf32>
          %swap3A_365 = arith.index_cast %add3A_339 : i32 to index
          %swap3A_366 = arith.constant 32 : index
          %swap3A_367 = tpu.vector_load %arg14[%swap3A_365, %swap3A_366] {strides = array<i32>} : memref<128x128xf32, #tpu.memory_space<vmem>>, vector<1x16xf32>,
          %swap3A_368 = vector.shape_cast %swap3A_367 : vector<1x16xf32> to vector<16xf32>
          %swap3A_369 = vector.shape_cast %mul3A_364 : vector<16xf32> to vector<1x16xf32>
          tpu.vector_store %arg14[%swap3A_365, %swap3A_366], %swap3A_369 {strides = array<i32>} : memref<128x128xf32, #tpu.memory_space<vmem>>, vector<1x16xf32>,
          %get3A_370 = arith.index_cast %add3A_339 : i32 to index
          %get3A_371 = arith.constant 48 : index
          %get3A_372 = tpu.vector_load %arg14[%get3A_370, %get3A_371] {strides = array<i32>} : memref<128x128xf32, #tpu.memory_space<vmem>>, vector<1x16xf32>,
          %get3A_373 = vector.shape_cast %get3A_372 : vector<1x16xf32> to vector<16xf32>
          %mul3A_374 = arith.mulf %get3A_373, %broadcast_in_dim3A : vector<16xf32>
          %swap3A_375 = arith.index_cast %add3A_339 : i32 to index
          %swap3A_376 = arith.constant 48 : index
          %swap3A_377 = tpu.vector_load %arg14[%swap3A_375, %swap3A_376] {strides = array<i32>} : memref<128x128xf32, #tpu.memory_space<vmem>>, vector<1x16xf32>,
          %swap3A_378 = vector.shape_cast %swap3A_377 : vector<1x16xf32> to vector<16xf32>
          %swap3A_379 = vector.shape_cast %mul3A_374 : vector<16xf32> to vector<1x16xf32>
          tpu.vector_store %arg14[%swap3A_375, %swap3A_376], %swap3A_379 {strides = array<i32>} : memref<128x128xf32, #tpu.memory_space<vmem>>, vector<1x16xf32>,
          %get3A_380 = arith.index_cast %add3A_339 : i32 to index
          %get3A_381 = arith.constant 64 : index
          %get3A_382 = tpu.vector_load %arg14[%get3A_380, %get3A_381] {strides = array<i32>} : memref<128x128xf32, #tpu.memory_space<vmem>>, vector<1x16xf32>,
          %get3A_383 = vector.shape_cast %get3A_382 : vector<1x16xf32> to vector<16xf32>
          %mul3A_384 = arith.mulf %get3A_383, %broadcast_in_dim3A : vector<16xf32>
          %swap3A_385 = arith.index_cast %add3A_339 : i32 to index
          %swap3A_386 = arith.constant 64 : index
          %swap3A_387 = tpu.vector_load %arg14[%swap3A_385, %swap3A_386] {strides = array<i32>} : memref<128x128xf32, #tpu.memory_space<vmem>>, vector<1x16xf32>,
          %swap3A_388 = vector.shape_cast %swap3A_387 : vector<1x16xf32> to vector<16xf32>
          %swap3A_389 = vector.shape_cast %mul3A_384 : vector<16xf32> to vector<1x16xf32>
          tpu.vector_store %arg14[%swap3A_385, %swap3A_386], %swap3A_389 {strides = array<i32>} : memref<128x128xf32, #tpu.memory_space<vmem>>, vector<1x16xf32>,
          %get3A_390 = arith.index_cast %add3A_339 : i32 to index
          %get3A_391 = arith.constant 80 : index
          %get3A_392 = tpu.vector_load %arg14[%get3A_390, %get3A_391] {strides = array<i32>} : memref<128x128xf32, #tpu.memory_space<vmem>>, vector<1x16xf32>,
          %get3A_393 = vector.shape_cast %get3A_392 : vector<1x16xf32> to vector<16xf32>
          %mul3A_394 = arith.mulf %get3A_393, %broadcast_in_dim3A : vector<16xf32>
          %swap3A_395 = arith.index_cast %add3A_339 : i32 to index
          %swap3A_396 = arith.constant 80 : index
          %swap3A_397 = tpu.vector_load %arg14[%swap3A_395, %swap3A_396] {strides = array<i32>} : memref<128x128xf32, #tpu.memory_space<vmem>>, vector<1x16xf32>,
          %swap3A_398 = vector.shape_cast %swap3A_397 : vector<1x16xf32> to vector<16xf32>
          %swap3A_399 = vector.shape_cast %mul3A_394 : vector<16xf32> to vector<1x16xf32>
          tpu.vector_store %arg14[%swap3A_395, %swap3A_396], %swap3A_399 {strides = array<i32>} : memref<128x128xf32, #tpu.memory_space<vmem>>, vector<1x16xf32>,
          %get3A_400 = arith.index_cast %add3A_339 : i32 to index
          %get3A_401 = arith.constant 96 : index
          %get3A_402 = tpu.vector_load %arg14[%get3A_400, %get3A_401] {strides = array<i32>} : memref<128x128xf32, #tpu.memory_space<vmem>>, vector<1x16xf32>,
          %get3A_403 = vector.shape_cast %get3A_402 : vector<1x16xf32> to vector<16xf32>
          %mul3A_404 = arith.mulf %get3A_403, %broadcast_in_dim3A : vector<16xf32>
          %swap3A_405 = arith.index_cast %add3A_339 : i32 to index
          %swap3A_406 = arith.constant 96 : index
          %swap3A_407 = tpu.vector_load %arg14[%swap3A_405, %swap3A_406] {strides = array<i32>} : memref<128x128xf32, #tpu.memory_space<vmem>>, vector<1x16xf32>,
          %swap3A_408 = vector.shape_cast %swap3A_407 : vector<1x16xf32> to vector<16xf32>
          %swap3A_409 = vector.shape_cast %mul3A_404 : vector<16xf32> to vector<1x16xf32>
          tpu.vector_store %arg14[%swap3A_405, %swap3A_406], %swap3A_409 {strides = array<i32>} : memref<128x128xf32, #tpu.memory_space<vmem>>, vector<1x16xf32>,
          %get3A_410 = arith.index_cast %add3A_339 : i32 to index
          %get3A_411 = arith.constant 112 : index
          %get3A_412 = tpu.vector_load %arg14[%get3A_410, %get3A_411] {strides = array<i32>} : memref<128x128xf32, #tpu.memory_space<vmem>>, vector<1x16xf32>,
          %get3A_413 = vector.shape_cast %get3A_412 : vector<1x16xf32> to vector<16xf32>
          %mul3A_414 = arith.mulf %get3A_413, %broadcast_in_dim3A : vector<16xf32>
          %swap3A_415 = arith.index_cast %add3A_339 : i32 to index
          %swap3A_416 = arith.constant 112 : index
          %swap3A_417 = tpu.vector_load %arg14[%swap3A_415, %swap3A_416] {strides = array<i32>} : memref<128x128xf32, #tpu.memory_space<vmem>>, vector<1x16xf32>,
          %swap3A_418 = vector.shape_cast %swap3A_417 : vector<1x16xf32> to vector<16xf32>
          %swap3A_419 = vector.shape_cast %mul3A_414 : vector<16xf32> to vector<1x16xf32>
          tpu.vector_store %arg14[%swap3A_415, %swap3A_416], %swap3A_419 {strides = array<i32>} : memref<128x128xf32, #tpu.memory_space<vmem>>, vector<1x16xf32>,
          %slice3A_420 = vector.extract_strided_slice %get3A_335 {offsets = [1], sizes = [1], strides = [1]} : vector<16xf32> to vector<1xf32>
          %squeeze3A_421 = vector.extract %slice3A_420[0] : f32 from vector<1xf32>
          %broadcast_in_dim3A_422 = vector.broadcast %squeeze3A_421 : f32 to vector<16xf32>
          %mul3A_423 = arith.constant 16 : i32
          %mul3A_424 = arith.muli %scan3A_330, %mul3A_423 : i32
          %add3A_425 = arith.constant 1 : i32
          %add3A_426 = arith.addi %mul3A_424, %add3A_425 : i32
          %get3A_427 = arith.index_cast %add3A_426 : i32 to index
          %get3A_428 = arith.constant 0 : index
          %get3A_429 = tpu.vector_load %arg14[%get3A_427, %get3A_428] {strides = array<i32>} : memref<128x128xf32, #tpu.memory_space<vmem>>, vector<1x16xf32>,
          %get3A_430 = vector.shape_cast %get3A_429 : vector<1x16xf32> to vector<16xf32>
          %mul3A_431 = arith.mulf %get3A_430, %broadcast_in_dim3A_422 : vector<16xf32>
          %swap3A_432 = arith.index_cast %add3A_426 : i32 to index
          %swap3A_433 = arith.constant 0 : index
          %swap3A_434 = tpu.vector_load %arg14[%swap3A_432, %swap3A_433] {strides = array<i32>} : memref<128x128xf32, #tpu.memory_space<vmem>>, vector<1x16xf32>,
          %swap3A_435 = vector.shape_cast %swap3A_434 : vector<1x16xf32> to vector<16xf32>
          %swap3A_436 = vector.shape_cast %mul3A_431 : vector<16xf32> to vector<1x16xf32>
          tpu.vector_store %arg14[%swap3A_432, %swap3A_433], %swap3A_436 {strides = array<i32>} : memref<128x128xf32, #tpu.memory_space<vmem>>, vector<1x16xf32>,
          %get3A_437 = arith.index_cast %add3A_426 : i32 to index
          %get3A_438 = arith.constant 16 : index
          %get3A_439 = tpu.vector_load %arg14[%get3A_437, %get3A_438] {strides = array<i32>} : memref<128x128xf32, #tpu.memory_space<vmem>>, vector<1x16xf32>,
          %get3A_440 = vector.shape_cast %get3A_439 : vector<1x16xf32> to vector<16xf32>
          %mul3A_441 = arith.mulf %get3A_440, %broadcast_in_dim3A_422 : vector<16xf32>
          %swap3A_442 = arith.index_cast %add3A_426 : i32 to index
          %swap3A_443 = arith.constant 16 : index
          %swap3A_444 = tpu.vector_load %arg14[%swap3A_442, %swap3A_443] {strides = array<i32>} : memref<128x128xf32, #tpu.memory_space<vmem>>, vector<1x16xf32>,
          %swap3A_445 = vector.shape_cast %swap3A_444 : vector<1x16xf32> to vector<16xf32>
          %swap3A_446 = vector.shape_cast %mul3A_441 : vector<16xf32> to vector<1x16xf32>
          tpu.vector_store %arg14[%swap3A_442, %swap3A_443], %swap3A_446 {strides = array<i32>} : memref<128x128xf32, #tpu.memory_space<vmem>>, vector<1x16xf32>,
          %get3A_447 = arith.index_cast %add3A_426 : i32 to index
          %get3A_448 = arith.constant 32 : index
          %get3A_449 = tpu.vector_load %arg14[%get3A_447, %get3A_448] {strides = array<i32>} : memref<128x128xf32, #tpu.memory_space<vmem>>, vector<1x16xf32>,
          %get3A_450 = vector.shape_cast %get3A_449 : vector<1x16xf32> to vector<16xf32>
          %mul3A_451 = arith.mulf %get3A_450, %broadcast_in_dim3A_422 : vector<16xf32>
          %swap3A_452 = arith.index_cast %add3A_426 : i32 to index
          %swap3A_453 = arith.constant 32 : index
          %swap3A_454 = tpu.vector_load %arg14[%swap3A_452, %swap3A_453] {strides = array<i32>} : memref<128x128xf32, #tpu.memory_space<vmem>>, vector<1x16xf32>,
          %swap3A_455 = vector.shape_cast %swap3A_454 : vector<1x16xf32> to vector<16xf32>
          %swap3A_456 = vector.shape_cast %mul3A_451 : vector<16xf32> to vector<1x16xf32>
          tpu.vector_store %arg14[%swap3A_452, %swap3A_453], %swap3A_456 {strides = array<i32>} : memref<128x128xf32, #tpu.memory_space<vmem>>, vector<1x16xf32>,
          %get3A_457 = arith.index_cast %add3A_426 : i32 to index
          %get3A_458 = arith.constant 48 : index
          %get3A_459 = tpu.vector_load %arg14[%get3A_457, %get3A_458] {strides = array<i32>} : memref<128x128xf32, #tpu.memory_space<vmem>>, vector<1x16xf32>,
          %get3A_460 = vector.shape_cast %get3A_459 : vector<1x16xf32> to vector<16xf32>
          %mul3A_461 = arith.mulf %get3A_460, %broadcast_in_dim3A_422 : vector<16xf32>
          %swap3A_462 = arith.index_cast %add3A_426 : i32 to index
          %swap3A_463 = arith.constant 48 : index
          %swap3A_464 = tpu.vector_load %arg14[%swap3A_462, %swap3A_463] {strides = array<i32>} : memref<128x128xf32, #tpu.memory_space<vmem>>, vector<1x16xf32>,
          %swap3A_465 = vector.shape_cast %swap3A_464 : vector<1x16xf32> to vector<16xf32>
          %swap3A_466 = vector.shape_cast %mul3A_461 : vector<16xf32> to vector<1x16xf32>
          tpu.vector_store %arg14[%swap3A_462, %swap3A_463], %swap3A_466 {strides = array<i32>} : memref<128x128xf32, #tpu.memory_space<vmem>>, vector<1x16xf32>,
          %get3A_467 = arith.index_cast %add3A_426 : i32 to index
          %get3A_468 = arith.constant 64 : index
          %get3A_469 = tpu.vector_load %arg14[%get3A_467, %get3A_468] {strides = array<i32>} : memref<128x128xf32, #tpu.memory_space<vmem>>, vector<1x16xf32>,
          %get3A_470 = vector.shape_cast %get3A_469 : vector<1x16xf32> to vector<16xf32>
          %mul3A_471 = arith.mulf %get3A_470, %broadcast_in_dim3A_422 : vector<16xf32>
          %swap3A_472 = arith.index_cast %add3A_426 : i32 to index
          %swap3A_473 = arith.constant 64 : index
          %swap3A_474 = tpu.vector_load %arg14[%swap3A_472, %swap3A_473] {strides = array<i32>} : memref<128x128xf32, #tpu.memory_space<vmem>>, vector<1x16xf32>,
          %swap3A_475 = vector.shape_cast %swap3A_474 : vector<1x16xf32> to vector<16xf32>
          %swap3A_476 = vector.shape_cast %mul3A_471 : vector<16xf32> to vector<1x16xf32>
          tpu.vector_store %arg14[%swap3A_472, %swap3A_473], %swap3A_476 {strides = array<i32>} : memref<128x128xf32, #tpu.memory_space<vmem>>, vector<1x16xf32>,
          %get3A_477 = arith.index_cast %add3A_426 : i32 to index
          %get3A_478 = arith.constant 80 : index
          %get3A_479 = tpu.vector_load %arg14[%get3A_477, %get3A_478] {strides = array<i32>} : memref<128x128xf32, #tpu.memory_space<vmem>>, vector<1x16xf32>,
          %get3A_480 = vector.shape_cast %get3A_479 : vector<1x16xf32> to vector<16xf32>
          %mul3A_481 = arith.mulf %get3A_480, %broadcast_in_dim3A_422 : vector<16xf32>
          %swap3A_482 = arith.index_cast %add3A_426 : i32 to index
          %swap3A_483 = arith.constant 80 : index
          %swap3A_484 = tpu.vector_load %arg14[%swap3A_482, %swap3A_483] {strides = array<i32>} : memref<128x128xf32, #tpu.memory_space<vmem>>, vector<1x16xf32>,
          %swap3A_485 = vector.shape_cast %swap3A_484 : vector<1x16xf32> to vector<16xf32>
          %swap3A_486 = vector.shape_cast %mul3A_481 : vector<16xf32> to vector<1x16xf32>
          tpu.vector_store %arg14[%swap3A_482, %swap3A_483], %swap3A_486 {strides = array<i32>} : memref<128x128xf32, #tpu.memory_space<vmem>>, vector<1x16xf32>,
          %get3A_487 = arith.index_cast %add3A_426 : i32 to index
          %get3A_488 = arith.constant 96 : index
          %get3A_489 = tpu.vector_load %arg14[%get3A_487, %get3A_488] {strides = array<i32>} : memref<128x128xf32, #tpu.memory_space<vmem>>, vector<1x16xf32>,
          %get3A_490 = vector.shape_cast %get3A_489 : vector<1x16xf32> to vector<16xf32>
          %mul3A_491 = arith.mulf %get3A_490, %broadcast_in_dim3A_422 : vector<16xf32>
          %swap3A_492 = arith.index_cast %add3A_426 : i32 to index
          %swap3A_493 = arith.constant 96 : index
          %swap3A_494 = tpu.vector_load %arg14[%swap3A_492, %swap3A_493] {strides = array<i32>} : memref<128x128xf32, #tpu.memory_space<vmem>>, vector<1x16xf32>,
          %swap3A_495 = vector.shape_cast %swap3A_494 : vector<1x16xf32> to vector<16xf32>
          %swap3A_496 = vector.shape_cast %mul3A_491 : vector<16xf32> to vector<1x16xf32>
          tpu.vector_store %arg14[%swap3A_492, %swap3A_493], %swap3A_496 {strides = array<i32>} : memref<128x128xf32, #tpu.memory_space<vmem>>, vector<1x16xf32>,
          %get3A_497 = arith.index_cast %add3A_426 : i32 to index
          %get3A_498 = arith.constant 112 : index
          %get3A_499 = tpu.vector_load %arg14[%get3A_497, %get3A_498] {strides = array<i32>} : memref<128x128xf32, #tpu.memory_space<vmem>>, vector<1x16xf32>,
          %get3A_500 = vector.shape_cast %get3A_499 : vector<1x16xf32> to vector<16xf32>
          %mul3A_501 = arith.mulf %get3A_500, %broadcast_in_dim3A_422 : vector<16xf32>
          %swap3A_502 = arith.index_cast %add3A_426 : i32 to index
          %swap3A_503 = arith.constant 112 : index
          %swap3A_504 = tpu.vector_load %arg14[%swap3A_502, %swap3A_503] {strides = array<i32>} : memref<128x128xf32, #tpu.memory_space<vmem>>, vector<1x16xf32>,
          %swap3A_505 = vector.shape_cast %swap3A_504 : vector<1x16xf32> to vector<16xf32>
          %swap3A_506 = vector.shape_cast %mul3A_501 : vector<16xf32> to vector<1x16xf32>
          tpu.vector_store %arg14[%swap3A_502, %swap3A_503], %swap3A_506 {strides = array<i32>} : memref<128x128xf32, #tpu.memory_space<vmem>>, vector<1x16xf32>,
          %slice3A_507 = vector.extract_strided_slice %get3A_335 {offsets = [2], sizes = [1], strides = [1]} : vector<16xf32> to vector<1xf32>
          %squeeze3A_508 = vector.extract %slice3A_507[0] : f32 from vector<1xf32>
          %broadcast_in_dim3A_509 = vector.broadcast %squeeze3A_508 : f32 to vector<16xf32>
          %mul3A_510 = arith.constant 16 : i32
          %mul3A_511 = arith.muli %scan3A_330, %mul3A_510 : i32
          %add3A_512 = arith.constant 2 : i32
          %add3A_513 = arith.addi %mul3A_511, %add3A_512 : i32
          %get3A_514 = arith.index_cast %add3A_513 : i32 to index
          %get3A_515 = arith.constant 0 : index
          %get3A_516 = tpu.vector_load %arg14[%get3A_514, %get3A_515] {strides = array<i32>} : memref<128x128xf32, #tpu.memory_space<vmem>>, vector<1x16xf32>,
          %get3A_517 = vector.shape_cast %get3A_516 : vector<1x16xf32> to vector<16xf32>
          %mul3A_518 = arith.mulf %get3A_517, %broadcast_in_dim3A_509 : vector<16xf32>
          %swap3A_519 = arith.index_cast %add3A_513 : i32 to index
          %swap3A_520 = arith.constant 0 : index
          %swap3A_521 = tpu.vector_load %arg14[%swap3A_519, %swap3A_520] {strides = array<i32>} : memref<128x128xf32, #tpu.memory_space<vmem>>, vector<1x16xf32>,
          %swap3A_522 = vector.shape_cast %swap3A_521 : vector<1x16xf32> to vector<16xf32>
          %swap3A_523 = vector.shape_cast %mul3A_518 : vector<16xf32> to vector<1x16xf32>
          tpu.vector_store %arg14[%swap3A_519, %swap3A_520], %swap3A_523 {strides = array<i32>} : memref<128x128xf32, #tpu.memory_space<vmem>>, vector<1x16xf32>,
          %get3A_524 = arith.index_cast %add3A_513 : i32 to index
          %get3A_525 = arith.constant 16 : index
          %get3A_526 = tpu.vector_load %arg14[%get3A_524, %get3A_525] {strides = array<i32>} : memref<128x128xf32, #tpu.memory_space<vmem>>, vector<1x16xf32>,
          %get3A_527 = vector.shape_cast %get3A_526 : vector<1x16xf32> to vector<16xf32>
          %mul3A_528 = arith.mulf %get3A_527, %broadcast_in_dim3A_509 : vector<16xf32>
          %swap3A_529 = arith.index_cast %add3A_513 : i32 to index
          %swap3A_530 = arith.constant 16 : index
          %swap3A_531 = tpu.vector_load %arg14[%swap3A_529, %swap3A_530] {strides = array<i32>} : memref<128x128xf32, #tpu.memory_space<vmem>>, vector<1x16xf32>,
          %swap3A_532 = vector.shape_cast %swap3A_531 : vector<1x16xf32> to vector<16xf32>
          %swap3A_533 = vector.shape_cast %mul3A_528 : vector<16xf32> to vector<1x16xf32>
          tpu.vector_store %arg14[%swap3A_529, %swap3A_530], %swap3A_533 {strides = array<i32>} : memref<128x128xf32, #tpu.memory_space<vmem>>, vector<1x16xf32>,
          %get3A_534 = arith.index_cast %add3A_513 : i32 to index
          %get3A_535 = arith.constant 32 : index
          %get3A_536 = tpu.vector_load %arg14[%get3A_534, %get3A_535] {strides = array<i32>} : memref<128x128xf32, #tpu.memory_space<vmem>>, vector<1x16xf32>,
          %get3A_537 = vector.shape_cast %get3A_536 : vector<1x16xf32> to vector<16xf32>
          %mul3A_538 = arith.mulf %get3A_537, %broadcast_in_dim3A_509 : vector<16xf32>
          %swap3A_539 = arith.index_cast %add3A_513 : i32 to index
          %swap3A_540 = arith.constant 32 : index
          %swap3A_541 = tpu.vector_load %arg14[%swap3A_539, %swap3A_540] {strides = array<i32>} : memref<128x128xf32, #tpu.memory_space<vmem>>, vector<1x16xf32>,
          %swap3A_542 = vector.shape_cast %swap3A_541 : vector<1x16xf32> to vector<16xf32>
          %swap3A_543 = vector.shape_cast %mul3A_538 : vector<16xf32> to vector<1x16xf32>
          tpu.vector_store %arg14[%swap3A_539, %swap3A_540], %swap3A_543 {strides = array<i32>} : memref<128x128xf32, #tpu.memory_space<vmem>>, vector<1x16xf32>,
          %get3A_544 = arith.index_cast %add3A_513 : i32 to index
          %get3A_545 = arith.constant 48 : index
          %get3A_546 = tpu.vector_load %arg14[%get3A_544, %get3A_545] {strides = array<i32>} : memref<128x128xf32, #tpu.memory_space<vmem>>, vector<1x16xf32>,
          %get3A_547 = vector.shape_cast %get3A_546 : vector<1x16xf32> to vector<16xf32>
          %mul3A_548 = arith.mulf %get3A_547, %broadcast_in_dim3A_509 : vector<16xf32>
          %swap3A_549 = arith.index_cast %add3A_513 : i32 to index
          %swap3A_550 = arith.constant 48 : index
          %swap3A_551 = tpu.vector_load %arg14[%swap3A_549, %swap3A_550] {strides = array<i32>} : memref<128x128xf32, #tpu.memory_space<vmem>>, vector<1x16xf32>,
          %swap3A_552 = vector.shape_cast %swap3A_551 : vector<1x16xf32> to vector<16xf32>
          %swap3A_553 = vector.shape_cast %mul3A_548 : vector<16xf32> to vector<1x16xf32>
          tpu.vector_store %arg14[%swap3A_549, %swap3A_550], %swap3A_553 {strides = array<i32>} : memref<128x128xf32, #tpu.memory_space<vmem>>, vector<1x16xf32>,
          %get3A_554 = arith.index_cast %add3A_513 : i32 to index
          %get3A_555 = arith.constant 64 : index
          %get3A_556 = tpu.vector_load %arg14[%get3A_554, %get3A_555] {strides = array<i32>} : memref<128x128xf32, #tpu.memory_space<vmem>>, vector<1x16xf32>,
          %get3A_557 = vector.shape_cast %get3A_556 : vector<1x16xf32> to vector<16xf32>
          %mul3A_558 = arith.mulf %get3A_557, %broadcast_in_dim3A_509 : vector<16xf32>
          %swap3A_559 = arith.index_cast %add3A_513 : i32 to index
          %swap3A_560 = arith.constant 64 : index
          %swap3A_561 = tpu.vector_load %arg14[%swap3A_559, %swap3A_560] {strides = array<i32>} : memref<128x128xf32, #tpu.memory_space<vmem>>, vector<1x16xf32>,
          %swap3A_562 = vector.shape_cast %swap3A_561 : vector<1x16xf32> to vector<16xf32>
          %swap3A_563 = vector.shape_cast %mul3A_558 : vector<16xf32> to vector<1x16xf32>
          tpu.vector_store %arg14[%swap3A_559, %swap3A_560], %swap3A_563 {strides = array<i32>} : memref<128x128xf32, #tpu.memory_space<vmem>>, vector<1x16xf32>,
          %get3A_564 = arith.index_cast %add3A_513 : i32 to index
          %get3A_565 = arith.constant 80 : index
          %get3A_566 = tpu.vector_load %arg14[%get3A_564, %get3A_565] {strides = array<i32>} : memref<128x128xf32, #tpu.memory_space<vmem>>, vector<1x16xf32>,
          %get3A_567 = vector.shape_cast %get3A_566 : vector<1x16xf32> to vector<16xf32>
          %mul3A_568 = arith.mulf %get3A_567, %broadcast_in_dim3A_509 : vector<16xf32>
          %swap3A_569 = arith.index_cast %add3A_513 : i32 to index
          %swap3A_570 = arith.constant 80 : index
          %swap3A_571 = tpu.vector_load %arg14[%swap3A_569, %swap3A_570] {strides = array<i32>} : memref<128x128xf32, #tpu.memory_space<vmem>>, vector<1x16xf32>,
          %swap3A_572 = vector.shape_cast %swap3A_571 : vector<1x16xf32> to vector<16xf32>
          %swap3A_573 = vector.shape_cast %mul3A_568 : vector<16xf32> to vector<1x16xf32>
          tpu.vector_store %arg14[%swap3A_569, %swap3A_570], %swap3A_573 {strides = array<i32>} : memref<128x128xf32, #tpu.memory_space<vmem>>, vector<1x16xf32>,
          %get3A_574 = arith.index_cast %add3A_513 : i32 to index
          %get3A_575 = arith.constant 96 : index
          %get3A_576 = tpu.vector_load %arg14[%get3A_574, %get3A_575] {strides = array<i32>} : memref<128x128xf32, #tpu.memory_space<vmem>>, vector<1x16xf32>,
          %get3A_577 = vector.shape_cast %get3A_576 : vector<1x16xf32> to vector<16xf32>
          %mul3A_578 = arith.mulf %get3A_577, %broadcast_in_dim3A_509 : vector<16xf32>
          %swap3A_579 = arith.index_cast %add3A_513 : i32 to index
          %swap3A_580 = arith.constant 96 : index
          %swap3A_581 = tpu.vector_load %arg14[%swap3A_579, %swap3A_580] {strides = array<i32>} : memref<128x128xf32, #tpu.memory_space<vmem>>, vector<1x16xf32>,
          %swap3A_582 = vector.shape_cast %swap3A_581 : vector<1x16xf32> to vector<16xf32>
          %swap3A_583 = vector.shape_cast %mul3A_578 : vector<16xf32> to vector<1x16xf32>
          tpu.vector_store %arg14[%swap3A_579, %swap3A_580], %swap3A_583 {strides = array<i32>} : memref<128x128xf32, #tpu.memory_space<vmem>>, vector<1x16xf32>,
          %get3A_584 = arith.index_cast %add3A_513 : i32 to index
          %get3A_585 = arith.constant 112 : index
          %get3A_586 = tpu.vector_load %arg14[%get3A_584, %get3A_585] {strides = array<i32>} : memref<128x128xf32, #tpu.memory_space<vmem>>, vector<1x16xf32>,
          %get3A_587 = vector.shape_cast %get3A_586 : vector<1x16xf32> to vector<16xf32>
          %mul3A_588 = arith.mulf %get3A_587, %broadcast_in_dim3A_509 : vector<16xf32>
          %swap3A_589 = arith.index_cast %add3A_513 : i32 to index
          %swap3A_590 = arith.constant 112 : index
          %swap3A_591 = tpu.vector_load %arg14[%swap3A_589, %swap3A_590] {strides = array<i32>} : memref<128x128xf32, #tpu.memory_space<vmem>>, vector<1x16xf32>,
          %swap3A_592 = vector.shape_cast %swap3A_591 : vector<1x16xf32> to vector<16xf32>
          %swap3A_593 = vector.shape_cast %mul3A_588 : vector<16xf32> to vector<1x16xf32>
          tpu.vector_store %arg14[%swap3A_589, %swap3A_590], %swap3A_593 {strides = array<i32>} : memref<128x128xf32, #tpu.memory_space<vmem>>, vector<1x16xf32>,
          %slice3A_594 = vector.extract_strided_slice %get3A_335 {offsets = [3], sizes = [1], strides = [1]} : vector<16xf32> to vector<1xf32>
          %squeeze3A_595 = vector.extract %slice3A_594[0] : f32 from vector<1xf32>
          %broadcast_in_dim3A_596 = vector.broadcast %squeeze3A_595 : f32 to vector<16xf32>
          %mul3A_597 = arith.constant 16 : i32
          %mul3A_598 = arith.muli %scan3A_330, %mul3A_597 : i32
          %add3A_599 = arith.constant 3 : i32
          %add3A_600 = arith.addi %mul3A_598, %add3A_599 : i32
          %get3A_601 = arith.index_cast %add3A_600 : i32 to index
          %get3A_602 = arith.constant 0 : index
          %get3A_603 = tpu.vector_load %arg14[%get3A_601, %get3A_602] {strides = array<i32>} : memref<128x128xf32, #tpu.memory_space<vmem>>, vector<1x16xf32>,
          %get3A_604 = vector.shape_cast %get3A_603 : vector<1x16xf32> to vector<16xf32>
          %mul3A_605 = arith.mulf %get3A_604, %broadcast_in_dim3A_596 : vector<16xf32>
          %swap3A_606 = arith.index_cast %add3A_600 : i32 to index
          %swap3A_607 = arith.constant 0 : index
          %swap3A_608 = tpu.vector_load %arg14[%swap3A_606, %swap3A_607] {strides = array<i32>} : memref<128x128xf32, #tpu.memory_space<vmem>>, vector<1x16xf32>,
          %swap3A_609 = vector.shape_cast %swap3A_608 : vector<1x16xf32> to vector<16xf32>
          %swap3A_610 = vector.shape_cast %mul3A_605 : vector<16xf32> to vector<1x16xf32>
          tpu.vector_store %arg14[%swap3A_606, %swap3A_607], %swap3A_610 {strides = array<i32>} : memref<128x128xf32, #tpu.memory_space<vmem>>, vector<1x16xf32>,
          %get3A_611 = arith.index_cast %add3A_600 : i32 to index
          %get3A_612 = arith.constant 16 : index
          %get3A_613 = tpu.vector_load %arg14[%get3A_611, %get3A_612] {strides = array<i32>} : memref<128x128xf32, #tpu.memory_space<vmem>>, vector<1x16xf32>,
          %get3A_614 = vector.shape_cast %get3A_613 : vector<1x16xf32> to vector<16xf32>
          %mul3A_615 = arith.mulf %get3A_614, %broadcast_in_dim3A_596 : vector<16xf32>
          %swap3A_616 = arith.index_cast %add3A_600 : i32 to index
          %swap3A_617 = arith.constant 16 : index
          %swap3A_618 = tpu.vector_load %arg14[%swap3A_616, %swap3A_617] {strides = array<i32>} : memref<128x128xf32, #tpu.memory_space<vmem>>, vector<1x16xf32>,
          %swap3A_619 = vector.shape_cast %swap3A_618 : vector<1x16xf32> to vector<16xf32>
          %swap3A_620 = vector.shape_cast %mul3A_615 : vector<16xf32> to vector<1x16xf32>
          tpu.vector_store %arg14[%swap3A_616, %swap3A_617], %swap3A_620 {strides = array<i32>} : memref<128x128xf32, #tpu.memory_space<vmem>>, vector<1x16xf32>,
          %get3A_621 = arith.index_cast %add3A_600 : i32 to index
          %get3A_622 = arith.constant 32 : index
          %get3A_623 = tpu.vector_load %arg14[%get3A_621, %get3A_622] {strides = array<i32>} : memref<128x128xf32, #tpu.memory_space<vmem>>, vector<1x16xf32>,
          %get3A_624 = vector.shape_cast %get3A_623 : vector<1x16xf32> to vector<16xf32>
          %mul3A_625 = arith.mulf %get3A_624, %broadcast_in_dim3A_596 : vector<16xf32>
          %swap3A_626 = arith.index_cast %add3A_600 : i32 to index
          %swap3A_627 = arith.constant 32 : index
          %swap3A_628 = tpu.vector_load %arg14[%swap3A_626, %swap3A_627] {strides = array<i32>} : memref<128x128xf32, #tpu.memory_space<vmem>>, vector<1x16xf32>,
          %swap3A_629 = vector.shape_cast %swap3A_628 : vector<1x16xf32> to vector<16xf32>
          %swap3A_630 = vector.shape_cast %mul3A_625 : vector<16xf32> to vector<1x16xf32>
          tpu.vector_store %arg14[%swap3A_626, %swap3A_627], %swap3A_630 {strides = array<i32>} : memref<128x128xf32, #tpu.memory_space<vmem>>, vector<1x16xf32>,
          %get3A_631 = arith.index_cast %add3A_600 : i32 to index
          %get3A_632 = arith.constant 48 : index
          %get3A_633 = tpu.vector_load %arg14[%get3A_631, %get3A_632] {strides = array<i32>} : memref<128x128xf32, #tpu.memory_space<vmem>>, vector<1x16xf32>,
          %get3A_634 = vector.shape_cast %get3A_633 : vector<1x16xf32> to vector<16xf32>
          %mul3A_635 = arith.mulf %get3A_634, %broadcast_in_dim3A_596 : vector<16xf32>
          %swap3A_636 = arith.index_cast %add3A_600 : i32 to index
          %swap3A_637 = arith.constant 48 : index
          %swap3A_638 = tpu.vector_load %arg14[%swap3A_636, %swap3A_637] {strides = array<i32>} : memref<128x128xf32, #tpu.memory_space<vmem>>, vector<1x16xf32>,
          %swap3A_639 = vector.shape_cast %swap3A_638 : vector<1x16xf32> to vector<16xf32>
          %swap3A_640 = vector.shape_cast %mul3A_635 : vector<16xf32> to vector<1x16xf32>
          tpu.vector_store %arg14[%swap3A_636, %swap3A_637], %swap3A_640 {strides = array<i32>} : memref<128x128xf32, #tpu.memory_space<vmem>>, vector<1x16xf32>,
          %get3A_641 = arith.index_cast %add3A_600 : i32 to index
          %get3A_642 = arith.constant 64 : index
          %get3A_643 = tpu.vector_load %arg14[%get3A_641, %get3A_642] {strides = array<i32>} : memref<128x128xf32, #tpu.memory_space<vmem>>, vector<1x16xf32>,
          %get3A_644 = vector.shape_cast %get3A_643 : vector<1x16xf32> to vector<16xf32>
          %mul3A_645 = arith.mulf %get3A_644, %broadcast_in_dim3A_596 : vector<16xf32>
          %swap3A_646 = arith.index_cast %add3A_600 : i32 to index
          %swap3A_647 = arith.constant 64 : index
          %swap3A_648 = tpu.vector_load %arg14[%swap3A_646, %swap3A_647] {strides = array<i32>} : memref<128x128xf32, #tpu.memory_space<vmem>>, vector<1x16xf32>,
          %swap3A_649 = vector.shape_cast %swap3A_648 : vector<1x16xf32> to vector<16xf32>
          %swap3A_650 = vector.shape_cast %mul3A_645 : vector<16xf32> to vector<1x16xf32>
          tpu.vector_store %arg14[%swap3A_646, %swap3A_647], %swap3A_650 {strides = array<i32>} : memref<128x128xf32, #tpu.memory_space<vmem>>, vector<1x16xf32>,
          %get3A_651 = arith.index_cast %add3A_600 : i32 to index
          %get3A_652 = arith.constant 80 : index
          %get3A_653 = tpu.vector_load %arg14[%get3A_651, %get3A_652] {strides = array<i32>} : memref<128x128xf32, #tpu.memory_space<vmem>>, vector<1x16xf32>,
          %get3A_654 = vector.shape_cast %get3A_653 : vector<1x16xf32> to vector<16xf32>
          %mul3A_655 = arith.mulf %get3A_654, %broadcast_in_dim3A_596 : vector<16xf32>
          %swap3A_656 = arith.index_cast %add3A_600 : i32 to index
          %swap3A_657 = arith.constant 80 : index
          %swap3A_658 = tpu.vector_load %arg14[%swap3A_656, %swap3A_657] {strides = array<i32>} : memref<128x128xf32, #tpu.memory_space<vmem>>, vector<1x16xf32>,
          %swap3A_659 = vector.shape_cast %swap3A_658 : vector<1x16xf32> to vector<16xf32>
          %swap3A_660 = vector.shape_cast %mul3A_655 : vector<16xf32> to vector<1x16xf32>
          tpu.vector_store %arg14[%swap3A_656, %swap3A_657], %swap3A_660 {strides = array<i32>} : memref<128x128xf32, #tpu.memory_space<vmem>>, vector<1x16xf32>,
          %get3A_661 = arith.index_cast %add3A_600 : i32 to index
          %get3A_662 = arith.constant 96 : index
          %get3A_663 = tpu.vector_load %arg14[%get3A_661, %get3A_662] {strides = array<i32>} : memref<128x128xf32, #tpu.memory_space<vmem>>, vector<1x16xf32>,
          %get3A_664 = vector.shape_cast %get3A_663 : vector<1x16xf32> to vector<16xf32>
          %mul3A_665 = arith.mulf %get3A_664, %broadcast_in_dim3A_596 : vector<16xf32>
          %swap3A_666 = arith.index_cast %add3A_600 : i32 to index
          %swap3A_667 = arith.constant 96 : index
          %swap3A_668 = tpu.vector_load %arg14[%swap3A_666, %swap3A_667] {strides = array<i32>} : memref<128x128xf32, #tpu.memory_space<vmem>>, vector<1x16xf32>,
          %swap3A_669 = vector.shape_cast %swap3A_668 : vector<1x16xf32> to vector<16xf32>
          %swap3A_670 = vector.shape_cast %mul3A_665 : vector<16xf32> to vector<1x16xf32>
          tpu.vector_store %arg14[%swap3A_666, %swap3A_667], %swap3A_670 {strides = array<i32>} : memref<128x128xf32, #tpu.memory_space<vmem>>, vector<1x16xf32>,
          %get3A_671 = arith.index_cast %add3A_600 : i32 to index
          %get3A_672 = arith.constant 112 : index
          %get3A_673 = tpu.vector_load %arg14[%get3A_671, %get3A_672] {strides = array<i32>} : memref<128x128xf32, #tpu.memory_space<vmem>>, vector<1x16xf32>,
          %get3A_674 = vector.shape_cast %get3A_673 : vector<1x16xf32> to vector<16xf32>
          %mul3A_675 = arith.mulf %get3A_674, %broadcast_in_dim3A_596 : vector<16xf32>
          %swap3A_676 = arith.index_cast %add3A_600 : i32 to index
          %swap3A_677 = arith.constant 112 : index
          %swap3A_678 = tpu.vector_load %arg14[%swap3A_676, %swap3A_677] {strides = array<i32>} : memref<128x128xf32, #tpu.memory_space<vmem>>, vector<1x16xf32>,
          %swap3A_679 = vector.shape_cast %swap3A_678 : vector<1x16xf32> to vector<16xf32>
          %swap3A_680 = vector.shape_cast %mul3A_675 : vector<16xf32> to vector<1x16xf32>
          tpu.vector_store %arg14[%swap3A_676, %swap3A_677], %swap3A_680 {strides = array<i32>} : memref<128x128xf32, #tpu.memory_space<vmem>>, vector<1x16xf32>,
          %slice3A_681 = vector.extract_strided_slice %get3A_335 {offsets = [4], sizes = [1], strides = [1]} : vector<16xf32> to vector<1xf32>
          %squeeze3A_682 = vector.extract %slice3A_681[0] : f32 from vector<1xf32>
          %broadcast_in_dim3A_683 = vector.broadcast %squeeze3A_682 : f32 to vector<16xf32>
          %mul3A_684 = arith.constant 16 : i32
          %mul3A_685 = arith.muli %scan3A_330, %mul3A_684 : i32
          %add3A_686 = arith.constant 4 : i32
          %add3A_687 = arith.addi %mul3A_685, %add3A_686 : i32
          %get3A_688 = arith.index_cast %add3A_687 : i32 to index
          %get3A_689 = arith.constant 0 : index
          %get3A_690 = tpu.vector_load %arg14[%get3A_688, %get3A_689] {strides = array<i32>} : memref<128x128xf32, #tpu.memory_space<vmem>>, vector<1x16xf32>,
          %get3A_691 = vector.shape_cast %get3A_690 : vector<1x16xf32> to vector<16xf32>
          %mul3A_692 = arith.mulf %get3A_691, %broadcast_in_dim3A_683 : vector<16xf32>
          %swap3A_693 = arith.index_cast %add3A_687 : i32 to index
          %swap3A_694 = arith.constant 0 : index
          %swap3A_695 = tpu.vector_load %arg14[%swap3A_693, %swap3A_694] {strides = array<i32>} : memref<128x128xf32, #tpu.memory_space<vmem>>, vector<1x16xf32>,
          %swap3A_696 = vector.shape_cast %swap3A_695 : vector<1x16xf32> to vector<16xf32>
          %swap3A_697 = vector.shape_cast %mul3A_692 : vector<16xf32> to vector<1x16xf32>
          tpu.vector_store %arg14[%swap3A_693, %swap3A_694], %swap3A_697 {strides = array<i32>} : memref<128x128xf32, #tpu.memory_space<vmem>>, vector<1x16xf32>,
          %get3A_698 = arith.index_cast %add3A_687 : i32 to index
          %get3A_699 = arith.constant 16 : index
          %get3A_700 = tpu.vector_load %arg14[%get3A_698, %get3A_699] {strides = array<i32>} : memref<128x128xf32, #tpu.memory_space<vmem>>, vector<1x16xf32>,
          %get3A_701 = vector.shape_cast %get3A_700 : vector<1x16xf32> to vector<16xf32>
          %mul3A_702 = arith.mulf %get3A_701, %broadcast_in_dim3A_683 : vector<16xf32>
          %swap3A_703 = arith.index_cast %add3A_687 : i32 to index
          %swap3A_704 = arith.constant 16 : index
          %swap3A_705 = tpu.vector_load %arg14[%swap3A_703, %swap3A_704] {strides = array<i32>} : memref<128x128xf32, #tpu.memory_space<vmem>>, vector<1x16xf32>,
          %swap3A_706 = vector.shape_cast %swap3A_705 : vector<1x16xf32> to vector<16xf32>
          %swap3A_707 = vector.shape_cast %mul3A_702 : vector<16xf32> to vector<1x16xf32>
          tpu.vector_store %arg14[%swap3A_703, %swap3A_704], %swap3A_707 {strides = array<i32>} : memref<128x128xf32, #tpu.memory_space<vmem>>, vector<1x16xf32>,
          %get3A_708 = arith.index_cast %add3A_687 : i32 to index
          %get3A_709 = arith.constant 32 : index
          %get3A_710 = tpu.vector_load %arg14[%get3A_708, %get3A_709] {strides = array<i32>} : memref<128x128xf32, #tpu.memory_space<vmem>>, vector<1x16xf32>,
          %get3A_711 = vector.shape_cast %get3A_710 : vector<1x16xf32> to vector<16xf32>
          %mul3A_712 = arith.mulf %get3A_711, %broadcast_in_dim3A_683 : vector<16xf32>
          %swap3A_713 = arith.index_cast %add3A_687 : i32 to index
          %swap3A_714 = arith.constant 32 : index
          %swap3A_715 = tpu.vector_load %arg14[%swap3A_713, %swap3A_714] {strides = array<i32>} : memref<128x128xf32, #tpu.memory_space<vmem>>, vector<1x16xf32>,
          %swap3A_716 = vector.shape_cast %swap3A_715 : vector<1x16xf32> to vector<16xf32>
          %swap3A_717 = vector.shape_cast %mul3A_712 : vector<16xf32> to vector<1x16xf32>
          tpu.vector_store %arg14[%swap3A_713, %swap3A_714], %swap3A_717 {strides = array<i32>} : memref<128x128xf32, #tpu.memory_space<vmem>>, vector<1x16xf32>,
          %get3A_718 = arith.index_cast %add3A_687 : i32 to index
          %get3A_719 = arith.constant 48 : index
          %get3A_720 = tpu.vector_load %arg14[%get3A_718, %get3A_719] {strides = array<i32>} : memref<128x128xf32, #tpu.memory_space<vmem>>, vector<1x16xf32>,
          %get3A_721 = vector.shape_cast %get3A_720 : vector<1x16xf32> to vector<16xf32>
          %mul3A_722 = arith.mulf %get3A_721, %broadcast_in_dim3A_683 : vector<16xf32>
          %swap3A_723 = arith.index_cast %add3A_687 : i32 to index
          %swap3A_724 = arith.constant 48 : index
          %swap3A_725 = tpu.vector_load %arg14[%swap3A_723, %swap3A_724] {strides = array<i32>} : memref<128x128xf32, #tpu.memory_space<vmem>>, vector<1x16xf32>,
          %swap3A_726 = vector.shape_cast %swap3A_725 : vector<1x16xf32> to vector<16xf32>
          %swap3A_727 = vector.shape_cast %mul3A_722 : vector<16xf32> to vector<1x16xf32>
          tpu.vector_store %arg14[%swap3A_723, %swap3A_724], %swap3A_727 {strides = array<i32>} : memref<128x128xf32, #tpu.memory_space<vmem>>, vector<1x16xf32>,
          %get3A_728 = arith.index_cast %add3A_687 : i32 to index
          %get3A_729 = arith.constant 64 : index
          %get3A_730 = tpu.vector_load %arg14[%get3A_728, %get3A_729] {strides = array<i32>} : memref<128x128xf32, #tpu.memory_space<vmem>>, vector<1x16xf32>,
          %get3A_731 = vector.shape_cast %get3A_730 : vector<1x16xf32> to vector<16xf32>
          %mul3A_732 = arith.mulf %get3A_731, %broadcast_in_dim3A_683 : vector<16xf32>
          %swap3A_733 = arith.index_cast %add3A_687 : i32 to index
          %swap3A_734 = arith.constant 64 : index
          %swap3A_735 = tpu.vector_load %arg14[%swap3A_733, %swap3A_734] {strides = array<i32>} : memref<128x128xf32, #tpu.memory_space<vmem>>, vector<1x16xf32>,
          %swap3A_736 = vector.shape_cast %swap3A_735 : vector<1x16xf32> to vector<16xf32>
          %swap3A_737 = vector.shape_cast %mul3A_732 : vector<16xf32> to vector<1x16xf32>
          tpu.vector_store %arg14[%swap3A_733, %swap3A_734], %swap3A_737 {strides = array<i32>} : memref<128x128xf32, #tpu.memory_space<vmem>>, vector<1x16xf32>,
          %get3A_738 = arith.index_cast %add3A_687 : i32 to index
          %get3A_739 = arith.constant 80 : index
          %get3A_740 = tpu.vector_load %arg14[%get3A_738, %get3A_739] {strides = array<i32>} : memref<128x128xf32, #tpu.memory_space<vmem>>, vector<1x16xf32>,
          %get3A_741 = vector.shape_cast %get3A_740 : vector<1x16xf32> to vector<16xf32>
          %mul3A_742 = arith.mulf %get3A_741, %broadcast_in_dim3A_683 : vector<16xf32>
          %swap3A_743 = arith.index_cast %add3A_687 : i32 to index
          %swap3A_744 = arith.constant 80 : index
          %swap3A_745 = tpu.vector_load %arg14[%swap3A_743, %swap3A_744] {strides = array<i32>} : memref<128x128xf32, #tpu.memory_space<vmem>>, vector<1x16xf32>,
          %swap3A_746 = vector.shape_cast %swap3A_745 : vector<1x16xf32> to vector<16xf32>
          %swap3A_747 = vector.shape_cast %mul3A_742 : vector<16xf32> to vector<1x16xf32>
          tpu.vector_store %arg14[%swap3A_743, %swap3A_744], %swap3A_747 {strides = array<i32>} : memref<128x128xf32, #tpu.memory_space<vmem>>, vector<1x16xf32>,
          %get3A_748 = arith.index_cast %add3A_687 : i32 to index
          %get3A_749 = arith.constant 96 : index
          %get3A_750 = tpu.vector_load %arg14[%get3A_748, %get3A_749] {strides = array<i32>} : memref<128x128xf32, #tpu.memory_space<vmem>>, vector<1x16xf32>,
          %get3A_751 = vector.shape_cast %get3A_750 : vector<1x16xf32> to vector<16xf32>
          %mul3A_752 = arith.mulf %get3A_751, %broadcast_in_dim3A_683 : vector<16xf32>
          %swap3A_753 = arith.index_cast %add3A_687 : i32 to index
          %swap3A_754 = arith.constant 96 : index
          %swap3A_755 = tpu.vector_load %arg14[%swap3A_753, %swap3A_754] {strides = array<i32>} : memref<128x128xf32, #tpu.memory_space<vmem>>, vector<1x16xf32>,
          %swap3A_756 = vector.shape_cast %swap3A_755 : vector<1x16xf32> to vector<16xf32>
          %swap3A_757 = vector.shape_cast %mul3A_752 : vector<16xf32> to vector<1x16xf32>
          tpu.vector_store %arg14[%swap3A_753, %swap3A_754], %swap3A_757 {strides = array<i32>} : memref<128x128xf32, #tpu.memory_space<vmem>>, vector<1x16xf32>,
          %get3A_758 = arith.index_cast %add3A_687 : i32 to index
          %get3A_759 = arith.constant 112 : index
          %get3A_760 = tpu.vector_load %arg14[%get3A_758, %get3A_759] {strides = array<i32>} : memref<128x128xf32, #tpu.memory_space<vmem>>, vector<1x16xf32>,
          %get3A_761 = vector.shape_cast %get3A_760 : vector<1x16xf32> to vector<16xf32>
          %mul3A_762 = arith.mulf %get3A_761, %broadcast_in_dim3A_683 : vector<16xf32>
          %swap3A_763 = arith.index_cast %add3A_687 : i32 to index
          %swap3A_764 = arith.constant 112 : index
          %swap3A_765 = tpu.vector_load %arg14[%swap3A_763, %swap3A_764] {strides = array<i32>} : memref<128x128xf32, #tpu.memory_space<vmem>>, vector<1x16xf32>,
          %swap3A_766 = vector.shape_cast %swap3A_765 : vector<1x16xf32> to vector<16xf32>
          %swap3A_767 = vector.shape_cast %mul3A_762 : vector<16xf32> to vector<1x16xf32>
          tpu.vector_store %arg14[%swap3A_763, %swap3A_764], %swap3A_767 {strides = array<i32>} : memref<128x128xf32, #tpu.memory_space<vmem>>, vector<1x16xf32>,
          %slice3A_768 = vector.extract_strided_slice %get3A_335 {offsets = [5], sizes = [1], strides = [1]} : vector<16xf32> to vector<1xf32>
          %squeeze3A_769 = vector.extract %slice3A_768[0] : f32 from vector<1xf32>
          %broadcast_in_dim3A_770 = vector.broadcast %squeeze3A_769 : f32 to vector<16xf32>
          %mul3A_771 = arith.constant 16 : i32
          %mul3A_772 = arith.muli %scan3A_330, %mul3A_771 : i32
          %add3A_773 = arith.constant 5 : i32
          %add3A_774 = arith.addi %mul3A_772, %add3A_773 : i32
          %get3A_775 = arith.index_cast %add3A_774 : i32 to index
          %get3A_776 = arith.constant 0 : index
          %get3A_777 = tpu.vector_load %arg14[%get3A_775, %get3A_776] {strides = array<i32>} : memref<128x128xf32, #tpu.memory_space<vmem>>, vector<1x16xf32>,
          %get3A_778 = vector.shape_cast %get3A_777 : vector<1x16xf32> to vector<16xf32>
          %mul3A_779 = arith.mulf %get3A_778, %broadcast_in_dim3A_770 : vector<16xf32>
          %swap3A_780 = arith.index_cast %add3A_774 : i32 to index
          %swap3A_781 = arith.constant 0 : index
          %swap3A_782 = tpu.vector_load %arg14[%swap3A_780, %swap3A_781] {strides = array<i32>} : memref<128x128xf32, #tpu.memory_space<vmem>>, vector<1x16xf32>,
          %swap3A_783 = vector.shape_cast %swap3A_782 : vector<1x16xf32> to vector<16xf32>
          %swap3A_784 = vector.shape_cast %mul3A_779 : vector<16xf32> to vector<1x16xf32>
          tpu.vector_store %arg14[%swap3A_780, %swap3A_781], %swap3A_784 {strides = array<i32>} : memref<128x128xf32, #tpu.memory_space<vmem>>, vector<1x16xf32>,
          %get3A_785 = arith.index_cast %add3A_774 : i32 to index
          %get3A_786 = arith.constant 16 : index
          %get3A_787 = tpu.vector_load %arg14[%get3A_785, %get3A_786] {strides = array<i32>} : memref<128x128xf32, #tpu.memory_space<vmem>>, vector<1x16xf32>,
          %get3A_788 = vector.shape_cast %get3A_787 : vector<1x16xf32> to vector<16xf32>
          %mul3A_789 = arith.mulf %get3A_788, %broadcast_in_dim3A_770 : vector<16xf32>
          %swap3A_790 = arith.index_cast %add3A_774 : i32 to index
          %swap3A_791 = arith.constant 16 : index
          %swap3A_792 = tpu.vector_load %arg14[%swap3A_790, %swap3A_791] {strides = array<i32>} : memref<128x128xf32, #tpu.memory_space<vmem>>, vector<1x16xf32>,
          %swap3A_793 = vector.shape_cast %swap3A_792 : vector<1x16xf32> to vector<16xf32>
          %swap3A_794 = vector.shape_cast %mul3A_789 : vector<16xf32> to vector<1x16xf32>
          tpu.vector_store %arg14[%swap3A_790, %swap3A_791], %swap3A_794 {strides = array<i32>} : memref<128x128xf32, #tpu.memory_space<vmem>>, vector<1x16xf32>,
          %get3A_795 = arith.index_cast %add3A_774 : i32 to index
          %get3A_796 = arith.constant 32 : index
          %get3A_797 = tpu.vector_load %arg14[%get3A_795, %get3A_796] {strides = array<i32>} : memref<128x128xf32, #tpu.memory_space<vmem>>, vector<1x16xf32>,
          %get3A_798 = vector.shape_cast %get3A_797 : vector<1x16xf32> to vector<16xf32>
          %mul3A_799 = arith.mulf %get3A_798, %broadcast_in_dim3A_770 : vector<16xf32>
          %swap3A_800 = arith.index_cast %add3A_774 : i32 to index
          %swap3A_801 = arith.constant 32 : index
          %swap3A_802 = tpu.vector_load %arg14[%swap3A_800, %swap3A_801] {strides = array<i32>} : memref<128x128xf32, #tpu.memory_space<vmem>>, vector<1x16xf32>,
          %swap3A_803 = vector.shape_cast %swap3A_802 : vector<1x16xf32> to vector<16xf32>
          %swap3A_804 = vector.shape_cast %mul3A_799 : vector<16xf32> to vector<1x16xf32>
          tpu.vector_store %arg14[%swap3A_800, %swap3A_801], %swap3A_804 {strides = array<i32>} : memref<128x128xf32, #tpu.memory_space<vmem>>, vector<1x16xf32>,
          %get3A_805 = arith.index_cast %add3A_774 : i32 to index
          %get3A_806 = arith.constant 48 : index
          %get3A_807 = tpu.vector_load %arg14[%get3A_805, %get3A_806] {strides = array<i32>} : memref<128x128xf32, #tpu.memory_space<vmem>>, vector<1x16xf32>,
          %get3A_808 = vector.shape_cast %get3A_807 : vector<1x16xf32> to vector<16xf32>
          %mul3A_809 = arith.mulf %get3A_808, %broadcast_in_dim3A_770 : vector<16xf32>
          %swap3A_810 = arith.index_cast %add3A_774 : i32 to index
          %swap3A_811 = arith.constant 48 : index
          %swap3A_812 = tpu.vector_load %arg14[%swap3A_810, %swap3A_811] {strides = array<i32>} : memref<128x128xf32, #tpu.memory_space<vmem>>, vector<1x16xf32>,
          %swap3A_813 = vector.shape_cast %swap3A_812 : vector<1x16xf32> to vector<16xf32>
          %swap3A_814 = vector.shape_cast %mul3A_809 : vector<16xf32> to vector<1x16xf32>
          tpu.vector_store %arg14[%swap3A_810, %swap3A_811], %swap3A_814 {strides = array<i32>} : memref<128x128xf32, #tpu.memory_space<vmem>>, vector<1x16xf32>,
          %get3A_815 = arith.index_cast %add3A_774 : i32 to index
          %get3A_816 = arith.constant 64 : index
          %get3A_817 = tpu.vector_load %arg14[%get3A_815, %get3A_816] {strides = array<i32>} : memref<128x128xf32, #tpu.memory_space<vmem>>, vector<1x16xf32>,
          %get3A_818 = vector.shape_cast %get3A_817 : vector<1x16xf32> to vector<16xf32>
          %mul3A_819 = arith.mulf %get3A_818, %broadcast_in_dim3A_770 : vector<16xf32>
          %swap3A_820 = arith.index_cast %add3A_774 : i32 to index
          %swap3A_821 = arith.constant 64 : index
          %swap3A_822 = tpu.vector_load %arg14[%swap3A_820, %swap3A_821] {strides = array<i32>} : memref<128x128xf32, #tpu.memory_space<vmem>>, vector<1x16xf32>,
          %swap3A_823 = vector.shape_cast %swap3A_822 : vector<1x16xf32> to vector<16xf32>
          %swap3A_824 = vector.shape_cast %mul3A_819 : vector<16xf32> to vector<1x16xf32>
          tpu.vector_store %arg14[%swap3A_820, %swap3A_821], %swap3A_824 {strides = array<i32>} : memref<128x128xf32, #tpu.memory_space<vmem>>, vector<1x16xf32>,
          %get3A_825 = arith.index_cast %add3A_774 : i32 to index
          %get3A_826 = arith.constant 80 : index
          %get3A_827 = tpu.vector_load %arg14[%get3A_825, %get3A_826] {strides = array<i32>} : memref<128x128xf32, #tpu.memory_space<vmem>>, vector<1x16xf32>,
          %get3A_828 = vector.shape_cast %get3A_827 : vector<1x16xf32> to vector<16xf32>
          %mul3A_829 = arith.mulf %get3A_828, %broadcast_in_dim3A_770 : vector<16xf32>
          %swap3A_830 = arith.index_cast %add3A_774 : i32 to index
          %swap3A_831 = arith.constant 80 : index
          %swap3A_832 = tpu.vector_load %arg14[%swap3A_830, %swap3A_831] {strides = array<i32>} : memref<128x128xf32, #tpu.memory_space<vmem>>, vector<1x16xf32>,
          %swap3A_833 = vector.shape_cast %swap3A_832 : vector<1x16xf32> to vector<16xf32>
          %swap3A_834 = vector.shape_cast %mul3A_829 : vector<16xf32> to vector<1x16xf32>
          tpu.vector_store %arg14[%swap3A_830, %swap3A_831], %swap3A_834 {strides = array<i32>} : memref<128x128xf32, #tpu.memory_space<vmem>>, vector<1x16xf32>,
          %get3A_835 = arith.index_cast %add3A_774 : i32 to index
          %get3A_836 = arith.constant 96 : index
          %get3A_837 = tpu.vector_load %arg14[%get3A_835, %get3A_836] {strides = array<i32>} : memref<128x128xf32, #tpu.memory_space<vmem>>, vector<1x16xf32>,
          %get3A_838 = vector.shape_cast %get3A_837 : vector<1x16xf32> to vector<16xf32>
          %mul3A_839 = arith.mulf %get3A_838, %broadcast_in_dim3A_770 : vector<16xf32>
          %swap3A_840 = arith.index_cast %add3A_774 : i32 to index
          %swap3A_841 = arith.constant 96 : index
          %swap3A_842 = tpu.vector_load %arg14[%swap3A_840, %swap3A_841] {strides = array<i32>} : memref<128x128xf32, #tpu.memory_space<vmem>>, vector<1x16xf32>,
          %swap3A_843 = vector.shape_cast %swap3A_842 : vector<1x16xf32> to vector<16xf32>
          %swap3A_844 = vector.shape_cast %mul3A_839 : vector<16xf32> to vector<1x16xf32>
          tpu.vector_store %arg14[%swap3A_840, %swap3A_841], %swap3A_844 {strides = array<i32>} : memref<128x128xf32, #tpu.memory_space<vmem>>, vector<1x16xf32>,
          %get3A_845 = arith.index_cast %add3A_774 : i32 to index
          %get3A_846 = arith.constant 112 : index
          %get3A_847 = tpu.vector_load %arg14[%get3A_845, %get3A_846] {strides = array<i32>} : memref<128x128xf32, #tpu.memory_space<vmem>>, vector<1x16xf32>,
          %get3A_848 = vector.shape_cast %get3A_847 : vector<1x16xf32> to vector<16xf32>
          %mul3A_849 = arith.mulf %get3A_848, %broadcast_in_dim3A_770 : vector<16xf32>
          %swap3A_850 = arith.index_cast %add3A_774 : i32 to index
          %swap3A_851 = arith.constant 112 : index
          %swap3A_852 = tpu.vector_load %arg14[%swap3A_850, %swap3A_851] {strides = array<i32>} : memref<128x128xf32, #tpu.memory_space<vmem>>, vector<1x16xf32>,
          %swap3A_853 = vector.shape_cast %swap3A_852 : vector<1x16xf32> to vector<16xf32>
          %swap3A_854 = vector.shape_cast %mul3A_849 : vector<16xf32> to vector<1x16xf32>
          tpu.vector_store %arg14[%swap3A_850, %swap3A_851], %swap3A_854 {strides = array<i32>} : memref<128x128xf32, #tpu.memory_space<vmem>>, vector<1x16xf32>,
          %slice3A_855 = vector.extract_strided_slice %get3A_335 {offsets = [6], sizes = [1], strides = [1]} : vector<16xf32> to vector<1xf32>
          %squeeze3A_856 = vector.extract %slice3A_855[0] : f32 from vector<1xf32>
          %broadcast_in_dim3A_857 = vector.broadcast %squeeze3A_856 : f32 to vector<16xf32>
          %mul3A_858 = arith.constant 16 : i32
          %mul3A_859 = arith.muli %scan3A_330, %mul3A_858 : i32
          %add3A_860 = arith.constant 6 : i32
          %add3A_861 = arith.addi %mul3A_859, %add3A_860 : i32
          %get3A_862 = arith.index_cast %add3A_861 : i32 to index
          %get3A_863 = arith.constant 0 : index
          %get3A_864 = tpu.vector_load %arg14[%get3A_862, %get3A_863] {strides = array<i32>} : memref<128x128xf32, #tpu.memory_space<vmem>>, vector<1x16xf32>,
          %get3A_865 = vector.shape_cast %get3A_864 : vector<1x16xf32> to vector<16xf32>
          %mul3A_866 = arith.mulf %get3A_865, %broadcast_in_dim3A_857 : vector<16xf32>
          %swap3A_867 = arith.index_cast %add3A_861 : i32 to index
          %swap3A_868 = arith.constant 0 : index
          %swap3A_869 = tpu.vector_load %arg14[%swap3A_867, %swap3A_868] {strides = array<i32>} : memref<128x128xf32, #tpu.memory_space<vmem>>, vector<1x16xf32>,
          %swap3A_870 = vector.shape_cast %swap3A_869 : vector<1x16xf32> to vector<16xf32>
          %swap3A_871 = vector.shape_cast %mul3A_866 : vector<16xf32> to vector<1x16xf32>
          tpu.vector_store %arg14[%swap3A_867, %swap3A_868], %swap3A_871 {strides = array<i32>} : memref<128x128xf32, #tpu.memory_space<vmem>>, vector<1x16xf32>,
          %get3A_872 = arith.index_cast %add3A_861 : i32 to index
          %get3A_873 = arith.constant 16 : index
          %get3A_874 = tpu.vector_load %arg14[%get3A_872, %get3A_873] {strides = array<i32>} : memref<128x128xf32, #tpu.memory_space<vmem>>, vector<1x16xf32>,
          %get3A_875 = vector.shape_cast %get3A_874 : vector<1x16xf32> to vector<16xf32>
          %mul3A_876 = arith.mulf %get3A_875, %broadcast_in_dim3A_857 : vector<16xf32>
          %swap3A_877 = arith.index_cast %add3A_861 : i32 to index
          %swap3A_878 = arith.constant 16 : index
          %swap3A_879 = tpu.vector_load %arg14[%swap3A_877, %swap3A_878] {strides = array<i32>} : memref<128x128xf32, #tpu.memory_space<vmem>>, vector<1x16xf32>,
          %swap3A_880 = vector.shape_cast %swap3A_879 : vector<1x16xf32> to vector<16xf32>
          %swap3A_881 = vector.shape_cast %mul3A_876 : vector<16xf32> to vector<1x16xf32>
          tpu.vector_store %arg14[%swap3A_877, %swap3A_878], %swap3A_881 {strides = array<i32>} : memref<128x128xf32, #tpu.memory_space<vmem>>, vector<1x16xf32>,
          %get3A_882 = arith.index_cast %add3A_861 : i32 to index
          %get3A_883 = arith.constant 32 : index
          %get3A_884 = tpu.vector_load %arg14[%get3A_882, %get3A_883] {strides = array<i32>} : memref<128x128xf32, #tpu.memory_space<vmem>>, vector<1x16xf32>,
          %get3A_885 = vector.shape_cast %get3A_884 : vector<1x16xf32> to vector<16xf32>
          %mul3A_886 = arith.mulf %get3A_885, %broadcast_in_dim3A_857 : vector<16xf32>
          %swap3A_887 = arith.index_cast %add3A_861 : i32 to index
          %swap3A_888 = arith.constant 32 : index
          %swap3A_889 = tpu.vector_load %arg14[%swap3A_887, %swap3A_888] {strides = array<i32>} : memref<128x128xf32, #tpu.memory_space<vmem>>, vector<1x16xf32>,
          %swap3A_890 = vector.shape_cast %swap3A_889 : vector<1x16xf32> to vector<16xf32>
          %swap3A_891 = vector.shape_cast %mul3A_886 : vector<16xf32> to vector<1x16xf32>
          tpu.vector_store %arg14[%swap3A_887, %swap3A_888], %swap3A_891 {strides = array<i32>} : memref<128x128xf32, #tpu.memory_space<vmem>>, vector<1x16xf32>,
          %get3A_892 = arith.index_cast %add3A_861 : i32 to index
          %get3A_893 = arith.constant 48 : index
          %get3A_894 = tpu.vector_load %arg14[%get3A_892, %get3A_893] {strides = array<i32>} : memref<128x128xf32, #tpu.memory_space<vmem>>, vector<1x16xf32>,
          %get3A_895 = vector.shape_cast %get3A_894 : vector<1x16xf32> to vector<16xf32>
          %mul3A_896 = arith.mulf %get3A_895, %broadcast_in_dim3A_857 : vector<16xf32>
          %swap3A_897 = arith.index_cast %add3A_861 : i32 to index
          %swap3A_898 = arith.constant 48 : index
          %swap3A_899 = tpu.vector_load %arg14[%swap3A_897, %swap3A_898] {strides = array<i32>} : memref<128x128xf32, #tpu.memory_space<vmem>>, vector<1x16xf32>,
          %swap3A_900 = vector.shape_cast %swap3A_899 : vector<1x16xf32> to vector<16xf32>
          %swap3A_901 = vector.shape_cast %mul3A_896 : vector<16xf32> to vector<1x16xf32>
          tpu.vector_store %arg14[%swap3A_897, %swap3A_898], %swap3A_901 {strides = array<i32>} : memref<128x128xf32, #tpu.memory_space<vmem>>, vector<1x16xf32>,
          %get3A_902 = arith.index_cast %add3A_861 : i32 to index
          %get3A_903 = arith.constant 64 : index
          %get3A_904 = tpu.vector_load %arg14[%get3A_902, %get3A_903] {strides = array<i32>} : memref<128x128xf32, #tpu.memory_space<vmem>>, vector<1x16xf32>,
          %get3A_905 = vector.shape_cast %get3A_904 : vector<1x16xf32> to vector<16xf32>
          %mul3A_906 = arith.mulf %get3A_905, %broadcast_in_dim3A_857 : vector<16xf32>
          %swap3A_907 = arith.index_cast %add3A_861 : i32 to index
          %swap3A_908 = arith.constant 64 : index
          %swap3A_909 = tpu.vector_load %arg14[%swap3A_907, %swap3A_908] {strides = array<i32>} : memref<128x128xf32, #tpu.memory_space<vmem>>, vector<1x16xf32>,
          %swap3A_910 = vector.shape_cast %swap3A_909 : vector<1x16xf32> to vector<16xf32>
          %swap3A_911 = vector.shape_cast %mul3A_906 : vector<16xf32> to vector<1x16xf32>
          tpu.vector_store %arg14[%swap3A_907, %swap3A_908], %swap3A_911 {strides = array<i32>} : memref<128x128xf32, #tpu.memory_space<vmem>>, vector<1x16xf32>,
          %get3A_912 = arith.index_cast %add3A_861 : i32 to index
          %get3A_913 = arith.constant 80 : index
          %get3A_914 = tpu.vector_load %arg14[%get3A_912, %get3A_913] {strides = array<i32>} : memref<128x128xf32, #tpu.memory_space<vmem>>, vector<1x16xf32>,
          %get3A_915 = vector.shape_cast %get3A_914 : vector<1x16xf32> to vector<16xf32>
          %mul3A_916 = arith.mulf %get3A_915, %broadcast_in_dim3A_857 : vector<16xf32>
          %swap3A_917 = arith.index_cast %add3A_861 : i32 to index
          %swap3A_918 = arith.constant 80 : index
          %swap3A_919 = tpu.vector_load %arg14[%swap3A_917, %swap3A_918] {strides = array<i32>} : memref<128x128xf32, #tpu.memory_space<vmem>>, vector<1x16xf32>,
          %swap3A_920 = vector.shape_cast %swap3A_919 : vector<1x16xf32> to vector<16xf32>
          %swap3A_921 = vector.shape_cast %mul3A_916 : vector<16xf32> to vector<1x16xf32>
          tpu.vector_store %arg14[%swap3A_917, %swap3A_918], %swap3A_921 {strides = array<i32>} : memref<128x128xf32, #tpu.memory_space<vmem>>, vector<1x16xf32>,
          %get3A_922 = arith.index_cast %add3A_861 : i32 to index
          %get3A_923 = arith.constant 96 : index
          %get3A_924 = tpu.vector_load %arg14[%get3A_922, %get3A_923] {strides = array<i32>} : memref<128x128xf32, #tpu.memory_space<vmem>>, vector<1x16xf32>,
          %get3A_925 = vector.shape_cast %get3A_924 : vector<1x16xf32> to vector<16xf32>
          %mul3A_926 = arith.mulf %get3A_925, %broadcast_in_dim3A_857 : vector<16xf32>
          %swap3A_927 = arith.index_cast %add3A_861 : i32 to index
          %swap3A_928 = arith.constant 96 : index
          %swap3A_929 = tpu.vector_load %arg14[%swap3A_927, %swap3A_928] {strides = array<i32>} : memref<128x128xf32, #tpu.memory_space<vmem>>, vector<1x16xf32>,
          %swap3A_930 = vector.shape_cast %swap3A_929 : vector<1x16xf32> to vector<16xf32>
          %swap3A_931 = vector.shape_cast %mul3A_926 : vector<16xf32> to vector<1x16xf32>
          tpu.vector_store %arg14[%swap3A_927, %swap3A_928], %swap3A_931 {strides = array<i32>} : memref<128x128xf32, #tpu.memory_space<vmem>>, vector<1x16xf32>,
          %get3A_932 = arith.index_cast %add3A_861 : i32 to index
          %get3A_933 = arith.constant 112 : index
          %get3A_934 = tpu.vector_load %arg14[%get3A_932, %get3A_933] {strides = array<i32>} : memref<128x128xf32, #tpu.memory_space<vmem>>, vector<1x16xf32>,
          %get3A_935 = vector.shape_cast %get3A_934 : vector<1x16xf32> to vector<16xf32>
          %mul3A_936 = arith.mulf %get3A_935, %broadcast_in_dim3A_857 : vector<16xf32>
          %swap3A_937 = arith.index_cast %add3A_861 : i32 to index
          %swap3A_938 = arith.constant 112 : index
          %swap3A_939 = tpu.vector_load %arg14[%swap3A_937, %swap3A_938] {strides = array<i32>} : memref<128x128xf32, #tpu.memory_space<vmem>>, vector<1x16xf32>,
          %swap3A_940 = vector.shape_cast %swap3A_939 : vector<1x16xf32> to vector<16xf32>
          %swap3A_941 = vector.shape_cast %mul3A_936 : vector<16xf32> to vector<1x16xf32>
          tpu.vector_store %arg14[%swap3A_937, %swap3A_938], %swap3A_941 {strides = array<i32>} : memref<128x128xf32, #tpu.memory_space<vmem>>, vector<1x16xf32>,
          %slice3A_942 = vector.extract_strided_slice %get3A_335 {offsets = [7], sizes = [1], strides = [1]} : vector<16xf32> to vector<1xf32>
          %squeeze3A_943 = vector.extract %slice3A_942[0] : f32 from vector<1xf32>
          %broadcast_in_dim3A_944 = vector.broadcast %squeeze3A_943 : f32 to vector<16xf32>
          %mul3A_945 = arith.constant 16 : i32
          %mul3A_946 = arith.muli %scan3A_330, %mul3A_945 : i32
          %add3A_947 = arith.constant 7 : i32
          %add3A_948 = arith.addi %mul3A_946, %add3A_947 : i32
          %get3A_949 = arith.index_cast %add3A_948 : i32 to index
          %get3A_950 = arith.constant 0 : index
          %get3A_951 = tpu.vector_load %arg14[%get3A_949, %get3A_950] {strides = array<i32>} : memref<128x128xf32, #tpu.memory_space<vmem>>, vector<1x16xf32>,
          %get3A_952 = vector.shape_cast %get3A_951 : vector<1x16xf32> to vector<16xf32>
          %mul3A_953 = arith.mulf %get3A_952, %broadcast_in_dim3A_944 : vector<16xf32>
          %swap3A_954 = arith.index_cast %add3A_948 : i32 to index
          %swap3A_955 = arith.constant 0 : index
          %swap3A_956 = tpu.vector_load %arg14[%swap3A_954, %swap3A_955] {strides = array<i32>} : memref<128x128xf32, #tpu.memory_space<vmem>>, vector<1x16xf32>,
          %swap3A_957 = vector.shape_cast %swap3A_956 : vector<1x16xf32> to vector<16xf32>
          %swap3A_958 = vector.shape_cast %mul3A_953 : vector<16xf32> to vector<1x16xf32>
          tpu.vector_store %arg14[%swap3A_954, %swap3A_955], %swap3A_958 {strides = array<i32>} : memref<128x128xf32, #tpu.memory_space<vmem>>, vector<1x16xf32>,
          %get3A_959 = arith.index_cast %add3A_948 : i32 to index
          %get3A_960 = arith.constant 16 : index
          %get3A_961 = tpu.vector_load %arg14[%get3A_959, %get3A_960] {strides = array<i32>} : memref<128x128xf32, #tpu.memory_space<vmem>>, vector<1x16xf32>,
          %get3A_962 = vector.shape_cast %get3A_961 : vector<1x16xf32> to vector<16xf32>
          %mul3A_963 = arith.mulf %get3A_962, %broadcast_in_dim3A_944 : vector<16xf32>
          %swap3A_964 = arith.index_cast %add3A_948 : i32 to index
          %swap3A_965 = arith.constant 16 : index
          %swap3A_966 = tpu.vector_load %arg14[%swap3A_964, %swap3A_965] {strides = array<i32>} : memref<128x128xf32, #tpu.memory_space<vmem>>, vector<1x16xf32>,
          %swap3A_967 = vector.shape_cast %swap3A_966 : vector<1x16xf32> to vector<16xf32>
          %swap3A_968 = vector.shape_cast %mul3A_963 : vector<16xf32> to vector<1x16xf32>
          tpu.vector_store %arg14[%swap3A_964, %swap3A_965], %swap3A_968 {strides = array<i32>} : memref<128x128xf32, #tpu.memory_space<vmem>>, vector<1x16xf32>,
          %get3A_969 = arith.index_cast %add3A_948 : i32 to index
          %get3A_970 = arith.constant 32 : index
          %get3A_971 = tpu.vector_load %arg14[%get3A_969, %get3A_970] {strides = array<i32>} : memref<128x128xf32, #tpu.memory_space<vmem>>, vector<1x16xf32>,
          %get3A_972 = vector.shape_cast %get3A_971 : vector<1x16xf32> to vector<16xf32>
          %mul3A_973 = arith.mulf %get3A_972, %broadcast_in_dim3A_944 : vector<16xf32>
          %swap3A_974 = arith.index_cast %add3A_948 : i32 to index
          %swap3A_975 = arith.constant 32 : index
          %swap3A_976 = tpu.vector_load %arg14[%swap3A_974, %swap3A_975] {strides = array<i32>} : memref<128x128xf32, #tpu.memory_space<vmem>>, vector<1x16xf32>,
          %swap3A_977 = vector.shape_cast %swap3A_976 : vector<1x16xf32> to vector<16xf32>
          %swap3A_978 = vector.shape_cast %mul3A_973 : vector<16xf32> to vector<1x16xf32>
          tpu.vector_store %arg14[%swap3A_974, %swap3A_975], %swap3A_978 {strides = array<i32>} : memref<128x128xf32, #tpu.memory_space<vmem>>, vector<1x16xf32>,
          %get3A_979 = arith.index_cast %add3A_948 : i32 to index
          %get3A_980 = arith.constant 48 : index
          %get3A_981 = tpu.vector_load %arg14[%get3A_979, %get3A_980] {strides = array<i32>} : memref<128x128xf32, #tpu.memory_space<vmem>>, vector<1x16xf32>,
          %get3A_982 = vector.shape_cast %get3A_981 : vector<1x16xf32> to vector<16xf32>
          %mul3A_983 = arith.mulf %get3A_982, %broadcast_in_dim3A_944 : vector<16xf32>
          %swap3A_984 = arith.index_cast %add3A_948 : i32 to index
          %swap3A_985 = arith.constant 48 : index
          %swap3A_986 = tpu.vector_load %arg14[%swap3A_984, %swap3A_985] {strides = array<i32>} : memref<128x128xf32, #tpu.memory_space<vmem>>, vector<1x16xf32>,
          %swap3A_987 = vector.shape_cast %swap3A_986 : vector<1x16xf32> to vector<16xf32>
          %swap3A_988 = vector.shape_cast %mul3A_983 : vector<16xf32> to vector<1x16xf32>
          tpu.vector_store %arg14[%swap3A_984, %swap3A_985], %swap3A_988 {strides = array<i32>} : memref<128x128xf32, #tpu.memory_space<vmem>>, vector<1x16xf32>,
          %get3A_989 = arith.index_cast %add3A_948 : i32 to index
          %get3A_990 = arith.constant 64 : index
          %get3A_991 = tpu.vector_load %arg14[%get3A_989, %get3A_990] {strides = array<i32>} : memref<128x128xf32, #tpu.memory_space<vmem>>, vector<1x16xf32>,
          %get3A_992 = vector.shape_cast %get3A_991 : vector<1x16xf32> to vector<16xf32>
          %mul3A_993 = arith.mulf %get3A_992, %broadcast_in_dim3A_944 : vector<16xf32>
          %swap3A_994 = arith.index_cast %add3A_948 : i32 to index
          %swap3A_995 = arith.constant 64 : index
          %swap3A_996 = tpu.vector_load %arg14[%swap3A_994, %swap3A_995] {strides = array<i32>} : memref<128x128xf32, #tpu.memory_space<vmem>>, vector<1x16xf32>,
          %swap3A_997 = vector.shape_cast %swap3A_996 : vector<1x16xf32> to vector<16xf32>
          %swap3A_998 = vector.shape_cast %mul3A_993 : vector<16xf32> to vector<1x16xf32>
          tpu.vector_store %arg14[%swap3A_994, %swap3A_995], %swap3A_998 {strides = array<i32>} : memref<128x128xf32, #tpu.memory_space<vmem>>, vector<1x16xf32>,
          %get3A_999 = arith.index_cast %add3A_948 : i32 to index
          %get3A_1000 = arith.constant 80 : index
          %get3A_1001 = tpu.vector_load %arg14[%get3A_999, %get3A_1000] {strides = array<i32>} : memref<128x128xf32, #tpu.memory_space<vmem>>, vector<1x16xf32>,
          %get3A_1002 = vector.shape_cast %get3A_1001 : vector<1x16xf32> to vector<16xf32>
          %mul3A_1003 = arith.mulf %get3A_1002, %broadcast_in_dim3A_944 : vector<16xf32>
          %swap3A_1004 = arith.index_cast %add3A_948 : i32 to index
          %swap3A_1005 = arith.constant 80 : index
          %swap3A_1006 = tpu.vector_load %arg14[%swap3A_1004, %swap3A_1005] {strides = array<i32>} : memref<128x128xf32, #tpu.memory_space<vmem>>, vector<1x16xf32>,
          %swap3A_1007 = vector.shape_cast %swap3A_1006 : vector<1x16xf32> to vector<16xf32>
          %swap3A_1008 = vector.shape_cast %mul3A_1003 : vector<16xf32> to vector<1x16xf32>
          tpu.vector_store %arg14[%swap3A_1004, %swap3A_1005], %swap3A_1008 {strides = array<i32>} : memref<128x128xf32, #tpu.memory_space<vmem>>, vector<1x16xf32>,
          %get3A_1009 = arith.index_cast %add3A_948 : i32 to index
          %get3A_1010 = arith.constant 96 : index
          %get3A_1011 = tpu.vector_load %arg14[%get3A_1009, %get3A_1010] {strides = array<i32>} : memref<128x128xf32, #tpu.memory_space<vmem>>, vector<1x16xf32>,
          %get3A_1012 = vector.shape_cast %get3A_1011 : vector<1x16xf32> to vector<16xf32>
          %mul3A_1013 = arith.mulf %get3A_1012, %broadcast_in_dim3A_944 : vector<16xf32>
          %swap3A_1014 = arith.index_cast %add3A_948 : i32 to index
          %swap3A_1015 = arith.constant 96 : index
          %swap3A_1016 = tpu.vector_load %arg14[%swap3A_1014, %swap3A_1015] {strides = array<i32>} : memref<128x128xf32, #tpu.memory_space<vmem>>, vector<1x16xf32>,
          %swap3A_1017 = vector.shape_cast %swap3A_1016 : vector<1x16xf32> to vector<16xf32>
          %swap3A_1018 = vector.shape_cast %mul3A_1013 : vector<16xf32> to vector<1x16xf32>
          tpu.vector_store %arg14[%swap3A_1014, %swap3A_1015], %swap3A_1018 {strides = array<i32>} : memref<128x128xf32, #tpu.memory_space<vmem>>, vector<1x16xf32>,
          %get3A_1019 = arith.index_cast %add3A_948 : i32 to index
          %get3A_1020 = arith.constant 112 : index
          %get3A_1021 = tpu.vector_load %arg14[%get3A_1019, %get3A_1020] {strides = array<i32>} : memref<128x128xf32, #tpu.memory_space<vmem>>, vector<1x16xf32>,
          %get3A_1022 = vector.shape_cast %get3A_1021 : vector<1x16xf32> to vector<16xf32>
          %mul3A_1023 = arith.mulf %get3A_1022, %broadcast_in_dim3A_944 : vector<16xf32>
          %swap3A_1024 = arith.index_cast %add3A_948 : i32 to index
          %swap3A_1025 = arith.constant 112 : index
          %swap3A_1026 = tpu.vector_load %arg14[%swap3A_1024, %swap3A_1025] {strides = array<i32>} : memref<128x128xf32, #tpu.memory_space<vmem>>, vector<1x16xf32>,
          %swap3A_1027 = vector.shape_cast %swap3A_1026 : vector<1x16xf32> to vector<16xf32>
          %swap3A_1028 = vector.shape_cast %mul3A_1023 : vector<16xf32> to vector<1x16xf32>
          tpu.vector_store %arg14[%swap3A_1024, %swap3A_1025], %swap3A_1028 {strides = array<i32>} : memref<128x128xf32, #tpu.memory_space<vmem>>, vector<1x16xf32>,
          %slice3A_1029 = vector.extract_strided_slice %get3A_335 {offsets = [8], sizes = [1], strides = [1]} : vector<16xf32> to vector<1xf32>
          %squeeze3A_1030 = vector.extract %slice3A_1029[0] : f32 from vector<1xf32>
          %broadcast_in_dim3A_1031 = vector.broadcast %squeeze3A_1030 : f32 to vector<16xf32>
          %mul3A_1032 = arith.constant 16 : i32
          %mul3A_1033 = arith.muli %scan3A_330, %mul3A_1032 : i32
          %add3A_1034 = arith.constant 8 : i32
          %add3A_1035 = arith.addi %mul3A_1033, %add3A_1034 : i32
          %get3A_1036 = arith.index_cast %add3A_1035 : i32 to index
          %get3A_1037 = arith.constant 0 : index
          %get3A_1038 = tpu.vector_load %arg14[%get3A_1036, %get3A_1037] {strides = array<i32>} : memref<128x128xf32, #tpu.memory_space<vmem>>, vector<1x16xf32>,
          %get3A_1039 = vector.shape_cast %get3A_1038 : vector<1x16xf32> to vector<16xf32>
          %mul3A_1040 = arith.mulf %get3A_1039, %broadcast_in_dim3A_1031 : vector<16xf32>
          %swap3A_1041 = arith.index_cast %add3A_1035 : i32 to index
          %swap3A_1042 = arith.constant 0 : index
          %swap3A_1043 = tpu.vector_load %arg14[%swap3A_1041, %swap3A_1042] {strides = array<i32>} : memref<128x128xf32, #tpu.memory_space<vmem>>, vector<1x16xf32>,
          %swap3A_1044 = vector.shape_cast %swap3A_1043 : vector<1x16xf32> to vector<16xf32>
          %swap3A_1045 = vector.shape_cast %mul3A_1040 : vector<16xf32> to vector<1x16xf32>
          tpu.vector_store %arg14[%swap3A_1041, %swap3A_1042], %swap3A_1045 {strides = array<i32>} : memref<128x128xf32, #tpu.memory_space<vmem>>, vector<1x16xf32>,
          %get3A_1046 = arith.index_cast %add3A_1035 : i32 to index
          %get3A_1047 = arith.constant 16 : index
          %get3A_1048 = tpu.vector_load %arg14[%get3A_1046, %get3A_1047] {strides = array<i32>} : memref<128x128xf32, #tpu.memory_space<vmem>>, vector<1x16xf32>,
          %get3A_1049 = vector.shape_cast %get3A_1048 : vector<1x16xf32> to vector<16xf32>
          %mul3A_1050 = arith.mulf %get3A_1049, %broadcast_in_dim3A_1031 : vector<16xf32>
          %swap3A_1051 = arith.index_cast %add3A_1035 : i32 to index
          %swap3A_1052 = arith.constant 16 : index
          %swap3A_1053 = tpu.vector_load %arg14[%swap3A_1051, %swap3A_1052] {strides = array<i32>} : memref<128x128xf32, #tpu.memory_space<vmem>>, vector<1x16xf32>,
          %swap3A_1054 = vector.shape_cast %swap3A_1053 : vector<1x16xf32> to vector<16xf32>
          %swap3A_1055 = vector.shape_cast %mul3A_1050 : vector<16xf32> to vector<1x16xf32>
          tpu.vector_store %arg14[%swap3A_1051, %swap3A_1052], %swap3A_1055 {strides = array<i32>} : memref<128x128xf32, #tpu.memory_space<vmem>>, vector<1x16xf32>,
          %get3A_1056 = arith.index_cast %add3A_1035 : i32 to index
          %get3A_1057 = arith.constant 32 : index
          %get3A_1058 = tpu.vector_load %arg14[%get3A_1056, %get3A_1057] {strides = array<i32>} : memref<128x128xf32, #tpu.memory_space<vmem>>, vector<1x16xf32>,
          %get3A_1059 = vector.shape_cast %get3A_1058 : vector<1x16xf32> to vector<16xf32>
          %mul3A_1060 = arith.mulf %get3A_1059, %broadcast_in_dim3A_1031 : vector<16xf32>
          %swap3A_1061 = arith.index_cast %add3A_1035 : i32 to index
          %swap3A_1062 = arith.constant 32 : index
          %swap3A_1063 = tpu.vector_load %arg14[%swap3A_1061, %swap3A_1062] {strides = array<i32>} : memref<128x128xf32, #tpu.memory_space<vmem>>, vector<1x16xf32>,
          %swap3A_1064 = vector.shape_cast %swap3A_1063 : vector<1x16xf32> to vector<16xf32>
          %swap3A_1065 = vector.shape_cast %mul3A_1060 : vector<16xf32> to vector<1x16xf32>
          tpu.vector_store %arg14[%swap3A_1061, %swap3A_1062], %swap3A_1065 {strides = array<i32>} : memref<128x128xf32, #tpu.memory_space<vmem>>, vector<1x16xf32>,
          %get3A_1066 = arith.index_cast %add3A_1035 : i32 to index
          %get3A_1067 = arith.constant 48 : index
          %get3A_1068 = tpu.vector_load %arg14[%get3A_1066, %get3A_1067] {strides = array<i32>} : memref<128x128xf32, #tpu.memory_space<vmem>>, vector<1x16xf32>,
          %get3A_1069 = vector.shape_cast %get3A_1068 : vector<1x16xf32> to vector<16xf32>
          %mul3A_1070 = arith.mulf %get3A_1069, %broadcast_in_dim3A_1031 : vector<16xf32>
          %swap3A_1071 = arith.index_cast %add3A_1035 : i32 to index
          %swap3A_1072 = arith.constant 48 : index
          %swap3A_1073 = tpu.vector_load %arg14[%swap3A_1071, %swap3A_1072] {strides = array<i32>} : memref<128x128xf32, #tpu.memory_space<vmem>>, vector<1x16xf32>,
          %swap3A_1074 = vector.shape_cast %swap3A_1073 : vector<1x16xf32> to vector<16xf32>
          %swap3A_1075 = vector.shape_cast %mul3A_1070 : vector<16xf32> to vector<1x16xf32>
          tpu.vector_store %arg14[%swap3A_1071, %swap3A_1072], %swap3A_1075 {strides = array<i32>} : memref<128x128xf32, #tpu.memory_space<vmem>>, vector<1x16xf32>,
          %get3A_1076 = arith.index_cast %add3A_1035 : i32 to index
          %get3A_1077 = arith.constant 64 : index
          %get3A_1078 = tpu.vector_load %arg14[%get3A_1076, %get3A_1077] {strides = array<i32>} : memref<128x128xf32, #tpu.memory_space<vmem>>, vector<1x16xf32>,
          %get3A_1079 = vector.shape_cast %get3A_1078 : vector<1x16xf32> to vector<16xf32>
          %mul3A_1080 = arith.mulf %get3A_1079, %broadcast_in_dim3A_1031 : vector<16xf32>
          %swap3A_1081 = arith.index_cast %add3A_1035 : i32 to index
          %swap3A_1082 = arith.constant 64 : index
          %swap3A_1083 = tpu.vector_load %arg14[%swap3A_1081, %swap3A_1082] {strides = array<i32>} : memref<128x128xf32, #tpu.memory_space<vmem>>, vector<1x16xf32>,
          %swap3A_1084 = vector.shape_cast %swap3A_1083 : vector<1x16xf32> to vector<16xf32>
          %swap3A_1085 = vector.shape_cast %mul3A_1080 : vector<16xf32> to vector<1x16xf32>
          tpu.vector_store %arg14[%swap3A_1081, %swap3A_1082], %swap3A_1085 {strides = array<i32>} : memref<128x128xf32, #tpu.memory_space<vmem>>, vector<1x16xf32>,
          %get3A_1086 = arith.index_cast %add3A_1035 : i32 to index
          %get3A_1087 = arith.constant 80 : index
          %get3A_1088 = tpu.vector_load %arg14[%get3A_1086, %get3A_1087] {strides = array<i32>} : memref<128x128xf32, #tpu.memory_space<vmem>>, vector<1x16xf32>,
          %get3A_1089 = vector.shape_cast %get3A_1088 : vector<1x16xf32> to vector<16xf32>
          %mul3A_1090 = arith.mulf %get3A_1089, %broadcast_in_dim3A_1031 : vector<16xf32>
          %swap3A_1091 = arith.index_cast %add3A_1035 : i32 to index
          %swap3A_1092 = arith.constant 80 : index
          %swap3A_1093 = tpu.vector_load %arg14[%swap3A_1091, %swap3A_1092] {strides = array<i32>} : memref<128x128xf32, #tpu.memory_space<vmem>>, vector<1x16xf32>,
          %swap3A_1094 = vector.shape_cast %swap3A_1093 : vector<1x16xf32> to vector<16xf32>
          %swap3A_1095 = vector.shape_cast %mul3A_1090 : vector<16xf32> to vector<1x16xf32>
          tpu.vector_store %arg14[%swap3A_1091, %swap3A_1092], %swap3A_1095 {strides = array<i32>} : memref<128x128xf32, #tpu.memory_space<vmem>>, vector<1x16xf32>,
          %get3A_1096 = arith.index_cast %add3A_1035 : i32 to index
          %get3A_1097 = arith.constant 96 : index
          %get3A_1098 = tpu.vector_load %arg14[%get3A_1096, %get3A_1097] {strides = array<i32>} : memref<128x128xf32, #tpu.memory_space<vmem>>, vector<1x16xf32>,
          %get3A_1099 = vector.shape_cast %get3A_1098 : vector<1x16xf32> to vector<16xf32>
          %mul3A_1100 = arith.mulf %get3A_1099, %broadcast_in_dim3A_1031 : vector<16xf32>
          %swap3A_1101 = arith.index_cast %add3A_1035 : i32 to index
          %swap3A_1102 = arith.constant 96 : index
          %swap3A_1103 = tpu.vector_load %arg14[%swap3A_1101, %swap3A_1102] {strides = array<i32>} : memref<128x128xf32, #tpu.memory_space<vmem>>, vector<1x16xf32>,
          %swap3A_1104 = vector.shape_cast %swap3A_1103 : vector<1x16xf32> to vector<16xf32>
          %swap3A_1105 = vector.shape_cast %mul3A_1100 : vector<16xf32> to vector<1x16xf32>
          tpu.vector_store %arg14[%swap3A_1101, %swap3A_1102], %swap3A_1105 {strides = array<i32>} : memref<128x128xf32, #tpu.memory_space<vmem>>, vector<1x16xf32>,
          %get3A_1106 = arith.index_cast %add3A_1035 : i32 to index
          %get3A_1107 = arith.constant 112 : index
          %get3A_1108 = tpu.vector_load %arg14[%get3A_1106, %get3A_1107] {strides = array<i32>} : memref<128x128xf32, #tpu.memory_space<vmem>>, vector<1x16xf32>,
          %get3A_1109 = vector.shape_cast %get3A_1108 : vector<1x16xf32> to vector<16xf32>
          %mul3A_1110 = arith.mulf %get3A_1109, %broadcast_in_dim3A_1031 : vector<16xf32>
          %swap3A_1111 = arith.index_cast %add3A_1035 : i32 to index
          %swap3A_1112 = arith.constant 112 : index
          %swap3A_1113 = tpu.vector_load %arg14[%swap3A_1111, %swap3A_1112] {strides = array<i32>} : memref<128x128xf32, #tpu.memory_space<vmem>>, vector<1x16xf32>,
          %swap3A_1114 = vector.shape_cast %swap3A_1113 : vector<1x16xf32> to vector<16xf32>
          %swap3A_1115 = vector.shape_cast %mul3A_1110 : vector<16xf32> to vector<1x16xf32>
          tpu.vector_store %arg14[%swap3A_1111, %swap3A_1112], %swap3A_1115 {strides = array<i32>} : memref<128x128xf32, #tpu.memory_space<vmem>>, vector<1x16xf32>,
          %slice3A_1116 = vector.extract_strided_slice %get3A_335 {offsets = [9], sizes = [1], strides = [1]} : vector<16xf32> to vector<1xf32>
          %squeeze3A_1117 = vector.extract %slice3A_1116[0] : f32 from vector<1xf32>
          %broadcast_in_dim3A_1118 = vector.broadcast %squeeze3A_1117 : f32 to vector<16xf32>
          %mul3A_1119 = arith.constant 16 : i32
          %mul3A_1120 = arith.muli %scan3A_330, %mul3A_1119 : i32
          %add3A_1121 = arith.constant 9 : i32
          %add3A_1122 = arith.addi %mul3A_1120, %add3A_1121 : i32
          %get3A_1123 = arith.index_cast %add3A_1122 : i32 to index
          %get3A_1124 = arith.constant 0 : index
          %get3A_1125 = tpu.vector_load %arg14[%get3A_1123, %get3A_1124] {strides = array<i32>} : memref<128x128xf32, #tpu.memory_space<vmem>>, vector<1x16xf32>,
          %get3A_1126 = vector.shape_cast %get3A_1125 : vector<1x16xf32> to vector<16xf32>
          %mul3A_1127 = arith.mulf %get3A_1126, %broadcast_in_dim3A_1118 : vector<16xf32>
          %swap3A_1128 = arith.index_cast %add3A_1122 : i32 to index
          %swap3A_1129 = arith.constant 0 : index
          %swap3A_1130 = tpu.vector_load %arg14[%swap3A_1128, %swap3A_1129] {strides = array<i32>} : memref<128x128xf32, #tpu.memory_space<vmem>>, vector<1x16xf32>,
          %swap3A_1131 = vector.shape_cast %swap3A_1130 : vector<1x16xf32> to vector<16xf32>
          %swap3A_1132 = vector.shape_cast %mul3A_1127 : vector<16xf32> to vector<1x16xf32>
          tpu.vector_store %arg14[%swap3A_1128, %swap3A_1129], %swap3A_1132 {strides = array<i32>} : memref<128x128xf32, #tpu.memory_space<vmem>>, vector<1x16xf32>,
          %get3A_1133 = arith.index_cast %add3A_1122 : i32 to index
          %get3A_1134 = arith.constant 16 : index
          %get3A_1135 = tpu.vector_load %arg14[%get3A_1133, %get3A_1134] {strides = array<i32>} : memref<128x128xf32, #tpu.memory_space<vmem>>, vector<1x16xf32>,
          %get3A_1136 = vector.shape_cast %get3A_1135 : vector<1x16xf32> to vector<16xf32>
          %mul3A_1137 = arith.mulf %get3A_1136, %broadcast_in_dim3A_1118 : vector<16xf32>
          %swap3A_1138 = arith.index_cast %add3A_1122 : i32 to index
          %swap3A_1139 = arith.constant 16 : index
          %swap3A_1140 = tpu.vector_load %arg14[%swap3A_1138, %swap3A_1139] {strides = array<i32>} : memref<128x128xf32, #tpu.memory_space<vmem>>, vector<1x16xf32>,
          %swap3A_1141 = vector.shape_cast %swap3A_1140 : vector<1x16xf32> to vector<16xf32>
          %swap3A_1142 = vector.shape_cast %mul3A_1137 : vector<16xf32> to vector<1x16xf32>
          tpu.vector_store %arg14[%swap3A_1138, %swap3A_1139], %swap3A_1142 {strides = array<i32>} : memref<128x128xf32, #tpu.memory_space<vmem>>, vector<1x16xf32>,
          %get3A_1143 = arith.index_cast %add3A_1122 : i32 to index
          %get3A_1144 = arith.constant 32 : index
          %get3A_1145 = tpu.vector_load %arg14[%get3A_1143, %get3A_1144] {strides = array<i32>} : memref<128x128xf32, #tpu.memory_space<vmem>>, vector<1x16xf32>,
          %get3A_1146 = vector.shape_cast %get3A_1145 : vector<1x16xf32> to vector<16xf32>
          %mul3A_1147 = arith.mulf %get3A_1146, %broadcast_in_dim3A_1118 : vector<16xf32>
          %swap3A_1148 = arith.index_cast %add3A_1122 : i32 to index
          %swap3A_1149 = arith.constant 32 : index
          %swap3A_1150 = tpu.vector_load %arg14[%swap3A_1148, %swap3A_1149] {strides = array<i32>} : memref<128x128xf32, #tpu.memory_space<vmem>>, vector<1x16xf32>,
          %swap3A_1151 = vector.shape_cast %swap3A_1150 : vector<1x16xf32> to vector<16xf32>
          %swap3A_1152 = vector.shape_cast %mul3A_1147 : vector<16xf32> to vector<1x16xf32>
          tpu.vector_store %arg14[%swap3A_1148, %swap3A_1149], %swap3A_1152 {strides = array<i32>} : memref<128x128xf32, #tpu.memory_space<vmem>>, vector<1x16xf32>,
          %get3A_1153 = arith.index_cast %add3A_1122 : i32 to index
          %get3A_1154 = arith.constant 48 : index
          %get3A_1155 = tpu.vector_load %arg14[%get3A_1153, %get3A_1154] {strides = array<i32>} : memref<128x128xf32, #tpu.memory_space<vmem>>, vector<1x16xf32>,
          %get3A_1156 = vector.shape_cast %get3A_1155 : vector<1x16xf32> to vector<16xf32>
          %mul3A_1157 = arith.mulf %get3A_1156, %broadcast_in_dim3A_1118 : vector<16xf32>
          %swap3A_1158 = arith.index_cast %add3A_1122 : i32 to index
          %swap3A_1159 = arith.constant 48 : index
          %swap3A_1160 = tpu.vector_load %arg14[%swap3A_1158, %swap3A_1159] {strides = array<i32>} : memref<128x128xf32, #tpu.memory_space<vmem>>, vector<1x16xf32>,
          %swap3A_1161 = vector.shape_cast %swap3A_1160 : vector<1x16xf32> to vector<16xf32>
          %swap3A_1162 = vector.shape_cast %mul3A_1157 : vector<16xf32> to vector<1x16xf32>
          tpu.vector_store %arg14[%swap3A_1158, %swap3A_1159], %swap3A_1162 {strides = array<i32>} : memref<128x128xf32, #tpu.memory_space<vmem>>, vector<1x16xf32>,
          %get3A_1163 = arith.index_cast %add3A_1122 : i32 to index
          %get3A_1164 = arith.constant 64 : index
          %get3A_1165 = tpu.vector_load %arg14[%get3A_1163, %get3A_1164] {strides = array<i32>} : memref<128x128xf32, #tpu.memory_space<vmem>>, vector<1x16xf32>,
          %get3A_1166 = vector.shape_cast %get3A_1165 : vector<1x16xf32> to vector<16xf32>
          %mul3A_1167 = arith.mulf %get3A_1166, %broadcast_in_dim3A_1118 : vector<16xf32>
          %swap3A_1168 = arith.index_cast %add3A_1122 : i32 to index
          %swap3A_1169 = arith.constant 64 : index
          %swap3A_1170 = tpu.vector_load %arg14[%swap3A_1168, %swap3A_1169] {strides = array<i32>} : memref<128x128xf32, #tpu.memory_space<vmem>>, vector<1x16xf32>,
          %swap3A_1171 = vector.shape_cast %swap3A_1170 : vector<1x16xf32> to vector<16xf32>
          %swap3A_1172 = vector.shape_cast %mul3A_1167 : vector<16xf32> to vector<1x16xf32>
          tpu.vector_store %arg14[%swap3A_1168, %swap3A_1169], %swap3A_1172 {strides = array<i32>} : memref<128x128xf32, #tpu.memory_space<vmem>>, vector<1x16xf32>,
          %get3A_1173 = arith.index_cast %add3A_1122 : i32 to index
          %get3A_1174 = arith.constant 80 : index
          %get3A_1175 = tpu.vector_load %arg14[%get3A_1173, %get3A_1174] {strides = array<i32>} : memref<128x128xf32, #tpu.memory_space<vmem>>, vector<1x16xf32>,
          %get3A_1176 = vector.shape_cast %get3A_1175 : vector<1x16xf32> to vector<16xf32>
          %mul3A_1177 = arith.mulf %get3A_1176, %broadcast_in_dim3A_1118 : vector<16xf32>
          %swap3A_1178 = arith.index_cast %add3A_1122 : i32 to index
          %swap3A_1179 = arith.constant 80 : index
          %swap3A_1180 = tpu.vector_load %arg14[%swap3A_1178, %swap3A_1179] {strides = array<i32>} : memref<128x128xf32, #tpu.memory_space<vmem>>, vector<1x16xf32>,
          %swap3A_1181 = vector.shape_cast %swap3A_1180 : vector<1x16xf32> to vector<16xf32>
          %swap3A_1182 = vector.shape_cast %mul3A_1177 : vector<16xf32> to vector<1x16xf32>
          tpu.vector_store %arg14[%swap3A_1178, %swap3A_1179], %swap3A_1182 {strides = array<i32>} : memref<128x128xf32, #tpu.memory_space<vmem>>, vector<1x16xf32>,
          %get3A_1183 = arith.index_cast %add3A_1122 : i32 to index
          %get3A_1184 = arith.constant 96 : index
          %get3A_1185 = tpu.vector_load %arg14[%get3A_1183, %get3A_1184] {strides = array<i32>} : memref<128x128xf32, #tpu.memory_space<vmem>>, vector<1x16xf32>,
          %get3A_1186 = vector.shape_cast %get3A_1185 : vector<1x16xf32> to vector<16xf32>
          %mul3A_1187 = arith.mulf %get3A_1186, %broadcast_in_dim3A_1118 : vector<16xf32>
          %swap3A_1188 = arith.index_cast %add3A_1122 : i32 to index
          %swap3A_1189 = arith.constant 96 : index
          %swap3A_1190 = tpu.vector_load %arg14[%swap3A_1188, %swap3A_1189] {strides = array<i32>} : memref<128x128xf32, #tpu.memory_space<vmem>>, vector<1x16xf32>,
          %swap3A_1191 = vector.shape_cast %swap3A_1190 : vector<1x16xf32> to vector<16xf32>
          %swap3A_1192 = vector.shape_cast %mul3A_1187 : vector<16xf32> to vector<1x16xf32>
          tpu.vector_store %arg14[%swap3A_1188, %swap3A_1189], %swap3A_1192 {strides = array<i32>} : memref<128x128xf32, #tpu.memory_space<vmem>>, vector<1x16xf32>,
          %get3A_1193 = arith.index_cast %add3A_1122 : i32 to index
          %get3A_1194 = arith.constant 112 : index
          %get3A_1195 = tpu.vector_load %arg14[%get3A_1193, %get3A_1194] {strides = array<i32>} : memref<128x128xf32, #tpu.memory_space<vmem>>, vector<1x16xf32>,
          %get3A_1196 = vector.shape_cast %get3A_1195 : vector<1x16xf32> to vector<16xf32>
          %mul3A_1197 = arith.mulf %get3A_1196, %broadcast_in_dim3A_1118 : vector<16xf32>
          %swap3A_1198 = arith.index_cast %add3A_1122 : i32 to index
          %swap3A_1199 = arith.constant 112 : index
          %swap3A_1200 = tpu.vector_load %arg14[%swap3A_1198, %swap3A_1199] {strides = array<i32>} : memref<128x128xf32, #tpu.memory_space<vmem>>, vector<1x16xf32>,
          %swap3A_1201 = vector.shape_cast %swap3A_1200 : vector<1x16xf32> to vector<16xf32>
          %swap3A_1202 = vector.shape_cast %mul3A_1197 : vector<16xf32> to vector<1x16xf32>
          tpu.vector_store %arg14[%swap3A_1198, %swap3A_1199], %swap3A_1202 {strides = array<i32>} : memref<128x128xf32, #tpu.memory_space<vmem>>, vector<1x16xf32>,
          %slice3A_1203 = vector.extract_strided_slice %get3A_335 {offsets = [10], sizes = [1], strides = [1]} : vector<16xf32> to vector<1xf32>
          %squeeze3A_1204 = vector.extract %slice3A_1203[0] : f32 from vector<1xf32>
          %broadcast_in_dim3A_1205 = vector.broadcast %squeeze3A_1204 : f32 to vector<16xf32>
          %mul3A_1206 = arith.constant 16 : i32
          %mul3A_1207 = arith.muli %scan3A_330, %mul3A_1206 : i32
          %add3A_1208 = arith.constant 10 : i32
          %add3A_1209 = arith.addi %mul3A_1207, %add3A_1208 : i32
          %get3A_1210 = arith.index_cast %add3A_1209 : i32 to index
          %get3A_1211 = arith.constant 0 : index
          %get3A_1212 = tpu.vector_load %arg14[%get3A_1210, %get3A_1211] {strides = array<i32>} : memref<128x128xf32, #tpu.memory_space<vmem>>, vector<1x16xf32>,
          %get3A_1213 = vector.shape_cast %get3A_1212 : vector<1x16xf32> to vector<16xf32>
          %mul3A_1214 = arith.mulf %get3A_1213, %broadcast_in_dim3A_1205 : vector<16xf32>
          %swap3A_1215 = arith.index_cast %add3A_1209 : i32 to index
          %swap3A_1216 = arith.constant 0 : index
          %swap3A_1217 = tpu.vector_load %arg14[%swap3A_1215, %swap3A_1216] {strides = array<i32>} : memref<128x128xf32, #tpu.memory_space<vmem>>, vector<1x16xf32>,
          %swap3A_1218 = vector.shape_cast %swap3A_1217 : vector<1x16xf32> to vector<16xf32>
          %swap3A_1219 = vector.shape_cast %mul3A_1214 : vector<16xf32> to vector<1x16xf32>
          tpu.vector_store %arg14[%swap3A_1215, %swap3A_1216], %swap3A_1219 {strides = array<i32>} : memref<128x128xf32, #tpu.memory_space<vmem>>, vector<1x16xf32>,
          %get3A_1220 = arith.index_cast %add3A_1209 : i32 to index
          %get3A_1221 = arith.constant 16 : index
          %get3A_1222 = tpu.vector_load %arg14[%get3A_1220, %get3A_1221] {strides = array<i32>} : memref<128x128xf32, #tpu.memory_space<vmem>>, vector<1x16xf32>,
          %get3A_1223 = vector.shape_cast %get3A_1222 : vector<1x16xf32> to vector<16xf32>
          %mul3A_1224 = arith.mulf %get3A_1223, %broadcast_in_dim3A_1205 : vector<16xf32>
          %swap3A_1225 = arith.index_cast %add3A_1209 : i32 to index
          %swap3A_1226 = arith.constant 16 : index
          %swap3A_1227 = tpu.vector_load %arg14[%swap3A_1225, %swap3A_1226] {strides = array<i32>} : memref<128x128xf32, #tpu.memory_space<vmem>>, vector<1x16xf32>,
          %swap3A_1228 = vector.shape_cast %swap3A_1227 : vector<1x16xf32> to vector<16xf32>
          %swap3A_1229 = vector.shape_cast %mul3A_1224 : vector<16xf32> to vector<1x16xf32>
          tpu.vector_store %arg14[%swap3A_1225, %swap3A_1226], %swap3A_1229 {strides = array<i32>} : memref<128x128xf32, #tpu.memory_space<vmem>>, vector<1x16xf32>,
          %get3A_1230 = arith.index_cast %add3A_1209 : i32 to index
          %get3A_1231 = arith.constant 32 : index
          %get3A_1232 = tpu.vector_load %arg14[%get3A_1230, %get3A_1231] {strides = array<i32>} : memref<128x128xf32, #tpu.memory_space<vmem>>, vector<1x16xf32>,
          %get3A_1233 = vector.shape_cast %get3A_1232 : vector<1x16xf32> to vector<16xf32>
          %mul3A_1234 = arith.mulf %get3A_1233, %broadcast_in_dim3A_1205 : vector<16xf32>
          %swap3A_1235 = arith.index_cast %add3A_1209 : i32 to index
          %swap3A_1236 = arith.constant 32 : index
          %swap3A_1237 = tpu.vector_load %arg14[%swap3A_1235, %swap3A_1236] {strides = array<i32>} : memref<128x128xf32, #tpu.memory_space<vmem>>, vector<1x16xf32>,
          %swap3A_1238 = vector.shape_cast %swap3A_1237 : vector<1x16xf32> to vector<16xf32>
          %swap3A_1239 = vector.shape_cast %mul3A_1234 : vector<16xf32> to vector<1x16xf32>
          tpu.vector_store %arg14[%swap3A_1235, %swap3A_1236], %swap3A_1239 {strides = array<i32>} : memref<128x128xf32, #tpu.memory_space<vmem>>, vector<1x16xf32>,
          %get3A_1240 = arith.index_cast %add3A_1209 : i32 to index
          %get3A_1241 = arith.constant 48 : index
          %get3A_1242 = tpu.vector_load %arg14[%get3A_1240, %get3A_1241] {strides = array<i32>} : memref<128x128xf32, #tpu.memory_space<vmem>>, vector<1x16xf32>,
          %get3A_1243 = vector.shape_cast %get3A_1242 : vector<1x16xf32> to vector<16xf32>
          %mul3A_1244 = arith.mulf %get3A_1243, %broadcast_in_dim3A_1205 : vector<16xf32>
          %swap3A_1245 = arith.index_cast %add3A_1209 : i32 to index
          %swap3A_1246 = arith.constant 48 : index
          %swap3A_1247 = tpu.vector_load %arg14[%swap3A_1245, %swap3A_1246] {strides = array<i32>} : memref<128x128xf32, #tpu.memory_space<vmem>>, vector<1x16xf32>,
          %swap3A_1248 = vector.shape_cast %swap3A_1247 : vector<1x16xf32> to vector<16xf32>
          %swap3A_1249 = vector.shape_cast %mul3A_1244 : vector<16xf32> to vector<1x16xf32>
          tpu.vector_store %arg14[%swap3A_1245, %swap3A_1246], %swap3A_1249 {strides = array<i32>} : memref<128x128xf32, #tpu.memory_space<vmem>>, vector<1x16xf32>,
          %get3A_1250 = arith.index_cast %add3A_1209 : i32 to index
          %get3A_1251 = arith.constant 64 : index
          %get3A_1252 = tpu.vector_load %arg14[%get3A_1250, %get3A_1251] {strides = array<i32>} : memref<128x128xf32, #tpu.memory_space<vmem>>, vector<1x16xf32>,
          %get3A_1253 = vector.shape_cast %get3A_1252 : vector<1x16xf32> to vector<16xf32>
          %mul3A_1254 = arith.mulf %get3A_1253, %broadcast_in_dim3A_1205 : vector<16xf32>
          %swap3A_1255 = arith.index_cast %add3A_1209 : i32 to index
          %swap3A_1256 = arith.constant 64 : index
          %swap3A_1257 = tpu.vector_load %arg14[%swap3A_1255, %swap3A_1256] {strides = array<i32>} : memref<128x128xf32, #tpu.memory_space<vmem>>, vector<1x16xf32>,
          %swap3A_1258 = vector.shape_cast %swap3A_1257 : vector<1x16xf32> to vector<16xf32>
          %swap3A_1259 = vector.shape_cast %mul3A_1254 : vector<16xf32> to vector<1x16xf32>
          tpu.vector_store %arg14[%swap3A_1255, %swap3A_1256], %swap3A_1259 {strides = array<i32>} : memref<128x128xf32, #tpu.memory_space<vmem>>, vector<1x16xf32>,
          %get3A_1260 = arith.index_cast %add3A_1209 : i32 to index
          %get3A_1261 = arith.constant 80 : index
          %get3A_1262 = tpu.vector_load %arg14[%get3A_1260, %get3A_1261] {strides = array<i32>} : memref<128x128xf32, #tpu.memory_space<vmem>>, vector<1x16xf32>,
          %get3A_1263 = vector.shape_cast %get3A_1262 : vector<1x16xf32> to vector<16xf32>
          %mul3A_1264 = arith.mulf %get3A_1263, %broadcast_in_dim3A_1205 : vector<16xf32>
          %swap3A_1265 = arith.index_cast %add3A_1209 : i32 to index
          %swap3A_1266 = arith.constant 80 : index
          %swap3A_1267 = tpu.vector_load %arg14[%swap3A_1265, %swap3A_1266] {strides = array<i32>} : memref<128x128xf32, #tpu.memory_space<vmem>>, vector<1x16xf32>,
          %swap3A_1268 = vector.shape_cast %swap3A_1267 : vector<1x16xf32> to vector<16xf32>
          %swap3A_1269 = vector.shape_cast %mul3A_1264 : vector<16xf32> to vector<1x16xf32>
          tpu.vector_store %arg14[%swap3A_1265, %swap3A_1266], %swap3A_1269 {strides = array<i32>} : memref<128x128xf32, #tpu.memory_space<vmem>>, vector<1x16xf32>,
          %get3A_1270 = arith.index_cast %add3A_1209 : i32 to index
          %get3A_1271 = arith.constant 96 : index
          %get3A_1272 = tpu.vector_load %arg14[%get3A_1270, %get3A_1271] {strides = array<i32>} : memref<128x128xf32, #tpu.memory_space<vmem>>, vector<1x16xf32>,
          %get3A_1273 = vector.shape_cast %get3A_1272 : vector<1x16xf32> to vector<16xf32>
          %mul3A_1274 = arith.mulf %get3A_1273, %broadcast_in_dim3A_1205 : vector<16xf32>
          %swap3A_1275 = arith.index_cast %add3A_1209 : i32 to index
          %swap3A_1276 = arith.constant 96 : index
          %swap3A_1277 = tpu.vector_load %arg14[%swap3A_1275, %swap3A_1276] {strides = array<i32>} : memref<128x128xf32, #tpu.memory_space<vmem>>, vector<1x16xf32>,
          %swap3A_1278 = vector.shape_cast %swap3A_1277 : vector<1x16xf32> to vector<16xf32>
          %swap3A_1279 = vector.shape_cast %mul3A_1274 : vector<16xf32> to vector<1x16xf32>
          tpu.vector_store %arg14[%swap3A_1275, %swap3A_1276], %swap3A_1279 {strides = array<i32>} : memref<128x128xf32, #tpu.memory_space<vmem>>, vector<1x16xf32>,
          %get3A_1280 = arith.index_cast %add3A_1209 : i32 to index
          %get3A_1281 = arith.constant 112 : index
          %get3A_1282 = tpu.vector_load %arg14[%get3A_1280, %get3A_1281] {strides = array<i32>} : memref<128x128xf32, #tpu.memory_space<vmem>>, vector<1x16xf32>,
          %get3A_1283 = vector.shape_cast %get3A_1282 : vector<1x16xf32> to vector<16xf32>
          %mul3A_1284 = arith.mulf %get3A_1283, %broadcast_in_dim3A_1205 : vector<16xf32>
          %swap3A_1285 = arith.index_cast %add3A_1209 : i32 to index
          %swap3A_1286 = arith.constant 112 : index
          %swap3A_1287 = tpu.vector_load %arg14[%swap3A_1285, %swap3A_1286] {strides = array<i32>} : memref<128x128xf32, #tpu.memory_space<vmem>>, vector<1x16xf32>,
          %swap3A_1288 = vector.shape_cast %swap3A_1287 : vector<1x16xf32> to vector<16xf32>
          %swap3A_1289 = vector.shape_cast %mul3A_1284 : vector<16xf32> to vector<1x16xf32>
          tpu.vector_store %arg14[%swap3A_1285, %swap3A_1286], %swap3A_1289 {strides = array<i32>} : memref<128x128xf32, #tpu.memory_space<vmem>>, vector<1x16xf32>,
          %slice3A_1290 = vector.extract_strided_slice %get3A_335 {offsets = [11], sizes = [1], strides = [1]} : vector<16xf32> to vector<1xf32>
          %squeeze3A_1291 = vector.extract %slice3A_1290[0] : f32 from vector<1xf32>
          %broadcast_in_dim3A_1292 = vector.broadcast %squeeze3A_1291 : f32 to vector<16xf32>
          %mul3A_1293 = arith.constant 16 : i32
          %mul3A_1294 = arith.muli %scan3A_330, %mul3A_1293 : i32
          %add3A_1295 = arith.constant 11 : i32
          %add3A_1296 = arith.addi %mul3A_1294, %add3A_1295 : i32
          %get3A_1297 = arith.index_cast %add3A_1296 : i32 to index
          %get3A_1298 = arith.constant 0 : index
          %get3A_1299 = tpu.vector_load %arg14[%get3A_1297, %get3A_1298] {strides = array<i32>} : memref<128x128xf32, #tpu.memory_space<vmem>>, vector<1x16xf32>,
          %get3A_1300 = vector.shape_cast %get3A_1299 : vector<1x16xf32> to vector<16xf32>
          %mul3A_1301 = arith.mulf %get3A_1300, %broadcast_in_dim3A_1292 : vector<16xf32>
          %swap3A_1302 = arith.index_cast %add3A_1296 : i32 to index
          %swap3A_1303 = arith.constant 0 : index
          %swap3A_1304 = tpu.vector_load %arg14[%swap3A_1302, %swap3A_1303] {strides = array<i32>} : memref<128x128xf32, #tpu.memory_space<vmem>>, vector<1x16xf32>,
          %swap3A_1305 = vector.shape_cast %swap3A_1304 : vector<1x16xf32> to vector<16xf32>
          %swap3A_1306 = vector.shape_cast %mul3A_1301 : vector<16xf32> to vector<1x16xf32>
          tpu.vector_store %arg14[%swap3A_1302, %swap3A_1303], %swap3A_1306 {strides = array<i32>} : memref<128x128xf32, #tpu.memory_space<vmem>>, vector<1x16xf32>,
          %get3A_1307 = arith.index_cast %add3A_1296 : i32 to index
          %get3A_1308 = arith.constant 16 : index
          %get3A_1309 = tpu.vector_load %arg14[%get3A_1307, %get3A_1308] {strides = array<i32>} : memref<128x128xf32, #tpu.memory_space<vmem>>, vector<1x16xf32>,
          %get3A_1310 = vector.shape_cast %get3A_1309 : vector<1x16xf32> to vector<16xf32>
          %mul3A_1311 = arith.mulf %get3A_1310, %broadcast_in_dim3A_1292 : vector<16xf32>
          %swap3A_1312 = arith.index_cast %add3A_1296 : i32 to index
          %swap3A_1313 = arith.constant 16 : index
          %swap3A_1314 = tpu.vector_load %arg14[%swap3A_1312, %swap3A_1313] {strides = array<i32>} : memref<128x128xf32, #tpu.memory_space<vmem>>, vector<1x16xf32>,
          %swap3A_1315 = vector.shape_cast %swap3A_1314 : vector<1x16xf32> to vector<16xf32>
          %swap3A_1316 = vector.shape_cast %mul3A_1311 : vector<16xf32> to vector<1x16xf32>
          tpu.vector_store %arg14[%swap3A_1312, %swap3A_1313], %swap3A_1316 {strides = array<i32>} : memref<128x128xf32, #tpu.memory_space<vmem>>, vector<1x16xf32>,
          %get3A_1317 = arith.index_cast %add3A_1296 : i32 to index
          %get3A_1318 = arith.constant 32 : index
          %get3A_1319 = tpu.vector_load %arg14[%get3A_1317, %get3A_1318] {strides = array<i32>} : memref<128x128xf32, #tpu.memory_space<vmem>>, vector<1x16xf32>,
          %get3A_1320 = vector.shape_cast %get3A_1319 : vector<1x16xf32> to vector<16xf32>
          %mul3A_1321 = arith.mulf %get3A_1320, %broadcast_in_dim3A_1292 : vector<16xf32>
          %swap3A_1322 = arith.index_cast %add3A_1296 : i32 to index
          %swap3A_1323 = arith.constant 32 : index
          %swap3A_1324 = tpu.vector_load %arg14[%swap3A_1322, %swap3A_1323] {strides = array<i32>} : memref<128x128xf32, #tpu.memory_space<vmem>>, vector<1x16xf32>,
          %swap3A_1325 = vector.shape_cast %swap3A_1324 : vector<1x16xf32> to vector<16xf32>
          %swap3A_1326 = vector.shape_cast %mul3A_1321 : vector<16xf32> to vector<1x16xf32>
          tpu.vector_store %arg14[%swap3A_1322, %swap3A_1323], %swap3A_1326 {strides = array<i32>} : memref<128x128xf32, #tpu.memory_space<vmem>>, vector<1x16xf32>,
          %get3A_1327 = arith.index_cast %add3A_1296 : i32 to index
          %get3A_1328 = arith.constant 48 : index
          %get3A_1329 = tpu.vector_load %arg14[%get3A_1327, %get3A_1328] {strides = array<i32>} : memref<128x128xf32, #tpu.memory_space<vmem>>, vector<1x16xf32>,
          %get3A_1330 = vector.shape_cast %get3A_1329 : vector<1x16xf32> to vector<16xf32>
          %mul3A_1331 = arith.mulf %get3A_1330, %broadcast_in_dim3A_1292 : vector<16xf32>
          %swap3A_1332 = arith.index_cast %add3A_1296 : i32 to index
          %swap3A_1333 = arith.constant 48 : index
          %swap3A_1334 = tpu.vector_load %arg14[%swap3A_1332, %swap3A_1333] {strides = array<i32>} : memref<128x128xf32, #tpu.memory_space<vmem>>, vector<1x16xf32>,
          %swap3A_1335 = vector.shape_cast %swap3A_1334 : vector<1x16xf32> to vector<16xf32>
          %swap3A_1336 = vector.shape_cast %mul3A_1331 : vector<16xf32> to vector<1x16xf32>
          tpu.vector_store %arg14[%swap3A_1332, %swap3A_1333], %swap3A_1336 {strides = array<i32>} : memref<128x128xf32, #tpu.memory_space<vmem>>, vector<1x16xf32>,
          %get3A_1337 = arith.index_cast %add3A_1296 : i32 to index
          %get3A_1338 = arith.constant 64 : index
          %get3A_1339 = tpu.vector_load %arg14[%get3A_1337, %get3A_1338] {strides = array<i32>} : memref<128x128xf32, #tpu.memory_space<vmem>>, vector<1x16xf32>,
          %get3A_1340 = vector.shape_cast %get3A_1339 : vector<1x16xf32> to vector<16xf32>
          %mul3A_1341 = arith.mulf %get3A_1340, %broadcast_in_dim3A_1292 : vector<16xf32>
          %swap3A_1342 = arith.index_cast %add3A_1296 : i32 to index
          %swap3A_1343 = arith.constant 64 : index
          %swap3A_1344 = tpu.vector_load %arg14[%swap3A_1342, %swap3A_1343] {strides = array<i32>} : memref<128x128xf32, #tpu.memory_space<vmem>>, vector<1x16xf32>,
          %swap3A_1345 = vector.shape_cast %swap3A_1344 : vector<1x16xf32> to vector<16xf32>
          %swap3A_1346 = vector.shape_cast %mul3A_1341 : vector<16xf32> to vector<1x16xf32>
          tpu.vector_store %arg14[%swap3A_1342, %swap3A_1343], %swap3A_1346 {strides = array<i32>} : memref<128x128xf32, #tpu.memory_space<vmem>>, vector<1x16xf32>,
          %get3A_1347 = arith.index_cast %add3A_1296 : i32 to index
          %get3A_1348 = arith.constant 80 : index
          %get3A_1349 = tpu.vector_load %arg14[%get3A_1347, %get3A_1348] {strides = array<i32>} : memref<128x128xf32, #tpu.memory_space<vmem>>, vector<1x16xf32>,
          %get3A_1350 = vector.shape_cast %get3A_1349 : vector<1x16xf32> to vector<16xf32>
          %mul3A_1351 = arith.mulf %get3A_1350, %broadcast_in_dim3A_1292 : vector<16xf32>
          %swap3A_1352 = arith.index_cast %add3A_1296 : i32 to index
          %swap3A_1353 = arith.constant 80 : index
          %swap3A_1354 = tpu.vector_load %arg14[%swap3A_1352, %swap3A_1353] {strides = array<i32>} : memref<128x128xf32, #tpu.memory_space<vmem>>, vector<1x16xf32>,
          %swap3A_1355 = vector.shape_cast %swap3A_1354 : vector<1x16xf32> to vector<16xf32>
          %swap3A_1356 = vector.shape_cast %mul3A_1351 : vector<16xf32> to vector<1x16xf32>
          tpu.vector_store %arg14[%swap3A_1352, %swap3A_1353], %swap3A_1356 {strides = array<i32>} : memref<128x128xf32, #tpu.memory_space<vmem>>, vector<1x16xf32>,
          %get3A_1357 = arith.index_cast %add3A_1296 : i32 to index
          %get3A_1358 = arith.constant 96 : index
          %get3A_1359 = tpu.vector_load %arg14[%get3A_1357, %get3A_1358] {strides = array<i32>} : memref<128x128xf32, #tpu.memory_space<vmem>>, vector<1x16xf32>,
          %get3A_1360 = vector.shape_cast %get3A_1359 : vector<1x16xf32> to vector<16xf32>
          %mul3A_1361 = arith.mulf %get3A_1360, %broadcast_in_dim3A_1292 : vector<16xf32>
          %swap3A_1362 = arith.index_cast %add3A_1296 : i32 to index
          %swap3A_1363 = arith.constant 96 : index
          %swap3A_1364 = tpu.vector_load %arg14[%swap3A_1362, %swap3A_1363] {strides = array<i32>} : memref<128x128xf32, #tpu.memory_space<vmem>>, vector<1x16xf32>,
          %swap3A_1365 = vector.shape_cast %swap3A_1364 : vector<1x16xf32> to vector<16xf32>
          %swap3A_1366 = vector.shape_cast %mul3A_1361 : vector<16xf32> to vector<1x16xf32>
          tpu.vector_store %arg14[%swap3A_1362, %swap3A_1363], %swap3A_1366 {strides = array<i32>} : memref<128x128xf32, #tpu.memory_space<vmem>>, vector<1x16xf32>,
          %get3A_1367 = arith.index_cast %add3A_1296 : i32 to index
          %get3A_1368 = arith.constant 112 : index
          %get3A_1369 = tpu.vector_load %arg14[%get3A_1367, %get3A_1368] {strides = array<i32>} : memref<128x128xf32, #tpu.memory_space<vmem>>, vector<1x16xf32>,
          %get3A_1370 = vector.shape_cast %get3A_1369 : vector<1x16xf32> to vector<16xf32>
          %mul3A_1371 = arith.mulf %get3A_1370, %broadcast_in_dim3A_1292 : vector<16xf32>
          %swap3A_1372 = arith.index_cast %add3A_1296 : i32 to index
          %swap3A_1373 = arith.constant 112 : index
          %swap3A_1374 = tpu.vector_load %arg14[%swap3A_1372, %swap3A_1373] {strides = array<i32>} : memref<128x128xf32, #tpu.memory_space<vmem>>, vector<1x16xf32>,
          %swap3A_1375 = vector.shape_cast %swap3A_1374 : vector<1x16xf32> to vector<16xf32>
          %swap3A_1376 = vector.shape_cast %mul3A_1371 : vector<16xf32> to vector<1x16xf32>
          tpu.vector_store %arg14[%swap3A_1372, %swap3A_1373], %swap3A_1376 {strides = array<i32>} : memref<128x128xf32, #tpu.memory_space<vmem>>, vector<1x16xf32>,
          %slice3A_1377 = vector.extract_strided_slice %get3A_335 {offsets = [12], sizes = [1], strides = [1]} : vector<16xf32> to vector<1xf32>
          %squeeze3A_1378 = vector.extract %slice3A_1377[0] : f32 from vector<1xf32>
          %broadcast_in_dim3A_1379 = vector.broadcast %squeeze3A_1378 : f32 to vector<16xf32>
          %mul3A_1380 = arith.constant 16 : i32
          %mul3A_1381 = arith.muli %scan3A_330, %mul3A_1380 : i32
          %add3A_1382 = arith.constant 12 : i32
          %add3A_1383 = arith.addi %mul3A_1381, %add3A_1382 : i32
          %get3A_1384 = arith.index_cast %add3A_1383 : i32 to index
          %get3A_1385 = arith.constant 0 : index
          %get3A_1386 = tpu.vector_load %arg14[%get3A_1384, %get3A_1385] {strides = array<i32>} : memref<128x128xf32, #tpu.memory_space<vmem>>, vector<1x16xf32>,
          %get3A_1387 = vector.shape_cast %get3A_1386 : vector<1x16xf32> to vector<16xf32>
          %mul3A_1388 = arith.mulf %get3A_1387, %broadcast_in_dim3A_1379 : vector<16xf32>
          %swap3A_1389 = arith.index_cast %add3A_1383 : i32 to index
          %swap3A_1390 = arith.constant 0 : index
          %swap3A_1391 = tpu.vector_load %arg14[%swap3A_1389, %swap3A_1390] {strides = array<i32>} : memref<128x128xf32, #tpu.memory_space<vmem>>, vector<1x16xf32>,
          %swap3A_1392 = vector.shape_cast %swap3A_1391 : vector<1x16xf32> to vector<16xf32>
          %swap3A_1393 = vector.shape_cast %mul3A_1388 : vector<16xf32> to vector<1x16xf32>
          tpu.vector_store %arg14[%swap3A_1389, %swap3A_1390], %swap3A_1393 {strides = array<i32>} : memref<128x128xf32, #tpu.memory_space<vmem>>, vector<1x16xf32>,
          %get3A_1394 = arith.index_cast %add3A_1383 : i32 to index
          %get3A_1395 = arith.constant 16 : index
          %get3A_1396 = tpu.vector_load %arg14[%get3A_1394, %get3A_1395] {strides = array<i32>} : memref<128x128xf32, #tpu.memory_space<vmem>>, vector<1x16xf32>,
          %get3A_1397 = vector.shape_cast %get3A_1396 : vector<1x16xf32> to vector<16xf32>
          %mul3A_1398 = arith.mulf %get3A_1397, %broadcast_in_dim3A_1379 : vector<16xf32>
          %swap3A_1399 = arith.index_cast %add3A_1383 : i32 to index
          %swap3A_1400 = arith.constant 16 : index
          %swap3A_1401 = tpu.vector_load %arg14[%swap3A_1399, %swap3A_1400] {strides = array<i32>} : memref<128x128xf32, #tpu.memory_space<vmem>>, vector<1x16xf32>,
          %swap3A_1402 = vector.shape_cast %swap3A_1401 : vector<1x16xf32> to vector<16xf32>
          %swap3A_1403 = vector.shape_cast %mul3A_1398 : vector<16xf32> to vector<1x16xf32>
          tpu.vector_store %arg14[%swap3A_1399, %swap3A_1400], %swap3A_1403 {strides = array<i32>} : memref<128x128xf32, #tpu.memory_space<vmem>>, vector<1x16xf32>,
          %get3A_1404 = arith.index_cast %add3A_1383 : i32 to index
          %get3A_1405 = arith.constant 32 : index
          %get3A_1406 = tpu.vector_load %arg14[%get3A_1404, %get3A_1405] {strides = array<i32>} : memref<128x128xf32, #tpu.memory_space<vmem>>, vector<1x16xf32>,
          %get3A_1407 = vector.shape_cast %get3A_1406 : vector<1x16xf32> to vector<16xf32>
          %mul3A_1408 = arith.mulf %get3A_1407, %broadcast_in_dim3A_1379 : vector<16xf32>
          %swap3A_1409 = arith.index_cast %add3A_1383 : i32 to index
          %swap3A_1410 = arith.constant 32 : index
          %swap3A_1411 = tpu.vector_load %arg14[%swap3A_1409, %swap3A_1410] {strides = array<i32>} : memref<128x128xf32, #tpu.memory_space<vmem>>, vector<1x16xf32>,
          %swap3A_1412 = vector.shape_cast %swap3A_1411 : vector<1x16xf32> to vector<16xf32>
          %swap3A_1413 = vector.shape_cast %mul3A_1408 : vector<16xf32> to vector<1x16xf32>
          tpu.vector_store %arg14[%swap3A_1409, %swap3A_1410], %swap3A_1413 {strides = array<i32>} : memref<128x128xf32, #tpu.memory_space<vmem>>, vector<1x16xf32>,
          %get3A_1414 = arith.index_cast %add3A_1383 : i32 to index
          %get3A_1415 = arith.constant 48 : index
          %get3A_1416 = tpu.vector_load %arg14[%get3A_1414, %get3A_1415] {strides = array<i32>} : memref<128x128xf32, #tpu.memory_space<vmem>>, vector<1x16xf32>,
          %get3A_1417 = vector.shape_cast %get3A_1416 : vector<1x16xf32> to vector<16xf32>
          %mul3A_1418 = arith.mulf %get3A_1417, %broadcast_in_dim3A_1379 : vector<16xf32>
          %swap3A_1419 = arith.index_cast %add3A_1383 : i32 to index
          %swap3A_1420 = arith.constant 48 : index
          %swap3A_1421 = tpu.vector_load %arg14[%swap3A_1419, %swap3A_1420] {strides = array<i32>} : memref<128x128xf32, #tpu.memory_space<vmem>>, vector<1x16xf32>,
          %swap3A_1422 = vector.shape_cast %swap3A_1421 : vector<1x16xf32> to vector<16xf32>
          %swap3A_1423 = vector.shape_cast %mul3A_1418 : vector<16xf32> to vector<1x16xf32>
          tpu.vector_store %arg14[%swap3A_1419, %swap3A_1420], %swap3A_1423 {strides = array<i32>} : memref<128x128xf32, #tpu.memory_space<vmem>>, vector<1x16xf32>,
          %get3A_1424 = arith.index_cast %add3A_1383 : i32 to index
          %get3A_1425 = arith.constant 64 : index
          %get3A_1426 = tpu.vector_load %arg14[%get3A_1424, %get3A_1425] {strides = array<i32>} : memref<128x128xf32, #tpu.memory_space<vmem>>, vector<1x16xf32>,
          %get3A_1427 = vector.shape_cast %get3A_1426 : vector<1x16xf32> to vector<16xf32>
          %mul3A_1428 = arith.mulf %get3A_1427, %broadcast_in_dim3A_1379 : vector<16xf32>
          %swap3A_1429 = arith.index_cast %add3A_1383 : i32 to index
          %swap3A_1430 = arith.constant 64 : index
          %swap3A_1431 = tpu.vector_load %arg14[%swap3A_1429, %swap3A_1430] {strides = array<i32>} : memref<128x128xf32, #tpu.memory_space<vmem>>, vector<1x16xf32>,
          %swap3A_1432 = vector.shape_cast %swap3A_1431 : vector<1x16xf32> to vector<16xf32>
          %swap3A_1433 = vector.shape_cast %mul3A_1428 : vector<16xf32> to vector<1x16xf32>
          tpu.vector_store %arg14[%swap3A_1429, %swap3A_1430], %swap3A_1433 {strides = array<i32>} : memref<128x128xf32, #tpu.memory_space<vmem>>, vector<1x16xf32>,
          %get3A_1434 = arith.index_cast %add3A_1383 : i32 to index
          %get3A_1435 = arith.constant 80 : index
          %get3A_1436 = tpu.vector_load %arg14[%get3A_1434, %get3A_1435] {strides = array<i32>} : memref<128x128xf32, #tpu.memory_space<vmem>>, vector<1x16xf32>,
          %get3A_1437 = vector.shape_cast %get3A_1436 : vector<1x16xf32> to vector<16xf32>
          %mul3A_1438 = arith.mulf %get3A_1437, %broadcast_in_dim3A_1379 : vector<16xf32>
          %swap3A_1439 = arith.index_cast %add3A_1383 : i32 to index
          %swap3A_1440 = arith.constant 80 : index
          %swap3A_1441 = tpu.vector_load %arg14[%swap3A_1439, %swap3A_1440] {strides = array<i32>} : memref<128x128xf32, #tpu.memory_space<vmem>>, vector<1x16xf32>,
          %swap3A_1442 = vector.shape_cast %swap3A_1441 : vector<1x16xf32> to vector<16xf32>
          %swap3A_1443 = vector.shape_cast %mul3A_1438 : vector<16xf32> to vector<1x16xf32>
          tpu.vector_store %arg14[%swap3A_1439, %swap3A_1440], %swap3A_1443 {strides = array<i32>} : memref<128x128xf32, #tpu.memory_space<vmem>>, vector<1x16xf32>,
          %get3A_1444 = arith.index_cast %add3A_1383 : i32 to index
          %get3A_1445 = arith.constant 96 : index
          %get3A_1446 = tpu.vector_load %arg14[%get3A_1444, %get3A_1445] {strides = array<i32>} : memref<128x128xf32, #tpu.memory_space<vmem>>, vector<1x16xf32>,
          %get3A_1447 = vector.shape_cast %get3A_1446 : vector<1x16xf32> to vector<16xf32>
          %mul3A_1448 = arith.mulf %get3A_1447, %broadcast_in_dim3A_1379 : vector<16xf32>
          %swap3A_1449 = arith.index_cast %add3A_1383 : i32 to index
          %swap3A_1450 = arith.constant 96 : index
          %swap3A_1451 = tpu.vector_load %arg14[%swap3A_1449, %swap3A_1450] {strides = array<i32>} : memref<128x128xf32, #tpu.memory_space<vmem>>, vector<1x16xf32>,
          %swap3A_1452 = vector.shape_cast %swap3A_1451 : vector<1x16xf32> to vector<16xf32>
          %swap3A_1453 = vector.shape_cast %mul3A_1448 : vector<16xf32> to vector<1x16xf32>
          tpu.vector_store %arg14[%swap3A_1449, %swap3A_1450], %swap3A_1453 {strides = array<i32>} : memref<128x128xf32, #tpu.memory_space<vmem>>, vector<1x16xf32>,
          %get3A_1454 = arith.index_cast %add3A_1383 : i32 to index
          %get3A_1455 = arith.constant 112 : index
          %get3A_1456 = tpu.vector_load %arg14[%get3A_1454, %get3A_1455] {strides = array<i32>} : memref<128x128xf32, #tpu.memory_space<vmem>>, vector<1x16xf32>,
          %get3A_1457 = vector.shape_cast %get3A_1456 : vector<1x16xf32> to vector<16xf32>
          %mul3A_1458 = arith.mulf %get3A_1457, %broadcast_in_dim3A_1379 : vector<16xf32>
          %swap3A_1459 = arith.index_cast %add3A_1383 : i32 to index
          %swap3A_1460 = arith.constant 112 : index
          %swap3A_1461 = tpu.vector_load %arg14[%swap3A_1459, %swap3A_1460] {strides = array<i32>} : memref<128x128xf32, #tpu.memory_space<vmem>>, vector<1x16xf32>,
          %swap3A_1462 = vector.shape_cast %swap3A_1461 : vector<1x16xf32> to vector<16xf32>
          %swap3A_1463 = vector.shape_cast %mul3A_1458 : vector<16xf32> to vector<1x16xf32>
          tpu.vector_store %arg14[%swap3A_1459, %swap3A_1460], %swap3A_1463 {strides = array<i32>} : memref<128x128xf32, #tpu.memory_space<vmem>>, vector<1x16xf32>,
          %slice3A_1464 = vector.extract_strided_slice %get3A_335 {offsets = [13], sizes = [1], strides = [1]} : vector<16xf32> to vector<1xf32>
          %squeeze3A_1465 = vector.extract %slice3A_1464[0] : f32 from vector<1xf32>
          %broadcast_in_dim3A_1466 = vector.broadcast %squeeze3A_1465 : f32 to vector<16xf32>
          %mul3A_1467 = arith.constant 16 : i32
          %mul3A_1468 = arith.muli %scan3A_330, %mul3A_1467 : i32
          %add3A_1469 = arith.constant 13 : i32
          %add3A_1470 = arith.addi %mul3A_1468, %add3A_1469 : i32
          %get3A_1471 = arith.index_cast %add3A_1470 : i32 to index
          %get3A_1472 = arith.constant 0 : index
          %get3A_1473 = tpu.vector_load %arg14[%get3A_1471, %get3A_1472] {strides = array<i32>} : memref<128x128xf32, #tpu.memory_space<vmem>>, vector<1x16xf32>,
          %get3A_1474 = vector.shape_cast %get3A_1473 : vector<1x16xf32> to vector<16xf32>
          %mul3A_1475 = arith.mulf %get3A_1474, %broadcast_in_dim3A_1466 : vector<16xf32>
          %swap3A_1476 = arith.index_cast %add3A_1470 : i32 to index
          %swap3A_1477 = arith.constant 0 : index
          %swap3A_1478 = tpu.vector_load %arg14[%swap3A_1476, %swap3A_1477] {strides = array<i32>} : memref<128x128xf32, #tpu.memory_space<vmem>>, vector<1x16xf32>,
          %swap3A_1479 = vector.shape_cast %swap3A_1478 : vector<1x16xf32> to vector<16xf32>
          %swap3A_1480 = vector.shape_cast %mul3A_1475 : vector<16xf32> to vector<1x16xf32>
          tpu.vector_store %arg14[%swap3A_1476, %swap3A_1477], %swap3A_1480 {strides = array<i32>} : memref<128x128xf32, #tpu.memory_space<vmem>>, vector<1x16xf32>,
          %get3A_1481 = arith.index_cast %add3A_1470 : i32 to index
          %get3A_1482 = arith.constant 16 : index
          %get3A_1483 = tpu.vector_load %arg14[%get3A_1481, %get3A_1482] {strides = array<i32>} : memref<128x128xf32, #tpu.memory_space<vmem>>, vector<1x16xf32>,
          %get3A_1484 = vector.shape_cast %get3A_1483 : vector<1x16xf32> to vector<16xf32>
          %mul3A_1485 = arith.mulf %get3A_1484, %broadcast_in_dim3A_1466 : vector<16xf32>
          %swap3A_1486 = arith.index_cast %add3A_1470 : i32 to index
          %swap3A_1487 = arith.constant 16 : index
          %swap3A_1488 = tpu.vector_load %arg14[%swap3A_1486, %swap3A_1487] {strides = array<i32>} : memref<128x128xf32, #tpu.memory_space<vmem>>, vector<1x16xf32>,
          %swap3A_1489 = vector.shape_cast %swap3A_1488 : vector<1x16xf32> to vector<16xf32>
          %swap3A_1490 = vector.shape_cast %mul3A_1485 : vector<16xf32> to vector<1x16xf32>
          tpu.vector_store %arg14[%swap3A_1486, %swap3A_1487], %swap3A_1490 {strides = array<i32>} : memref<128x128xf32, #tpu.memory_space<vmem>>, vector<1x16xf32>,
          %get3A_1491 = arith.index_cast %add3A_1470 : i32 to index
          %get3A_1492 = arith.constant 32 : index
          %get3A_1493 = tpu.vector_load %arg14[%get3A_1491, %get3A_1492] {strides = array<i32>} : memref<128x128xf32, #tpu.memory_space<vmem>>, vector<1x16xf32>,
          %get3A_1494 = vector.shape_cast %get3A_1493 : vector<1x16xf32> to vector<16xf32>
          %mul3A_1495 = arith.mulf %get3A_1494, %broadcast_in_dim3A_1466 : vector<16xf32>
          %swap3A_1496 = arith.index_cast %add3A_1470 : i32 to index
          %swap3A_1497 = arith.constant 32 : index
          %swap3A_1498 = tpu.vector_load %arg14[%swap3A_1496, %swap3A_1497] {strides = array<i32>} : memref<128x128xf32, #tpu.memory_space<vmem>>, vector<1x16xf32>,
          %swap3A_1499 = vector.shape_cast %swap3A_1498 : vector<1x16xf32> to vector<16xf32>
          %swap3A_1500 = vector.shape_cast %mul3A_1495 : vector<16xf32> to vector<1x16xf32>
          tpu.vector_store %arg14[%swap3A_1496, %swap3A_1497], %swap3A_1500 {strides = array<i32>} : memref<128x128xf32, #tpu.memory_space<vmem>>, vector<1x16xf32>,
          %get3A_1501 = arith.index_cast %add3A_1470 : i32 to index
          %get3A_1502 = arith.constant 48 : index
          %get3A_1503 = tpu.vector_load %arg14[%get3A_1501, %get3A_1502] {strides = array<i32>} : memref<128x128xf32, #tpu.memory_space<vmem>>, vector<1x16xf32>,
          %get3A_1504 = vector.shape_cast %get3A_1503 : vector<1x16xf32> to vector<16xf32>
          %mul3A_1505 = arith.mulf %get3A_1504, %broadcast_in_dim3A_1466 : vector<16xf32>
          %swap3A_1506 = arith.index_cast %add3A_1470 : i32 to index
          %swap3A_1507 = arith.constant 48 : index
          %swap3A_1508 = tpu.vector_load %arg14[%swap3A_1506, %swap3A_1507] {strides = array<i32>} : memref<128x128xf32, #tpu.memory_space<vmem>>, vector<1x16xf32>,
          %swap3A_1509 = vector.shape_cast %swap3A_1508 : vector<1x16xf32> to vector<16xf32>
          %swap3A_1510 = vector.shape_cast %mul3A_1505 : vector<16xf32> to vector<1x16xf32>
          tpu.vector_store %arg14[%swap3A_1506, %swap3A_1507], %swap3A_1510 {strides = array<i32>} : memref<128x128xf32, #tpu.memory_space<vmem>>, vector<1x16xf32>,
          %get3A_1511 = arith.index_cast %add3A_1470 : i32 to index
          %get3A_1512 = arith.constant 64 : index
          %get3A_1513 = tpu.vector_load %arg14[%get3A_1511, %get3A_1512] {strides = array<i32>} : memref<128x128xf32, #tpu.memory_space<vmem>>, vector<1x16xf32>,
          %get3A_1514 = vector.shape_cast %get3A_1513 : vector<1x16xf32> to vector<16xf32>
          %mul3A_1515 = arith.mulf %get3A_1514, %broadcast_in_dim3A_1466 : vector<16xf32>
          %swap3A_1516 = arith.index_cast %add3A_1470 : i32 to index
          %swap3A_1517 = arith.constant 64 : index
          %swap3A_1518 = tpu.vector_load %arg14[%swap3A_1516, %swap3A_1517] {strides = array<i32>} : memref<128x128xf32, #tpu.memory_space<vmem>>, vector<1x16xf32>,
          %swap3A_1519 = vector.shape_cast %swap3A_1518 : vector<1x16xf32> to vector<16xf32>
          %swap3A_1520 = vector.shape_cast %mul3A_1515 : vector<16xf32> to vector<1x16xf32>
          tpu.vector_store %arg14[%swap3A_1516, %swap3A_1517], %swap3A_1520 {strides = array<i32>} : memref<128x128xf32, #tpu.memory_space<vmem>>, vector<1x16xf32>,
          %get3A_1521 = arith.index_cast %add3A_1470 : i32 to index
          %get3A_1522 = arith.constant 80 : index
          %get3A_1523 = tpu.vector_load %arg14[%get3A_1521, %get3A_1522] {strides = array<i32>} : memref<128x128xf32, #tpu.memory_space<vmem>>, vector<1x16xf32>,
          %get3A_1524 = vector.shape_cast %get3A_1523 : vector<1x16xf32> to vector<16xf32>
          %mul3A_1525 = arith.mulf %get3A_1524, %broadcast_in_dim3A_1466 : vector<16xf32>
          %swap3A_1526 = arith.index_cast %add3A_1470 : i32 to index
          %swap3A_1527 = arith.constant 80 : index
          %swap3A_1528 = tpu.vector_load %arg14[%swap3A_1526, %swap3A_1527] {strides = array<i32>} : memref<128x128xf32, #tpu.memory_space<vmem>>, vector<1x16xf32>,
          %swap3A_1529 = vector.shape_cast %swap3A_1528 : vector<1x16xf32> to vector<16xf32>
          %swap3A_1530 = vector.shape_cast %mul3A_1525 : vector<16xf32> to vector<1x16xf32>
          tpu.vector_store %arg14[%swap3A_1526, %swap3A_1527], %swap3A_1530 {strides = array<i32>} : memref<128x128xf32, #tpu.memory_space<vmem>>, vector<1x16xf32>,
          %get3A_1531 = arith.index_cast %add3A_1470 : i32 to index
          %get3A_1532 = arith.constant 96 : index
          %get3A_1533 = tpu.vector_load %arg14[%get3A_1531, %get3A_1532] {strides = array<i32>} : memref<128x128xf32, #tpu.memory_space<vmem>>, vector<1x16xf32>,
          %get3A_1534 = vector.shape_cast %get3A_1533 : vector<1x16xf32> to vector<16xf32>
          %mul3A_1535 = arith.mulf %get3A_1534, %broadcast_in_dim3A_1466 : vector<16xf32>
          %swap3A_1536 = arith.index_cast %add3A_1470 : i32 to index
          %swap3A_1537 = arith.constant 96 : index
          %swap3A_1538 = tpu.vector_load %arg14[%swap3A_1536, %swap3A_1537] {strides = array<i32>} : memref<128x128xf32, #tpu.memory_space<vmem>>, vector<1x16xf32>,
          %swap3A_1539 = vector.shape_cast %swap3A_1538 : vector<1x16xf32> to vector<16xf32>
          %swap3A_1540 = vector.shape_cast %mul3A_1535 : vector<16xf32> to vector<1x16xf32>
          tpu.vector_store %arg14[%swap3A_1536, %swap3A_1537], %swap3A_1540 {strides = array<i32>} : memref<128x128xf32, #tpu.memory_space<vmem>>, vector<1x16xf32>,
          %get3A_1541 = arith.index_cast %add3A_1470 : i32 to index
          %get3A_1542 = arith.constant 112 : index
          %get3A_1543 = tpu.vector_load %arg14[%get3A_1541, %get3A_1542] {strides = array<i32>} : memref<128x128xf32, #tpu.memory_space<vmem>>, vector<1x16xf32>,
          %get3A_1544 = vector.shape_cast %get3A_1543 : vector<1x16xf32> to vector<16xf32>
          %mul3A_1545 = arith.mulf %get3A_1544, %broadcast_in_dim3A_1466 : vector<16xf32>
          %swap3A_1546 = arith.index_cast %add3A_1470 : i32 to index
          %swap3A_1547 = arith.constant 112 : index
          %swap3A_1548 = tpu.vector_load %arg14[%swap3A_1546, %swap3A_1547] {strides = array<i32>} : memref<128x128xf32, #tpu.memory_space<vmem>>, vector<1x16xf32>,
          %swap3A_1549 = vector.shape_cast %swap3A_1548 : vector<1x16xf32> to vector<16xf32>
          %swap3A_1550 = vector.shape_cast %mul3A_1545 : vector<16xf32> to vector<1x16xf32>
          tpu.vector_store %arg14[%swap3A_1546, %swap3A_1547], %swap3A_1550 {strides = array<i32>} : memref<128x128xf32, #tpu.memory_space<vmem>>, vector<1x16xf32>,
          %slice3A_1551 = vector.extract_strided_slice %get3A_335 {offsets = [14], sizes = [1], strides = [1]} : vector<16xf32> to vector<1xf32>
          %squeeze3A_1552 = vector.extract %slice3A_1551[0] : f32 from vector<1xf32>
          %broadcast_in_dim3A_1553 = vector.broadcast %squeeze3A_1552 : f32 to vector<16xf32>
          %mul3A_1554 = arith.constant 16 : i32
          %mul3A_1555 = arith.muli %scan3A_330, %mul3A_1554 : i32
          %add3A_1556 = arith.constant 14 : i32
          %add3A_1557 = arith.addi %mul3A_1555, %add3A_1556 : i32
          %get3A_1558 = arith.index_cast %add3A_1557 : i32 to index
          %get3A_1559 = arith.constant 0 : index
          %get3A_1560 = tpu.vector_load %arg14[%get3A_1558, %get3A_1559] {strides = array<i32>} : memref<128x128xf32, #tpu.memory_space<vmem>>, vector<1x16xf32>,
          %get3A_1561 = vector.shape_cast %get3A_1560 : vector<1x16xf32> to vector<16xf32>
          %mul3A_1562 = arith.mulf %get3A_1561, %broadcast_in_dim3A_1553 : vector<16xf32>
          %swap3A_1563 = arith.index_cast %add3A_1557 : i32 to index
          %swap3A_1564 = arith.constant 0 : index
          %swap3A_1565 = tpu.vector_load %arg14[%swap3A_1563, %swap3A_1564] {strides = array<i32>} : memref<128x128xf32, #tpu.memory_space<vmem>>, vector<1x16xf32>,
          %swap3A_1566 = vector.shape_cast %swap3A_1565 : vector<1x16xf32> to vector<16xf32>
          %swap3A_1567 = vector.shape_cast %mul3A_1562 : vector<16xf32> to vector<1x16xf32>
          tpu.vector_store %arg14[%swap3A_1563, %swap3A_1564], %swap3A_1567 {strides = array<i32>} : memref<128x128xf32, #tpu.memory_space<vmem>>, vector<1x16xf32>,
          %get3A_1568 = arith.index_cast %add3A_1557 : i32 to index
          %get3A_1569 = arith.constant 16 : index
          %get3A_1570 = tpu.vector_load %arg14[%get3A_1568, %get3A_1569] {strides = array<i32>} : memref<128x128xf32, #tpu.memory_space<vmem>>, vector<1x16xf32>,
          %get3A_1571 = vector.shape_cast %get3A_1570 : vector<1x16xf32> to vector<16xf32>
          %mul3A_1572 = arith.mulf %get3A_1571, %broadcast_in_dim3A_1553 : vector<16xf32>
          %swap3A_1573 = arith.index_cast %add3A_1557 : i32 to index
          %swap3A_1574 = arith.constant 16 : index
          %swap3A_1575 = tpu.vector_load %arg14[%swap3A_1573, %swap3A_1574] {strides = array<i32>} : memref<128x128xf32, #tpu.memory_space<vmem>>, vector<1x16xf32>,
          %swap3A_1576 = vector.shape_cast %swap3A_1575 : vector<1x16xf32> to vector<16xf32>
          %swap3A_1577 = vector.shape_cast %mul3A_1572 : vector<16xf32> to vector<1x16xf32>
          tpu.vector_store %arg14[%swap3A_1573, %swap3A_1574], %swap3A_1577 {strides = array<i32>} : memref<128x128xf32, #tpu.memory_space<vmem>>, vector<1x16xf32>,
          %get3A_1578 = arith.index_cast %add3A_1557 : i32 to index
          %get3A_1579 = arith.constant 32 : index
          %get3A_1580 = tpu.vector_load %arg14[%get3A_1578, %get3A_1579] {strides = array<i32>} : memref<128x128xf32, #tpu.memory_space<vmem>>, vector<1x16xf32>,
          %get3A_1581 = vector.shape_cast %get3A_1580 : vector<1x16xf32> to vector<16xf32>
          %mul3A_1582 = arith.mulf %get3A_1581, %broadcast_in_dim3A_1553 : vector<16xf32>
          %swap3A_1583 = arith.index_cast %add3A_1557 : i32 to index
          %swap3A_1584 = arith.constant 32 : index
          %swap3A_1585 = tpu.vector_load %arg14[%swap3A_1583, %swap3A_1584] {strides = array<i32>} : memref<128x128xf32, #tpu.memory_space<vmem>>, vector<1x16xf32>,
          %swap3A_1586 = vector.shape_cast %swap3A_1585 : vector<1x16xf32> to vector<16xf32>
          %swap3A_1587 = vector.shape_cast %mul3A_1582 : vector<16xf32> to vector<1x16xf32>
          tpu.vector_store %arg14[%swap3A_1583, %swap3A_1584], %swap3A_1587 {strides = array<i32>} : memref<128x128xf32, #tpu.memory_space<vmem>>, vector<1x16xf32>,
          %get3A_1588 = arith.index_cast %add3A_1557 : i32 to index
          %get3A_1589 = arith.constant 48 : index
          %get3A_1590 = tpu.vector_load %arg14[%get3A_1588, %get3A_1589] {strides = array<i32>} : memref<128x128xf32, #tpu.memory_space<vmem>>, vector<1x16xf32>,
          %get3A_1591 = vector.shape_cast %get3A_1590 : vector<1x16xf32> to vector<16xf32>
          %mul3A_1592 = arith.mulf %get3A_1591, %broadcast_in_dim3A_1553 : vector<16xf32>
          %swap3A_1593 = arith.index_cast %add3A_1557 : i32 to index
          %swap3A_1594 = arith.constant 48 : index
          %swap3A_1595 = tpu.vector_load %arg14[%swap3A_1593, %swap3A_1594] {strides = array<i32>} : memref<128x128xf32, #tpu.memory_space<vmem>>, vector<1x16xf32>,
          %swap3A_1596 = vector.shape_cast %swap3A_1595 : vector<1x16xf32> to vector<16xf32>
          %swap3A_1597 = vector.shape_cast %mul3A_1592 : vector<16xf32> to vector<1x16xf32>
          tpu.vector_store %arg14[%swap3A_1593, %swap3A_1594], %swap3A_1597 {strides = array<i32>} : memref<128x128xf32, #tpu.memory_space<vmem>>, vector<1x16xf32>,
          %get3A_1598 = arith.index_cast %add3A_1557 : i32 to index
          %get3A_1599 = arith.constant 64 : index
          %get3A_1600 = tpu.vector_load %arg14[%get3A_1598, %get3A_1599] {strides = array<i32>} : memref<128x128xf32, #tpu.memory_space<vmem>>, vector<1x16xf32>,
          %get3A_1601 = vector.shape_cast %get3A_1600 : vector<1x16xf32> to vector<16xf32>
          %mul3A_1602 = arith.mulf %get3A_1601, %broadcast_in_dim3A_1553 : vector<16xf32>
          %swap3A_1603 = arith.index_cast %add3A_1557 : i32 to index
          %swap3A_1604 = arith.constant 64 : index
          %swap3A_1605 = tpu.vector_load %arg14[%swap3A_1603, %swap3A_1604] {strides = array<i32>} : memref<128x128xf32, #tpu.memory_space<vmem>>, vector<1x16xf32>,
          %swap3A_1606 = vector.shape_cast %swap3A_1605 : vector<1x16xf32> to vector<16xf32>
          %swap3A_1607 = vector.shape_cast %mul3A_1602 : vector<16xf32> to vector<1x16xf32>
          tpu.vector_store %arg14[%swap3A_1603, %swap3A_1604], %swap3A_1607 {strides = array<i32>} : memref<128x128xf32, #tpu.memory_space<vmem>>, vector<1x16xf32>,
          %get3A_1608 = arith.index_cast %add3A_1557 : i32 to index
          %get3A_1609 = arith.constant 80 : index
          %get3A_1610 = tpu.vector_load %arg14[%get3A_1608, %get3A_1609] {strides = array<i32>} : memref<128x128xf32, #tpu.memory_space<vmem>>, vector<1x16xf32>,
          %get3A_1611 = vector.shape_cast %get3A_1610 : vector<1x16xf32> to vector<16xf32>
          %mul3A_1612 = arith.mulf %get3A_1611, %broadcast_in_dim3A_1553 : vector<16xf32>
          %swap3A_1613 = arith.index_cast %add3A_1557 : i32 to index
          %swap3A_1614 = arith.constant 80 : index
          %swap3A_1615 = tpu.vector_load %arg14[%swap3A_1613, %swap3A_1614] {strides = array<i32>} : memref<128x128xf32, #tpu.memory_space<vmem>>, vector<1x16xf32>,
          %swap3A_1616 = vector.shape_cast %swap3A_1615 : vector<1x16xf32> to vector<16xf32>
          %swap3A_1617 = vector.shape_cast %mul3A_1612 : vector<16xf32> to vector<1x16xf32>
          tpu.vector_store %arg14[%swap3A_1613, %swap3A_1614], %swap3A_1617 {strides = array<i32>} : memref<128x128xf32, #tpu.memory_space<vmem>>, vector<1x16xf32>,
          %get3A_1618 = arith.index_cast %add3A_1557 : i32 to index
          %get3A_1619 = arith.constant 96 : index
          %get3A_1620 = tpu.vector_load %arg14[%get3A_1618, %get3A_1619] {strides = array<i32>} : memref<128x128xf32, #tpu.memory_space<vmem>>, vector<1x16xf32>,
          %get3A_1621 = vector.shape_cast %get3A_1620 : vector<1x16xf32> to vector<16xf32>
          %mul3A_1622 = arith.mulf %get3A_1621, %broadcast_in_dim3A_1553 : vector<16xf32>
          %swap3A_1623 = arith.index_cast %add3A_1557 : i32 to index
          %swap3A_1624 = arith.constant 96 : index
          %swap3A_1625 = tpu.vector_load %arg14[%swap3A_1623, %swap3A_1624] {strides = array<i32>} : memref<128x128xf32, #tpu.memory_space<vmem>>, vector<1x16xf32>,
          %swap3A_1626 = vector.shape_cast %swap3A_1625 : vector<1x16xf32> to vector<16xf32>
          %swap3A_1627 = vector.shape_cast %mul3A_1622 : vector<16xf32> to vector<1x16xf32>
          tpu.vector_store %arg14[%swap3A_1623, %swap3A_1624], %swap3A_1627 {strides = array<i32>} : memref<128x128xf32, #tpu.memory_space<vmem>>, vector<1x16xf32>,
          %get3A_1628 = arith.index_cast %add3A_1557 : i32 to index
          %get3A_1629 = arith.constant 112 : index
          %get3A_1630 = tpu.vector_load %arg14[%get3A_1628, %get3A_1629] {strides = array<i32>} : memref<128x128xf32, #tpu.memory_space<vmem>>, vector<1x16xf32>,
          %get3A_1631 = vector.shape_cast %get3A_1630 : vector<1x16xf32> to vector<16xf32>
          %mul3A_1632 = arith.mulf %get3A_1631, %broadcast_in_dim3A_1553 : vector<16xf32>
          %swap3A_1633 = arith.index_cast %add3A_1557 : i32 to index
          %swap3A_1634 = arith.constant 112 : index
          %swap3A_1635 = tpu.vector_load %arg14[%swap3A_1633, %swap3A_1634] {strides = array<i32>} : memref<128x128xf32, #tpu.memory_space<vmem>>, vector<1x16xf32>,
          %swap3A_1636 = vector.shape_cast %swap3A_1635 : vector<1x16xf32> to vector<16xf32>
          %swap3A_1637 = vector.shape_cast %mul3A_1632 : vector<16xf32> to vector<1x16xf32>
          tpu.vector_store %arg14[%swap3A_1633, %swap3A_1634], %swap3A_1637 {strides = array<i32>} : memref<128x128xf32, #tpu.memory_space<vmem>>, vector<1x16xf32>,
          %slice3A_1638 = vector.extract_strided_slice %get3A_335 {offsets = [15], sizes = [1], strides = [1]} : vector<16xf32> to vector<1xf32>
          %squeeze3A_1639 = vector.extract %slice3A_1638[0] : f32 from vector<1xf32>
          %broadcast_in_dim3A_1640 = vector.broadcast %squeeze3A_1639 : f32 to vector<16xf32>
          %mul3A_1641 = arith.constant 16 : i32
          %mul3A_1642 = arith.muli %scan3A_330, %mul3A_1641 : i32
          %add3A_1643 = arith.constant 15 : i32
          %add3A_1644 = arith.addi %mul3A_1642, %add3A_1643 : i32
          %get3A_1645 = arith.index_cast %add3A_1644 : i32 to index
          %get3A_1646 = arith.constant 0 : index
          %get3A_1647 = tpu.vector_load %arg14[%get3A_1645, %get3A_1646] {strides = array<i32>} : memref<128x128xf32, #tpu.memory_space<vmem>>, vector<1x16xf32>,
          %get3A_1648 = vector.shape_cast %get3A_1647 : vector<1x16xf32> to vector<16xf32>
          %mul3A_1649 = arith.mulf %get3A_1648, %broadcast_in_dim3A_1640 : vector<16xf32>
          %swap3A_1650 = arith.index_cast %add3A_1644 : i32 to index
          %swap3A_1651 = arith.constant 0 : index
          %swap3A_1652 = tpu.vector_load %arg14[%swap3A_1650, %swap3A_1651] {strides = array<i32>} : memref<128x128xf32, #tpu.memory_space<vmem>>, vector<1x16xf32>,
          %swap3A_1653 = vector.shape_cast %swap3A_1652 : vector<1x16xf32> to vector<16xf32>
          %swap3A_1654 = vector.shape_cast %mul3A_1649 : vector<16xf32> to vector<1x16xf32>
          tpu.vector_store %arg14[%swap3A_1650, %swap3A_1651], %swap3A_1654 {strides = array<i32>} : memref<128x128xf32, #tpu.memory_space<vmem>>, vector<1x16xf32>,
          %get3A_1655 = arith.index_cast %add3A_1644 : i32 to index
          %get3A_1656 = arith.constant 16 : index
          %get3A_1657 = tpu.vector_load %arg14[%get3A_1655, %get3A_1656] {strides = array<i32>} : memref<128x128xf32, #tpu.memory_space<vmem>>, vector<1x16xf32>,
          %get3A_1658 = vector.shape_cast %get3A_1657 : vector<1x16xf32> to vector<16xf32>
          %mul3A_1659 = arith.mulf %get3A_1658, %broadcast_in_dim3A_1640 : vector<16xf32>
          %swap3A_1660 = arith.index_cast %add3A_1644 : i32 to index
          %swap3A_1661 = arith.constant 16 : index
          %swap3A_1662 = tpu.vector_load %arg14[%swap3A_1660, %swap3A_1661] {strides = array<i32>} : memref<128x128xf32, #tpu.memory_space<vmem>>, vector<1x16xf32>,
          %swap3A_1663 = vector.shape_cast %swap3A_1662 : vector<1x16xf32> to vector<16xf32>
          %swap3A_1664 = vector.shape_cast %mul3A_1659 : vector<16xf32> to vector<1x16xf32>
          tpu.vector_store %arg14[%swap3A_1660, %swap3A_1661], %swap3A_1664 {strides = array<i32>} : memref<128x128xf32, #tpu.memory_space<vmem>>, vector<1x16xf32>,
          %get3A_1665 = arith.index_cast %add3A_1644 : i32 to index
          %get3A_1666 = arith.constant 32 : index
          %get3A_1667 = tpu.vector_load %arg14[%get3A_1665, %get3A_1666] {strides = array<i32>} : memref<128x128xf32, #tpu.memory_space<vmem>>, vector<1x16xf32>,
          %get3A_1668 = vector.shape_cast %get3A_1667 : vector<1x16xf32> to vector<16xf32>
          %mul3A_1669 = arith.mulf %get3A_1668, %broadcast_in_dim3A_1640 : vector<16xf32>
          %swap3A_1670 = arith.index_cast %add3A_1644 : i32 to index
          %swap3A_1671 = arith.constant 32 : index
          %swap3A_1672 = tpu.vector_load %arg14[%swap3A_1670, %swap3A_1671] {strides = array<i32>} : memref<128x128xf32, #tpu.memory_space<vmem>>, vector<1x16xf32>,
          %swap3A_1673 = vector.shape_cast %swap3A_1672 : vector<1x16xf32> to vector<16xf32>
          %swap3A_1674 = vector.shape_cast %mul3A_1669 : vector<16xf32> to vector<1x16xf32>
          tpu.vector_store %arg14[%swap3A_1670, %swap3A_1671], %swap3A_1674 {strides = array<i32>} : memref<128x128xf32, #tpu.memory_space<vmem>>, vector<1x16xf32>,
          %get3A_1675 = arith.index_cast %add3A_1644 : i32 to index
          %get3A_1676 = arith.constant 48 : index
          %get3A_1677 = tpu.vector_load %arg14[%get3A_1675, %get3A_1676] {strides = array<i32>} : memref<128x128xf32, #tpu.memory_space<vmem>>, vector<1x16xf32>,
          %get3A_1678 = vector.shape_cast %get3A_1677 : vector<1x16xf32> to vector<16xf32>
          %mul3A_1679 = arith.mulf %get3A_1678, %broadcast_in_dim3A_1640 : vector<16xf32>
          %swap3A_1680 = arith.index_cast %add3A_1644 : i32 to index
          %swap3A_1681 = arith.constant 48 : index
          %swap3A_1682 = tpu.vector_load %arg14[%swap3A_1680, %swap3A_1681] {strides = array<i32>} : memref<128x128xf32, #tpu.memory_space<vmem>>, vector<1x16xf32>,
          %swap3A_1683 = vector.shape_cast %swap3A_1682 : vector<1x16xf32> to vector<16xf32>
          %swap3A_1684 = vector.shape_cast %mul3A_1679 : vector<16xf32> to vector<1x16xf32>
          tpu.vector_store %arg14[%swap3A_1680, %swap3A_1681], %swap3A_1684 {strides = array<i32>} : memref<128x128xf32, #tpu.memory_space<vmem>>, vector<1x16xf32>,
          %get3A_1685 = arith.index_cast %add3A_1644 : i32 to index
          %get3A_1686 = arith.constant 64 : index
          %get3A_1687 = tpu.vector_load %arg14[%get3A_1685, %get3A_1686] {strides = array<i32>} : memref<128x128xf32, #tpu.memory_space<vmem>>, vector<1x16xf32>,
          %get3A_1688 = vector.shape_cast %get3A_1687 : vector<1x16xf32> to vector<16xf32>
          %mul3A_1689 = arith.mulf %get3A_1688, %broadcast_in_dim3A_1640 : vector<16xf32>
          %swap3A_1690 = arith.index_cast %add3A_1644 : i32 to index
          %swap3A_1691 = arith.constant 64 : index
          %swap3A_1692 = tpu.vector_load %arg14[%swap3A_1690, %swap3A_1691] {strides = array<i32>} : memref<128x128xf32, #tpu.memory_space<vmem>>, vector<1x16xf32>,
          %swap3A_1693 = vector.shape_cast %swap3A_1692 : vector<1x16xf32> to vector<16xf32>
          %swap3A_1694 = vector.shape_cast %mul3A_1689 : vector<16xf32> to vector<1x16xf32>
          tpu.vector_store %arg14[%swap3A_1690, %swap3A_1691], %swap3A_1694 {strides = array<i32>} : memref<128x128xf32, #tpu.memory_space<vmem>>, vector<1x16xf32>,
          %get3A_1695 = arith.index_cast %add3A_1644 : i32 to index
          %get3A_1696 = arith.constant 80 : index
          %get3A_1697 = tpu.vector_load %arg14[%get3A_1695, %get3A_1696] {strides = array<i32>} : memref<128x128xf32, #tpu.memory_space<vmem>>, vector<1x16xf32>,
          %get3A_1698 = vector.shape_cast %get3A_1697 : vector<1x16xf32> to vector<16xf32>
          %mul3A_1699 = arith.mulf %get3A_1698, %broadcast_in_dim3A_1640 : vector<16xf32>
          %swap3A_1700 = arith.index_cast %add3A_1644 : i32 to index
          %swap3A_1701 = arith.constant 80 : index
          %swap3A_1702 = tpu.vector_load %arg14[%swap3A_1700, %swap3A_1701] {strides = array<i32>} : memref<128x128xf32, #tpu.memory_space<vmem>>, vector<1x16xf32>,
          %swap3A_1703 = vector.shape_cast %swap3A_1702 : vector<1x16xf32> to vector<16xf32>
          %swap3A_1704 = vector.shape_cast %mul3A_1699 : vector<16xf32> to vector<1x16xf32>
          tpu.vector_store %arg14[%swap3A_1700, %swap3A_1701], %swap3A_1704 {strides = array<i32>} : memref<128x128xf32, #tpu.memory_space<vmem>>, vector<1x16xf32>,
          %get3A_1705 = arith.index_cast %add3A_1644 : i32 to index
          %get3A_1706 = arith.constant 96 : index
          %get3A_1707 = tpu.vector_load %arg14[%get3A_1705, %get3A_1706] {strides = array<i32>} : memref<128x128xf32, #tpu.memory_space<vmem>>, vector<1x16xf32>,
          %get3A_1708 = vector.shape_cast %get3A_1707 : vector<1x16xf32> to vector<16xf32>
          %mul3A_1709 = arith.mulf %get3A_1708, %broadcast_in_dim3A_1640 : vector<16xf32>
          %swap3A_1710 = arith.index_cast %add3A_1644 : i32 to index
          %swap3A_1711 = arith.constant 96 : index
          %swap3A_1712 = tpu.vector_load %arg14[%swap3A_1710, %swap3A_1711] {strides = array<i32>} : memref<128x128xf32, #tpu.memory_space<vmem>>, vector<1x16xf32>,
          %swap3A_1713 = vector.shape_cast %swap3A_1712 : vector<1x16xf32> to vector<16xf32>
          %swap3A_1714 = vector.shape_cast %mul3A_1709 : vector<16xf32> to vector<1x16xf32>
          tpu.vector_store %arg14[%swap3A_1710, %swap3A_1711], %swap3A_1714 {strides = array<i32>} : memref<128x128xf32, #tpu.memory_space<vmem>>, vector<1x16xf32>,
          %get3A_1715 = arith.index_cast %add3A_1644 : i32 to index
          %get3A_1716 = arith.constant 112 : index
          %get3A_1717 = tpu.vector_load %arg14[%get3A_1715, %get3A_1716] {strides = array<i32>} : memref<128x128xf32, #tpu.memory_space<vmem>>, vector<1x16xf32>,
          %get3A_1718 = vector.shape_cast %get3A_1717 : vector<1x16xf32> to vector<16xf32>
          %mul3A_1719 = arith.mulf %get3A_1718, %broadcast_in_dim3A_1640 : vector<16xf32>
          %swap3A_1720 = arith.index_cast %add3A_1644 : i32 to index
          %swap3A_1721 = arith.constant 112 : index
          %swap3A_1722 = tpu.vector_load %arg14[%swap3A_1720, %swap3A_1721] {strides = array<i32>} : memref<128x128xf32, #tpu.memory_space<vmem>>, vector<1x16xf32>,
          %swap3A_1723 = vector.shape_cast %swap3A_1722 : vector<1x16xf32> to vector<16xf32>
          %swap3A_1724 = vector.shape_cast %mul3A_1719 : vector<16xf32> to vector<1x16xf32>
          tpu.vector_store %arg14[%swap3A_1720, %swap3A_1721], %swap3A_1724 {strides = array<i32>} : memref<128x128xf32, #tpu.memory_space<vmem>>, vector<1x16xf32>,
        }
        %scan3A_325 = arith.constant 8 : i32
        %dma_start3A = arith.constant 0 : i32
        %dma_start3A_326 = arith.constant 0 : i32
        %dma_start3A_327 = tpu.memref_slice %arg25[%dma_start3A, %dma_start3A_326] : memref<10112x128xf32, #tpu.memory_space<vmem_shared>> -> memref<10112x128xf32, #tpu.memory_space<vmem_shared>>
        tpu.enqueue_indirect_dma source(%arg14 : memref<128x128xf32, #tpu.memory_space<vmem>>) target(%dma_start3A_327 : memref<10112x128xf32, #tpu.memory_space<vmem_shared>>) offsets(%arg16 : memref<128xi32, #tpu.memory_space<vmem>>) semaphore(%arg31 : memref<!tpu.dma_semaphore, #tpu.memory_space<semaphore_mem>>) {add = true}
        %dma_start3A_328 = arith.constant 0 : i32
        %dma_start3A_329 = tpu.memref_slice %arg26[%dma_start3A_328] : memref<161792xf32, #tpu.memory_space<vmem_shared>> -> memref<161792xf32, #tpu.memory_space<vmem_shared>>
        tpu.enqueue_indirect_dma source(%arg22 : memref<128xf32, #tpu.memory_space<vmem>>) target(%dma_start3A_329 : memref<161792xf32, #tpu.memory_space<vmem_shared>>) offsets(%arg20 : memref<128xi32, #tpu.memory_space<vmem>>) semaphore(%arg33 : memref<!tpu.dma_semaphore, #tpu.memory_space<semaphore_mem>>) {add = true}
      } else {
      }
      %lt3A_88 = arith.constant 2500 : i32
      %lt3A_89 = arith.cmpi slt, %add3A_77, %lt3A_88 : i32
      %convert_element_type3A_90 = arith.extui %lt3A_89 : i1 to i32
      %cond3A_91 = arith.constant 0 : i32
      %cond3A_92 = arith.cmpi ne, %convert_element_type3A_90, %cond3A_91 : i32
      scf.if %cond3A_92 {
        %mul3A_117 = arith.constant 128 : i32
        %mul3A_118 = arith.muli %add3A_77, %mul3A_117 : i32
        %dma_wait3A_119 = arith.constant 0 : i32
        %dma_wait3A_120 = tpu.memref_slice %arg2[%dma_wait3A_119, %mul3A_118] : memref<2x320000xi32, #tpu.memory_space<hbm>> -> memref<1x128xi32, #tpu.memory_space<hbm>>
        %dma_wait3A_121 = tpu.memref_squeeze %dma_wait3A_120 : memref<1x128xi32, #tpu.memory_space<hbm>> -> memref<128xi32, #tpu.memory_space<hbm>>
        %dma_wait3A_122 = tpu.memref_slice %arg2[%dma_wait3A_119, %mul3A_118] : memref<2x320000xi32, #tpu.memory_space<hbm>> -> memref<1x128xi32, #tpu.memory_space<hbm>>
        %dma_wait3A_123 = tpu.memref_squeeze %dma_wait3A_122 : memref<1x128xi32, #tpu.memory_space<hbm>> -> memref<128xi32, #tpu.memory_space<hbm>>
        tpu.wait_dma2 semaphore(%arg28 : memref<!tpu.dma_semaphore, #tpu.memory_space<semaphore_mem>>) src(%dma_wait3A_123 : memref<128xi32, #tpu.memory_space<hbm>>) dst(%arg10 : memref<128xi32, #tpu.memory_space<vmem>>)
        %dma_wait3A_124 = arith.constant 1 : i32
        %dma_wait3A_125 = tpu.memref_slice %arg2[%dma_wait3A_124, %mul3A_118] : memref<2x320000xi32, #tpu.memory_space<hbm>> -> memref<1x128xi32, #tpu.memory_space<hbm>>
        %dma_wait3A_126 = tpu.memref_squeeze %dma_wait3A_125 : memref<1x128xi32, #tpu.memory_space<hbm>> -> memref<128xi32, #tpu.memory_space<hbm>>
        %dma_wait3A_127 = tpu.memref_slice %arg2[%dma_wait3A_124, %mul3A_118] : memref<2x320000xi32, #tpu.memory_space<hbm>> -> memref<1x128xi32, #tpu.memory_space<hbm>>
        %dma_wait3A_128 = tpu.memref_squeeze %dma_wait3A_127 : memref<1x128xi32, #tpu.memory_space<hbm>> -> memref<128xi32, #tpu.memory_space<hbm>>
        tpu.wait_dma2 semaphore(%arg28 : memref<!tpu.dma_semaphore, #tpu.memory_space<semaphore_mem>>) src(%dma_wait3A_128 : memref<128xi32, #tpu.memory_space<hbm>>) dst(%arg11 : memref<128xi32, #tpu.memory_space<vmem>>)
        %dma_wait3A_129 = tpu.memref_slice %arg3[%mul3A_118] : memref<320000xf32, #tpu.memory_space<hbm>> -> memref<128xf32, #tpu.memory_space<hbm>>
        %dma_wait3A_130 = tpu.memref_slice %arg3[%mul3A_118] : memref<320000xf32, #tpu.memory_space<hbm>> -> memref<128xf32, #tpu.memory_space<hbm>>
        tpu.wait_dma2 semaphore(%arg28 : memref<!tpu.dma_semaphore, #tpu.memory_space<semaphore_mem>>) src(%dma_wait3A_130 : memref<128xf32, #tpu.memory_space<hbm>>) dst(%arg13 : memref<128xf32, #tpu.memory_space<vmem>>)
        %ge3A = arith.constant 1 : i32
        %ge3A_131 = arith.cmpi sge, %mul3A_72, %ge3A : i32
        %convert_element_type3A_132 = arith.extui %ge3A_131 : i1 to i32
        %cond3A_133 = arith.constant 0 : i32
        %cond3A_134 = arith.cmpi ne, %convert_element_type3A_132, %cond3A_133 : i32
        scf.if %cond3A_134 {
          %dma_wait3A_139 = arith.constant 0 : i32
          %dma_wait3A_140 = arith.constant 0 : i32
          %dma_wait3A_141 = tpu.memref_slice %arg25[%dma_wait3A_139, %dma_wait3A_140] : memref<10112x128xf32, #tpu.memory_space<vmem_shared>> -> memref<10112x128xf32, #tpu.memory_space<vmem_shared>>
          tpu.wait_indirect_dma semaphore(%arg32 : memref<!tpu.dma_semaphore, #tpu.memory_space<semaphore_mem>>) src(%arg15 : memref<128x128xf32, #tpu.memory_space<vmem>>) dst(%dma_wait3A_141 : memref<10112x128xf32, #tpu.memory_space<vmem_shared>>)
          %dma_wait3A_142 = arith.constant 0 : i32
          %dma_wait3A_143 = tpu.memref_slice %arg26[%dma_wait3A_142] : memref<161792xf32, #tpu.memory_space<vmem_shared>> -> memref<161792xf32, #tpu.memory_space<vmem_shared>>
          tpu.wait_indirect_dma semaphore(%arg34 : memref<!tpu.dma_semaphore, #tpu.memory_space<semaphore_mem>>) src(%arg23 : memref<128xf32, #tpu.memory_space<vmem>>) dst(%dma_wait3A_143 : memref<161792xf32, #tpu.memory_space<vmem_shared>>)
        } else {
        }
        %dma_start3A = arith.constant 0 : i32
        %dma_start3A_135 = arith.constant 0 : i32
        %dma_start3A_136 = tpu.memref_slice %arg4[%dma_start3A, %dma_start3A_135] : memref<10000x128xf32, #tpu.memory_space<hbm>> -> memref<10000x128xf32, #tpu.memory_space<hbm>>
        tpu.enqueue_indirect_dma source(%dma_start3A_136 : memref<10000x128xf32, #tpu.memory_space<hbm>>) target(%arg15 : memref<128x128xf32, #tpu.memory_space<vmem>>) offsets(%arg11 : memref<128xi32, #tpu.memory_space<vmem>>) semaphore(%arg30 : memref<!tpu.dma_semaphore, #tpu.memory_space<semaphore_mem>>)
        %dma_start3A_137 = arith.constant 0 : i32
        %dma_start3A_138 = tpu.memref_slice %arg5[%dma_start3A_137] : memref<10000xi32, #tpu.memory_space<hbm>> -> memref<10000xi32, #tpu.memory_space<hbm>>
        tpu.enqueue_indirect_dma source(%dma_start3A_138 : memref<10000xi32, #tpu.memory_space<hbm>>) target(%arg19 : memref<128xi32, #tpu.memory_space<vmem>>) offsets(%arg11 : memref<128xi32, #tpu.memory_space<vmem>>) semaphore(%arg30 : memref<!tpu.dma_semaphore, #tpu.memory_space<semaphore_mem>>)
      } else {
      }
      %mul3A_93 = arith.constant 2 : i32
      %mul3A_94 = arith.muli %mul3A_93, %scan3A_70 : i32
      %add3A_95 = arith.constant 1 : i32
      %add3A_96 = arith.addi %mul3A_94, %add3A_95 : i32
      %mul3A_97 = arith.constant 32 : i32
      %mul3A_98 = arith.muli %add3A_96, %mul3A_97 : i32
      %add3A_99 = arith.addi %add3A, %mul3A_98 : i32
      %add3A_100 = arith.constant 32 : i32
      %add3A_101 = arith.addi %add3A_99, %add3A_100 : i32
      %lt3A_102 = arith.constant 2500 : i32
      %lt3A_103 = arith.cmpi slt, %add3A_101, %lt3A_102 : i32
      %convert_element_type3A_104 = arith.extui %lt3A_103 : i1 to i32
      %cond3A_105 = arith.constant 0 : i32
      %cond3A_106 = arith.cmpi ne, %convert_element_type3A_104, %cond3A_105 : i32
      scf.if %cond3A_106 {
        %mul3A_117 = arith.constant 128 : i32
        %mul3A_118 = arith.muli %add3A_101, %mul3A_117 : i32
        %dma_start3A = arith.constant 0 : i32
        %dma_start3A_119 = tpu.memref_slice %arg2[%dma_start3A, %mul3A_118] : memref<2x320000xi32, #tpu.memory_space<hbm>> -> memref<1x128xi32, #tpu.memory_space<hbm>>
        %dma_start3A_120 = tpu.memref_squeeze %dma_start3A_119 : memref<1x128xi32, #tpu.memory_space<hbm>> -> memref<128xi32, #tpu.memory_space<hbm>>
        %dma_start3A_121 = tpu.memref_slice %arg2[%dma_start3A, %mul3A_118] : memref<2x320000xi32, #tpu.memory_space<hbm>> -> memref<1x128xi32, #tpu.memory_space<hbm>>
        %dma_start3A_122 = tpu.memref_squeeze %dma_start3A_121 : memref<1x128xi32, #tpu.memory_space<hbm>> -> memref<128xi32, #tpu.memory_space<hbm>>
        tpu.enqueue_dma source(%dma_start3A_122 : memref<128xi32, #tpu.memory_space<hbm>>) target(%arg8 : memref<128xi32, #tpu.memory_space<vmem>>) target_semaphore(%arg27 : memref<!tpu.dma_semaphore, #tpu.memory_space<semaphore_mem>>)
        %dma_start3A_123 = arith.constant 1 : i32
        %dma_start3A_124 = tpu.memref_slice %arg2[%dma_start3A_123, %mul3A_118] : memref<2x320000xi32, #tpu.memory_space<hbm>> -> memref<1x128xi32, #tpu.memory_space<hbm>>
        %dma_start3A_125 = tpu.memref_squeeze %dma_start3A_124 : memref<1x128xi32, #tpu.memory_space<hbm>> -> memref<128xi32, #tpu.memory_space<hbm>>
        %dma_start3A_126 = tpu.memref_slice %arg2[%dma_start3A_123, %mul3A_118] : memref<2x320000xi32, #tpu.memory_space<hbm>> -> memref<1x128xi32, #tpu.memory_space<hbm>>
        %dma_start3A_127 = tpu.memref_squeeze %dma_start3A_126 : memref<1x128xi32, #tpu.memory_space<hbm>> -> memref<128xi32, #tpu.memory_space<hbm>>
        tpu.enqueue_dma source(%dma_start3A_127 : memref<128xi32, #tpu.memory_space<hbm>>) target(%arg9 : memref<128xi32, #tpu.memory_space<vmem>>) target_semaphore(%arg27 : memref<!tpu.dma_semaphore, #tpu.memory_space<semaphore_mem>>)
        %dma_start3A_128 = tpu.memref_slice %arg3[%mul3A_118] : memref<320000xf32, #tpu.memory_space<hbm>> -> memref<128xf32, #tpu.memory_space<hbm>>
        %dma_start3A_129 = tpu.memref_slice %arg3[%mul3A_118] : memref<320000xf32, #tpu.memory_space<hbm>> -> memref<128xf32, #tpu.memory_space<hbm>>
        tpu.enqueue_dma source(%dma_start3A_129 : memref<128xf32, #tpu.memory_space<hbm>>) target(%arg12 : memref<128xf32, #tpu.memory_space<vmem>>) target_semaphore(%arg27 : memref<!tpu.dma_semaphore, #tpu.memory_space<semaphore_mem>>)
      } else {
      }
      %lt3A_107 = arith.constant 2500 : i32
      %lt3A_108 = arith.cmpi slt, %add3A_99, %lt3A_107 : i32
      %convert_element_type3A_109 = arith.extui %lt3A_108 : i1 to i32
      %cond3A_110 = arith.constant 0 : i32
      %cond3A_111 = arith.cmpi ne, %convert_element_type3A_109, %cond3A_110 : i32
      scf.if %cond3A_111 {
        %dma_wait3A_117 = arith.constant 0 : i32
        %dma_wait3A_118 = arith.constant 0 : i32
        %dma_wait3A_119 = tpu.memref_slice %arg4[%dma_wait3A_117, %dma_wait3A_118] : memref<10000x128xf32, #tpu.memory_space<hbm>> -> memref<10000x128xf32, #tpu.memory_space<hbm>>
        tpu.wait_indirect_dma semaphore(%arg30 : memref<!tpu.dma_semaphore, #tpu.memory_space<semaphore_mem>>) src(%dma_wait3A_119 : memref<10000x128xf32, #tpu.memory_space<hbm>>) dst(%arg15 : memref<128x128xf32, #tpu.memory_space<vmem>>)
        %dma_wait3A_120 = arith.constant 0 : i32
        %dma_wait3A_121 = tpu.memref_slice %arg5[%dma_wait3A_120] : memref<10000xi32, #tpu.memory_space<hbm>> -> memref<10000xi32, #tpu.memory_space<hbm>>
        tpu.wait_indirect_dma semaphore(%arg30 : memref<!tpu.dma_semaphore, #tpu.memory_space<semaphore_mem>>) src(%dma_wait3A_121 : memref<10000xi32, #tpu.memory_space<hbm>>) dst(%arg19 : memref<128xi32, #tpu.memory_space<vmem>>)
        %get3A = arith.constant 0 : index
        %get3A_122 = tpu.vector_load %arg10[%get3A] {strides = array<i32>} : memref<128xi32, #tpu.memory_space<vmem>>, vector<16xi32>,
        %get3A_123 = vector.shape_cast %get3A_122 : vector<16xi32> to vector<16xi32>
        %swap3A = arith.constant 0 : index
        %swap3A_124 = tpu.vector_load %arg17[%swap3A] {strides = array<i32>} : memref<128xi32, #tpu.memory_space<vmem>>, vector<16xi32>,
        %swap3A_125 = vector.shape_cast %swap3A_124 : vector<16xi32> to vector<16xi32>
        %swap3A_126 = vector.shape_cast %get3A_123 : vector<16xi32> to vector<16xi32>
        tpu.vector_store %arg17[%swap3A], %swap3A_126 {strides = array<i32>} : memref<128xi32, #tpu.memory_space<vmem>>, vector<16xi32>,
        %mul3A_127 = arith.constant 16 : i32
        %mul3A_128 = vector.broadcast %mul3A_127 : i32 to vector<16xi32>
        %mul3A_129 = arith.muli %get3A_123, %mul3A_128 : vector<16xi32>
        %get3A_130 = arith.constant 0 : index
        %get3A_131 = tpu.vector_load %arg19[%get3A_130] {strides = array<i32>} : memref<128xi32, #tpu.memory_space<vmem>>, vector<16xi32>,
        %get3A_132 = vector.shape_cast %get3A_131 : vector<16xi32> to vector<16xi32>
        %add3A_133 = arith.addi %mul3A_129, %get3A_132 : vector<16xi32>
        %swap3A_134 = arith.constant 0 : index
        %swap3A_135 = tpu.vector_load %arg21[%swap3A_134] {strides = array<i32>} : memref<128xi32, #tpu.memory_space<vmem>>, vector<16xi32>,
        %swap3A_136 = vector.shape_cast %swap3A_135 : vector<16xi32> to vector<16xi32>
        %swap3A_137 = vector.shape_cast %add3A_133 : vector<16xi32> to vector<16xi32>
        tpu.vector_store %arg21[%swap3A_134], %swap3A_137 {strides = array<i32>} : memref<128xi32, #tpu.memory_space<vmem>>, vector<16xi32>,
        %get3A_138 = arith.constant 0 : index
        %get3A_139 = tpu.vector_load %arg13[%get3A_138] {strides = array<i32>} : memref<128xf32, #tpu.memory_space<vmem>>, vector<16xf32>,
        %get3A_140 = vector.shape_cast %get3A_139 : vector<16xf32> to vector<16xf32>
        %swap3A_141 = arith.constant 0 : index
        %swap3A_142 = tpu.vector_load %arg23[%swap3A_141] {strides = array<i32>} : memref<128xf32, #tpu.memory_space<vmem>>, vector<16xf32>,
        %swap3A_143 = vector.shape_cast %swap3A_142 : vector<16xf32> to vector<16xf32>
        %swap3A_144 = vector.shape_cast %get3A_140 : vector<16xf32> to vector<16xf32>
        tpu.vector_store %arg23[%swap3A_141], %swap3A_144 {strides = array<i32>} : memref<128xf32, #tpu.memory_space<vmem>>, vector<16xf32>,
        %get3A_145 = arith.constant 16 : index
        %get3A_146 = tpu.vector_load %arg10[%get3A_145] {strides = array<i32>} : memref<128xi32, #tpu.memory_space<vmem>>, vector<16xi32>,
        %get3A_147 = vector.shape_cast %get3A_146 : vector<16xi32> to vector<16xi32>
        %swap3A_148 = arith.constant 16 : index
        %swap3A_149 = tpu.vector_load %arg17[%swap3A_148] {strides = array<i32>} : memref<128xi32, #tpu.memory_space<vmem>>, vector<16xi32>,
        %swap3A_150 = vector.shape_cast %swap3A_149 : vector<16xi32> to vector<16xi32>
        %swap3A_151 = vector.shape_cast %get3A_147 : vector<16xi32> to vector<16xi32>
        tpu.vector_store %arg17[%swap3A_148], %swap3A_151 {strides = array<i32>} : memref<128xi32, #tpu.memory_space<vmem>>, vector<16xi32>,
        %mul3A_152 = arith.constant 16 : i32
        %mul3A_153 = vector.broadcast %mul3A_152 : i32 to vector<16xi32>
        %mul3A_154 = arith.muli %get3A_147, %mul3A_153 : vector<16xi32>
        %get3A_155 = arith.constant 16 : index
        %get3A_156 = tpu.vector_load %arg19[%get3A_155] {strides = array<i32>} : memref<128xi32, #tpu.memory_space<vmem>>, vector<16xi32>,
        %get3A_157 = vector.shape_cast %get3A_156 : vector<16xi32> to vector<16xi32>
        %add3A_158 = arith.addi %mul3A_154, %get3A_157 : vector<16xi32>
        %swap3A_159 = arith.constant 16 : index
        %swap3A_160 = tpu.vector_load %arg21[%swap3A_159] {strides = array<i32>} : memref<128xi32, #tpu.memory_space<vmem>>, vector<16xi32>,
        %swap3A_161 = vector.shape_cast %swap3A_160 : vector<16xi32> to vector<16xi32>
        %swap3A_162 = vector.shape_cast %add3A_158 : vector<16xi32> to vector<16xi32>
        tpu.vector_store %arg21[%swap3A_159], %swap3A_162 {strides = array<i32>} : memref<128xi32, #tpu.memory_space<vmem>>, vector<16xi32>,
        %get3A_163 = arith.constant 16 : index
        %get3A_164 = tpu.vector_load %arg13[%get3A_163] {strides = array<i32>} : memref<128xf32, #tpu.memory_space<vmem>>, vector<16xf32>,
        %get3A_165 = vector.shape_cast %get3A_164 : vector<16xf32> to vector<16xf32>
        %swap3A_166 = arith.constant 16 : index
        %swap3A_167 = tpu.vector_load %arg23[%swap3A_166] {strides = array<i32>} : memref<128xf32, #tpu.memory_space<vmem>>, vector<16xf32>,
        %swap3A_168 = vector.shape_cast %swap3A_167 : vector<16xf32> to vector<16xf32>
        %swap3A_169 = vector.shape_cast %get3A_165 : vector<16xf32> to vector<16xf32>
        tpu.vector_store %arg23[%swap3A_166], %swap3A_169 {strides = array<i32>} : memref<128xf32, #tpu.memory_space<vmem>>, vector<16xf32>,
        %get3A_170 = arith.constant 32 : index
        %get3A_171 = tpu.vector_load %arg10[%get3A_170] {strides = array<i32>} : memref<128xi32, #tpu.memory_space<vmem>>, vector<16xi32>,
        %get3A_172 = vector.shape_cast %get3A_171 : vector<16xi32> to vector<16xi32>
        %swap3A_173 = arith.constant 32 : index
        %swap3A_174 = tpu.vector_load %arg17[%swap3A_173] {strides = array<i32>} : memref<128xi32, #tpu.memory_space<vmem>>, vector<16xi32>,
        %swap3A_175 = vector.shape_cast %swap3A_174 : vector<16xi32> to vector<16xi32>
        %swap3A_176 = vector.shape_cast %get3A_172 : vector<16xi32> to vector<16xi32>
        tpu.vector_store %arg17[%swap3A_173], %swap3A_176 {strides = array<i32>} : memref<128xi32, #tpu.memory_space<vmem>>, vector<16xi32>,
        %mul3A_177 = arith.constant 16 : i32
        %mul3A_178 = vector.broadcast %mul3A_177 : i32 to vector<16xi32>
        %mul3A_179 = arith.muli %get3A_172, %mul3A_178 : vector<16xi32>
        %get3A_180 = arith.constant 32 : index
        %get3A_181 = tpu.vector_load %arg19[%get3A_180] {strides = array<i32>} : memref<128xi32, #tpu.memory_space<vmem>>, vector<16xi32>,
        %get3A_182 = vector.shape_cast %get3A_181 : vector<16xi32> to vector<16xi32>
        %add3A_183 = arith.addi %mul3A_179, %get3A_182 : vector<16xi32>
        %swap3A_184 = arith.constant 32 : index
        %swap3A_185 = tpu.vector_load %arg21[%swap3A_184] {strides = array<i32>} : memref<128xi32, #tpu.memory_space<vmem>>, vector<16xi32>,
        %swap3A_186 = vector.shape_cast %swap3A_185 : vector<16xi32> to vector<16xi32>
        %swap3A_187 = vector.shape_cast %add3A_183 : vector<16xi32> to vector<16xi32>
        tpu.vector_store %arg21[%swap3A_184], %swap3A_187 {strides = array<i32>} : memref<128xi32, #tpu.memory_space<vmem>>, vector<16xi32>,
        %get3A_188 = arith.constant 32 : index
        %get3A_189 = tpu.vector_load %arg13[%get3A_188] {strides = array<i32>} : memref<128xf32, #tpu.memory_space<vmem>>, vector<16xf32>,
        %get3A_190 = vector.shape_cast %get3A_189 : vector<16xf32> to vector<16xf32>
        %swap3A_191 = arith.constant 32 : index
        %swap3A_192 = tpu.vector_load %arg23[%swap3A_191] {strides = array<i32>} : memref<128xf32, #tpu.memory_space<vmem>>, vector<16xf32>,
        %swap3A_193 = vector.shape_cast %swap3A_192 : vector<16xf32> to vector<16xf32>
        %swap3A_194 = vector.shape_cast %get3A_190 : vector<16xf32> to vector<16xf32>
        tpu.vector_store %arg23[%swap3A_191], %swap3A_194 {strides = array<i32>} : memref<128xf32, #tpu.memory_space<vmem>>, vector<16xf32>,
        %get3A_195 = arith.constant 48 : index
        %get3A_196 = tpu.vector_load %arg10[%get3A_195] {strides = array<i32>} : memref<128xi32, #tpu.memory_space<vmem>>, vector<16xi32>,
        %get3A_197 = vector.shape_cast %get3A_196 : vector<16xi32> to vector<16xi32>
        %swap3A_198 = arith.constant 48 : index
        %swap3A_199 = tpu.vector_load %arg17[%swap3A_198] {strides = array<i32>} : memref<128xi32, #tpu.memory_space<vmem>>, vector<16xi32>,
        %swap3A_200 = vector.shape_cast %swap3A_199 : vector<16xi32> to vector<16xi32>
        %swap3A_201 = vector.shape_cast %get3A_197 : vector<16xi32> to vector<16xi32>
        tpu.vector_store %arg17[%swap3A_198], %swap3A_201 {strides = array<i32>} : memref<128xi32, #tpu.memory_space<vmem>>, vector<16xi32>,
        %mul3A_202 = arith.constant 16 : i32
        %mul3A_203 = vector.broadcast %mul3A_202 : i32 to vector<16xi32>
        %mul3A_204 = arith.muli %get3A_197, %mul3A_203 : vector<16xi32>
        %get3A_205 = arith.constant 48 : index
        %get3A_206 = tpu.vector_load %arg19[%get3A_205] {strides = array<i32>} : memref<128xi32, #tpu.memory_space<vmem>>, vector<16xi32>,
        %get3A_207 = vector.shape_cast %get3A_206 : vector<16xi32> to vector<16xi32>
        %add3A_208 = arith.addi %mul3A_204, %get3A_207 : vector<16xi32>
        %swap3A_209 = arith.constant 48 : index
        %swap3A_210 = tpu.vector_load %arg21[%swap3A_209] {strides = array<i32>} : memref<128xi32, #tpu.memory_space<vmem>>, vector<16xi32>,
        %swap3A_211 = vector.shape_cast %swap3A_210 : vector<16xi32> to vector<16xi32>
        %swap3A_212 = vector.shape_cast %add3A_208 : vector<16xi32> to vector<16xi32>
        tpu.vector_store %arg21[%swap3A_209], %swap3A_212 {strides = array<i32>} : memref<128xi32, #tpu.memory_space<vmem>>, vector<16xi32>,
        %get3A_213 = arith.constant 48 : index
        %get3A_214 = tpu.vector_load %arg13[%get3A_213] {strides = array<i32>} : memref<128xf32, #tpu.memory_space<vmem>>, vector<16xf32>,
        %get3A_215 = vector.shape_cast %get3A_214 : vector<16xf32> to vector<16xf32>
        %swap3A_216 = arith.constant 48 : index
        %swap3A_217 = tpu.vector_load %arg23[%swap3A_216] {strides = array<i32>} : memref<128xf32, #tpu.memory_space<vmem>>, vector<16xf32>,
        %swap3A_218 = vector.shape_cast %swap3A_217 : vector<16xf32> to vector<16xf32>
        %swap3A_219 = vector.shape_cast %get3A_215 : vector<16xf32> to vector<16xf32>
        tpu.vector_store %arg23[%swap3A_216], %swap3A_219 {strides = array<i32>} : memref<128xf32, #tpu.memory_space<vmem>>, vector<16xf32>,
        %get3A_220 = arith.constant 64 : index
        %get3A_221 = tpu.vector_load %arg10[%get3A_220] {strides = array<i32>} : memref<128xi32, #tpu.memory_space<vmem>>, vector<16xi32>,
        %get3A_222 = vector.shape_cast %get3A_221 : vector<16xi32> to vector<16xi32>
        %swap3A_223 = arith.constant 64 : index
        %swap3A_224 = tpu.vector_load %arg17[%swap3A_223] {strides = array<i32>} : memref<128xi32, #tpu.memory_space<vmem>>, vector<16xi32>,
        %swap3A_225 = vector.shape_cast %swap3A_224 : vector<16xi32> to vector<16xi32>
        %swap3A_226 = vector.shape_cast %get3A_222 : vector<16xi32> to vector<16xi32>
        tpu.vector_store %arg17[%swap3A_223], %swap3A_226 {strides = array<i32>} : memref<128xi32, #tpu.memory_space<vmem>>, vector<16xi32>,
        %mul3A_227 = arith.constant 16 : i32
        %mul3A_228 = vector.broadcast %mul3A_227 : i32 to vector<16xi32>
        %mul3A_229 = arith.muli %get3A_222, %mul3A_228 : vector<16xi32>
        %get3A_230 = arith.constant 64 : index
        %get3A_231 = tpu.vector_load %arg19[%get3A_230] {strides = array<i32>} : memref<128xi32, #tpu.memory_space<vmem>>, vector<16xi32>,
        %get3A_232 = vector.shape_cast %get3A_231 : vector<16xi32> to vector<16xi32>
        %add3A_233 = arith.addi %mul3A_229, %get3A_232 : vector<16xi32>
        %swap3A_234 = arith.constant 64 : index
        %swap3A_235 = tpu.vector_load %arg21[%swap3A_234] {strides = array<i32>} : memref<128xi32, #tpu.memory_space<vmem>>, vector<16xi32>,
        %swap3A_236 = vector.shape_cast %swap3A_235 : vector<16xi32> to vector<16xi32>
        %swap3A_237 = vector.shape_cast %add3A_233 : vector<16xi32> to vector<16xi32>
        tpu.vector_store %arg21[%swap3A_234], %swap3A_237 {strides = array<i32>} : memref<128xi32, #tpu.memory_space<vmem>>, vector<16xi32>,
        %get3A_238 = arith.constant 64 : index
        %get3A_239 = tpu.vector_load %arg13[%get3A_238] {strides = array<i32>} : memref<128xf32, #tpu.memory_space<vmem>>, vector<16xf32>,
        %get3A_240 = vector.shape_cast %get3A_239 : vector<16xf32> to vector<16xf32>
        %swap3A_241 = arith.constant 64 : index
        %swap3A_242 = tpu.vector_load %arg23[%swap3A_241] {strides = array<i32>} : memref<128xf32, #tpu.memory_space<vmem>>, vector<16xf32>,
        %swap3A_243 = vector.shape_cast %swap3A_242 : vector<16xf32> to vector<16xf32>
        %swap3A_244 = vector.shape_cast %get3A_240 : vector<16xf32> to vector<16xf32>
        tpu.vector_store %arg23[%swap3A_241], %swap3A_244 {strides = array<i32>} : memref<128xf32, #tpu.memory_space<vmem>>, vector<16xf32>,
        %get3A_245 = arith.constant 80 : index
        %get3A_246 = tpu.vector_load %arg10[%get3A_245] {strides = array<i32>} : memref<128xi32, #tpu.memory_space<vmem>>, vector<16xi32>,
        %get3A_247 = vector.shape_cast %get3A_246 : vector<16xi32> to vector<16xi32>
        %swap3A_248 = arith.constant 80 : index
        %swap3A_249 = tpu.vector_load %arg17[%swap3A_248] {strides = array<i32>} : memref<128xi32, #tpu.memory_space<vmem>>, vector<16xi32>,
        %swap3A_250 = vector.shape_cast %swap3A_249 : vector<16xi32> to vector<16xi32>
        %swap3A_251 = vector.shape_cast %get3A_247 : vector<16xi32> to vector<16xi32>
        tpu.vector_store %arg17[%swap3A_248], %swap3A_251 {strides = array<i32>} : memref<128xi32, #tpu.memory_space<vmem>>, vector<16xi32>,
        %mul3A_252 = arith.constant 16 : i32
        %mul3A_253 = vector.broadcast %mul3A_252 : i32 to vector<16xi32>
        %mul3A_254 = arith.muli %get3A_247, %mul3A_253 : vector<16xi32>
        %get3A_255 = arith.constant 80 : index
        %get3A_256 = tpu.vector_load %arg19[%get3A_255] {strides = array<i32>} : memref<128xi32, #tpu.memory_space<vmem>>, vector<16xi32>,
        %get3A_257 = vector.shape_cast %get3A_256 : vector<16xi32> to vector<16xi32>
        %add3A_258 = arith.addi %mul3A_254, %get3A_257 : vector<16xi32>
        %swap3A_259 = arith.constant 80 : index
        %swap3A_260 = tpu.vector_load %arg21[%swap3A_259] {strides = array<i32>} : memref<128xi32, #tpu.memory_space<vmem>>, vector<16xi32>,
        %swap3A_261 = vector.shape_cast %swap3A_260 : vector<16xi32> to vector<16xi32>
        %swap3A_262 = vector.shape_cast %add3A_258 : vector<16xi32> to vector<16xi32>
        tpu.vector_store %arg21[%swap3A_259], %swap3A_262 {strides = array<i32>} : memref<128xi32, #tpu.memory_space<vmem>>, vector<16xi32>,
        %get3A_263 = arith.constant 80 : index
        %get3A_264 = tpu.vector_load %arg13[%get3A_263] {strides = array<i32>} : memref<128xf32, #tpu.memory_space<vmem>>, vector<16xf32>,
        %get3A_265 = vector.shape_cast %get3A_264 : vector<16xf32> to vector<16xf32>
        %swap3A_266 = arith.constant 80 : index
        %swap3A_267 = tpu.vector_load %arg23[%swap3A_266] {strides = array<i32>} : memref<128xf32, #tpu.memory_space<vmem>>, vector<16xf32>,
        %swap3A_268 = vector.shape_cast %swap3A_267 : vector<16xf32> to vector<16xf32>
        %swap3A_269 = vector.shape_cast %get3A_265 : vector<16xf32> to vector<16xf32>
        tpu.vector_store %arg23[%swap3A_266], %swap3A_269 {strides = array<i32>} : memref<128xf32, #tpu.memory_space<vmem>>, vector<16xf32>,
        %get3A_270 = arith.constant 96 : index
        %get3A_271 = tpu.vector_load %arg10[%get3A_270] {strides = array<i32>} : memref<128xi32, #tpu.memory_space<vmem>>, vector<16xi32>,
        %get3A_272 = vector.shape_cast %get3A_271 : vector<16xi32> to vector<16xi32>
        %swap3A_273 = arith.constant 96 : index
        %swap3A_274 = tpu.vector_load %arg17[%swap3A_273] {strides = array<i32>} : memref<128xi32, #tpu.memory_space<vmem>>, vector<16xi32>,
        %swap3A_275 = vector.shape_cast %swap3A_274 : vector<16xi32> to vector<16xi32>
        %swap3A_276 = vector.shape_cast %get3A_272 : vector<16xi32> to vector<16xi32>
        tpu.vector_store %arg17[%swap3A_273], %swap3A_276 {strides = array<i32>} : memref<128xi32, #tpu.memory_space<vmem>>, vector<16xi32>,
        %mul3A_277 = arith.constant 16 : i32
        %mul3A_278 = vector.broadcast %mul3A_277 : i32 to vector<16xi32>
        %mul3A_279 = arith.muli %get3A_272, %mul3A_278 : vector<16xi32>
        %get3A_280 = arith.constant 96 : index
        %get3A_281 = tpu.vector_load %arg19[%get3A_280] {strides = array<i32>} : memref<128xi32, #tpu.memory_space<vmem>>, vector<16xi32>,
        %get3A_282 = vector.shape_cast %get3A_281 : vector<16xi32> to vector<16xi32>
        %add3A_283 = arith.addi %mul3A_279, %get3A_282 : vector<16xi32>
        %swap3A_284 = arith.constant 96 : index
        %swap3A_285 = tpu.vector_load %arg21[%swap3A_284] {strides = array<i32>} : memref<128xi32, #tpu.memory_space<vmem>>, vector<16xi32>,
        %swap3A_286 = vector.shape_cast %swap3A_285 : vector<16xi32> to vector<16xi32>
        %swap3A_287 = vector.shape_cast %add3A_283 : vector<16xi32> to vector<16xi32>
        tpu.vector_store %arg21[%swap3A_284], %swap3A_287 {strides = array<i32>} : memref<128xi32, #tpu.memory_space<vmem>>, vector<16xi32>,
        %get3A_288 = arith.constant 96 : index
        %get3A_289 = tpu.vector_load %arg13[%get3A_288] {strides = array<i32>} : memref<128xf32, #tpu.memory_space<vmem>>, vector<16xf32>,
        %get3A_290 = vector.shape_cast %get3A_289 : vector<16xf32> to vector<16xf32>
        %swap3A_291 = arith.constant 96 : index
        %swap3A_292 = tpu.vector_load %arg23[%swap3A_291] {strides = array<i32>} : memref<128xf32, #tpu.memory_space<vmem>>, vector<16xf32>,
        %swap3A_293 = vector.shape_cast %swap3A_292 : vector<16xf32> to vector<16xf32>
        %swap3A_294 = vector.shape_cast %get3A_290 : vector<16xf32> to vector<16xf32>
        tpu.vector_store %arg23[%swap3A_291], %swap3A_294 {strides = array<i32>} : memref<128xf32, #tpu.memory_space<vmem>>, vector<16xf32>,
        %get3A_295 = arith.constant 112 : index
        %get3A_296 = tpu.vector_load %arg10[%get3A_295] {strides = array<i32>} : memref<128xi32, #tpu.memory_space<vmem>>, vector<16xi32>,
        %get3A_297 = vector.shape_cast %get3A_296 : vector<16xi32> to vector<16xi32>
        %swap3A_298 = arith.constant 112 : index
        %swap3A_299 = tpu.vector_load %arg17[%swap3A_298] {strides = array<i32>} : memref<128xi32, #tpu.memory_space<vmem>>, vector<16xi32>,
        %swap3A_300 = vector.shape_cast %swap3A_299 : vector<16xi32> to vector<16xi32>
        %swap3A_301 = vector.shape_cast %get3A_297 : vector<16xi32> to vector<16xi32>
        tpu.vector_store %arg17[%swap3A_298], %swap3A_301 {strides = array<i32>} : memref<128xi32, #tpu.memory_space<vmem>>, vector<16xi32>,
        %mul3A_302 = arith.constant 16 : i32
        %mul3A_303 = vector.broadcast %mul3A_302 : i32 to vector<16xi32>
        %mul3A_304 = arith.muli %get3A_297, %mul3A_303 : vector<16xi32>
        %get3A_305 = arith.constant 112 : index
        %get3A_306 = tpu.vector_load %arg19[%get3A_305] {strides = array<i32>} : memref<128xi32, #tpu.memory_space<vmem>>, vector<16xi32>,
        %get3A_307 = vector.shape_cast %get3A_306 : vector<16xi32> to vector<16xi32>
        %add3A_308 = arith.addi %mul3A_304, %get3A_307 : vector<16xi32>
        %swap3A_309 = arith.constant 112 : index
        %swap3A_310 = tpu.vector_load %arg21[%swap3A_309] {strides = array<i32>} : memref<128xi32, #tpu.memory_space<vmem>>, vector<16xi32>,
        %swap3A_311 = vector.shape_cast %swap3A_310 : vector<16xi32> to vector<16xi32>
        %swap3A_312 = vector.shape_cast %add3A_308 : vector<16xi32> to vector<16xi32>
        tpu.vector_store %arg21[%swap3A_309], %swap3A_312 {strides = array<i32>} : memref<128xi32, #tpu.memory_space<vmem>>, vector<16xi32>,
        %get3A_313 = arith.constant 112 : index
        %get3A_314 = tpu.vector_load %arg13[%get3A_313] {strides = array<i32>} : memref<128xf32, #tpu.memory_space<vmem>>, vector<16xf32>,
        %get3A_315 = vector.shape_cast %get3A_314 : vector<16xf32> to vector<16xf32>
        %swap3A_316 = arith.constant 112 : index
        %swap3A_317 = tpu.vector_load %arg23[%swap3A_316] {strides = array<i32>} : memref<128xf32, #tpu.memory_space<vmem>>, vector<16xf32>,
        %swap3A_318 = vector.shape_cast %swap3A_317 : vector<16xf32> to vector<16xf32>
        %swap3A_319 = vector.shape_cast %get3A_315 : vector<16xf32> to vector<16xf32>
        tpu.vector_store %arg23[%swap3A_316], %swap3A_319 {strides = array<i32>} : memref<128xf32, #tpu.memory_space<vmem>>, vector<16xf32>,
        %scan3A_320 = arith.constant 0 : i32
        %scan3A_321 = arith.constant 0 : i32
        %scan3A_322 = arith.constant 8 : i32
        %scan3A_323 = arith.addi %scan3A_321, %scan3A_322 : i32
        %scan3A_324 = arith.constant 1 : i32
        scf.for %scan3A_330 = %scan3A_321 to %scan3A_323 step %scan3A_324  : i32 {
          %mul3A_331 = arith.constant 16 : i32
          %mul3A_332 = arith.muli %scan3A_330, %mul3A_331 : i32
          %get3A_333 = arith.index_cast %mul3A_332 : i32 to index
          %get3A_334 = tpu.vector_load %arg13[%get3A_333] {strides = array<i32>} : memref<128xf32, #tpu.memory_space<vmem>>, vector<16xf32>,
          %get3A_335 = vector.shape_cast %get3A_334 : vector<16xf32> to vector<16xf32>
          %slice3A = vector.extract_strided_slice %get3A_335 {offsets = [0], sizes = [1], strides = [1]} : vector<16xf32> to vector<1xf32>
          %squeeze3A = vector.extract %slice3A[0] : f32 from vector<1xf32>
          %broadcast_in_dim3A = vector.broadcast %squeeze3A : f32 to vector<16xf32>
          %mul3A_336 = arith.constant 16 : i32
          %mul3A_337 = arith.muli %scan3A_330, %mul3A_336 : i32
          %add3A_338 = arith.constant 0 : i32
          %add3A_339 = arith.addi %mul3A_337, %add3A_338 : i32
          %get3A_340 = arith.index_cast %add3A_339 : i32 to index
          %get3A_341 = arith.constant 0 : index
          %get3A_342 = tpu.vector_load %arg15[%get3A_340, %get3A_341] {strides = array<i32>} : memref<128x128xf32, #tpu.memory_space<vmem>>, vector<1x16xf32>,
          %get3A_343 = vector.shape_cast %get3A_342 : vector<1x16xf32> to vector<16xf32>
          %mul3A_344 = arith.mulf %get3A_343, %broadcast_in_dim3A : vector<16xf32>
          %swap3A_345 = arith.index_cast %add3A_339 : i32 to index
          %swap3A_346 = arith.constant 0 : index
          %swap3A_347 = tpu.vector_load %arg15[%swap3A_345, %swap3A_346] {strides = array<i32>} : memref<128x128xf32, #tpu.memory_space<vmem>>, vector<1x16xf32>,
          %swap3A_348 = vector.shape_cast %swap3A_347 : vector<1x16xf32> to vector<16xf32>
          %swap3A_349 = vector.shape_cast %mul3A_344 : vector<16xf32> to vector<1x16xf32>
          tpu.vector_store %arg15[%swap3A_345, %swap3A_346], %swap3A_349 {strides = array<i32>} : memref<128x128xf32, #tpu.memory_space<vmem>>, vector<1x16xf32>,
          %get3A_350 = arith.index_cast %add3A_339 : i32 to index
          %get3A_351 = arith.constant 16 : index
          %get3A_352 = tpu.vector_load %arg15[%get3A_350, %get3A_351] {strides = array<i32>} : memref<128x128xf32, #tpu.memory_space<vmem>>, vector<1x16xf32>,
          %get3A_353 = vector.shape_cast %get3A_352 : vector<1x16xf32> to vector<16xf32>
          %mul3A_354 = arith.mulf %get3A_353, %broadcast_in_dim3A : vector<16xf32>
          %swap3A_355 = arith.index_cast %add3A_339 : i32 to index
          %swap3A_356 = arith.constant 16 : index
          %swap3A_357 = tpu.vector_load %arg15[%swap3A_355, %swap3A_356] {strides = array<i32>} : memref<128x128xf32, #tpu.memory_space<vmem>>, vector<1x16xf32>,
          %swap3A_358 = vector.shape_cast %swap3A_357 : vector<1x16xf32> to vector<16xf32>
          %swap3A_359 = vector.shape_cast %mul3A_354 : vector<16xf32> to vector<1x16xf32>
          tpu.vector_store %arg15[%swap3A_355, %swap3A_356], %swap3A_359 {strides = array<i32>} : memref<128x128xf32, #tpu.memory_space<vmem>>, vector<1x16xf32>,
          %get3A_360 = arith.index_cast %add3A_339 : i32 to index
          %get3A_361 = arith.constant 32 : index
          %get3A_362 = tpu.vector_load %arg15[%get3A_360, %get3A_361] {strides = array<i32>} : memref<128x128xf32, #tpu.memory_space<vmem>>, vector<1x16xf32>,
          %get3A_363 = vector.shape_cast %get3A_362 : vector<1x16xf32> to vector<16xf32>
          %mul3A_364 = arith.mulf %get3A_363, %broadcast_in_dim3A : vector<16xf32>
          %swap3A_365 = arith.index_cast %add3A_339 : i32 to index
          %swap3A_366 = arith.constant 32 : index
          %swap3A_367 = tpu.vector_load %arg15[%swap3A_365, %swap3A_366] {strides = array<i32>} : memref<128x128xf32, #tpu.memory_space<vmem>>, vector<1x16xf32>,
          %swap3A_368 = vector.shape_cast %swap3A_367 : vector<1x16xf32> to vector<16xf32>
          %swap3A_369 = vector.shape_cast %mul3A_364 : vector<16xf32> to vector<1x16xf32>
          tpu.vector_store %arg15[%swap3A_365, %swap3A_366], %swap3A_369 {strides = array<i32>} : memref<128x128xf32, #tpu.memory_space<vmem>>, vector<1x16xf32>,
          %get3A_370 = arith.index_cast %add3A_339 : i32 to index
          %get3A_371 = arith.constant 48 : index
          %get3A_372 = tpu.vector_load %arg15[%get3A_370, %get3A_371] {strides = array<i32>} : memref<128x128xf32, #tpu.memory_space<vmem>>, vector<1x16xf32>,
          %get3A_373 = vector.shape_cast %get3A_372 : vector<1x16xf32> to vector<16xf32>
          %mul3A_374 = arith.mulf %get3A_373, %broadcast_in_dim3A : vector<16xf32>
          %swap3A_375 = arith.index_cast %add3A_339 : i32 to index
          %swap3A_376 = arith.constant 48 : index
          %swap3A_377 = tpu.vector_load %arg15[%swap3A_375, %swap3A_376] {strides = array<i32>} : memref<128x128xf32, #tpu.memory_space<vmem>>, vector<1x16xf32>,
          %swap3A_378 = vector.shape_cast %swap3A_377 : vector<1x16xf32> to vector<16xf32>
          %swap3A_379 = vector.shape_cast %mul3A_374 : vector<16xf32> to vector<1x16xf32>
          tpu.vector_store %arg15[%swap3A_375, %swap3A_376], %swap3A_379 {strides = array<i32>} : memref<128x128xf32, #tpu.memory_space<vmem>>, vector<1x16xf32>,
          %get3A_380 = arith.index_cast %add3A_339 : i32 to index
          %get3A_381 = arith.constant 64 : index
          %get3A_382 = tpu.vector_load %arg15[%get3A_380, %get3A_381] {strides = array<i32>} : memref<128x128xf32, #tpu.memory_space<vmem>>, vector<1x16xf32>,
          %get3A_383 = vector.shape_cast %get3A_382 : vector<1x16xf32> to vector<16xf32>
          %mul3A_384 = arith.mulf %get3A_383, %broadcast_in_dim3A : vector<16xf32>
          %swap3A_385 = arith.index_cast %add3A_339 : i32 to index
          %swap3A_386 = arith.constant 64 : index
          %swap3A_387 = tpu.vector_load %arg15[%swap3A_385, %swap3A_386] {strides = array<i32>} : memref<128x128xf32, #tpu.memory_space<vmem>>, vector<1x16xf32>,
          %swap3A_388 = vector.shape_cast %swap3A_387 : vector<1x16xf32> to vector<16xf32>
          %swap3A_389 = vector.shape_cast %mul3A_384 : vector<16xf32> to vector<1x16xf32>
          tpu.vector_store %arg15[%swap3A_385, %swap3A_386], %swap3A_389 {strides = array<i32>} : memref<128x128xf32, #tpu.memory_space<vmem>>, vector<1x16xf32>,
          %get3A_390 = arith.index_cast %add3A_339 : i32 to index
          %get3A_391 = arith.constant 80 : index
          %get3A_392 = tpu.vector_load %arg15[%get3A_390, %get3A_391] {strides = array<i32>} : memref<128x128xf32, #tpu.memory_space<vmem>>, vector<1x16xf32>,
          %get3A_393 = vector.shape_cast %get3A_392 : vector<1x16xf32> to vector<16xf32>
          %mul3A_394 = arith.mulf %get3A_393, %broadcast_in_dim3A : vector<16xf32>
          %swap3A_395 = arith.index_cast %add3A_339 : i32 to index
          %swap3A_396 = arith.constant 80 : index
          %swap3A_397 = tpu.vector_load %arg15[%swap3A_395, %swap3A_396] {strides = array<i32>} : memref<128x128xf32, #tpu.memory_space<vmem>>, vector<1x16xf32>,
          %swap3A_398 = vector.shape_cast %swap3A_397 : vector<1x16xf32> to vector<16xf32>
          %swap3A_399 = vector.shape_cast %mul3A_394 : vector<16xf32> to vector<1x16xf32>
          tpu.vector_store %arg15[%swap3A_395, %swap3A_396], %swap3A_399 {strides = array<i32>} : memref<128x128xf32, #tpu.memory_space<vmem>>, vector<1x16xf32>,
          %get3A_400 = arith.index_cast %add3A_339 : i32 to index
          %get3A_401 = arith.constant 96 : index
          %get3A_402 = tpu.vector_load %arg15[%get3A_400, %get3A_401] {strides = array<i32>} : memref<128x128xf32, #tpu.memory_space<vmem>>, vector<1x16xf32>,
          %get3A_403 = vector.shape_cast %get3A_402 : vector<1x16xf32> to vector<16xf32>
          %mul3A_404 = arith.mulf %get3A_403, %broadcast_in_dim3A : vector<16xf32>
          %swap3A_405 = arith.index_cast %add3A_339 : i32 to index
          %swap3A_406 = arith.constant 96 : index
          %swap3A_407 = tpu.vector_load %arg15[%swap3A_405, %swap3A_406] {strides = array<i32>} : memref<128x128xf32, #tpu.memory_space<vmem>>, vector<1x16xf32>,
          %swap3A_408 = vector.shape_cast %swap3A_407 : vector<1x16xf32> to vector<16xf32>
          %swap3A_409 = vector.shape_cast %mul3A_404 : vector<16xf32> to vector<1x16xf32>
          tpu.vector_store %arg15[%swap3A_405, %swap3A_406], %swap3A_409 {strides = array<i32>} : memref<128x128xf32, #tpu.memory_space<vmem>>, vector<1x16xf32>,
          %get3A_410 = arith.index_cast %add3A_339 : i32 to index
          %get3A_411 = arith.constant 112 : index
          %get3A_412 = tpu.vector_load %arg15[%get3A_410, %get3A_411] {strides = array<i32>} : memref<128x128xf32, #tpu.memory_space<vmem>>, vector<1x16xf32>,
          %get3A_413 = vector.shape_cast %get3A_412 : vector<1x16xf32> to vector<16xf32>
          %mul3A_414 = arith.mulf %get3A_413, %broadcast_in_dim3A : vector<16xf32>
          %swap3A_415 = arith.index_cast %add3A_339 : i32 to index
          %swap3A_416 = arith.constant 112 : index
          %swap3A_417 = tpu.vector_load %arg15[%swap3A_415, %swap3A_416] {strides = array<i32>} : memref<128x128xf32, #tpu.memory_space<vmem>>, vector<1x16xf32>,
          %swap3A_418 = vector.shape_cast %swap3A_417 : vector<1x16xf32> to vector<16xf32>
          %swap3A_419 = vector.shape_cast %mul3A_414 : vector<16xf32> to vector<1x16xf32>
          tpu.vector_store %arg15[%swap3A_415, %swap3A_416], %swap3A_419 {strides = array<i32>} : memref<128x128xf32, #tpu.memory_space<vmem>>, vector<1x16xf32>,
          %slice3A_420 = vector.extract_strided_slice %get3A_335 {offsets = [1], sizes = [1], strides = [1]} : vector<16xf32> to vector<1xf32>
          %squeeze3A_421 = vector.extract %slice3A_420[0] : f32 from vector<1xf32>
          %broadcast_in_dim3A_422 = vector.broadcast %squeeze3A_421 : f32 to vector<16xf32>
          %mul3A_423 = arith.constant 16 : i32
          %mul3A_424 = arith.muli %scan3A_330, %mul3A_423 : i32
          %add3A_425 = arith.constant 1 : i32
          %add3A_426 = arith.addi %mul3A_424, %add3A_425 : i32
          %get3A_427 = arith.index_cast %add3A_426 : i32 to index
          %get3A_428 = arith.constant 0 : index
          %get3A_429 = tpu.vector_load %arg15[%get3A_427, %get3A_428] {strides = array<i32>} : memref<128x128xf32, #tpu.memory_space<vmem>>, vector<1x16xf32>,
          %get3A_430 = vector.shape_cast %get3A_429 : vector<1x16xf32> to vector<16xf32>
          %mul3A_431 = arith.mulf %get3A_430, %broadcast_in_dim3A_422 : vector<16xf32>
          %swap3A_432 = arith.index_cast %add3A_426 : i32 to index
          %swap3A_433 = arith.constant 0 : index
          %swap3A_434 = tpu.vector_load %arg15[%swap3A_432, %swap3A_433] {strides = array<i32>} : memref<128x128xf32, #tpu.memory_space<vmem>>, vector<1x16xf32>,
          %swap3A_435 = vector.shape_cast %swap3A_434 : vector<1x16xf32> to vector<16xf32>
          %swap3A_436 = vector.shape_cast %mul3A_431 : vector<16xf32> to vector<1x16xf32>
          tpu.vector_store %arg15[%swap3A_432, %swap3A_433], %swap3A_436 {strides = array<i32>} : memref<128x128xf32, #tpu.memory_space<vmem>>, vector<1x16xf32>,
          %get3A_437 = arith.index_cast %add3A_426 : i32 to index
          %get3A_438 = arith.constant 16 : index
          %get3A_439 = tpu.vector_load %arg15[%get3A_437, %get3A_438] {strides = array<i32>} : memref<128x128xf32, #tpu.memory_space<vmem>>, vector<1x16xf32>,
          %get3A_440 = vector.shape_cast %get3A_439 : vector<1x16xf32> to vector<16xf32>
          %mul3A_441 = arith.mulf %get3A_440, %broadcast_in_dim3A_422 : vector<16xf32>
          %swap3A_442 = arith.index_cast %add3A_426 : i32 to index
          %swap3A_443 = arith.constant 16 : index
          %swap3A_444 = tpu.vector_load %arg15[%swap3A_442, %swap3A_443] {strides = array<i32>} : memref<128x128xf32, #tpu.memory_space<vmem>>, vector<1x16xf32>,
          %swap3A_445 = vector.shape_cast %swap3A_444 : vector<1x16xf32> to vector<16xf32>
          %swap3A_446 = vector.shape_cast %mul3A_441 : vector<16xf32> to vector<1x16xf32>
          tpu.vector_store %arg15[%swap3A_442, %swap3A_443], %swap3A_446 {strides = array<i32>} : memref<128x128xf32, #tpu.memory_space<vmem>>, vector<1x16xf32>,
          %get3A_447 = arith.index_cast %add3A_426 : i32 to index
          %get3A_448 = arith.constant 32 : index
          %get3A_449 = tpu.vector_load %arg15[%get3A_447, %get3A_448] {strides = array<i32>} : memref<128x128xf32, #tpu.memory_space<vmem>>, vector<1x16xf32>,
          %get3A_450 = vector.shape_cast %get3A_449 : vector<1x16xf32> to vector<16xf32>
          %mul3A_451 = arith.mulf %get3A_450, %broadcast_in_dim3A_422 : vector<16xf32>
          %swap3A_452 = arith.index_cast %add3A_426 : i32 to index
          %swap3A_453 = arith.constant 32 : index
          %swap3A_454 = tpu.vector_load %arg15[%swap3A_452, %swap3A_453] {strides = array<i32>} : memref<128x128xf32, #tpu.memory_space<vmem>>, vector<1x16xf32>,
          %swap3A_455 = vector.shape_cast %swap3A_454 : vector<1x16xf32> to vector<16xf32>
          %swap3A_456 = vector.shape_cast %mul3A_451 : vector<16xf32> to vector<1x16xf32>
          tpu.vector_store %arg15[%swap3A_452, %swap3A_453], %swap3A_456 {strides = array<i32>} : memref<128x128xf32, #tpu.memory_space<vmem>>, vector<1x16xf32>,
          %get3A_457 = arith.index_cast %add3A_426 : i32 to index
          %get3A_458 = arith.constant 48 : index
          %get3A_459 = tpu.vector_load %arg15[%get3A_457, %get3A_458] {strides = array<i32>} : memref<128x128xf32, #tpu.memory_space<vmem>>, vector<1x16xf32>,
          %get3A_460 = vector.shape_cast %get3A_459 : vector<1x16xf32> to vector<16xf32>
          %mul3A_461 = arith.mulf %get3A_460, %broadcast_in_dim3A_422 : vector<16xf32>
          %swap3A_462 = arith.index_cast %add3A_426 : i32 to index
          %swap3A_463 = arith.constant 48 : index
          %swap3A_464 = tpu.vector_load %arg15[%swap3A_462, %swap3A_463] {strides = array<i32>} : memref<128x128xf32, #tpu.memory_space<vmem>>, vector<1x16xf32>,
          %swap3A_465 = vector.shape_cast %swap3A_464 : vector<1x16xf32> to vector<16xf32>
          %swap3A_466 = vector.shape_cast %mul3A_461 : vector<16xf32> to vector<1x16xf32>
          tpu.vector_store %arg15[%swap3A_462, %swap3A_463], %swap3A_466 {strides = array<i32>} : memref<128x128xf32, #tpu.memory_space<vmem>>, vector<1x16xf32>,
          %get3A_467 = arith.index_cast %add3A_426 : i32 to index
          %get3A_468 = arith.constant 64 : index
          %get3A_469 = tpu.vector_load %arg15[%get3A_467, %get3A_468] {strides = array<i32>} : memref<128x128xf32, #tpu.memory_space<vmem>>, vector<1x16xf32>,
          %get3A_470 = vector.shape_cast %get3A_469 : vector<1x16xf32> to vector<16xf32>
          %mul3A_471 = arith.mulf %get3A_470, %broadcast_in_dim3A_422 : vector<16xf32>
          %swap3A_472 = arith.index_cast %add3A_426 : i32 to index
          %swap3A_473 = arith.constant 64 : index
          %swap3A_474 = tpu.vector_load %arg15[%swap3A_472, %swap3A_473] {strides = array<i32>} : memref<128x128xf32, #tpu.memory_space<vmem>>, vector<1x16xf32>,
          %swap3A_475 = vector.shape_cast %swap3A_474 : vector<1x16xf32> to vector<16xf32>
          %swap3A_476 = vector.shape_cast %mul3A_471 : vector<16xf32> to vector<1x16xf32>
          tpu.vector_store %arg15[%swap3A_472, %swap3A_473], %swap3A_476 {strides = array<i32>} : memref<128x128xf32, #tpu.memory_space<vmem>>, vector<1x16xf32>,
          %get3A_477 = arith.index_cast %add3A_426 : i32 to index
          %get3A_478 = arith.constant 80 : index
          %get3A_479 = tpu.vector_load %arg15[%get3A_477, %get3A_478] {strides = array<i32>} : memref<128x128xf32, #tpu.memory_space<vmem>>, vector<1x16xf32>,
          %get3A_480 = vector.shape_cast %get3A_479 : vector<1x16xf32> to vector<16xf32>
          %mul3A_481 = arith.mulf %get3A_480, %broadcast_in_dim3A_422 : vector<16xf32>
          %swap3A_482 = arith.index_cast %add3A_426 : i32 to index
          %swap3A_483 = arith.constant 80 : index
          %swap3A_484 = tpu.vector_load %arg15[%swap3A_482, %swap3A_483] {strides = array<i32>} : memref<128x128xf32, #tpu.memory_space<vmem>>, vector<1x16xf32>,
          %swap3A_485 = vector.shape_cast %swap3A_484 : vector<1x16xf32> to vector<16xf32>
          %swap3A_486 = vector.shape_cast %mul3A_481 : vector<16xf32> to vector<1x16xf32>
          tpu.vector_store %arg15[%swap3A_482, %swap3A_483], %swap3A_486 {strides = array<i32>} : memref<128x128xf32, #tpu.memory_space<vmem>>, vector<1x16xf32>,
          %get3A_487 = arith.index_cast %add3A_426 : i32 to index
          %get3A_488 = arith.constant 96 : index
          %get3A_489 = tpu.vector_load %arg15[%get3A_487, %get3A_488] {strides = array<i32>} : memref<128x128xf32, #tpu.memory_space<vmem>>, vector<1x16xf32>,
          %get3A_490 = vector.shape_cast %get3A_489 : vector<1x16xf32> to vector<16xf32>
          %mul3A_491 = arith.mulf %get3A_490, %broadcast_in_dim3A_422 : vector<16xf32>
          %swap3A_492 = arith.index_cast %add3A_426 : i32 to index
          %swap3A_493 = arith.constant 96 : index
          %swap3A_494 = tpu.vector_load %arg15[%swap3A_492, %swap3A_493] {strides = array<i32>} : memref<128x128xf32, #tpu.memory_space<vmem>>, vector<1x16xf32>,
          %swap3A_495 = vector.shape_cast %swap3A_494 : vector<1x16xf32> to vector<16xf32>
          %swap3A_496 = vector.shape_cast %mul3A_491 : vector<16xf32> to vector<1x16xf32>
          tpu.vector_store %arg15[%swap3A_492, %swap3A_493], %swap3A_496 {strides = array<i32>} : memref<128x128xf32, #tpu.memory_space<vmem>>, vector<1x16xf32>,
          %get3A_497 = arith.index_cast %add3A_426 : i32 to index
          %get3A_498 = arith.constant 112 : index
          %get3A_499 = tpu.vector_load %arg15[%get3A_497, %get3A_498] {strides = array<i32>} : memref<128x128xf32, #tpu.memory_space<vmem>>, vector<1x16xf32>,
          %get3A_500 = vector.shape_cast %get3A_499 : vector<1x16xf32> to vector<16xf32>
          %mul3A_501 = arith.mulf %get3A_500, %broadcast_in_dim3A_422 : vector<16xf32>
          %swap3A_502 = arith.index_cast %add3A_426 : i32 to index
          %swap3A_503 = arith.constant 112 : index
          %swap3A_504 = tpu.vector_load %arg15[%swap3A_502, %swap3A_503] {strides = array<i32>} : memref<128x128xf32, #tpu.memory_space<vmem>>, vector<1x16xf32>,
          %swap3A_505 = vector.shape_cast %swap3A_504 : vector<1x16xf32> to vector<16xf32>
          %swap3A_506 = vector.shape_cast %mul3A_501 : vector<16xf32> to vector<1x16xf32>
          tpu.vector_store %arg15[%swap3A_502, %swap3A_503], %swap3A_506 {strides = array<i32>} : memref<128x128xf32, #tpu.memory_space<vmem>>, vector<1x16xf32>,
          %slice3A_507 = vector.extract_strided_slice %get3A_335 {offsets = [2], sizes = [1], strides = [1]} : vector<16xf32> to vector<1xf32>
          %squeeze3A_508 = vector.extract %slice3A_507[0] : f32 from vector<1xf32>
          %broadcast_in_dim3A_509 = vector.broadcast %squeeze3A_508 : f32 to vector<16xf32>
          %mul3A_510 = arith.constant 16 : i32
          %mul3A_511 = arith.muli %scan3A_330, %mul3A_510 : i32
          %add3A_512 = arith.constant 2 : i32
          %add3A_513 = arith.addi %mul3A_511, %add3A_512 : i32
          %get3A_514 = arith.index_cast %add3A_513 : i32 to index
          %get3A_515 = arith.constant 0 : index
          %get3A_516 = tpu.vector_load %arg15[%get3A_514, %get3A_515] {strides = array<i32>} : memref<128x128xf32, #tpu.memory_space<vmem>>, vector<1x16xf32>,
          %get3A_517 = vector.shape_cast %get3A_516 : vector<1x16xf32> to vector<16xf32>
          %mul3A_518 = arith.mulf %get3A_517, %broadcast_in_dim3A_509 : vector<16xf32>
          %swap3A_519 = arith.index_cast %add3A_513 : i32 to index
          %swap3A_520 = arith.constant 0 : index
          %swap3A_521 = tpu.vector_load %arg15[%swap3A_519, %swap3A_520] {strides = array<i32>} : memref<128x128xf32, #tpu.memory_space<vmem>>, vector<1x16xf32>,
          %swap3A_522 = vector.shape_cast %swap3A_521 : vector<1x16xf32> to vector<16xf32>
          %swap3A_523 = vector.shape_cast %mul3A_518 : vector<16xf32> to vector<1x16xf32>
          tpu.vector_store %arg15[%swap3A_519, %swap3A_520], %swap3A_523 {strides = array<i32>} : memref<128x128xf32, #tpu.memory_space<vmem>>, vector<1x16xf32>,
          %get3A_524 = arith.index_cast %add3A_513 : i32 to index
          %get3A_525 = arith.constant 16 : index
          %get3A_526 = tpu.vector_load %arg15[%get3A_524, %get3A_525] {strides = array<i32>} : memref<128x128xf32, #tpu.memory_space<vmem>>, vector<1x16xf32>,
          %get3A_527 = vector.shape_cast %get3A_526 : vector<1x16xf32> to vector<16xf32>
          %mul3A_528 = arith.mulf %get3A_527, %broadcast_in_dim3A_509 : vector<16xf32>
          %swap3A_529 = arith.index_cast %add3A_513 : i32 to index
          %swap3A_530 = arith.constant 16 : index
          %swap3A_531 = tpu.vector_load %arg15[%swap3A_529, %swap3A_530] {strides = array<i32>} : memref<128x128xf32, #tpu.memory_space<vmem>>, vector<1x16xf32>,
          %swap3A_532 = vector.shape_cast %swap3A_531 : vector<1x16xf32> to vector<16xf32>
          %swap3A_533 = vector.shape_cast %mul3A_528 : vector<16xf32> to vector<1x16xf32>
          tpu.vector_store %arg15[%swap3A_529, %swap3A_530], %swap3A_533 {strides = array<i32>} : memref<128x128xf32, #tpu.memory_space<vmem>>, vector<1x16xf32>,
          %get3A_534 = arith.index_cast %add3A_513 : i32 to index
          %get3A_535 = arith.constant 32 : index
          %get3A_536 = tpu.vector_load %arg15[%get3A_534, %get3A_535] {strides = array<i32>} : memref<128x128xf32, #tpu.memory_space<vmem>>, vector<1x16xf32>,
          %get3A_537 = vector.shape_cast %get3A_536 : vector<1x16xf32> to vector<16xf32>
          %mul3A_538 = arith.mulf %get3A_537, %broadcast_in_dim3A_509 : vector<16xf32>
          %swap3A_539 = arith.index_cast %add3A_513 : i32 to index
          %swap3A_540 = arith.constant 32 : index
          %swap3A_541 = tpu.vector_load %arg15[%swap3A_539, %swap3A_540] {strides = array<i32>} : memref<128x128xf32, #tpu.memory_space<vmem>>, vector<1x16xf32>,
          %swap3A_542 = vector.shape_cast %swap3A_541 : vector<1x16xf32> to vector<16xf32>
          %swap3A_543 = vector.shape_cast %mul3A_538 : vector<16xf32> to vector<1x16xf32>
          tpu.vector_store %arg15[%swap3A_539, %swap3A_540], %swap3A_543 {strides = array<i32>} : memref<128x128xf32, #tpu.memory_space<vmem>>, vector<1x16xf32>,
          %get3A_544 = arith.index_cast %add3A_513 : i32 to index
          %get3A_545 = arith.constant 48 : index
          %get3A_546 = tpu.vector_load %arg15[%get3A_544, %get3A_545] {strides = array<i32>} : memref<128x128xf32, #tpu.memory_space<vmem>>, vector<1x16xf32>,
          %get3A_547 = vector.shape_cast %get3A_546 : vector<1x16xf32> to vector<16xf32>
          %mul3A_548 = arith.mulf %get3A_547, %broadcast_in_dim3A_509 : vector<16xf32>
          %swap3A_549 = arith.index_cast %add3A_513 : i32 to index
          %swap3A_550 = arith.constant 48 : index
          %swap3A_551 = tpu.vector_load %arg15[%swap3A_549, %swap3A_550] {strides = array<i32>} : memref<128x128xf32, #tpu.memory_space<vmem>>, vector<1x16xf32>,
          %swap3A_552 = vector.shape_cast %swap3A_551 : vector<1x16xf32> to vector<16xf32>
          %swap3A_553 = vector.shape_cast %mul3A_548 : vector<16xf32> to vector<1x16xf32>
          tpu.vector_store %arg15[%swap3A_549, %swap3A_550], %swap3A_553 {strides = array<i32>} : memref<128x128xf32, #tpu.memory_space<vmem>>, vector<1x16xf32>,
          %get3A_554 = arith.index_cast %add3A_513 : i32 to index
          %get3A_555 = arith.constant 64 : index
          %get3A_556 = tpu.vector_load %arg15[%get3A_554, %get3A_555] {strides = array<i32>} : memref<128x128xf32, #tpu.memory_space<vmem>>, vector<1x16xf32>,
          %get3A_557 = vector.shape_cast %get3A_556 : vector<1x16xf32> to vector<16xf32>
          %mul3A_558 = arith.mulf %get3A_557, %broadcast_in_dim3A_509 : vector<16xf32>
          %swap3A_559 = arith.index_cast %add3A_513 : i32 to index
          %swap3A_560 = arith.constant 64 : index
          %swap3A_561 = tpu.vector_load %arg15[%swap3A_559, %swap3A_560] {strides = array<i32>} : memref<128x128xf32, #tpu.memory_space<vmem>>, vector<1x16xf32>,
          %swap3A_562 = vector.shape_cast %swap3A_561 : vector<1x16xf32> to vector<16xf32>
          %swap3A_563 = vector.shape_cast %mul3A_558 : vector<16xf32> to vector<1x16xf32>
          tpu.vector_store %arg15[%swap3A_559, %swap3A_560], %swap3A_563 {strides = array<i32>} : memref<128x128xf32, #tpu.memory_space<vmem>>, vector<1x16xf32>,
          %get3A_564 = arith.index_cast %add3A_513 : i32 to index
          %get3A_565 = arith.constant 80 : index
          %get3A_566 = tpu.vector_load %arg15[%get3A_564, %get3A_565] {strides = array<i32>} : memref<128x128xf32, #tpu.memory_space<vmem>>, vector<1x16xf32>,
          %get3A_567 = vector.shape_cast %get3A_566 : vector<1x16xf32> to vector<16xf32>
          %mul3A_568 = arith.mulf %get3A_567, %broadcast_in_dim3A_509 : vector<16xf32>
          %swap3A_569 = arith.index_cast %add3A_513 : i32 to index
          %swap3A_570 = arith.constant 80 : index
          %swap3A_571 = tpu.vector_load %arg15[%swap3A_569, %swap3A_570] {strides = array<i32>} : memref<128x128xf32, #tpu.memory_space<vmem>>, vector<1x16xf32>,
          %swap3A_572 = vector.shape_cast %swap3A_571 : vector<1x16xf32> to vector<16xf32>
          %swap3A_573 = vector.shape_cast %mul3A_568 : vector<16xf32> to vector<1x16xf32>
          tpu.vector_store %arg15[%swap3A_569, %swap3A_570], %swap3A_573 {strides = array<i32>} : memref<128x128xf32, #tpu.memory_space<vmem>>, vector<1x16xf32>,
          %get3A_574 = arith.index_cast %add3A_513 : i32 to index
          %get3A_575 = arith.constant 96 : index
          %get3A_576 = tpu.vector_load %arg15[%get3A_574, %get3A_575] {strides = array<i32>} : memref<128x128xf32, #tpu.memory_space<vmem>>, vector<1x16xf32>,
          %get3A_577 = vector.shape_cast %get3A_576 : vector<1x16xf32> to vector<16xf32>
          %mul3A_578 = arith.mulf %get3A_577, %broadcast_in_dim3A_509 : vector<16xf32>
          %swap3A_579 = arith.index_cast %add3A_513 : i32 to index
          %swap3A_580 = arith.constant 96 : index
          %swap3A_581 = tpu.vector_load %arg15[%swap3A_579, %swap3A_580] {strides = array<i32>} : memref<128x128xf32, #tpu.memory_space<vmem>>, vector<1x16xf32>,
          %swap3A_582 = vector.shape_cast %swap3A_581 : vector<1x16xf32> to vector<16xf32>
          %swap3A_583 = vector.shape_cast %mul3A_578 : vector<16xf32> to vector<1x16xf32>
          tpu.vector_store %arg15[%swap3A_579, %swap3A_580], %swap3A_583 {strides = array<i32>} : memref<128x128xf32, #tpu.memory_space<vmem>>, vector<1x16xf32>,
          %get3A_584 = arith.index_cast %add3A_513 : i32 to index
          %get3A_585 = arith.constant 112 : index
          %get3A_586 = tpu.vector_load %arg15[%get3A_584, %get3A_585] {strides = array<i32>} : memref<128x128xf32, #tpu.memory_space<vmem>>, vector<1x16xf32>,
          %get3A_587 = vector.shape_cast %get3A_586 : vector<1x16xf32> to vector<16xf32>
          %mul3A_588 = arith.mulf %get3A_587, %broadcast_in_dim3A_509 : vector<16xf32>
          %swap3A_589 = arith.index_cast %add3A_513 : i32 to index
          %swap3A_590 = arith.constant 112 : index
          %swap3A_591 = tpu.vector_load %arg15[%swap3A_589, %swap3A_590] {strides = array<i32>} : memref<128x128xf32, #tpu.memory_space<vmem>>, vector<1x16xf32>,
          %swap3A_592 = vector.shape_cast %swap3A_591 : vector<1x16xf32> to vector<16xf32>
          %swap3A_593 = vector.shape_cast %mul3A_588 : vector<16xf32> to vector<1x16xf32>
          tpu.vector_store %arg15[%swap3A_589, %swap3A_590], %swap3A_593 {strides = array<i32>} : memref<128x128xf32, #tpu.memory_space<vmem>>, vector<1x16xf32>,
          %slice3A_594 = vector.extract_strided_slice %get3A_335 {offsets = [3], sizes = [1], strides = [1]} : vector<16xf32> to vector<1xf32>
          %squeeze3A_595 = vector.extract %slice3A_594[0] : f32 from vector<1xf32>
          %broadcast_in_dim3A_596 = vector.broadcast %squeeze3A_595 : f32 to vector<16xf32>
          %mul3A_597 = arith.constant 16 : i32
          %mul3A_598 = arith.muli %scan3A_330, %mul3A_597 : i32
          %add3A_599 = arith.constant 3 : i32
          %add3A_600 = arith.addi %mul3A_598, %add3A_599 : i32
          %get3A_601 = arith.index_cast %add3A_600 : i32 to index
          %get3A_602 = arith.constant 0 : index
          %get3A_603 = tpu.vector_load %arg15[%get3A_601, %get3A_602] {strides = array<i32>} : memref<128x128xf32, #tpu.memory_space<vmem>>, vector<1x16xf32>,
          %get3A_604 = vector.shape_cast %get3A_603 : vector<1x16xf32> to vector<16xf32>
          %mul3A_605 = arith.mulf %get3A_604, %broadcast_in_dim3A_596 : vector<16xf32>
          %swap3A_606 = arith.index_cast %add3A_600 : i32 to index
          %swap3A_607 = arith.constant 0 : index
          %swap3A_608 = tpu.vector_load %arg15[%swap3A_606, %swap3A_607] {strides = array<i32>} : memref<128x128xf32, #tpu.memory_space<vmem>>, vector<1x16xf32>,
          %swap3A_609 = vector.shape_cast %swap3A_608 : vector<1x16xf32> to vector<16xf32>
          %swap3A_610 = vector.shape_cast %mul3A_605 : vector<16xf32> to vector<1x16xf32>
          tpu.vector_store %arg15[%swap3A_606, %swap3A_607], %swap3A_610 {strides = array<i32>} : memref<128x128xf32, #tpu.memory_space<vmem>>, vector<1x16xf32>,
          %get3A_611 = arith.index_cast %add3A_600 : i32 to index
          %get3A_612 = arith.constant 16 : index
          %get3A_613 = tpu.vector_load %arg15[%get3A_611, %get3A_612] {strides = array<i32>} : memref<128x128xf32, #tpu.memory_space<vmem>>, vector<1x16xf32>,
          %get3A_614 = vector.shape_cast %get3A_613 : vector<1x16xf32> to vector<16xf32>
          %mul3A_615 = arith.mulf %get3A_614, %broadcast_in_dim3A_596 : vector<16xf32>
          %swap3A_616 = arith.index_cast %add3A_600 : i32 to index
          %swap3A_617 = arith.constant 16 : index
          %swap3A_618 = tpu.vector_load %arg15[%swap3A_616, %swap3A_617] {strides = array<i32>} : memref<128x128xf32, #tpu.memory_space<vmem>>, vector<1x16xf32>,
          %swap3A_619 = vector.shape_cast %swap3A_618 : vector<1x16xf32> to vector<16xf32>
          %swap3A_620 = vector.shape_cast %mul3A_615 : vector<16xf32> to vector<1x16xf32>
          tpu.vector_store %arg15[%swap3A_616, %swap3A_617], %swap3A_620 {strides = array<i32>} : memref<128x128xf32, #tpu.memory_space<vmem>>, vector<1x16xf32>,
          %get3A_621 = arith.index_cast %add3A_600 : i32 to index
          %get3A_622 = arith.constant 32 : index
          %get3A_623 = tpu.vector_load %arg15[%get3A_621, %get3A_622] {strides = array<i32>} : memref<128x128xf32, #tpu.memory_space<vmem>>, vector<1x16xf32>,
          %get3A_624 = vector.shape_cast %get3A_623 : vector<1x16xf32> to vector<16xf32>
          %mul3A_625 = arith.mulf %get3A_624, %broadcast_in_dim3A_596 : vector<16xf32>
          %swap3A_626 = arith.index_cast %add3A_600 : i32 to index
          %swap3A_627 = arith.constant 32 : index
          %swap3A_628 = tpu.vector_load %arg15[%swap3A_626, %swap3A_627] {strides = array<i32>} : memref<128x128xf32, #tpu.memory_space<vmem>>, vector<1x16xf32>,
          %swap3A_629 = vector.shape_cast %swap3A_628 : vector<1x16xf32> to vector<16xf32>
          %swap3A_630 = vector.shape_cast %mul3A_625 : vector<16xf32> to vector<1x16xf32>
          tpu.vector_store %arg15[%swap3A_626, %swap3A_627], %swap3A_630 {strides = array<i32>} : memref<128x128xf32, #tpu.memory_space<vmem>>, vector<1x16xf32>,
          %get3A_631 = arith.index_cast %add3A_600 : i32 to index
          %get3A_632 = arith.constant 48 : index
          %get3A_633 = tpu.vector_load %arg15[%get3A_631, %get3A_632] {strides = array<i32>} : memref<128x128xf32, #tpu.memory_space<vmem>>, vector<1x16xf32>,
          %get3A_634 = vector.shape_cast %get3A_633 : vector<1x16xf32> to vector<16xf32>
          %mul3A_635 = arith.mulf %get3A_634, %broadcast_in_dim3A_596 : vector<16xf32>
          %swap3A_636 = arith.index_cast %add3A_600 : i32 to index
          %swap3A_637 = arith.constant 48 : index
          %swap3A_638 = tpu.vector_load %arg15[%swap3A_636, %swap3A_637] {strides = array<i32>} : memref<128x128xf32, #tpu.memory_space<vmem>>, vector<1x16xf32>,
          %swap3A_639 = vector.shape_cast %swap3A_638 : vector<1x16xf32> to vector<16xf32>
          %swap3A_640 = vector.shape_cast %mul3A_635 : vector<16xf32> to vector<1x16xf32>
          tpu.vector_store %arg15[%swap3A_636, %swap3A_637], %swap3A_640 {strides = array<i32>} : memref<128x128xf32, #tpu.memory_space<vmem>>, vector<1x16xf32>,
          %get3A_641 = arith.index_cast %add3A_600 : i32 to index
          %get3A_642 = arith.constant 64 : index
          %get3A_643 = tpu.vector_load %arg15[%get3A_641, %get3A_642] {strides = array<i32>} : memref<128x128xf32, #tpu.memory_space<vmem>>, vector<1x16xf32>,
          %get3A_644 = vector.shape_cast %get3A_643 : vector<1x16xf32> to vector<16xf32>
          %mul3A_645 = arith.mulf %get3A_644, %broadcast_in_dim3A_596 : vector<16xf32>
          %swap3A_646 = arith.index_cast %add3A_600 : i32 to index
          %swap3A_647 = arith.constant 64 : index
          %swap3A_648 = tpu.vector_load %arg15[%swap3A_646, %swap3A_647] {strides = array<i32>} : memref<128x128xf32, #tpu.memory_space<vmem>>, vector<1x16xf32>,
          %swap3A_649 = vector.shape_cast %swap3A_648 : vector<1x16xf32> to vector<16xf32>
          %swap3A_650 = vector.shape_cast %mul3A_645 : vector<16xf32> to vector<1x16xf32>
          tpu.vector_store %arg15[%swap3A_646, %swap3A_647], %swap3A_650 {strides = array<i32>} : memref<128x128xf32, #tpu.memory_space<vmem>>, vector<1x16xf32>,
          %get3A_651 = arith.index_cast %add3A_600 : i32 to index
          %get3A_652 = arith.constant 80 : index
          %get3A_653 = tpu.vector_load %arg15[%get3A_651, %get3A_652] {strides = array<i32>} : memref<128x128xf32, #tpu.memory_space<vmem>>, vector<1x16xf32>,
          %get3A_654 = vector.shape_cast %get3A_653 : vector<1x16xf32> to vector<16xf32>
          %mul3A_655 = arith.mulf %get3A_654, %broadcast_in_dim3A_596 : vector<16xf32>
          %swap3A_656 = arith.index_cast %add3A_600 : i32 to index
          %swap3A_657 = arith.constant 80 : index
          %swap3A_658 = tpu.vector_load %arg15[%swap3A_656, %swap3A_657] {strides = array<i32>} : memref<128x128xf32, #tpu.memory_space<vmem>>, vector<1x16xf32>,
          %swap3A_659 = vector.shape_cast %swap3A_658 : vector<1x16xf32> to vector<16xf32>
          %swap3A_660 = vector.shape_cast %mul3A_655 : vector<16xf32> to vector<1x16xf32>
          tpu.vector_store %arg15[%swap3A_656, %swap3A_657], %swap3A_660 {strides = array<i32>} : memref<128x128xf32, #tpu.memory_space<vmem>>, vector<1x16xf32>,
          %get3A_661 = arith.index_cast %add3A_600 : i32 to index
          %get3A_662 = arith.constant 96 : index
          %get3A_663 = tpu.vector_load %arg15[%get3A_661, %get3A_662] {strides = array<i32>} : memref<128x128xf32, #tpu.memory_space<vmem>>, vector<1x16xf32>,
          %get3A_664 = vector.shape_cast %get3A_663 : vector<1x16xf32> to vector<16xf32>
          %mul3A_665 = arith.mulf %get3A_664, %broadcast_in_dim3A_596 : vector<16xf32>
          %swap3A_666 = arith.index_cast %add3A_600 : i32 to index
          %swap3A_667 = arith.constant 96 : index
          %swap3A_668 = tpu.vector_load %arg15[%swap3A_666, %swap3A_667] {strides = array<i32>} : memref<128x128xf32, #tpu.memory_space<vmem>>, vector<1x16xf32>,
          %swap3A_669 = vector.shape_cast %swap3A_668 : vector<1x16xf32> to vector<16xf32>
          %swap3A_670 = vector.shape_cast %mul3A_665 : vector<16xf32> to vector<1x16xf32>
          tpu.vector_store %arg15[%swap3A_666, %swap3A_667], %swap3A_670 {strides = array<i32>} : memref<128x128xf32, #tpu.memory_space<vmem>>, vector<1x16xf32>,
          %get3A_671 = arith.index_cast %add3A_600 : i32 to index
          %get3A_672 = arith.constant 112 : index
          %get3A_673 = tpu.vector_load %arg15[%get3A_671, %get3A_672] {strides = array<i32>} : memref<128x128xf32, #tpu.memory_space<vmem>>, vector<1x16xf32>,
          %get3A_674 = vector.shape_cast %get3A_673 : vector<1x16xf32> to vector<16xf32>
          %mul3A_675 = arith.mulf %get3A_674, %broadcast_in_dim3A_596 : vector<16xf32>
          %swap3A_676 = arith.index_cast %add3A_600 : i32 to index
          %swap3A_677 = arith.constant 112 : index
          %swap3A_678 = tpu.vector_load %arg15[%swap3A_676, %swap3A_677] {strides = array<i32>} : memref<128x128xf32, #tpu.memory_space<vmem>>, vector<1x16xf32>,
          %swap3A_679 = vector.shape_cast %swap3A_678 : vector<1x16xf32> to vector<16xf32>
          %swap3A_680 = vector.shape_cast %mul3A_675 : vector<16xf32> to vector<1x16xf32>
          tpu.vector_store %arg15[%swap3A_676, %swap3A_677], %swap3A_680 {strides = array<i32>} : memref<128x128xf32, #tpu.memory_space<vmem>>, vector<1x16xf32>,
          %slice3A_681 = vector.extract_strided_slice %get3A_335 {offsets = [4], sizes = [1], strides = [1]} : vector<16xf32> to vector<1xf32>
          %squeeze3A_682 = vector.extract %slice3A_681[0] : f32 from vector<1xf32>
          %broadcast_in_dim3A_683 = vector.broadcast %squeeze3A_682 : f32 to vector<16xf32>
          %mul3A_684 = arith.constant 16 : i32
          %mul3A_685 = arith.muli %scan3A_330, %mul3A_684 : i32
          %add3A_686 = arith.constant 4 : i32
          %add3A_687 = arith.addi %mul3A_685, %add3A_686 : i32
          %get3A_688 = arith.index_cast %add3A_687 : i32 to index
          %get3A_689 = arith.constant 0 : index
          %get3A_690 = tpu.vector_load %arg15[%get3A_688, %get3A_689] {strides = array<i32>} : memref<128x128xf32, #tpu.memory_space<vmem>>, vector<1x16xf32>,
          %get3A_691 = vector.shape_cast %get3A_690 : vector<1x16xf32> to vector<16xf32>
          %mul3A_692 = arith.mulf %get3A_691, %broadcast_in_dim3A_683 : vector<16xf32>
          %swap3A_693 = arith.index_cast %add3A_687 : i32 to index
          %swap3A_694 = arith.constant 0 : index
          %swap3A_695 = tpu.vector_load %arg15[%swap3A_693, %swap3A_694] {strides = array<i32>} : memref<128x128xf32, #tpu.memory_space<vmem>>, vector<1x16xf32>,
          %swap3A_696 = vector.shape_cast %swap3A_695 : vector<1x16xf32> to vector<16xf32>
          %swap3A_697 = vector.shape_cast %mul3A_692 : vector<16xf32> to vector<1x16xf32>
          tpu.vector_store %arg15[%swap3A_693, %swap3A_694], %swap3A_697 {strides = array<i32>} : memref<128x128xf32, #tpu.memory_space<vmem>>, vector<1x16xf32>,
          %get3A_698 = arith.index_cast %add3A_687 : i32 to index
          %get3A_699 = arith.constant 16 : index
          %get3A_700 = tpu.vector_load %arg15[%get3A_698, %get3A_699] {strides = array<i32>} : memref<128x128xf32, #tpu.memory_space<vmem>>, vector<1x16xf32>,
          %get3A_701 = vector.shape_cast %get3A_700 : vector<1x16xf32> to vector<16xf32>
          %mul3A_702 = arith.mulf %get3A_701, %broadcast_in_dim3A_683 : vector<16xf32>
          %swap3A_703 = arith.index_cast %add3A_687 : i32 to index
          %swap3A_704 = arith.constant 16 : index
          %swap3A_705 = tpu.vector_load %arg15[%swap3A_703, %swap3A_704] {strides = array<i32>} : memref<128x128xf32, #tpu.memory_space<vmem>>, vector<1x16xf32>,
          %swap3A_706 = vector.shape_cast %swap3A_705 : vector<1x16xf32> to vector<16xf32>
          %swap3A_707 = vector.shape_cast %mul3A_702 : vector<16xf32> to vector<1x16xf32>
          tpu.vector_store %arg15[%swap3A_703, %swap3A_704], %swap3A_707 {strides = array<i32>} : memref<128x128xf32, #tpu.memory_space<vmem>>, vector<1x16xf32>,
          %get3A_708 = arith.index_cast %add3A_687 : i32 to index
          %get3A_709 = arith.constant 32 : index
          %get3A_710 = tpu.vector_load %arg15[%get3A_708, %get3A_709] {strides = array<i32>} : memref<128x128xf32, #tpu.memory_space<vmem>>, vector<1x16xf32>,
          %get3A_711 = vector.shape_cast %get3A_710 : vector<1x16xf32> to vector<16xf32>
          %mul3A_712 = arith.mulf %get3A_711, %broadcast_in_dim3A_683 : vector<16xf32>
          %swap3A_713 = arith.index_cast %add3A_687 : i32 to index
          %swap3A_714 = arith.constant 32 : index
          %swap3A_715 = tpu.vector_load %arg15[%swap3A_713, %swap3A_714] {strides = array<i32>} : memref<128x128xf32, #tpu.memory_space<vmem>>, vector<1x16xf32>,
          %swap3A_716 = vector.shape_cast %swap3A_715 : vector<1x16xf32> to vector<16xf32>
          %swap3A_717 = vector.shape_cast %mul3A_712 : vector<16xf32> to vector<1x16xf32>
          tpu.vector_store %arg15[%swap3A_713, %swap3A_714], %swap3A_717 {strides = array<i32>} : memref<128x128xf32, #tpu.memory_space<vmem>>, vector<1x16xf32>,
          %get3A_718 = arith.index_cast %add3A_687 : i32 to index
          %get3A_719 = arith.constant 48 : index
          %get3A_720 = tpu.vector_load %arg15[%get3A_718, %get3A_719] {strides = array<i32>} : memref<128x128xf32, #tpu.memory_space<vmem>>, vector<1x16xf32>,
          %get3A_721 = vector.shape_cast %get3A_720 : vector<1x16xf32> to vector<16xf32>
          %mul3A_722 = arith.mulf %get3A_721, %broadcast_in_dim3A_683 : vector<16xf32>
          %swap3A_723 = arith.index_cast %add3A_687 : i32 to index
          %swap3A_724 = arith.constant 48 : index
          %swap3A_725 = tpu.vector_load %arg15[%swap3A_723, %swap3A_724] {strides = array<i32>} : memref<128x128xf32, #tpu.memory_space<vmem>>, vector<1x16xf32>,
          %swap3A_726 = vector.shape_cast %swap3A_725 : vector<1x16xf32> to vector<16xf32>
          %swap3A_727 = vector.shape_cast %mul3A_722 : vector<16xf32> to vector<1x16xf32>
          tpu.vector_store %arg15[%swap3A_723, %swap3A_724], %swap3A_727 {strides = array<i32>} : memref<128x128xf32, #tpu.memory_space<vmem>>, vector<1x16xf32>,
          %get3A_728 = arith.index_cast %add3A_687 : i32 to index
          %get3A_729 = arith.constant 64 : index
          %get3A_730 = tpu.vector_load %arg15[%get3A_728, %get3A_729] {strides = array<i32>} : memref<128x128xf32, #tpu.memory_space<vmem>>, vector<1x16xf32>,
          %get3A_731 = vector.shape_cast %get3A_730 : vector<1x16xf32> to vector<16xf32>
          %mul3A_732 = arith.mulf %get3A_731, %broadcast_in_dim3A_683 : vector<16xf32>
          %swap3A_733 = arith.index_cast %add3A_687 : i32 to index
          %swap3A_734 = arith.constant 64 : index
          %swap3A_735 = tpu.vector_load %arg15[%swap3A_733, %swap3A_734] {strides = array<i32>} : memref<128x128xf32, #tpu.memory_space<vmem>>, vector<1x16xf32>,
          %swap3A_736 = vector.shape_cast %swap3A_735 : vector<1x16xf32> to vector<16xf32>
          %swap3A_737 = vector.shape_cast %mul3A_732 : vector<16xf32> to vector<1x16xf32>
          tpu.vector_store %arg15[%swap3A_733, %swap3A_734], %swap3A_737 {strides = array<i32>} : memref<128x128xf32, #tpu.memory_space<vmem>>, vector<1x16xf32>,
          %get3A_738 = arith.index_cast %add3A_687 : i32 to index
          %get3A_739 = arith.constant 80 : index
          %get3A_740 = tpu.vector_load %arg15[%get3A_738, %get3A_739] {strides = array<i32>} : memref<128x128xf32, #tpu.memory_space<vmem>>, vector<1x16xf32>,
          %get3A_741 = vector.shape_cast %get3A_740 : vector<1x16xf32> to vector<16xf32>
          %mul3A_742 = arith.mulf %get3A_741, %broadcast_in_dim3A_683 : vector<16xf32>
          %swap3A_743 = arith.index_cast %add3A_687 : i32 to index
          %swap3A_744 = arith.constant 80 : index
          %swap3A_745 = tpu.vector_load %arg15[%swap3A_743, %swap3A_744] {strides = array<i32>} : memref<128x128xf32, #tpu.memory_space<vmem>>, vector<1x16xf32>,
          %swap3A_746 = vector.shape_cast %swap3A_745 : vector<1x16xf32> to vector<16xf32>
          %swap3A_747 = vector.shape_cast %mul3A_742 : vector<16xf32> to vector<1x16xf32>
          tpu.vector_store %arg15[%swap3A_743, %swap3A_744], %swap3A_747 {strides = array<i32>} : memref<128x128xf32, #tpu.memory_space<vmem>>, vector<1x16xf32>,
          %get3A_748 = arith.index_cast %add3A_687 : i32 to index
          %get3A_749 = arith.constant 96 : index
          %get3A_750 = tpu.vector_load %arg15[%get3A_748, %get3A_749] {strides = array<i32>} : memref<128x128xf32, #tpu.memory_space<vmem>>, vector<1x16xf32>,
          %get3A_751 = vector.shape_cast %get3A_750 : vector<1x16xf32> to vector<16xf32>
          %mul3A_752 = arith.mulf %get3A_751, %broadcast_in_dim3A_683 : vector<16xf32>
          %swap3A_753 = arith.index_cast %add3A_687 : i32 to index
          %swap3A_754 = arith.constant 96 : index
          %swap3A_755 = tpu.vector_load %arg15[%swap3A_753, %swap3A_754] {strides = array<i32>} : memref<128x128xf32, #tpu.memory_space<vmem>>, vector<1x16xf32>,
          %swap3A_756 = vector.shape_cast %swap3A_755 : vector<1x16xf32> to vector<16xf32>
          %swap3A_757 = vector.shape_cast %mul3A_752 : vector<16xf32> to vector<1x16xf32>
          tpu.vector_store %arg15[%swap3A_753, %swap3A_754], %swap3A_757 {strides = array<i32>} : memref<128x128xf32, #tpu.memory_space<vmem>>, vector<1x16xf32>,
          %get3A_758 = arith.index_cast %add3A_687 : i32 to index
          %get3A_759 = arith.constant 112 : index
          %get3A_760 = tpu.vector_load %arg15[%get3A_758, %get3A_759] {strides = array<i32>} : memref<128x128xf32, #tpu.memory_space<vmem>>, vector<1x16xf32>,
          %get3A_761 = vector.shape_cast %get3A_760 : vector<1x16xf32> to vector<16xf32>
          %mul3A_762 = arith.mulf %get3A_761, %broadcast_in_dim3A_683 : vector<16xf32>
          %swap3A_763 = arith.index_cast %add3A_687 : i32 to index
          %swap3A_764 = arith.constant 112 : index
          %swap3A_765 = tpu.vector_load %arg15[%swap3A_763, %swap3A_764] {strides = array<i32>} : memref<128x128xf32, #tpu.memory_space<vmem>>, vector<1x16xf32>,
          %swap3A_766 = vector.shape_cast %swap3A_765 : vector<1x16xf32> to vector<16xf32>
          %swap3A_767 = vector.shape_cast %mul3A_762 : vector<16xf32> to vector<1x16xf32>
          tpu.vector_store %arg15[%swap3A_763, %swap3A_764], %swap3A_767 {strides = array<i32>} : memref<128x128xf32, #tpu.memory_space<vmem>>, vector<1x16xf32>,
          %slice3A_768 = vector.extract_strided_slice %get3A_335 {offsets = [5], sizes = [1], strides = [1]} : vector<16xf32> to vector<1xf32>
          %squeeze3A_769 = vector.extract %slice3A_768[0] : f32 from vector<1xf32>
          %broadcast_in_dim3A_770 = vector.broadcast %squeeze3A_769 : f32 to vector<16xf32>
          %mul3A_771 = arith.constant 16 : i32
          %mul3A_772 = arith.muli %scan3A_330, %mul3A_771 : i32
          %add3A_773 = arith.constant 5 : i32
          %add3A_774 = arith.addi %mul3A_772, %add3A_773 : i32
          %get3A_775 = arith.index_cast %add3A_774 : i32 to index
          %get3A_776 = arith.constant 0 : index
          %get3A_777 = tpu.vector_load %arg15[%get3A_775, %get3A_776] {strides = array<i32>} : memref<128x128xf32, #tpu.memory_space<vmem>>, vector<1x16xf32>,
          %get3A_778 = vector.shape_cast %get3A_777 : vector<1x16xf32> to vector<16xf32>
          %mul3A_779 = arith.mulf %get3A_778, %broadcast_in_dim3A_770 : vector<16xf32>
          %swap3A_780 = arith.index_cast %add3A_774 : i32 to index
          %swap3A_781 = arith.constant 0 : index
          %swap3A_782 = tpu.vector_load %arg15[%swap3A_780, %swap3A_781] {strides = array<i32>} : memref<128x128xf32, #tpu.memory_space<vmem>>, vector<1x16xf32>,
          %swap3A_783 = vector.shape_cast %swap3A_782 : vector<1x16xf32> to vector<16xf32>
          %swap3A_784 = vector.shape_cast %mul3A_779 : vector<16xf32> to vector<1x16xf32>
          tpu.vector_store %arg15[%swap3A_780, %swap3A_781], %swap3A_784 {strides = array<i32>} : memref<128x128xf32, #tpu.memory_space<vmem>>, vector<1x16xf32>,
          %get3A_785 = arith.index_cast %add3A_774 : i32 to index
          %get3A_786 = arith.constant 16 : index
          %get3A_787 = tpu.vector_load %arg15[%get3A_785, %get3A_786] {strides = array<i32>} : memref<128x128xf32, #tpu.memory_space<vmem>>, vector<1x16xf32>,
          %get3A_788 = vector.shape_cast %get3A_787 : vector<1x16xf32> to vector<16xf32>
          %mul3A_789 = arith.mulf %get3A_788, %broadcast_in_dim3A_770 : vector<16xf32>
          %swap3A_790 = arith.index_cast %add3A_774 : i32 to index
          %swap3A_791 = arith.constant 16 : index
          %swap3A_792 = tpu.vector_load %arg15[%swap3A_790, %swap3A_791] {strides = array<i32>} : memref<128x128xf32, #tpu.memory_space<vmem>>, vector<1x16xf32>,
          %swap3A_793 = vector.shape_cast %swap3A_792 : vector<1x16xf32> to vector<16xf32>
          %swap3A_794 = vector.shape_cast %mul3A_789 : vector<16xf32> to vector<1x16xf32>
          tpu.vector_store %arg15[%swap3A_790, %swap3A_791], %swap3A_794 {strides = array<i32>} : memref<128x128xf32, #tpu.memory_space<vmem>>, vector<1x16xf32>,
          %get3A_795 = arith.index_cast %add3A_774 : i32 to index
          %get3A_796 = arith.constant 32 : index
          %get3A_797 = tpu.vector_load %arg15[%get3A_795, %get3A_796] {strides = array<i32>} : memref<128x128xf32, #tpu.memory_space<vmem>>, vector<1x16xf32>,
          %get3A_798 = vector.shape_cast %get3A_797 : vector<1x16xf32> to vector<16xf32>
          %mul3A_799 = arith.mulf %get3A_798, %broadcast_in_dim3A_770 : vector<16xf32>
          %swap3A_800 = arith.index_cast %add3A_774 : i32 to index
          %swap3A_801 = arith.constant 32 : index
          %swap3A_802 = tpu.vector_load %arg15[%swap3A_800, %swap3A_801] {strides = array<i32>} : memref<128x128xf32, #tpu.memory_space<vmem>>, vector<1x16xf32>,
          %swap3A_803 = vector.shape_cast %swap3A_802 : vector<1x16xf32> to vector<16xf32>
          %swap3A_804 = vector.shape_cast %mul3A_799 : vector<16xf32> to vector<1x16xf32>
          tpu.vector_store %arg15[%swap3A_800, %swap3A_801], %swap3A_804 {strides = array<i32>} : memref<128x128xf32, #tpu.memory_space<vmem>>, vector<1x16xf32>,
          %get3A_805 = arith.index_cast %add3A_774 : i32 to index
          %get3A_806 = arith.constant 48 : index
          %get3A_807 = tpu.vector_load %arg15[%get3A_805, %get3A_806] {strides = array<i32>} : memref<128x128xf32, #tpu.memory_space<vmem>>, vector<1x16xf32>,
          %get3A_808 = vector.shape_cast %get3A_807 : vector<1x16xf32> to vector<16xf32>
          %mul3A_809 = arith.mulf %get3A_808, %broadcast_in_dim3A_770 : vector<16xf32>
          %swap3A_810 = arith.index_cast %add3A_774 : i32 to index
          %swap3A_811 = arith.constant 48 : index
          %swap3A_812 = tpu.vector_load %arg15[%swap3A_810, %swap3A_811] {strides = array<i32>} : memref<128x128xf32, #tpu.memory_space<vmem>>, vector<1x16xf32>,
          %swap3A_813 = vector.shape_cast %swap3A_812 : vector<1x16xf32> to vector<16xf32>
          %swap3A_814 = vector.shape_cast %mul3A_809 : vector<16xf32> to vector<1x16xf32>
          tpu.vector_store %arg15[%swap3A_810, %swap3A_811], %swap3A_814 {strides = array<i32>} : memref<128x128xf32, #tpu.memory_space<vmem>>, vector<1x16xf32>,
          %get3A_815 = arith.index_cast %add3A_774 : i32 to index
          %get3A_816 = arith.constant 64 : index
          %get3A_817 = tpu.vector_load %arg15[%get3A_815, %get3A_816] {strides = array<i32>} : memref<128x128xf32, #tpu.memory_space<vmem>>, vector<1x16xf32>,
          %get3A_818 = vector.shape_cast %get3A_817 : vector<1x16xf32> to vector<16xf32>
          %mul3A_819 = arith.mulf %get3A_818, %broadcast_in_dim3A_770 : vector<16xf32>
          %swap3A_820 = arith.index_cast %add3A_774 : i32 to index
          %swap3A_821 = arith.constant 64 : index
          %swap3A_822 = tpu.vector_load %arg15[%swap3A_820, %swap3A_821] {strides = array<i32>} : memref<128x128xf32, #tpu.memory_space<vmem>>, vector<1x16xf32>,
          %swap3A_823 = vector.shape_cast %swap3A_822 : vector<1x16xf32> to vector<16xf32>
          %swap3A_824 = vector.shape_cast %mul3A_819 : vector<16xf32> to vector<1x16xf32>
          tpu.vector_store %arg15[%swap3A_820, %swap3A_821], %swap3A_824 {strides = array<i32>} : memref<128x128xf32, #tpu.memory_space<vmem>>, vector<1x16xf32>,
          %get3A_825 = arith.index_cast %add3A_774 : i32 to index
          %get3A_826 = arith.constant 80 : index
          %get3A_827 = tpu.vector_load %arg15[%get3A_825, %get3A_826] {strides = array<i32>} : memref<128x128xf32, #tpu.memory_space<vmem>>, vector<1x16xf32>,
          %get3A_828 = vector.shape_cast %get3A_827 : vector<1x16xf32> to vector<16xf32>
          %mul3A_829 = arith.mulf %get3A_828, %broadcast_in_dim3A_770 : vector<16xf32>
          %swap3A_830 = arith.index_cast %add3A_774 : i32 to index
          %swap3A_831 = arith.constant 80 : index
          %swap3A_832 = tpu.vector_load %arg15[%swap3A_830, %swap3A_831] {strides = array<i32>} : memref<128x128xf32, #tpu.memory_space<vmem>>, vector<1x16xf32>,
          %swap3A_833 = vector.shape_cast %swap3A_832 : vector<1x16xf32> to vector<16xf32>
          %swap3A_834 = vector.shape_cast %mul3A_829 : vector<16xf32> to vector<1x16xf32>
          tpu.vector_store %arg15[%swap3A_830, %swap3A_831], %swap3A_834 {strides = array<i32>} : memref<128x128xf32, #tpu.memory_space<vmem>>, vector<1x16xf32>,
          %get3A_835 = arith.index_cast %add3A_774 : i32 to index
          %get3A_836 = arith.constant 96 : index
          %get3A_837 = tpu.vector_load %arg15[%get3A_835, %get3A_836] {strides = array<i32>} : memref<128x128xf32, #tpu.memory_space<vmem>>, vector<1x16xf32>,
          %get3A_838 = vector.shape_cast %get3A_837 : vector<1x16xf32> to vector<16xf32>
          %mul3A_839 = arith.mulf %get3A_838, %broadcast_in_dim3A_770 : vector<16xf32>
          %swap3A_840 = arith.index_cast %add3A_774 : i32 to index
          %swap3A_841 = arith.constant 96 : index
          %swap3A_842 = tpu.vector_load %arg15[%swap3A_840, %swap3A_841] {strides = array<i32>} : memref<128x128xf32, #tpu.memory_space<vmem>>, vector<1x16xf32>,
          %swap3A_843 = vector.shape_cast %swap3A_842 : vector<1x16xf32> to vector<16xf32>
          %swap3A_844 = vector.shape_cast %mul3A_839 : vector<16xf32> to vector<1x16xf32>
          tpu.vector_store %arg15[%swap3A_840, %swap3A_841], %swap3A_844 {strides = array<i32>} : memref<128x128xf32, #tpu.memory_space<vmem>>, vector<1x16xf32>,
          %get3A_845 = arith.index_cast %add3A_774 : i32 to index
          %get3A_846 = arith.constant 112 : index
          %get3A_847 = tpu.vector_load %arg15[%get3A_845, %get3A_846] {strides = array<i32>} : memref<128x128xf32, #tpu.memory_space<vmem>>, vector<1x16xf32>,
          %get3A_848 = vector.shape_cast %get3A_847 : vector<1x16xf32> to vector<16xf32>
          %mul3A_849 = arith.mulf %get3A_848, %broadcast_in_dim3A_770 : vector<16xf32>
          %swap3A_850 = arith.index_cast %add3A_774 : i32 to index
          %swap3A_851 = arith.constant 112 : index
          %swap3A_852 = tpu.vector_load %arg15[%swap3A_850, %swap3A_851] {strides = array<i32>} : memref<128x128xf32, #tpu.memory_space<vmem>>, vector<1x16xf32>,
          %swap3A_853 = vector.shape_cast %swap3A_852 : vector<1x16xf32> to vector<16xf32>
          %swap3A_854 = vector.shape_cast %mul3A_849 : vector<16xf32> to vector<1x16xf32>
          tpu.vector_store %arg15[%swap3A_850, %swap3A_851], %swap3A_854 {strides = array<i32>} : memref<128x128xf32, #tpu.memory_space<vmem>>, vector<1x16xf32>,
          %slice3A_855 = vector.extract_strided_slice %get3A_335 {offsets = [6], sizes = [1], strides = [1]} : vector<16xf32> to vector<1xf32>
          %squeeze3A_856 = vector.extract %slice3A_855[0] : f32 from vector<1xf32>
          %broadcast_in_dim3A_857 = vector.broadcast %squeeze3A_856 : f32 to vector<16xf32>
          %mul3A_858 = arith.constant 16 : i32
          %mul3A_859 = arith.muli %scan3A_330, %mul3A_858 : i32
          %add3A_860 = arith.constant 6 : i32
          %add3A_861 = arith.addi %mul3A_859, %add3A_860 : i32
          %get3A_862 = arith.index_cast %add3A_861 : i32 to index
          %get3A_863 = arith.constant 0 : index
          %get3A_864 = tpu.vector_load %arg15[%get3A_862, %get3A_863] {strides = array<i32>} : memref<128x128xf32, #tpu.memory_space<vmem>>, vector<1x16xf32>,
          %get3A_865 = vector.shape_cast %get3A_864 : vector<1x16xf32> to vector<16xf32>
          %mul3A_866 = arith.mulf %get3A_865, %broadcast_in_dim3A_857 : vector<16xf32>
          %swap3A_867 = arith.index_cast %add3A_861 : i32 to index
          %swap3A_868 = arith.constant 0 : index
          %swap3A_869 = tpu.vector_load %arg15[%swap3A_867, %swap3A_868] {strides = array<i32>} : memref<128x128xf32, #tpu.memory_space<vmem>>, vector<1x16xf32>,
          %swap3A_870 = vector.shape_cast %swap3A_869 : vector<1x16xf32> to vector<16xf32>
          %swap3A_871 = vector.shape_cast %mul3A_866 : vector<16xf32> to vector<1x16xf32>
          tpu.vector_store %arg15[%swap3A_867, %swap3A_868], %swap3A_871 {strides = array<i32>} : memref<128x128xf32, #tpu.memory_space<vmem>>, vector<1x16xf32>,
          %get3A_872 = arith.index_cast %add3A_861 : i32 to index
          %get3A_873 = arith.constant 16 : index
          %get3A_874 = tpu.vector_load %arg15[%get3A_872, %get3A_873] {strides = array<i32>} : memref<128x128xf32, #tpu.memory_space<vmem>>, vector<1x16xf32>,
          %get3A_875 = vector.shape_cast %get3A_874 : vector<1x16xf32> to vector<16xf32>
          %mul3A_876 = arith.mulf %get3A_875, %broadcast_in_dim3A_857 : vector<16xf32>
          %swap3A_877 = arith.index_cast %add3A_861 : i32 to index
          %swap3A_878 = arith.constant 16 : index
          %swap3A_879 = tpu.vector_load %arg15[%swap3A_877, %swap3A_878] {strides = array<i32>} : memref<128x128xf32, #tpu.memory_space<vmem>>, vector<1x16xf32>,
          %swap3A_880 = vector.shape_cast %swap3A_879 : vector<1x16xf32> to vector<16xf32>
          %swap3A_881 = vector.shape_cast %mul3A_876 : vector<16xf32> to vector<1x16xf32>
          tpu.vector_store %arg15[%swap3A_877, %swap3A_878], %swap3A_881 {strides = array<i32>} : memref<128x128xf32, #tpu.memory_space<vmem>>, vector<1x16xf32>,
          %get3A_882 = arith.index_cast %add3A_861 : i32 to index
          %get3A_883 = arith.constant 32 : index
          %get3A_884 = tpu.vector_load %arg15[%get3A_882, %get3A_883] {strides = array<i32>} : memref<128x128xf32, #tpu.memory_space<vmem>>, vector<1x16xf32>,
          %get3A_885 = vector.shape_cast %get3A_884 : vector<1x16xf32> to vector<16xf32>
          %mul3A_886 = arith.mulf %get3A_885, %broadcast_in_dim3A_857 : vector<16xf32>
          %swap3A_887 = arith.index_cast %add3A_861 : i32 to index
          %swap3A_888 = arith.constant 32 : index
          %swap3A_889 = tpu.vector_load %arg15[%swap3A_887, %swap3A_888] {strides = array<i32>} : memref<128x128xf32, #tpu.memory_space<vmem>>, vector<1x16xf32>,
          %swap3A_890 = vector.shape_cast %swap3A_889 : vector<1x16xf32> to vector<16xf32>
          %swap3A_891 = vector.shape_cast %mul3A_886 : vector<16xf32> to vector<1x16xf32>
          tpu.vector_store %arg15[%swap3A_887, %swap3A_888], %swap3A_891 {strides = array<i32>} : memref<128x128xf32, #tpu.memory_space<vmem>>, vector<1x16xf32>,
          %get3A_892 = arith.index_cast %add3A_861 : i32 to index
          %get3A_893 = arith.constant 48 : index
          %get3A_894 = tpu.vector_load %arg15[%get3A_892, %get3A_893] {strides = array<i32>} : memref<128x128xf32, #tpu.memory_space<vmem>>, vector<1x16xf32>,
          %get3A_895 = vector.shape_cast %get3A_894 : vector<1x16xf32> to vector<16xf32>
          %mul3A_896 = arith.mulf %get3A_895, %broadcast_in_dim3A_857 : vector<16xf32>
          %swap3A_897 = arith.index_cast %add3A_861 : i32 to index
          %swap3A_898 = arith.constant 48 : index
          %swap3A_899 = tpu.vector_load %arg15[%swap3A_897, %swap3A_898] {strides = array<i32>} : memref<128x128xf32, #tpu.memory_space<vmem>>, vector<1x16xf32>,
          %swap3A_900 = vector.shape_cast %swap3A_899 : vector<1x16xf32> to vector<16xf32>
          %swap3A_901 = vector.shape_cast %mul3A_896 : vector<16xf32> to vector<1x16xf32>
          tpu.vector_store %arg15[%swap3A_897, %swap3A_898], %swap3A_901 {strides = array<i32>} : memref<128x128xf32, #tpu.memory_space<vmem>>, vector<1x16xf32>,
          %get3A_902 = arith.index_cast %add3A_861 : i32 to index
          %get3A_903 = arith.constant 64 : index
          %get3A_904 = tpu.vector_load %arg15[%get3A_902, %get3A_903] {strides = array<i32>} : memref<128x128xf32, #tpu.memory_space<vmem>>, vector<1x16xf32>,
          %get3A_905 = vector.shape_cast %get3A_904 : vector<1x16xf32> to vector<16xf32>
          %mul3A_906 = arith.mulf %get3A_905, %broadcast_in_dim3A_857 : vector<16xf32>
          %swap3A_907 = arith.index_cast %add3A_861 : i32 to index
          %swap3A_908 = arith.constant 64 : index
          %swap3A_909 = tpu.vector_load %arg15[%swap3A_907, %swap3A_908] {strides = array<i32>} : memref<128x128xf32, #tpu.memory_space<vmem>>, vector<1x16xf32>,
          %swap3A_910 = vector.shape_cast %swap3A_909 : vector<1x16xf32> to vector<16xf32>
          %swap3A_911 = vector.shape_cast %mul3A_906 : vector<16xf32> to vector<1x16xf32>
          tpu.vector_store %arg15[%swap3A_907, %swap3A_908], %swap3A_911 {strides = array<i32>} : memref<128x128xf32, #tpu.memory_space<vmem>>, vector<1x16xf32>,
          %get3A_912 = arith.index_cast %add3A_861 : i32 to index
          %get3A_913 = arith.constant 80 : index
          %get3A_914 = tpu.vector_load %arg15[%get3A_912, %get3A_913] {strides = array<i32>} : memref<128x128xf32, #tpu.memory_space<vmem>>, vector<1x16xf32>,
          %get3A_915 = vector.shape_cast %get3A_914 : vector<1x16xf32> to vector<16xf32>
          %mul3A_916 = arith.mulf %get3A_915, %broadcast_in_dim3A_857 : vector<16xf32>
          %swap3A_917 = arith.index_cast %add3A_861 : i32 to index
          %swap3A_918 = arith.constant 80 : index
          %swap3A_919 = tpu.vector_load %arg15[%swap3A_917, %swap3A_918] {strides = array<i32>} : memref<128x128xf32, #tpu.memory_space<vmem>>, vector<1x16xf32>,
          %swap3A_920 = vector.shape_cast %swap3A_919 : vector<1x16xf32> to vector<16xf32>
          %swap3A_921 = vector.shape_cast %mul3A_916 : vector<16xf32> to vector<1x16xf32>
          tpu.vector_store %arg15[%swap3A_917, %swap3A_918], %swap3A_921 {strides = array<i32>} : memref<128x128xf32, #tpu.memory_space<vmem>>, vector<1x16xf32>,
          %get3A_922 = arith.index_cast %add3A_861 : i32 to index
          %get3A_923 = arith.constant 96 : index
          %get3A_924 = tpu.vector_load %arg15[%get3A_922, %get3A_923] {strides = array<i32>} : memref<128x128xf32, #tpu.memory_space<vmem>>, vector<1x16xf32>,
          %get3A_925 = vector.shape_cast %get3A_924 : vector<1x16xf32> to vector<16xf32>
          %mul3A_926 = arith.mulf %get3A_925, %broadcast_in_dim3A_857 : vector<16xf32>
          %swap3A_927 = arith.index_cast %add3A_861 : i32 to index
          %swap3A_928 = arith.constant 96 : index
          %swap3A_929 = tpu.vector_load %arg15[%swap3A_927, %swap3A_928] {strides = array<i32>} : memref<128x128xf32, #tpu.memory_space<vmem>>, vector<1x16xf32>,
          %swap3A_930 = vector.shape_cast %swap3A_929 : vector<1x16xf32> to vector<16xf32>
          %swap3A_931 = vector.shape_cast %mul3A_926 : vector<16xf32> to vector<1x16xf32>
          tpu.vector_store %arg15[%swap3A_927, %swap3A_928], %swap3A_931 {strides = array<i32>} : memref<128x128xf32, #tpu.memory_space<vmem>>, vector<1x16xf32>,
          %get3A_932 = arith.index_cast %add3A_861 : i32 to index
          %get3A_933 = arith.constant 112 : index
          %get3A_934 = tpu.vector_load %arg15[%get3A_932, %get3A_933] {strides = array<i32>} : memref<128x128xf32, #tpu.memory_space<vmem>>, vector<1x16xf32>,
          %get3A_935 = vector.shape_cast %get3A_934 : vector<1x16xf32> to vector<16xf32>
          %mul3A_936 = arith.mulf %get3A_935, %broadcast_in_dim3A_857 : vector<16xf32>
          %swap3A_937 = arith.index_cast %add3A_861 : i32 to index
          %swap3A_938 = arith.constant 112 : index
          %swap3A_939 = tpu.vector_load %arg15[%swap3A_937, %swap3A_938] {strides = array<i32>} : memref<128x128xf32, #tpu.memory_space<vmem>>, vector<1x16xf32>,
          %swap3A_940 = vector.shape_cast %swap3A_939 : vector<1x16xf32> to vector<16xf32>
          %swap3A_941 = vector.shape_cast %mul3A_936 : vector<16xf32> to vector<1x16xf32>
          tpu.vector_store %arg15[%swap3A_937, %swap3A_938], %swap3A_941 {strides = array<i32>} : memref<128x128xf32, #tpu.memory_space<vmem>>, vector<1x16xf32>,
          %slice3A_942 = vector.extract_strided_slice %get3A_335 {offsets = [7], sizes = [1], strides = [1]} : vector<16xf32> to vector<1xf32>
          %squeeze3A_943 = vector.extract %slice3A_942[0] : f32 from vector<1xf32>
          %broadcast_in_dim3A_944 = vector.broadcast %squeeze3A_943 : f32 to vector<16xf32>
          %mul3A_945 = arith.constant 16 : i32
          %mul3A_946 = arith.muli %scan3A_330, %mul3A_945 : i32
          %add3A_947 = arith.constant 7 : i32
          %add3A_948 = arith.addi %mul3A_946, %add3A_947 : i32
          %get3A_949 = arith.index_cast %add3A_948 : i32 to index
          %get3A_950 = arith.constant 0 : index
          %get3A_951 = tpu.vector_load %arg15[%get3A_949, %get3A_950] {strides = array<i32>} : memref<128x128xf32, #tpu.memory_space<vmem>>, vector<1x16xf32>,
          %get3A_952 = vector.shape_cast %get3A_951 : vector<1x16xf32> to vector<16xf32>
          %mul3A_953 = arith.mulf %get3A_952, %broadcast_in_dim3A_944 : vector<16xf32>
          %swap3A_954 = arith.index_cast %add3A_948 : i32 to index
          %swap3A_955 = arith.constant 0 : index
          %swap3A_956 = tpu.vector_load %arg15[%swap3A_954, %swap3A_955] {strides = array<i32>} : memref<128x128xf32, #tpu.memory_space<vmem>>, vector<1x16xf32>,
          %swap3A_957 = vector.shape_cast %swap3A_956 : vector<1x16xf32> to vector<16xf32>
          %swap3A_958 = vector.shape_cast %mul3A_953 : vector<16xf32> to vector<1x16xf32>
          tpu.vector_store %arg15[%swap3A_954, %swap3A_955], %swap3A_958 {strides = array<i32>} : memref<128x128xf32, #tpu.memory_space<vmem>>, vector<1x16xf32>,
          %get3A_959 = arith.index_cast %add3A_948 : i32 to index
          %get3A_960 = arith.constant 16 : index
          %get3A_961 = tpu.vector_load %arg15[%get3A_959, %get3A_960] {strides = array<i32>} : memref<128x128xf32, #tpu.memory_space<vmem>>, vector<1x16xf32>,
          %get3A_962 = vector.shape_cast %get3A_961 : vector<1x16xf32> to vector<16xf32>
          %mul3A_963 = arith.mulf %get3A_962, %broadcast_in_dim3A_944 : vector<16xf32>
          %swap3A_964 = arith.index_cast %add3A_948 : i32 to index
          %swap3A_965 = arith.constant 16 : index
          %swap3A_966 = tpu.vector_load %arg15[%swap3A_964, %swap3A_965] {strides = array<i32>} : memref<128x128xf32, #tpu.memory_space<vmem>>, vector<1x16xf32>,
          %swap3A_967 = vector.shape_cast %swap3A_966 : vector<1x16xf32> to vector<16xf32>
          %swap3A_968 = vector.shape_cast %mul3A_963 : vector<16xf32> to vector<1x16xf32>
          tpu.vector_store %arg15[%swap3A_964, %swap3A_965], %swap3A_968 {strides = array<i32>} : memref<128x128xf32, #tpu.memory_space<vmem>>, vector<1x16xf32>,
          %get3A_969 = arith.index_cast %add3A_948 : i32 to index
          %get3A_970 = arith.constant 32 : index
          %get3A_971 = tpu.vector_load %arg15[%get3A_969, %get3A_970] {strides = array<i32>} : memref<128x128xf32, #tpu.memory_space<vmem>>, vector<1x16xf32>,
          %get3A_972 = vector.shape_cast %get3A_971 : vector<1x16xf32> to vector<16xf32>
          %mul3A_973 = arith.mulf %get3A_972, %broadcast_in_dim3A_944 : vector<16xf32>
          %swap3A_974 = arith.index_cast %add3A_948 : i32 to index
          %swap3A_975 = arith.constant 32 : index
          %swap3A_976 = tpu.vector_load %arg15[%swap3A_974, %swap3A_975] {strides = array<i32>} : memref<128x128xf32, #tpu.memory_space<vmem>>, vector<1x16xf32>,
          %swap3A_977 = vector.shape_cast %swap3A_976 : vector<1x16xf32> to vector<16xf32>
          %swap3A_978 = vector.shape_cast %mul3A_973 : vector<16xf32> to vector<1x16xf32>
          tpu.vector_store %arg15[%swap3A_974, %swap3A_975], %swap3A_978 {strides = array<i32>} : memref<128x128xf32, #tpu.memory_space<vmem>>, vector<1x16xf32>,
          %get3A_979 = arith.index_cast %add3A_948 : i32 to index
          %get3A_980 = arith.constant 48 : index
          %get3A_981 = tpu.vector_load %arg15[%get3A_979, %get3A_980] {strides = array<i32>} : memref<128x128xf32, #tpu.memory_space<vmem>>, vector<1x16xf32>,
          %get3A_982 = vector.shape_cast %get3A_981 : vector<1x16xf32> to vector<16xf32>
          %mul3A_983 = arith.mulf %get3A_982, %broadcast_in_dim3A_944 : vector<16xf32>
          %swap3A_984 = arith.index_cast %add3A_948 : i32 to index
          %swap3A_985 = arith.constant 48 : index
          %swap3A_986 = tpu.vector_load %arg15[%swap3A_984, %swap3A_985] {strides = array<i32>} : memref<128x128xf32, #tpu.memory_space<vmem>>, vector<1x16xf32>,
          %swap3A_987 = vector.shape_cast %swap3A_986 : vector<1x16xf32> to vector<16xf32>
          %swap3A_988 = vector.shape_cast %mul3A_983 : vector<16xf32> to vector<1x16xf32>
          tpu.vector_store %arg15[%swap3A_984, %swap3A_985], %swap3A_988 {strides = array<i32>} : memref<128x128xf32, #tpu.memory_space<vmem>>, vector<1x16xf32>,
          %get3A_989 = arith.index_cast %add3A_948 : i32 to index
          %get3A_990 = arith.constant 64 : index
          %get3A_991 = tpu.vector_load %arg15[%get3A_989, %get3A_990] {strides = array<i32>} : memref<128x128xf32, #tpu.memory_space<vmem>>, vector<1x16xf32>,
          %get3A_992 = vector.shape_cast %get3A_991 : vector<1x16xf32> to vector<16xf32>
          %mul3A_993 = arith.mulf %get3A_992, %broadcast_in_dim3A_944 : vector<16xf32>
          %swap3A_994 = arith.index_cast %add3A_948 : i32 to index
          %swap3A_995 = arith.constant 64 : index
          %swap3A_996 = tpu.vector_load %arg15[%swap3A_994, %swap3A_995] {strides = array<i32>} : memref<128x128xf32, #tpu.memory_space<vmem>>, vector<1x16xf32>,
          %swap3A_997 = vector.shape_cast %swap3A_996 : vector<1x16xf32> to vector<16xf32>
          %swap3A_998 = vector.shape_cast %mul3A_993 : vector<16xf32> to vector<1x16xf32>
          tpu.vector_store %arg15[%swap3A_994, %swap3A_995], %swap3A_998 {strides = array<i32>} : memref<128x128xf32, #tpu.memory_space<vmem>>, vector<1x16xf32>,
          %get3A_999 = arith.index_cast %add3A_948 : i32 to index
          %get3A_1000 = arith.constant 80 : index
          %get3A_1001 = tpu.vector_load %arg15[%get3A_999, %get3A_1000] {strides = array<i32>} : memref<128x128xf32, #tpu.memory_space<vmem>>, vector<1x16xf32>,
          %get3A_1002 = vector.shape_cast %get3A_1001 : vector<1x16xf32> to vector<16xf32>
          %mul3A_1003 = arith.mulf %get3A_1002, %broadcast_in_dim3A_944 : vector<16xf32>
          %swap3A_1004 = arith.index_cast %add3A_948 : i32 to index
          %swap3A_1005 = arith.constant 80 : index
          %swap3A_1006 = tpu.vector_load %arg15[%swap3A_1004, %swap3A_1005] {strides = array<i32>} : memref<128x128xf32, #tpu.memory_space<vmem>>, vector<1x16xf32>,
          %swap3A_1007 = vector.shape_cast %swap3A_1006 : vector<1x16xf32> to vector<16xf32>
          %swap3A_1008 = vector.shape_cast %mul3A_1003 : vector<16xf32> to vector<1x16xf32>
          tpu.vector_store %arg15[%swap3A_1004, %swap3A_1005], %swap3A_1008 {strides = array<i32>} : memref<128x128xf32, #tpu.memory_space<vmem>>, vector<1x16xf32>,
          %get3A_1009 = arith.index_cast %add3A_948 : i32 to index
          %get3A_1010 = arith.constant 96 : index
          %get3A_1011 = tpu.vector_load %arg15[%get3A_1009, %get3A_1010] {strides = array<i32>} : memref<128x128xf32, #tpu.memory_space<vmem>>, vector<1x16xf32>,
          %get3A_1012 = vector.shape_cast %get3A_1011 : vector<1x16xf32> to vector<16xf32>
          %mul3A_1013 = arith.mulf %get3A_1012, %broadcast_in_dim3A_944 : vector<16xf32>
          %swap3A_1014 = arith.index_cast %add3A_948 : i32 to index
          %swap3A_1015 = arith.constant 96 : index
          %swap3A_1016 = tpu.vector_load %arg15[%swap3A_1014, %swap3A_1015] {strides = array<i32>} : memref<128x128xf32, #tpu.memory_space<vmem>>, vector<1x16xf32>,
          %swap3A_1017 = vector.shape_cast %swap3A_1016 : vector<1x16xf32> to vector<16xf32>
          %swap3A_1018 = vector.shape_cast %mul3A_1013 : vector<16xf32> to vector<1x16xf32>
          tpu.vector_store %arg15[%swap3A_1014, %swap3A_1015], %swap3A_1018 {strides = array<i32>} : memref<128x128xf32, #tpu.memory_space<vmem>>, vector<1x16xf32>,
          %get3A_1019 = arith.index_cast %add3A_948 : i32 to index
          %get3A_1020 = arith.constant 112 : index
          %get3A_1021 = tpu.vector_load %arg15[%get3A_1019, %get3A_1020] {strides = array<i32>} : memref<128x128xf32, #tpu.memory_space<vmem>>, vector<1x16xf32>,
          %get3A_1022 = vector.shape_cast %get3A_1021 : vector<1x16xf32> to vector<16xf32>
          %mul3A_1023 = arith.mulf %get3A_1022, %broadcast_in_dim3A_944 : vector<16xf32>
          %swap3A_1024 = arith.index_cast %add3A_948 : i32 to index
          %swap3A_1025 = arith.constant 112 : index
          %swap3A_1026 = tpu.vector_load %arg15[%swap3A_1024, %swap3A_1025] {strides = array<i32>} : memref<128x128xf32, #tpu.memory_space<vmem>>, vector<1x16xf32>,
          %swap3A_1027 = vector.shape_cast %swap3A_1026 : vector<1x16xf32> to vector<16xf32>
          %swap3A_1028 = vector.shape_cast %mul3A_1023 : vector<16xf32> to vector<1x16xf32>
          tpu.vector_store %arg15[%swap3A_1024, %swap3A_1025], %swap3A_1028 {strides = array<i32>} : memref<128x128xf32, #tpu.memory_space<vmem>>, vector<1x16xf32>,
          %slice3A_1029 = vector.extract_strided_slice %get3A_335 {offsets = [8], sizes = [1], strides = [1]} : vector<16xf32> to vector<1xf32>
          %squeeze3A_1030 = vector.extract %slice3A_1029[0] : f32 from vector<1xf32>
          %broadcast_in_dim3A_1031 = vector.broadcast %squeeze3A_1030 : f32 to vector<16xf32>
          %mul3A_1032 = arith.constant 16 : i32
          %mul3A_1033 = arith.muli %scan3A_330, %mul3A_1032 : i32
          %add3A_1034 = arith.constant 8 : i32
          %add3A_1035 = arith.addi %mul3A_1033, %add3A_1034 : i32
          %get3A_1036 = arith.index_cast %add3A_1035 : i32 to index
          %get3A_1037 = arith.constant 0 : index
          %get3A_1038 = tpu.vector_load %arg15[%get3A_1036, %get3A_1037] {strides = array<i32>} : memref<128x128xf32, #tpu.memory_space<vmem>>, vector<1x16xf32>,
          %get3A_1039 = vector.shape_cast %get3A_1038 : vector<1x16xf32> to vector<16xf32>
          %mul3A_1040 = arith.mulf %get3A_1039, %broadcast_in_dim3A_1031 : vector<16xf32>
          %swap3A_1041 = arith.index_cast %add3A_1035 : i32 to index
          %swap3A_1042 = arith.constant 0 : index
          %swap3A_1043 = tpu.vector_load %arg15[%swap3A_1041, %swap3A_1042] {strides = array<i32>} : memref<128x128xf32, #tpu.memory_space<vmem>>, vector<1x16xf32>,
          %swap3A_1044 = vector.shape_cast %swap3A_1043 : vector<1x16xf32> to vector<16xf32>
          %swap3A_1045 = vector.shape_cast %mul3A_1040 : vector<16xf32> to vector<1x16xf32>
          tpu.vector_store %arg15[%swap3A_1041, %swap3A_1042], %swap3A_1045 {strides = array<i32>} : memref<128x128xf32, #tpu.memory_space<vmem>>, vector<1x16xf32>,
          %get3A_1046 = arith.index_cast %add3A_1035 : i32 to index
          %get3A_1047 = arith.constant 16 : index
          %get3A_1048 = tpu.vector_load %arg15[%get3A_1046, %get3A_1047] {strides = array<i32>} : memref<128x128xf32, #tpu.memory_space<vmem>>, vector<1x16xf32>,
          %get3A_1049 = vector.shape_cast %get3A_1048 : vector<1x16xf32> to vector<16xf32>
          %mul3A_1050 = arith.mulf %get3A_1049, %broadcast_in_dim3A_1031 : vector<16xf32>
          %swap3A_1051 = arith.index_cast %add3A_1035 : i32 to index
          %swap3A_1052 = arith.constant 16 : index
          %swap3A_1053 = tpu.vector_load %arg15[%swap3A_1051, %swap3A_1052] {strides = array<i32>} : memref<128x128xf32, #tpu.memory_space<vmem>>, vector<1x16xf32>,
          %swap3A_1054 = vector.shape_cast %swap3A_1053 : vector<1x16xf32> to vector<16xf32>
          %swap3A_1055 = vector.shape_cast %mul3A_1050 : vector<16xf32> to vector<1x16xf32>
          tpu.vector_store %arg15[%swap3A_1051, %swap3A_1052], %swap3A_1055 {strides = array<i32>} : memref<128x128xf32, #tpu.memory_space<vmem>>, vector<1x16xf32>,
          %get3A_1056 = arith.index_cast %add3A_1035 : i32 to index
          %get3A_1057 = arith.constant 32 : index
          %get3A_1058 = tpu.vector_load %arg15[%get3A_1056, %get3A_1057] {strides = array<i32>} : memref<128x128xf32, #tpu.memory_space<vmem>>, vector<1x16xf32>,
          %get3A_1059 = vector.shape_cast %get3A_1058 : vector<1x16xf32> to vector<16xf32>
          %mul3A_1060 = arith.mulf %get3A_1059, %broadcast_in_dim3A_1031 : vector<16xf32>
          %swap3A_1061 = arith.index_cast %add3A_1035 : i32 to index
          %swap3A_1062 = arith.constant 32 : index
          %swap3A_1063 = tpu.vector_load %arg15[%swap3A_1061, %swap3A_1062] {strides = array<i32>} : memref<128x128xf32, #tpu.memory_space<vmem>>, vector<1x16xf32>,
          %swap3A_1064 = vector.shape_cast %swap3A_1063 : vector<1x16xf32> to vector<16xf32>
          %swap3A_1065 = vector.shape_cast %mul3A_1060 : vector<16xf32> to vector<1x16xf32>
          tpu.vector_store %arg15[%swap3A_1061, %swap3A_1062], %swap3A_1065 {strides = array<i32>} : memref<128x128xf32, #tpu.memory_space<vmem>>, vector<1x16xf32>,
          %get3A_1066 = arith.index_cast %add3A_1035 : i32 to index
          %get3A_1067 = arith.constant 48 : index
          %get3A_1068 = tpu.vector_load %arg15[%get3A_1066, %get3A_1067] {strides = array<i32>} : memref<128x128xf32, #tpu.memory_space<vmem>>, vector<1x16xf32>,
          %get3A_1069 = vector.shape_cast %get3A_1068 : vector<1x16xf32> to vector<16xf32>
          %mul3A_1070 = arith.mulf %get3A_1069, %broadcast_in_dim3A_1031 : vector<16xf32>
          %swap3A_1071 = arith.index_cast %add3A_1035 : i32 to index
          %swap3A_1072 = arith.constant 48 : index
          %swap3A_1073 = tpu.vector_load %arg15[%swap3A_1071, %swap3A_1072] {strides = array<i32>} : memref<128x128xf32, #tpu.memory_space<vmem>>, vector<1x16xf32>,
          %swap3A_1074 = vector.shape_cast %swap3A_1073 : vector<1x16xf32> to vector<16xf32>
          %swap3A_1075 = vector.shape_cast %mul3A_1070 : vector<16xf32> to vector<1x16xf32>
          tpu.vector_store %arg15[%swap3A_1071, %swap3A_1072], %swap3A_1075 {strides = array<i32>} : memref<128x128xf32, #tpu.memory_space<vmem>>, vector<1x16xf32>,
          %get3A_1076 = arith.index_cast %add3A_1035 : i32 to index
          %get3A_1077 = arith.constant 64 : index
          %get3A_1078 = tpu.vector_load %arg15[%get3A_1076, %get3A_1077] {strides = array<i32>} : memref<128x128xf32, #tpu.memory_space<vmem>>, vector<1x16xf32>,
          %get3A_1079 = vector.shape_cast %get3A_1078 : vector<1x16xf32> to vector<16xf32>
          %mul3A_1080 = arith.mulf %get3A_1079, %broadcast_in_dim3A_1031 : vector<16xf32>
          %swap3A_1081 = arith.index_cast %add3A_1035 : i32 to index
          %swap3A_1082 = arith.constant 64 : index
          %swap3A_1083 = tpu.vector_load %arg15[%swap3A_1081, %swap3A_1082] {strides = array<i32>} : memref<128x128xf32, #tpu.memory_space<vmem>>, vector<1x16xf32>,
          %swap3A_1084 = vector.shape_cast %swap3A_1083 : vector<1x16xf32> to vector<16xf32>
          %swap3A_1085 = vector.shape_cast %mul3A_1080 : vector<16xf32> to vector<1x16xf32>
          tpu.vector_store %arg15[%swap3A_1081, %swap3A_1082], %swap3A_1085 {strides = array<i32>} : memref<128x128xf32, #tpu.memory_space<vmem>>, vector<1x16xf32>,
          %get3A_1086 = arith.index_cast %add3A_1035 : i32 to index
          %get3A_1087 = arith.constant 80 : index
          %get3A_1088 = tpu.vector_load %arg15[%get3A_1086, %get3A_1087] {strides = array<i32>} : memref<128x128xf32, #tpu.memory_space<vmem>>, vector<1x16xf32>,
          %get3A_1089 = vector.shape_cast %get3A_1088 : vector<1x16xf32> to vector<16xf32>
          %mul3A_1090 = arith.mulf %get3A_1089, %broadcast_in_dim3A_1031 : vector<16xf32>
          %swap3A_1091 = arith.index_cast %add3A_1035 : i32 to index
          %swap3A_1092 = arith.constant 80 : index
          %swap3A_1093 = tpu.vector_load %arg15[%swap3A_1091, %swap3A_1092] {strides = array<i32>} : memref<128x128xf32, #tpu.memory_space<vmem>>, vector<1x16xf32>,
          %swap3A_1094 = vector.shape_cast %swap3A_1093 : vector<1x16xf32> to vector<16xf32>
          %swap3A_1095 = vector.shape_cast %mul3A_1090 : vector<16xf32> to vector<1x16xf32>
          tpu.vector_store %arg15[%swap3A_1091, %swap3A_1092], %swap3A_1095 {strides = array<i32>} : memref<128x128xf32, #tpu.memory_space<vmem>>, vector<1x16xf32>,
          %get3A_1096 = arith.index_cast %add3A_1035 : i32 to index
          %get3A_1097 = arith.constant 96 : index
          %get3A_1098 = tpu.vector_load %arg15[%get3A_1096, %get3A_1097] {strides = array<i32>} : memref<128x128xf32, #tpu.memory_space<vmem>>, vector<1x16xf32>,
          %get3A_1099 = vector.shape_cast %get3A_1098 : vector<1x16xf32> to vector<16xf32>
          %mul3A_1100 = arith.mulf %get3A_1099, %broadcast_in_dim3A_1031 : vector<16xf32>
          %swap3A_1101 = arith.index_cast %add3A_1035 : i32 to index
          %swap3A_1102 = arith.constant 96 : index
          %swap3A_1103 = tpu.vector_load %arg15[%swap3A_1101, %swap3A_1102] {strides = array<i32>} : memref<128x128xf32, #tpu.memory_space<vmem>>, vector<1x16xf32>,
          %swap3A_1104 = vector.shape_cast %swap3A_1103 : vector<1x16xf32> to vector<16xf32>
          %swap3A_1105 = vector.shape_cast %mul3A_1100 : vector<16xf32> to vector<1x16xf32>
          tpu.vector_store %arg15[%swap3A_1101, %swap3A_1102], %swap3A_1105 {strides = array<i32>} : memref<128x128xf32, #tpu.memory_space<vmem>>, vector<1x16xf32>,
          %get3A_1106 = arith.index_cast %add3A_1035 : i32 to index
          %get3A_1107 = arith.constant 112 : index
          %get3A_1108 = tpu.vector_load %arg15[%get3A_1106, %get3A_1107] {strides = array<i32>} : memref<128x128xf32, #tpu.memory_space<vmem>>, vector<1x16xf32>,
          %get3A_1109 = vector.shape_cast %get3A_1108 : vector<1x16xf32> to vector<16xf32>
          %mul3A_1110 = arith.mulf %get3A_1109, %broadcast_in_dim3A_1031 : vector<16xf32>
          %swap3A_1111 = arith.index_cast %add3A_1035 : i32 to index
          %swap3A_1112 = arith.constant 112 : index
          %swap3A_1113 = tpu.vector_load %arg15[%swap3A_1111, %swap3A_1112] {strides = array<i32>} : memref<128x128xf32, #tpu.memory_space<vmem>>, vector<1x16xf32>,
          %swap3A_1114 = vector.shape_cast %swap3A_1113 : vector<1x16xf32> to vector<16xf32>
          %swap3A_1115 = vector.shape_cast %mul3A_1110 : vector<16xf32> to vector<1x16xf32>
          tpu.vector_store %arg15[%swap3A_1111, %swap3A_1112], %swap3A_1115 {strides = array<i32>} : memref<128x128xf32, #tpu.memory_space<vmem>>, vector<1x16xf32>,
          %slice3A_1116 = vector.extract_strided_slice %get3A_335 {offsets = [9], sizes = [1], strides = [1]} : vector<16xf32> to vector<1xf32>
          %squeeze3A_1117 = vector.extract %slice3A_1116[0] : f32 from vector<1xf32>
          %broadcast_in_dim3A_1118 = vector.broadcast %squeeze3A_1117 : f32 to vector<16xf32>
          %mul3A_1119 = arith.constant 16 : i32
          %mul3A_1120 = arith.muli %scan3A_330, %mul3A_1119 : i32
          %add3A_1121 = arith.constant 9 : i32
          %add3A_1122 = arith.addi %mul3A_1120, %add3A_1121 : i32
          %get3A_1123 = arith.index_cast %add3A_1122 : i32 to index
          %get3A_1124 = arith.constant 0 : index
          %get3A_1125 = tpu.vector_load %arg15[%get3A_1123, %get3A_1124] {strides = array<i32>} : memref<128x128xf32, #tpu.memory_space<vmem>>, vector<1x16xf32>,
          %get3A_1126 = vector.shape_cast %get3A_1125 : vector<1x16xf32> to vector<16xf32>
          %mul3A_1127 = arith.mulf %get3A_1126, %broadcast_in_dim3A_1118 : vector<16xf32>
          %swap3A_1128 = arith.index_cast %add3A_1122 : i32 to index
          %swap3A_1129 = arith.constant 0 : index
          %swap3A_1130 = tpu.vector_load %arg15[%swap3A_1128, %swap3A_1129] {strides = array<i32>} : memref<128x128xf32, #tpu.memory_space<vmem>>, vector<1x16xf32>,
          %swap3A_1131 = vector.shape_cast %swap3A_1130 : vector<1x16xf32> to vector<16xf32>
          %swap3A_1132 = vector.shape_cast %mul3A_1127 : vector<16xf32> to vector<1x16xf32>
          tpu.vector_store %arg15[%swap3A_1128, %swap3A_1129], %swap3A_1132 {strides = array<i32>} : memref<128x128xf32, #tpu.memory_space<vmem>>, vector<1x16xf32>,
          %get3A_1133 = arith.index_cast %add3A_1122 : i32 to index
          %get3A_1134 = arith.constant 16 : index
          %get3A_1135 = tpu.vector_load %arg15[%get3A_1133, %get3A_1134] {strides = array<i32>} : memref<128x128xf32, #tpu.memory_space<vmem>>, vector<1x16xf32>,
          %get3A_1136 = vector.shape_cast %get3A_1135 : vector<1x16xf32> to vector<16xf32>
          %mul3A_1137 = arith.mulf %get3A_1136, %broadcast_in_dim3A_1118 : vector<16xf32>
          %swap3A_1138 = arith.index_cast %add3A_1122 : i32 to index
          %swap3A_1139 = arith.constant 16 : index
          %swap3A_1140 = tpu.vector_load %arg15[%swap3A_1138, %swap3A_1139] {strides = array<i32>} : memref<128x128xf32, #tpu.memory_space<vmem>>, vector<1x16xf32>,
          %swap3A_1141 = vector.shape_cast %swap3A_1140 : vector<1x16xf32> to vector<16xf32>
          %swap3A_1142 = vector.shape_cast %mul3A_1137 : vector<16xf32> to vector<1x16xf32>
          tpu.vector_store %arg15[%swap3A_1138, %swap3A_1139], %swap3A_1142 {strides = array<i32>} : memref<128x128xf32, #tpu.memory_space<vmem>>, vector<1x16xf32>,
          %get3A_1143 = arith.index_cast %add3A_1122 : i32 to index
          %get3A_1144 = arith.constant 32 : index
          %get3A_1145 = tpu.vector_load %arg15[%get3A_1143, %get3A_1144] {strides = array<i32>} : memref<128x128xf32, #tpu.memory_space<vmem>>, vector<1x16xf32>,
          %get3A_1146 = vector.shape_cast %get3A_1145 : vector<1x16xf32> to vector<16xf32>
          %mul3A_1147 = arith.mulf %get3A_1146, %broadcast_in_dim3A_1118 : vector<16xf32>
          %swap3A_1148 = arith.index_cast %add3A_1122 : i32 to index
          %swap3A_1149 = arith.constant 32 : index
          %swap3A_1150 = tpu.vector_load %arg15[%swap3A_1148, %swap3A_1149] {strides = array<i32>} : memref<128x128xf32, #tpu.memory_space<vmem>>, vector<1x16xf32>,
          %swap3A_1151 = vector.shape_cast %swap3A_1150 : vector<1x16xf32> to vector<16xf32>
          %swap3A_1152 = vector.shape_cast %mul3A_1147 : vector<16xf32> to vector<1x16xf32>
          tpu.vector_store %arg15[%swap3A_1148, %swap3A_1149], %swap3A_1152 {strides = array<i32>} : memref<128x128xf32, #tpu.memory_space<vmem>>, vector<1x16xf32>,
          %get3A_1153 = arith.index_cast %add3A_1122 : i32 to index
          %get3A_1154 = arith.constant 48 : index
          %get3A_1155 = tpu.vector_load %arg15[%get3A_1153, %get3A_1154] {strides = array<i32>} : memref<128x128xf32, #tpu.memory_space<vmem>>, vector<1x16xf32>,
          %get3A_1156 = vector.shape_cast %get3A_1155 : vector<1x16xf32> to vector<16xf32>
          %mul3A_1157 = arith.mulf %get3A_1156, %broadcast_in_dim3A_1118 : vector<16xf32>
          %swap3A_1158 = arith.index_cast %add3A_1122 : i32 to index
          %swap3A_1159 = arith.constant 48 : index
          %swap3A_1160 = tpu.vector_load %arg15[%swap3A_1158, %swap3A_1159] {strides = array<i32>} : memref<128x128xf32, #tpu.memory_space<vmem>>, vector<1x16xf32>,
          %swap3A_1161 = vector.shape_cast %swap3A_1160 : vector<1x16xf32> to vector<16xf32>
          %swap3A_1162 = vector.shape_cast %mul3A_1157 : vector<16xf32> to vector<1x16xf32>
          tpu.vector_store %arg15[%swap3A_1158, %swap3A_1159], %swap3A_1162 {strides = array<i32>} : memref<128x128xf32, #tpu.memory_space<vmem>>, vector<1x16xf32>,
          %get3A_1163 = arith.index_cast %add3A_1122 : i32 to index
          %get3A_1164 = arith.constant 64 : index
          %get3A_1165 = tpu.vector_load %arg15[%get3A_1163, %get3A_1164] {strides = array<i32>} : memref<128x128xf32, #tpu.memory_space<vmem>>, vector<1x16xf32>,
          %get3A_1166 = vector.shape_cast %get3A_1165 : vector<1x16xf32> to vector<16xf32>
          %mul3A_1167 = arith.mulf %get3A_1166, %broadcast_in_dim3A_1118 : vector<16xf32>
          %swap3A_1168 = arith.index_cast %add3A_1122 : i32 to index
          %swap3A_1169 = arith.constant 64 : index
          %swap3A_1170 = tpu.vector_load %arg15[%swap3A_1168, %swap3A_1169] {strides = array<i32>} : memref<128x128xf32, #tpu.memory_space<vmem>>, vector<1x16xf32>,
          %swap3A_1171 = vector.shape_cast %swap3A_1170 : vector<1x16xf32> to vector<16xf32>
          %swap3A_1172 = vector.shape_cast %mul3A_1167 : vector<16xf32> to vector<1x16xf32>
          tpu.vector_store %arg15[%swap3A_1168, %swap3A_1169], %swap3A_1172 {strides = array<i32>} : memref<128x128xf32, #tpu.memory_space<vmem>>, vector<1x16xf32>,
          %get3A_1173 = arith.index_cast %add3A_1122 : i32 to index
          %get3A_1174 = arith.constant 80 : index
          %get3A_1175 = tpu.vector_load %arg15[%get3A_1173, %get3A_1174] {strides = array<i32>} : memref<128x128xf32, #tpu.memory_space<vmem>>, vector<1x16xf32>,
          %get3A_1176 = vector.shape_cast %get3A_1175 : vector<1x16xf32> to vector<16xf32>
          %mul3A_1177 = arith.mulf %get3A_1176, %broadcast_in_dim3A_1118 : vector<16xf32>
          %swap3A_1178 = arith.index_cast %add3A_1122 : i32 to index
          %swap3A_1179 = arith.constant 80 : index
          %swap3A_1180 = tpu.vector_load %arg15[%swap3A_1178, %swap3A_1179] {strides = array<i32>} : memref<128x128xf32, #tpu.memory_space<vmem>>, vector<1x16xf32>,
          %swap3A_1181 = vector.shape_cast %swap3A_1180 : vector<1x16xf32> to vector<16xf32>
          %swap3A_1182 = vector.shape_cast %mul3A_1177 : vector<16xf32> to vector<1x16xf32>
          tpu.vector_store %arg15[%swap3A_1178, %swap3A_1179], %swap3A_1182 {strides = array<i32>} : memref<128x128xf32, #tpu.memory_space<vmem>>, vector<1x16xf32>,
          %get3A_1183 = arith.index_cast %add3A_1122 : i32 to index
          %get3A_1184 = arith.constant 96 : index
          %get3A_1185 = tpu.vector_load %arg15[%get3A_1183, %get3A_1184] {strides = array<i32>} : memref<128x128xf32, #tpu.memory_space<vmem>>, vector<1x16xf32>,
          %get3A_1186 = vector.shape_cast %get3A_1185 : vector<1x16xf32> to vector<16xf32>
          %mul3A_1187 = arith.mulf %get3A_1186, %broadcast_in_dim3A_1118 : vector<16xf32>
          %swap3A_1188 = arith.index_cast %add3A_1122 : i32 to index
          %swap3A_1189 = arith.constant 96 : index
          %swap3A_1190 = tpu.vector_load %arg15[%swap3A_1188, %swap3A_1189] {strides = array<i32>} : memref<128x128xf32, #tpu.memory_space<vmem>>, vector<1x16xf32>,
          %swap3A_1191 = vector.shape_cast %swap3A_1190 : vector<1x16xf32> to vector<16xf32>
          %swap3A_1192 = vector.shape_cast %mul3A_1187 : vector<16xf32> to vector<1x16xf32>
          tpu.vector_store %arg15[%swap3A_1188, %swap3A_1189], %swap3A_1192 {strides = array<i32>} : memref<128x128xf32, #tpu.memory_space<vmem>>, vector<1x16xf32>,
          %get3A_1193 = arith.index_cast %add3A_1122 : i32 to index
          %get3A_1194 = arith.constant 112 : index
          %get3A_1195 = tpu.vector_load %arg15[%get3A_1193, %get3A_1194] {strides = array<i32>} : memref<128x128xf32, #tpu.memory_space<vmem>>, vector<1x16xf32>,
          %get3A_1196 = vector.shape_cast %get3A_1195 : vector<1x16xf32> to vector<16xf32>
          %mul3A_1197 = arith.mulf %get3A_1196, %broadcast_in_dim3A_1118 : vector<16xf32>
          %swap3A_1198 = arith.index_cast %add3A_1122 : i32 to index
          %swap3A_1199 = arith.constant 112 : index
          %swap3A_1200 = tpu.vector_load %arg15[%swap3A_1198, %swap3A_1199] {strides = array<i32>} : memref<128x128xf32, #tpu.memory_space<vmem>>, vector<1x16xf32>,
          %swap3A_1201 = vector.shape_cast %swap3A_1200 : vector<1x16xf32> to vector<16xf32>
          %swap3A_1202 = vector.shape_cast %mul3A_1197 : vector<16xf32> to vector<1x16xf32>
          tpu.vector_store %arg15[%swap3A_1198, %swap3A_1199], %swap3A_1202 {strides = array<i32>} : memref<128x128xf32, #tpu.memory_space<vmem>>, vector<1x16xf32>,
          %slice3A_1203 = vector.extract_strided_slice %get3A_335 {offsets = [10], sizes = [1], strides = [1]} : vector<16xf32> to vector<1xf32>
          %squeeze3A_1204 = vector.extract %slice3A_1203[0] : f32 from vector<1xf32>
          %broadcast_in_dim3A_1205 = vector.broadcast %squeeze3A_1204 : f32 to vector<16xf32>
          %mul3A_1206 = arith.constant 16 : i32
          %mul3A_1207 = arith.muli %scan3A_330, %mul3A_1206 : i32
          %add3A_1208 = arith.constant 10 : i32
          %add3A_1209 = arith.addi %mul3A_1207, %add3A_1208 : i32
          %get3A_1210 = arith.index_cast %add3A_1209 : i32 to index
          %get3A_1211 = arith.constant 0 : index
          %get3A_1212 = tpu.vector_load %arg15[%get3A_1210, %get3A_1211] {strides = array<i32>} : memref<128x128xf32, #tpu.memory_space<vmem>>, vector<1x16xf32>,
          %get3A_1213 = vector.shape_cast %get3A_1212 : vector<1x16xf32> to vector<16xf32>
          %mul3A_1214 = arith.mulf %get3A_1213, %broadcast_in_dim3A_1205 : vector<16xf32>
          %swap3A_1215 = arith.index_cast %add3A_1209 : i32 to index
          %swap3A_1216 = arith.constant 0 : index
          %swap3A_1217 = tpu.vector_load %arg15[%swap3A_1215, %swap3A_1216] {strides = array<i32>} : memref<128x128xf32, #tpu.memory_space<vmem>>, vector<1x16xf32>,
          %swap3A_1218 = vector.shape_cast %swap3A_1217 : vector<1x16xf32> to vector<16xf32>
          %swap3A_1219 = vector.shape_cast %mul3A_1214 : vector<16xf32> to vector<1x16xf32>
          tpu.vector_store %arg15[%swap3A_1215, %swap3A_1216], %swap3A_1219 {strides = array<i32>} : memref<128x128xf32, #tpu.memory_space<vmem>>, vector<1x16xf32>,
          %get3A_1220 = arith.index_cast %add3A_1209 : i32 to index
          %get3A_1221 = arith.constant 16 : index
          %get3A_1222 = tpu.vector_load %arg15[%get3A_1220, %get3A_1221] {strides = array<i32>} : memref<128x128xf32, #tpu.memory_space<vmem>>, vector<1x16xf32>,
          %get3A_1223 = vector.shape_cast %get3A_1222 : vector<1x16xf32> to vector<16xf32>
          %mul3A_1224 = arith.mulf %get3A_1223, %broadcast_in_dim3A_1205 : vector<16xf32>
          %swap3A_1225 = arith.index_cast %add3A_1209 : i32 to index
          %swap3A_1226 = arith.constant 16 : index
          %swap3A_1227 = tpu.vector_load %arg15[%swap3A_1225, %swap3A_1226] {strides = array<i32>} : memref<128x128xf32, #tpu.memory_space<vmem>>, vector<1x16xf32>,
          %swap3A_1228 = vector.shape_cast %swap3A_1227 : vector<1x16xf32> to vector<16xf32>
          %swap3A_1229 = vector.shape_cast %mul3A_1224 : vector<16xf32> to vector<1x16xf32>
          tpu.vector_store %arg15[%swap3A_1225, %swap3A_1226], %swap3A_1229 {strides = array<i32>} : memref<128x128xf32, #tpu.memory_space<vmem>>, vector<1x16xf32>,
          %get3A_1230 = arith.index_cast %add3A_1209 : i32 to index
          %get3A_1231 = arith.constant 32 : index
          %get3A_1232 = tpu.vector_load %arg15[%get3A_1230, %get3A_1231] {strides = array<i32>} : memref<128x128xf32, #tpu.memory_space<vmem>>, vector<1x16xf32>,
          %get3A_1233 = vector.shape_cast %get3A_1232 : vector<1x16xf32> to vector<16xf32>
          %mul3A_1234 = arith.mulf %get3A_1233, %broadcast_in_dim3A_1205 : vector<16xf32>
          %swap3A_1235 = arith.index_cast %add3A_1209 : i32 to index
          %swap3A_1236 = arith.constant 32 : index
          %swap3A_1237 = tpu.vector_load %arg15[%swap3A_1235, %swap3A_1236] {strides = array<i32>} : memref<128x128xf32, #tpu.memory_space<vmem>>, vector<1x16xf32>,
          %swap3A_1238 = vector.shape_cast %swap3A_1237 : vector<1x16xf32> to vector<16xf32>
          %swap3A_1239 = vector.shape_cast %mul3A_1234 : vector<16xf32> to vector<1x16xf32>
          tpu.vector_store %arg15[%swap3A_1235, %swap3A_1236], %swap3A_1239 {strides = array<i32>} : memref<128x128xf32, #tpu.memory_space<vmem>>, vector<1x16xf32>,
          %get3A_1240 = arith.index_cast %add3A_1209 : i32 to index
          %get3A_1241 = arith.constant 48 : index
          %get3A_1242 = tpu.vector_load %arg15[%get3A_1240, %get3A_1241] {strides = array<i32>} : memref<128x128xf32, #tpu.memory_space<vmem>>, vector<1x16xf32>,
          %get3A_1243 = vector.shape_cast %get3A_1242 : vector<1x16xf32> to vector<16xf32>
          %mul3A_1244 = arith.mulf %get3A_1243, %broadcast_in_dim3A_1205 : vector<16xf32>
          %swap3A_1245 = arith.index_cast %add3A_1209 : i32 to index
          %swap3A_1246 = arith.constant 48 : index
          %swap3A_1247 = tpu.vector_load %arg15[%swap3A_1245, %swap3A_1246] {strides = array<i32>} : memref<128x128xf32, #tpu.memory_space<vmem>>, vector<1x16xf32>,
          %swap3A_1248 = vector.shape_cast %swap3A_1247 : vector<1x16xf32> to vector<16xf32>
          %swap3A_1249 = vector.shape_cast %mul3A_1244 : vector<16xf32> to vector<1x16xf32>
          tpu.vector_store %arg15[%swap3A_1245, %swap3A_1246], %swap3A_1249 {strides = array<i32>} : memref<128x128xf32, #tpu.memory_space<vmem>>, vector<1x16xf32>,
          %get3A_1250 = arith.index_cast %add3A_1209 : i32 to index
          %get3A_1251 = arith.constant 64 : index
          %get3A_1252 = tpu.vector_load %arg15[%get3A_1250, %get3A_1251] {strides = array<i32>} : memref<128x128xf32, #tpu.memory_space<vmem>>, vector<1x16xf32>,
          %get3A_1253 = vector.shape_cast %get3A_1252 : vector<1x16xf32> to vector<16xf32>
          %mul3A_1254 = arith.mulf %get3A_1253, %broadcast_in_dim3A_1205 : vector<16xf32>
          %swap3A_1255 = arith.index_cast %add3A_1209 : i32 to index
          %swap3A_1256 = arith.constant 64 : index
          %swap3A_1257 = tpu.vector_load %arg15[%swap3A_1255, %swap3A_1256] {strides = array<i32>} : memref<128x128xf32, #tpu.memory_space<vmem>>, vector<1x16xf32>,
          %swap3A_1258 = vector.shape_cast %swap3A_1257 : vector<1x16xf32> to vector<16xf32>
          %swap3A_1259 = vector.shape_cast %mul3A_1254 : vector<16xf32> to vector<1x16xf32>
          tpu.vector_store %arg15[%swap3A_1255, %swap3A_1256], %swap3A_1259 {strides = array<i32>} : memref<128x128xf32, #tpu.memory_space<vmem>>, vector<1x16xf32>,
          %get3A_1260 = arith.index_cast %add3A_1209 : i32 to index
          %get3A_1261 = arith.constant 80 : index
          %get3A_1262 = tpu.vector_load %arg15[%get3A_1260, %get3A_1261] {strides = array<i32>} : memref<128x128xf32, #tpu.memory_space<vmem>>, vector<1x16xf32>,
          %get3A_1263 = vector.shape_cast %get3A_1262 : vector<1x16xf32> to vector<16xf32>
          %mul3A_1264 = arith.mulf %get3A_1263, %broadcast_in_dim3A_1205 : vector<16xf32>
          %swap3A_1265 = arith.index_cast %add3A_1209 : i32 to index
          %swap3A_1266 = arith.constant 80 : index
          %swap3A_1267 = tpu.vector_load %arg15[%swap3A_1265, %swap3A_1266] {strides = array<i32>} : memref<128x128xf32, #tpu.memory_space<vmem>>, vector<1x16xf32>,
          %swap3A_1268 = vector.shape_cast %swap3A_1267 : vector<1x16xf32> to vector<16xf32>
          %swap3A_1269 = vector.shape_cast %mul3A_1264 : vector<16xf32> to vector<1x16xf32>
          tpu.vector_store %arg15[%swap3A_1265, %swap3A_1266], %swap3A_1269 {strides = array<i32>} : memref<128x128xf32, #tpu.memory_space<vmem>>, vector<1x16xf32>,
          %get3A_1270 = arith.index_cast %add3A_1209 : i32 to index
          %get3A_1271 = arith.constant 96 : index
          %get3A_1272 = tpu.vector_load %arg15[%get3A_1270, %get3A_1271] {strides = array<i32>} : memref<128x128xf32, #tpu.memory_space<vmem>>, vector<1x16xf32>,
          %get3A_1273 = vector.shape_cast %get3A_1272 : vector<1x16xf32> to vector<16xf32>
          %mul3A_1274 = arith.mulf %get3A_1273, %broadcast_in_dim3A_1205 : vector<16xf32>
          %swap3A_1275 = arith.index_cast %add3A_1209 : i32 to index
          %swap3A_1276 = arith.constant 96 : index
          %swap3A_1277 = tpu.vector_load %arg15[%swap3A_1275, %swap3A_1276] {strides = array<i32>} : memref<128x128xf32, #tpu.memory_space<vmem>>, vector<1x16xf32>,
          %swap3A_1278 = vector.shape_cast %swap3A_1277 : vector<1x16xf32> to vector<16xf32>
          %swap3A_1279 = vector.shape_cast %mul3A_1274 : vector<16xf32> to vector<1x16xf32>
          tpu.vector_store %arg15[%swap3A_1275, %swap3A_1276], %swap3A_1279 {strides = array<i32>} : memref<128x128xf32, #tpu.memory_space<vmem>>, vector<1x16xf32>,
          %get3A_1280 = arith.index_cast %add3A_1209 : i32 to index
          %get3A_1281 = arith.constant 112 : index
          %get3A_1282 = tpu.vector_load %arg15[%get3A_1280, %get3A_1281] {strides = array<i32>} : memref<128x128xf32, #tpu.memory_space<vmem>>, vector<1x16xf32>,
          %get3A_1283 = vector.shape_cast %get3A_1282 : vector<1x16xf32> to vector<16xf32>
          %mul3A_1284 = arith.mulf %get3A_1283, %broadcast_in_dim3A_1205 : vector<16xf32>
          %swap3A_1285 = arith.index_cast %add3A_1209 : i32 to index
          %swap3A_1286 = arith.constant 112 : index
          %swap3A_1287 = tpu.vector_load %arg15[%swap3A_1285, %swap3A_1286] {strides = array<i32>} : memref<128x128xf32, #tpu.memory_space<vmem>>, vector<1x16xf32>,
          %swap3A_1288 = vector.shape_cast %swap3A_1287 : vector<1x16xf32> to vector<16xf32>
          %swap3A_1289 = vector.shape_cast %mul3A_1284 : vector<16xf32> to vector<1x16xf32>
          tpu.vector_store %arg15[%swap3A_1285, %swap3A_1286], %swap3A_1289 {strides = array<i32>} : memref<128x128xf32, #tpu.memory_space<vmem>>, vector<1x16xf32>,
          %slice3A_1290 = vector.extract_strided_slice %get3A_335 {offsets = [11], sizes = [1], strides = [1]} : vector<16xf32> to vector<1xf32>
          %squeeze3A_1291 = vector.extract %slice3A_1290[0] : f32 from vector<1xf32>
          %broadcast_in_dim3A_1292 = vector.broadcast %squeeze3A_1291 : f32 to vector<16xf32>
          %mul3A_1293 = arith.constant 16 : i32
          %mul3A_1294 = arith.muli %scan3A_330, %mul3A_1293 : i32
          %add3A_1295 = arith.constant 11 : i32
          %add3A_1296 = arith.addi %mul3A_1294, %add3A_1295 : i32
          %get3A_1297 = arith.index_cast %add3A_1296 : i32 to index
          %get3A_1298 = arith.constant 0 : index
          %get3A_1299 = tpu.vector_load %arg15[%get3A_1297, %get3A_1298] {strides = array<i32>} : memref<128x128xf32, #tpu.memory_space<vmem>>, vector<1x16xf32>,
          %get3A_1300 = vector.shape_cast %get3A_1299 : vector<1x16xf32> to vector<16xf32>
          %mul3A_1301 = arith.mulf %get3A_1300, %broadcast_in_dim3A_1292 : vector<16xf32>
          %swap3A_1302 = arith.index_cast %add3A_1296 : i32 to index
          %swap3A_1303 = arith.constant 0 : index
          %swap3A_1304 = tpu.vector_load %arg15[%swap3A_1302, %swap3A_1303] {strides = array<i32>} : memref<128x128xf32, #tpu.memory_space<vmem>>, vector<1x16xf32>,
          %swap3A_1305 = vector.shape_cast %swap3A_1304 : vector<1x16xf32> to vector<16xf32>
          %swap3A_1306 = vector.shape_cast %mul3A_1301 : vector<16xf32> to vector<1x16xf32>
          tpu.vector_store %arg15[%swap3A_1302, %swap3A_1303], %swap3A_1306 {strides = array<i32>} : memref<128x128xf32, #tpu.memory_space<vmem>>, vector<1x16xf32>,
          %get3A_1307 = arith.index_cast %add3A_1296 : i32 to index
          %get3A_1308 = arith.constant 16 : index
          %get3A_1309 = tpu.vector_load %arg15[%get3A_1307, %get3A_1308] {strides = array<i32>} : memref<128x128xf32, #tpu.memory_space<vmem>>, vector<1x16xf32>,
          %get3A_1310 = vector.shape_cast %get3A_1309 : vector<1x16xf32> to vector<16xf32>
          %mul3A_1311 = arith.mulf %get3A_1310, %broadcast_in_dim3A_1292 : vector<16xf32>
          %swap3A_1312 = arith.index_cast %add3A_1296 : i32 to index
          %swap3A_1313 = arith.constant 16 : index
          %swap3A_1314 = tpu.vector_load %arg15[%swap3A_1312, %swap3A_1313] {strides = array<i32>} : memref<128x128xf32, #tpu.memory_space<vmem>>, vector<1x16xf32>,
          %swap3A_1315 = vector.shape_cast %swap3A_1314 : vector<1x16xf32> to vector<16xf32>
          %swap3A_1316 = vector.shape_cast %mul3A_1311 : vector<16xf32> to vector<1x16xf32>
          tpu.vector_store %arg15[%swap3A_1312, %swap3A_1313], %swap3A_1316 {strides = array<i32>} : memref<128x128xf32, #tpu.memory_space<vmem>>, vector<1x16xf32>,
          %get3A_1317 = arith.index_cast %add3A_1296 : i32 to index
          %get3A_1318 = arith.constant 32 : index
          %get3A_1319 = tpu.vector_load %arg15[%get3A_1317, %get3A_1318] {strides = array<i32>} : memref<128x128xf32, #tpu.memory_space<vmem>>, vector<1x16xf32>,
          %get3A_1320 = vector.shape_cast %get3A_1319 : vector<1x16xf32> to vector<16xf32>
          %mul3A_1321 = arith.mulf %get3A_1320, %broadcast_in_dim3A_1292 : vector<16xf32>
          %swap3A_1322 = arith.index_cast %add3A_1296 : i32 to index
          %swap3A_1323 = arith.constant 32 : index
          %swap3A_1324 = tpu.vector_load %arg15[%swap3A_1322, %swap3A_1323] {strides = array<i32>} : memref<128x128xf32, #tpu.memory_space<vmem>>, vector<1x16xf32>,
          %swap3A_1325 = vector.shape_cast %swap3A_1324 : vector<1x16xf32> to vector<16xf32>
          %swap3A_1326 = vector.shape_cast %mul3A_1321 : vector<16xf32> to vector<1x16xf32>
          tpu.vector_store %arg15[%swap3A_1322, %swap3A_1323], %swap3A_1326 {strides = array<i32>} : memref<128x128xf32, #tpu.memory_space<vmem>>, vector<1x16xf32>,
          %get3A_1327 = arith.index_cast %add3A_1296 : i32 to index
          %get3A_1328 = arith.constant 48 : index
          %get3A_1329 = tpu.vector_load %arg15[%get3A_1327, %get3A_1328] {strides = array<i32>} : memref<128x128xf32, #tpu.memory_space<vmem>>, vector<1x16xf32>,
          %get3A_1330 = vector.shape_cast %get3A_1329 : vector<1x16xf32> to vector<16xf32>
          %mul3A_1331 = arith.mulf %get3A_1330, %broadcast_in_dim3A_1292 : vector<16xf32>
          %swap3A_1332 = arith.index_cast %add3A_1296 : i32 to index
          %swap3A_1333 = arith.constant 48 : index
          %swap3A_1334 = tpu.vector_load %arg15[%swap3A_1332, %swap3A_1333] {strides = array<i32>} : memref<128x128xf32, #tpu.memory_space<vmem>>, vector<1x16xf32>,
          %swap3A_1335 = vector.shape_cast %swap3A_1334 : vector<1x16xf32> to vector<16xf32>
          %swap3A_1336 = vector.shape_cast %mul3A_1331 : vector<16xf32> to vector<1x16xf32>
          tpu.vector_store %arg15[%swap3A_1332, %swap3A_1333], %swap3A_1336 {strides = array<i32>} : memref<128x128xf32, #tpu.memory_space<vmem>>, vector<1x16xf32>,
          %get3A_1337 = arith.index_cast %add3A_1296 : i32 to index
          %get3A_1338 = arith.constant 64 : index
          %get3A_1339 = tpu.vector_load %arg15[%get3A_1337, %get3A_1338] {strides = array<i32>} : memref<128x128xf32, #tpu.memory_space<vmem>>, vector<1x16xf32>,
          %get3A_1340 = vector.shape_cast %get3A_1339 : vector<1x16xf32> to vector<16xf32>
          %mul3A_1341 = arith.mulf %get3A_1340, %broadcast_in_dim3A_1292 : vector<16xf32>
          %swap3A_1342 = arith.index_cast %add3A_1296 : i32 to index
          %swap3A_1343 = arith.constant 64 : index
          %swap3A_1344 = tpu.vector_load %arg15[%swap3A_1342, %swap3A_1343] {strides = array<i32>} : memref<128x128xf32, #tpu.memory_space<vmem>>, vector<1x16xf32>,
          %swap3A_1345 = vector.shape_cast %swap3A_1344 : vector<1x16xf32> to vector<16xf32>
          %swap3A_1346 = vector.shape_cast %mul3A_1341 : vector<16xf32> to vector<1x16xf32>
          tpu.vector_store %arg15[%swap3A_1342, %swap3A_1343], %swap3A_1346 {strides = array<i32>} : memref<128x128xf32, #tpu.memory_space<vmem>>, vector<1x16xf32>,
          %get3A_1347 = arith.index_cast %add3A_1296 : i32 to index
          %get3A_1348 = arith.constant 80 : index
          %get3A_1349 = tpu.vector_load %arg15[%get3A_1347, %get3A_1348] {strides = array<i32>} : memref<128x128xf32, #tpu.memory_space<vmem>>, vector<1x16xf32>,
          %get3A_1350 = vector.shape_cast %get3A_1349 : vector<1x16xf32> to vector<16xf32>
          %mul3A_1351 = arith.mulf %get3A_1350, %broadcast_in_dim3A_1292 : vector<16xf32>
          %swap3A_1352 = arith.index_cast %add3A_1296 : i32 to index
          %swap3A_1353 = arith.constant 80 : index
          %swap3A_1354 = tpu.vector_load %arg15[%swap3A_1352, %swap3A_1353] {strides = array<i32>} : memref<128x128xf32, #tpu.memory_space<vmem>>, vector<1x16xf32>,
          %swap3A_1355 = vector.shape_cast %swap3A_1354 : vector<1x16xf32> to vector<16xf32>
          %swap3A_1356 = vector.shape_cast %mul3A_1351 : vector<16xf32> to vector<1x16xf32>
          tpu.vector_store %arg15[%swap3A_1352, %swap3A_1353], %swap3A_1356 {strides = array<i32>} : memref<128x128xf32, #tpu.memory_space<vmem>>, vector<1x16xf32>,
          %get3A_1357 = arith.index_cast %add3A_1296 : i32 to index
          %get3A_1358 = arith.constant 96 : index
          %get3A_1359 = tpu.vector_load %arg15[%get3A_1357, %get3A_1358] {strides = array<i32>} : memref<128x128xf32, #tpu.memory_space<vmem>>, vector<1x16xf32>,
          %get3A_1360 = vector.shape_cast %get3A_1359 : vector<1x16xf32> to vector<16xf32>
          %mul3A_1361 = arith.mulf %get3A_1360, %broadcast_in_dim3A_1292 : vector<16xf32>
          %swap3A_1362 = arith.index_cast %add3A_1296 : i32 to index
          %swap3A_1363 = arith.constant 96 : index
          %swap3A_1364 = tpu.vector_load %arg15[%swap3A_1362, %swap3A_1363] {strides = array<i32>} : memref<128x128xf32, #tpu.memory_space<vmem>>, vector<1x16xf32>,
          %swap3A_1365 = vector.shape_cast %swap3A_1364 : vector<1x16xf32> to vector<16xf32>
          %swap3A_1366 = vector.shape_cast %mul3A_1361 : vector<16xf32> to vector<1x16xf32>
          tpu.vector_store %arg15[%swap3A_1362, %swap3A_1363], %swap3A_1366 {strides = array<i32>} : memref<128x128xf32, #tpu.memory_space<vmem>>, vector<1x16xf32>,
          %get3A_1367 = arith.index_cast %add3A_1296 : i32 to index
          %get3A_1368 = arith.constant 112 : index
          %get3A_1369 = tpu.vector_load %arg15[%get3A_1367, %get3A_1368] {strides = array<i32>} : memref<128x128xf32, #tpu.memory_space<vmem>>, vector<1x16xf32>,
          %get3A_1370 = vector.shape_cast %get3A_1369 : vector<1x16xf32> to vector<16xf32>
          %mul3A_1371 = arith.mulf %get3A_1370, %broadcast_in_dim3A_1292 : vector<16xf32>
          %swap3A_1372 = arith.index_cast %add3A_1296 : i32 to index
          %swap3A_1373 = arith.constant 112 : index
          %swap3A_1374 = tpu.vector_load %arg15[%swap3A_1372, %swap3A_1373] {strides = array<i32>} : memref<128x128xf32, #tpu.memory_space<vmem>>, vector<1x16xf32>,
          %swap3A_1375 = vector.shape_cast %swap3A_1374 : vector<1x16xf32> to vector<16xf32>
          %swap3A_1376 = vector.shape_cast %mul3A_1371 : vector<16xf32> to vector<1x16xf32>
          tpu.vector_store %arg15[%swap3A_1372, %swap3A_1373], %swap3A_1376 {strides = array<i32>} : memref<128x128xf32, #tpu.memory_space<vmem>>, vector<1x16xf32>,
          %slice3A_1377 = vector.extract_strided_slice %get3A_335 {offsets = [12], sizes = [1], strides = [1]} : vector<16xf32> to vector<1xf32>
          %squeeze3A_1378 = vector.extract %slice3A_1377[0] : f32 from vector<1xf32>
          %broadcast_in_dim3A_1379 = vector.broadcast %squeeze3A_1378 : f32 to vector<16xf32>
          %mul3A_1380 = arith.constant 16 : i32
          %mul3A_1381 = arith.muli %scan3A_330, %mul3A_1380 : i32
          %add3A_1382 = arith.constant 12 : i32
          %add3A_1383 = arith.addi %mul3A_1381, %add3A_1382 : i32
          %get3A_1384 = arith.index_cast %add3A_1383 : i32 to index
          %get3A_1385 = arith.constant 0 : index
          %get3A_1386 = tpu.vector_load %arg15[%get3A_1384, %get3A_1385] {strides = array<i32>} : memref<128x128xf32, #tpu.memory_space<vmem>>, vector<1x16xf32>,
          %get3A_1387 = vector.shape_cast %get3A_1386 : vector<1x16xf32> to vector<16xf32>
          %mul3A_1388 = arith.mulf %get3A_1387, %broadcast_in_dim3A_1379 : vector<16xf32>
          %swap3A_1389 = arith.index_cast %add3A_1383 : i32 to index
          %swap3A_1390 = arith.constant 0 : index
          %swap3A_1391 = tpu.vector_load %arg15[%swap3A_1389, %swap3A_1390] {strides = array<i32>} : memref<128x128xf32, #tpu.memory_space<vmem>>, vector<1x16xf32>,
          %swap3A_1392 = vector.shape_cast %swap3A_1391 : vector<1x16xf32> to vector<16xf32>
          %swap3A_1393 = vector.shape_cast %mul3A_1388 : vector<16xf32> to vector<1x16xf32>
          tpu.vector_store %arg15[%swap3A_1389, %swap3A_1390], %swap3A_1393 {strides = array<i32>} : memref<128x128xf32, #tpu.memory_space<vmem>>, vector<1x16xf32>,
          %get3A_1394 = arith.index_cast %add3A_1383 : i32 to index
          %get3A_1395 = arith.constant 16 : index
          %get3A_1396 = tpu.vector_load %arg15[%get3A_1394, %get3A_1395] {strides = array<i32>} : memref<128x128xf32, #tpu.memory_space<vmem>>, vector<1x16xf32>,
          %get3A_1397 = vector.shape_cast %get3A_1396 : vector<1x16xf32> to vector<16xf32>
          %mul3A_1398 = arith.mulf %get3A_1397, %broadcast_in_dim3A_1379 : vector<16xf32>
          %swap3A_1399 = arith.index_cast %add3A_1383 : i32 to index
          %swap3A_1400 = arith.constant 16 : index
          %swap3A_1401 = tpu.vector_load %arg15[%swap3A_1399, %swap3A_1400] {strides = array<i32>} : memref<128x128xf32, #tpu.memory_space<vmem>>, vector<1x16xf32>,
          %swap3A_1402 = vector.shape_cast %swap3A_1401 : vector<1x16xf32> to vector<16xf32>
          %swap3A_1403 = vector.shape_cast %mul3A_1398 : vector<16xf32> to vector<1x16xf32>
          tpu.vector_store %arg15[%swap3A_1399, %swap3A_1400], %swap3A_1403 {strides = array<i32>} : memref<128x128xf32, #tpu.memory_space<vmem>>, vector<1x16xf32>,
          %get3A_1404 = arith.index_cast %add3A_1383 : i32 to index
          %get3A_1405 = arith.constant 32 : index
          %get3A_1406 = tpu.vector_load %arg15[%get3A_1404, %get3A_1405] {strides = array<i32>} : memref<128x128xf32, #tpu.memory_space<vmem>>, vector<1x16xf32>,
          %get3A_1407 = vector.shape_cast %get3A_1406 : vector<1x16xf32> to vector<16xf32>
          %mul3A_1408 = arith.mulf %get3A_1407, %broadcast_in_dim3A_1379 : vector<16xf32>
          %swap3A_1409 = arith.index_cast %add3A_1383 : i32 to index
          %swap3A_1410 = arith.constant 32 : index
          %swap3A_1411 = tpu.vector_load %arg15[%swap3A_1409, %swap3A_1410] {strides = array<i32>} : memref<128x128xf32, #tpu.memory_space<vmem>>, vector<1x16xf32>,
          %swap3A_1412 = vector.shape_cast %swap3A_1411 : vector<1x16xf32> to vector<16xf32>
          %swap3A_1413 = vector.shape_cast %mul3A_1408 : vector<16xf32> to vector<1x16xf32>
          tpu.vector_store %arg15[%swap3A_1409, %swap3A_1410], %swap3A_1413 {strides = array<i32>} : memref<128x128xf32, #tpu.memory_space<vmem>>, vector<1x16xf32>,
          %get3A_1414 = arith.index_cast %add3A_1383 : i32 to index
          %get3A_1415 = arith.constant 48 : index
          %get3A_1416 = tpu.vector_load %arg15[%get3A_1414, %get3A_1415] {strides = array<i32>} : memref<128x128xf32, #tpu.memory_space<vmem>>, vector<1x16xf32>,
          %get3A_1417 = vector.shape_cast %get3A_1416 : vector<1x16xf32> to vector<16xf32>
          %mul3A_1418 = arith.mulf %get3A_1417, %broadcast_in_dim3A_1379 : vector<16xf32>
          %swap3A_1419 = arith.index_cast %add3A_1383 : i32 to index
          %swap3A_1420 = arith.constant 48 : index
          %swap3A_1421 = tpu.vector_load %arg15[%swap3A_1419, %swap3A_1420] {strides = array<i32>} : memref<128x128xf32, #tpu.memory_space<vmem>>, vector<1x16xf32>,
          %swap3A_1422 = vector.shape_cast %swap3A_1421 : vector<1x16xf32> to vector<16xf32>
          %swap3A_1423 = vector.shape_cast %mul3A_1418 : vector<16xf32> to vector<1x16xf32>
          tpu.vector_store %arg15[%swap3A_1419, %swap3A_1420], %swap3A_1423 {strides = array<i32>} : memref<128x128xf32, #tpu.memory_space<vmem>>, vector<1x16xf32>,
          %get3A_1424 = arith.index_cast %add3A_1383 : i32 to index
          %get3A_1425 = arith.constant 64 : index
          %get3A_1426 = tpu.vector_load %arg15[%get3A_1424, %get3A_1425] {strides = array<i32>} : memref<128x128xf32, #tpu.memory_space<vmem>>, vector<1x16xf32>,
          %get3A_1427 = vector.shape_cast %get3A_1426 : vector<1x16xf32> to vector<16xf32>
          %mul3A_1428 = arith.mulf %get3A_1427, %broadcast_in_dim3A_1379 : vector<16xf32>
          %swap3A_1429 = arith.index_cast %add3A_1383 : i32 to index
          %swap3A_1430 = arith.constant 64 : index
          %swap3A_1431 = tpu.vector_load %arg15[%swap3A_1429, %swap3A_1430] {strides = array<i32>} : memref<128x128xf32, #tpu.memory_space<vmem>>, vector<1x16xf32>,
          %swap3A_1432 = vector.shape_cast %swap3A_1431 : vector<1x16xf32> to vector<16xf32>
          %swap3A_1433 = vector.shape_cast %mul3A_1428 : vector<16xf32> to vector<1x16xf32>
          tpu.vector_store %arg15[%swap3A_1429, %swap3A_1430], %swap3A_1433 {strides = array<i32>} : memref<128x128xf32, #tpu.memory_space<vmem>>, vector<1x16xf32>,
          %get3A_1434 = arith.index_cast %add3A_1383 : i32 to index
          %get3A_1435 = arith.constant 80 : index
          %get3A_1436 = tpu.vector_load %arg15[%get3A_1434, %get3A_1435] {strides = array<i32>} : memref<128x128xf32, #tpu.memory_space<vmem>>, vector<1x16xf32>,
          %get3A_1437 = vector.shape_cast %get3A_1436 : vector<1x16xf32> to vector<16xf32>
          %mul3A_1438 = arith.mulf %get3A_1437, %broadcast_in_dim3A_1379 : vector<16xf32>
          %swap3A_1439 = arith.index_cast %add3A_1383 : i32 to index
          %swap3A_1440 = arith.constant 80 : index
          %swap3A_1441 = tpu.vector_load %arg15[%swap3A_1439, %swap3A_1440] {strides = array<i32>} : memref<128x128xf32, #tpu.memory_space<vmem>>, vector<1x16xf32>,
          %swap3A_1442 = vector.shape_cast %swap3A_1441 : vector<1x16xf32> to vector<16xf32>
          %swap3A_1443 = vector.shape_cast %mul3A_1438 : vector<16xf32> to vector<1x16xf32>
          tpu.vector_store %arg15[%swap3A_1439, %swap3A_1440], %swap3A_1443 {strides = array<i32>} : memref<128x128xf32, #tpu.memory_space<vmem>>, vector<1x16xf32>,
          %get3A_1444 = arith.index_cast %add3A_1383 : i32 to index
          %get3A_1445 = arith.constant 96 : index
          %get3A_1446 = tpu.vector_load %arg15[%get3A_1444, %get3A_1445] {strides = array<i32>} : memref<128x128xf32, #tpu.memory_space<vmem>>, vector<1x16xf32>,
          %get3A_1447 = vector.shape_cast %get3A_1446 : vector<1x16xf32> to vector<16xf32>
          %mul3A_1448 = arith.mulf %get3A_1447, %broadcast_in_dim3A_1379 : vector<16xf32>
          %swap3A_1449 = arith.index_cast %add3A_1383 : i32 to index
          %swap3A_1450 = arith.constant 96 : index
          %swap3A_1451 = tpu.vector_load %arg15[%swap3A_1449, %swap3A_1450] {strides = array<i32>} : memref<128x128xf32, #tpu.memory_space<vmem>>, vector<1x16xf32>,
          %swap3A_1452 = vector.shape_cast %swap3A_1451 : vector<1x16xf32> to vector<16xf32>
          %swap3A_1453 = vector.shape_cast %mul3A_1448 : vector<16xf32> to vector<1x16xf32>
          tpu.vector_store %arg15[%swap3A_1449, %swap3A_1450], %swap3A_1453 {strides = array<i32>} : memref<128x128xf32, #tpu.memory_space<vmem>>, vector<1x16xf32>,
          %get3A_1454 = arith.index_cast %add3A_1383 : i32 to index
          %get3A_1455 = arith.constant 112 : index
          %get3A_1456 = tpu.vector_load %arg15[%get3A_1454, %get3A_1455] {strides = array<i32>} : memref<128x128xf32, #tpu.memory_space<vmem>>, vector<1x16xf32>,
          %get3A_1457 = vector.shape_cast %get3A_1456 : vector<1x16xf32> to vector<16xf32>
          %mul3A_1458 = arith.mulf %get3A_1457, %broadcast_in_dim3A_1379 : vector<16xf32>
          %swap3A_1459 = arith.index_cast %add3A_1383 : i32 to index
          %swap3A_1460 = arith.constant 112 : index
          %swap3A_1461 = tpu.vector_load %arg15[%swap3A_1459, %swap3A_1460] {strides = array<i32>} : memref<128x128xf32, #tpu.memory_space<vmem>>, vector<1x16xf32>,
          %swap3A_1462 = vector.shape_cast %swap3A_1461 : vector<1x16xf32> to vector<16xf32>
          %swap3A_1463 = vector.shape_cast %mul3A_1458 : vector<16xf32> to vector<1x16xf32>
          tpu.vector_store %arg15[%swap3A_1459, %swap3A_1460], %swap3A_1463 {strides = array<i32>} : memref<128x128xf32, #tpu.memory_space<vmem>>, vector<1x16xf32>,
          %slice3A_1464 = vector.extract_strided_slice %get3A_335 {offsets = [13], sizes = [1], strides = [1]} : vector<16xf32> to vector<1xf32>
          %squeeze3A_1465 = vector.extract %slice3A_1464[0] : f32 from vector<1xf32>
          %broadcast_in_dim3A_1466 = vector.broadcast %squeeze3A_1465 : f32 to vector<16xf32>
          %mul3A_1467 = arith.constant 16 : i32
          %mul3A_1468 = arith.muli %scan3A_330, %mul3A_1467 : i32
          %add3A_1469 = arith.constant 13 : i32
          %add3A_1470 = arith.addi %mul3A_1468, %add3A_1469 : i32
          %get3A_1471 = arith.index_cast %add3A_1470 : i32 to index
          %get3A_1472 = arith.constant 0 : index
          %get3A_1473 = tpu.vector_load %arg15[%get3A_1471, %get3A_1472] {strides = array<i32>} : memref<128x128xf32, #tpu.memory_space<vmem>>, vector<1x16xf32>,
          %get3A_1474 = vector.shape_cast %get3A_1473 : vector<1x16xf32> to vector<16xf32>
          %mul3A_1475 = arith.mulf %get3A_1474, %broadcast_in_dim3A_1466 : vector<16xf32>
          %swap3A_1476 = arith.index_cast %add3A_1470 : i32 to index
          %swap3A_1477 = arith.constant 0 : index
          %swap3A_1478 = tpu.vector_load %arg15[%swap3A_1476, %swap3A_1477] {strides = array<i32>} : memref<128x128xf32, #tpu.memory_space<vmem>>, vector<1x16xf32>,
          %swap3A_1479 = vector.shape_cast %swap3A_1478 : vector<1x16xf32> to vector<16xf32>
          %swap3A_1480 = vector.shape_cast %mul3A_1475 : vector<16xf32> to vector<1x16xf32>
          tpu.vector_store %arg15[%swap3A_1476, %swap3A_1477], %swap3A_1480 {strides = array<i32>} : memref<128x128xf32, #tpu.memory_space<vmem>>, vector<1x16xf32>,
          %get3A_1481 = arith.index_cast %add3A_1470 : i32 to index
          %get3A_1482 = arith.constant 16 : index
          %get3A_1483 = tpu.vector_load %arg15[%get3A_1481, %get3A_1482] {strides = array<i32>} : memref<128x128xf32, #tpu.memory_space<vmem>>, vector<1x16xf32>,
          %get3A_1484 = vector.shape_cast %get3A_1483 : vector<1x16xf32> to vector<16xf32>
          %mul3A_1485 = arith.mulf %get3A_1484, %broadcast_in_dim3A_1466 : vector<16xf32>
          %swap3A_1486 = arith.index_cast %add3A_1470 : i32 to index
          %swap3A_1487 = arith.constant 16 : index
          %swap3A_1488 = tpu.vector_load %arg15[%swap3A_1486, %swap3A_1487] {strides = array<i32>} : memref<128x128xf32, #tpu.memory_space<vmem>>, vector<1x16xf32>,
          %swap3A_1489 = vector.shape_cast %swap3A_1488 : vector<1x16xf32> to vector<16xf32>
          %swap3A_1490 = vector.shape_cast %mul3A_1485 : vector<16xf32> to vector<1x16xf32>
          tpu.vector_store %arg15[%swap3A_1486, %swap3A_1487], %swap3A_1490 {strides = array<i32>} : memref<128x128xf32, #tpu.memory_space<vmem>>, vector<1x16xf32>,
          %get3A_1491 = arith.index_cast %add3A_1470 : i32 to index
          %get3A_1492 = arith.constant 32 : index
          %get3A_1493 = tpu.vector_load %arg15[%get3A_1491, %get3A_1492] {strides = array<i32>} : memref<128x128xf32, #tpu.memory_space<vmem>>, vector<1x16xf32>,
          %get3A_1494 = vector.shape_cast %get3A_1493 : vector<1x16xf32> to vector<16xf32>
          %mul3A_1495 = arith.mulf %get3A_1494, %broadcast_in_dim3A_1466 : vector<16xf32>
          %swap3A_1496 = arith.index_cast %add3A_1470 : i32 to index
          %swap3A_1497 = arith.constant 32 : index
          %swap3A_1498 = tpu.vector_load %arg15[%swap3A_1496, %swap3A_1497] {strides = array<i32>} : memref<128x128xf32, #tpu.memory_space<vmem>>, vector<1x16xf32>,
          %swap3A_1499 = vector.shape_cast %swap3A_1498 : vector<1x16xf32> to vector<16xf32>
          %swap3A_1500 = vector.shape_cast %mul3A_1495 : vector<16xf32> to vector<1x16xf32>
          tpu.vector_store %arg15[%swap3A_1496, %swap3A_1497], %swap3A_1500 {strides = array<i32>} : memref<128x128xf32, #tpu.memory_space<vmem>>, vector<1x16xf32>,
          %get3A_1501 = arith.index_cast %add3A_1470 : i32 to index
          %get3A_1502 = arith.constant 48 : index
          %get3A_1503 = tpu.vector_load %arg15[%get3A_1501, %get3A_1502] {strides = array<i32>} : memref<128x128xf32, #tpu.memory_space<vmem>>, vector<1x16xf32>,
          %get3A_1504 = vector.shape_cast %get3A_1503 : vector<1x16xf32> to vector<16xf32>
          %mul3A_1505 = arith.mulf %get3A_1504, %broadcast_in_dim3A_1466 : vector<16xf32>
          %swap3A_1506 = arith.index_cast %add3A_1470 : i32 to index
          %swap3A_1507 = arith.constant 48 : index
          %swap3A_1508 = tpu.vector_load %arg15[%swap3A_1506, %swap3A_1507] {strides = array<i32>} : memref<128x128xf32, #tpu.memory_space<vmem>>, vector<1x16xf32>,
          %swap3A_1509 = vector.shape_cast %swap3A_1508 : vector<1x16xf32> to vector<16xf32>
          %swap3A_1510 = vector.shape_cast %mul3A_1505 : vector<16xf32> to vector<1x16xf32>
          tpu.vector_store %arg15[%swap3A_1506, %swap3A_1507], %swap3A_1510 {strides = array<i32>} : memref<128x128xf32, #tpu.memory_space<vmem>>, vector<1x16xf32>,
          %get3A_1511 = arith.index_cast %add3A_1470 : i32 to index
          %get3A_1512 = arith.constant 64 : index
          %get3A_1513 = tpu.vector_load %arg15[%get3A_1511, %get3A_1512] {strides = array<i32>} : memref<128x128xf32, #tpu.memory_space<vmem>>, vector<1x16xf32>,
          %get3A_1514 = vector.shape_cast %get3A_1513 : vector<1x16xf32> to vector<16xf32>
          %mul3A_1515 = arith.mulf %get3A_1514, %broadcast_in_dim3A_1466 : vector<16xf32>
          %swap3A_1516 = arith.index_cast %add3A_1470 : i32 to index
          %swap3A_1517 = arith.constant 64 : index
          %swap3A_1518 = tpu.vector_load %arg15[%swap3A_1516, %swap3A_1517] {strides = array<i32>} : memref<128x128xf32, #tpu.memory_space<vmem>>, vector<1x16xf32>,
          %swap3A_1519 = vector.shape_cast %swap3A_1518 : vector<1x16xf32> to vector<16xf32>
          %swap3A_1520 = vector.shape_cast %mul3A_1515 : vector<16xf32> to vector<1x16xf32>
          tpu.vector_store %arg15[%swap3A_1516, %swap3A_1517], %swap3A_1520 {strides = array<i32>} : memref<128x128xf32, #tpu.memory_space<vmem>>, vector<1x16xf32>,
          %get3A_1521 = arith.index_cast %add3A_1470 : i32 to index
          %get3A_1522 = arith.constant 80 : index
          %get3A_1523 = tpu.vector_load %arg15[%get3A_1521, %get3A_1522] {strides = array<i32>} : memref<128x128xf32, #tpu.memory_space<vmem>>, vector<1x16xf32>,
          %get3A_1524 = vector.shape_cast %get3A_1523 : vector<1x16xf32> to vector<16xf32>
          %mul3A_1525 = arith.mulf %get3A_1524, %broadcast_in_dim3A_1466 : vector<16xf32>
          %swap3A_1526 = arith.index_cast %add3A_1470 : i32 to index
          %swap3A_1527 = arith.constant 80 : index
          %swap3A_1528 = tpu.vector_load %arg15[%swap3A_1526, %swap3A_1527] {strides = array<i32>} : memref<128x128xf32, #tpu.memory_space<vmem>>, vector<1x16xf32>,
          %swap3A_1529 = vector.shape_cast %swap3A_1528 : vector<1x16xf32> to vector<16xf32>
          %swap3A_1530 = vector.shape_cast %mul3A_1525 : vector<16xf32> to vector<1x16xf32>
          tpu.vector_store %arg15[%swap3A_1526, %swap3A_1527], %swap3A_1530 {strides = array<i32>} : memref<128x128xf32, #tpu.memory_space<vmem>>, vector<1x16xf32>,
          %get3A_1531 = arith.index_cast %add3A_1470 : i32 to index
          %get3A_1532 = arith.constant 96 : index
          %get3A_1533 = tpu.vector_load %arg15[%get3A_1531, %get3A_1532] {strides = array<i32>} : memref<128x128xf32, #tpu.memory_space<vmem>>, vector<1x16xf32>,
          %get3A_1534 = vector.shape_cast %get3A_1533 : vector<1x16xf32> to vector<16xf32>
          %mul3A_1535 = arith.mulf %get3A_1534, %broadcast_in_dim3A_1466 : vector<16xf32>
          %swap3A_1536 = arith.index_cast %add3A_1470 : i32 to index
          %swap3A_1537 = arith.constant 96 : index
          %swap3A_1538 = tpu.vector_load %arg15[%swap3A_1536, %swap3A_1537] {strides = array<i32>} : memref<128x128xf32, #tpu.memory_space<vmem>>, vector<1x16xf32>,
          %swap3A_1539 = vector.shape_cast %swap3A_1538 : vector<1x16xf32> to vector<16xf32>
          %swap3A_1540 = vector.shape_cast %mul3A_1535 : vector<16xf32> to vector<1x16xf32>
          tpu.vector_store %arg15[%swap3A_1536, %swap3A_1537], %swap3A_1540 {strides = array<i32>} : memref<128x128xf32, #tpu.memory_space<vmem>>, vector<1x16xf32>,
          %get3A_1541 = arith.index_cast %add3A_1470 : i32 to index
          %get3A_1542 = arith.constant 112 : index
          %get3A_1543 = tpu.vector_load %arg15[%get3A_1541, %get3A_1542] {strides = array<i32>} : memref<128x128xf32, #tpu.memory_space<vmem>>, vector<1x16xf32>,
          %get3A_1544 = vector.shape_cast %get3A_1543 : vector<1x16xf32> to vector<16xf32>
          %mul3A_1545 = arith.mulf %get3A_1544, %broadcast_in_dim3A_1466 : vector<16xf32>
          %swap3A_1546 = arith.index_cast %add3A_1470 : i32 to index
          %swap3A_1547 = arith.constant 112 : index
          %swap3A_1548 = tpu.vector_load %arg15[%swap3A_1546, %swap3A_1547] {strides = array<i32>} : memref<128x128xf32, #tpu.memory_space<vmem>>, vector<1x16xf32>,
          %swap3A_1549 = vector.shape_cast %swap3A_1548 : vector<1x16xf32> to vector<16xf32>
          %swap3A_1550 = vector.shape_cast %mul3A_1545 : vector<16xf32> to vector<1x16xf32>
          tpu.vector_store %arg15[%swap3A_1546, %swap3A_1547], %swap3A_1550 {strides = array<i32>} : memref<128x128xf32, #tpu.memory_space<vmem>>, vector<1x16xf32>,
          %slice3A_1551 = vector.extract_strided_slice %get3A_335 {offsets = [14], sizes = [1], strides = [1]} : vector<16xf32> to vector<1xf32>
          %squeeze3A_1552 = vector.extract %slice3A_1551[0] : f32 from vector<1xf32>
          %broadcast_in_dim3A_1553 = vector.broadcast %squeeze3A_1552 : f32 to vector<16xf32>
          %mul3A_1554 = arith.constant 16 : i32
          %mul3A_1555 = arith.muli %scan3A_330, %mul3A_1554 : i32
          %add3A_1556 = arith.constant 14 : i32
          %add3A_1557 = arith.addi %mul3A_1555, %add3A_1556 : i32
          %get3A_1558 = arith.index_cast %add3A_1557 : i32 to index
          %get3A_1559 = arith.constant 0 : index
          %get3A_1560 = tpu.vector_load %arg15[%get3A_1558, %get3A_1559] {strides = array<i32>} : memref<128x128xf32, #tpu.memory_space<vmem>>, vector<1x16xf32>,
          %get3A_1561 = vector.shape_cast %get3A_1560 : vector<1x16xf32> to vector<16xf32>
          %mul3A_1562 = arith.mulf %get3A_1561, %broadcast_in_dim3A_1553 : vector<16xf32>
          %swap3A_1563 = arith.index_cast %add3A_1557 : i32 to index
          %swap3A_1564 = arith.constant 0 : index
          %swap3A_1565 = tpu.vector_load %arg15[%swap3A_1563, %swap3A_1564] {strides = array<i32>} : memref<128x128xf32, #tpu.memory_space<vmem>>, vector<1x16xf32>,
          %swap3A_1566 = vector.shape_cast %swap3A_1565 : vector<1x16xf32> to vector<16xf32>
          %swap3A_1567 = vector.shape_cast %mul3A_1562 : vector<16xf32> to vector<1x16xf32>
          tpu.vector_store %arg15[%swap3A_1563, %swap3A_1564], %swap3A_1567 {strides = array<i32>} : memref<128x128xf32, #tpu.memory_space<vmem>>, vector<1x16xf32>,
          %get3A_1568 = arith.index_cast %add3A_1557 : i32 to index
          %get3A_1569 = arith.constant 16 : index
          %get3A_1570 = tpu.vector_load %arg15[%get3A_1568, %get3A_1569] {strides = array<i32>} : memref<128x128xf32, #tpu.memory_space<vmem>>, vector<1x16xf32>,
          %get3A_1571 = vector.shape_cast %get3A_1570 : vector<1x16xf32> to vector<16xf32>
          %mul3A_1572 = arith.mulf %get3A_1571, %broadcast_in_dim3A_1553 : vector<16xf32>
          %swap3A_1573 = arith.index_cast %add3A_1557 : i32 to index
          %swap3A_1574 = arith.constant 16 : index
          %swap3A_1575 = tpu.vector_load %arg15[%swap3A_1573, %swap3A_1574] {strides = array<i32>} : memref<128x128xf32, #tpu.memory_space<vmem>>, vector<1x16xf32>,
          %swap3A_1576 = vector.shape_cast %swap3A_1575 : vector<1x16xf32> to vector<16xf32>
          %swap3A_1577 = vector.shape_cast %mul3A_1572 : vector<16xf32> to vector<1x16xf32>
          tpu.vector_store %arg15[%swap3A_1573, %swap3A_1574], %swap3A_1577 {strides = array<i32>} : memref<128x128xf32, #tpu.memory_space<vmem>>, vector<1x16xf32>,
          %get3A_1578 = arith.index_cast %add3A_1557 : i32 to index
          %get3A_1579 = arith.constant 32 : index
          %get3A_1580 = tpu.vector_load %arg15[%get3A_1578, %get3A_1579] {strides = array<i32>} : memref<128x128xf32, #tpu.memory_space<vmem>>, vector<1x16xf32>,
          %get3A_1581 = vector.shape_cast %get3A_1580 : vector<1x16xf32> to vector<16xf32>
          %mul3A_1582 = arith.mulf %get3A_1581, %broadcast_in_dim3A_1553 : vector<16xf32>
          %swap3A_1583 = arith.index_cast %add3A_1557 : i32 to index
          %swap3A_1584 = arith.constant 32 : index
          %swap3A_1585 = tpu.vector_load %arg15[%swap3A_1583, %swap3A_1584] {strides = array<i32>} : memref<128x128xf32, #tpu.memory_space<vmem>>, vector<1x16xf32>,
          %swap3A_1586 = vector.shape_cast %swap3A_1585 : vector<1x16xf32> to vector<16xf32>
          %swap3A_1587 = vector.shape_cast %mul3A_1582 : vector<16xf32> to vector<1x16xf32>
          tpu.vector_store %arg15[%swap3A_1583, %swap3A_1584], %swap3A_1587 {strides = array<i32>} : memref<128x128xf32, #tpu.memory_space<vmem>>, vector<1x16xf32>,
          %get3A_1588 = arith.index_cast %add3A_1557 : i32 to index
          %get3A_1589 = arith.constant 48 : index
          %get3A_1590 = tpu.vector_load %arg15[%get3A_1588, %get3A_1589] {strides = array<i32>} : memref<128x128xf32, #tpu.memory_space<vmem>>, vector<1x16xf32>,
          %get3A_1591 = vector.shape_cast %get3A_1590 : vector<1x16xf32> to vector<16xf32>
          %mul3A_1592 = arith.mulf %get3A_1591, %broadcast_in_dim3A_1553 : vector<16xf32>
          %swap3A_1593 = arith.index_cast %add3A_1557 : i32 to index
          %swap3A_1594 = arith.constant 48 : index
          %swap3A_1595 = tpu.vector_load %arg15[%swap3A_1593, %swap3A_1594] {strides = array<i32>} : memref<128x128xf32, #tpu.memory_space<vmem>>, vector<1x16xf32>,
          %swap3A_1596 = vector.shape_cast %swap3A_1595 : vector<1x16xf32> to vector<16xf32>
          %swap3A_1597 = vector.shape_cast %mul3A_1592 : vector<16xf32> to vector<1x16xf32>
          tpu.vector_store %arg15[%swap3A_1593, %swap3A_1594], %swap3A_1597 {strides = array<i32>} : memref<128x128xf32, #tpu.memory_space<vmem>>, vector<1x16xf32>,
          %get3A_1598 = arith.index_cast %add3A_1557 : i32 to index
          %get3A_1599 = arith.constant 64 : index
          %get3A_1600 = tpu.vector_load %arg15[%get3A_1598, %get3A_1599] {strides = array<i32>} : memref<128x128xf32, #tpu.memory_space<vmem>>, vector<1x16xf32>,
          %get3A_1601 = vector.shape_cast %get3A_1600 : vector<1x16xf32> to vector<16xf32>
          %mul3A_1602 = arith.mulf %get3A_1601, %broadcast_in_dim3A_1553 : vector<16xf32>
          %swap3A_1603 = arith.index_cast %add3A_1557 : i32 to index
          %swap3A_1604 = arith.constant 64 : index
          %swap3A_1605 = tpu.vector_load %arg15[%swap3A_1603, %swap3A_1604] {strides = array<i32>} : memref<128x128xf32, #tpu.memory_space<vmem>>, vector<1x16xf32>,
          %swap3A_1606 = vector.shape_cast %swap3A_1605 : vector<1x16xf32> to vector<16xf32>
          %swap3A_1607 = vector.shape_cast %mul3A_1602 : vector<16xf32> to vector<1x16xf32>
          tpu.vector_store %arg15[%swap3A_1603, %swap3A_1604], %swap3A_1607 {strides = array<i32>} : memref<128x128xf32, #tpu.memory_space<vmem>>, vector<1x16xf32>,
          %get3A_1608 = arith.index_cast %add3A_1557 : i32 to index
          %get3A_1609 = arith.constant 80 : index
          %get3A_1610 = tpu.vector_load %arg15[%get3A_1608, %get3A_1609] {strides = array<i32>} : memref<128x128xf32, #tpu.memory_space<vmem>>, vector<1x16xf32>,
          %get3A_1611 = vector.shape_cast %get3A_1610 : vector<1x16xf32> to vector<16xf32>
          %mul3A_1612 = arith.mulf %get3A_1611, %broadcast_in_dim3A_1553 : vector<16xf32>
          %swap3A_1613 = arith.index_cast %add3A_1557 : i32 to index
          %swap3A_1614 = arith.constant 80 : index
          %swap3A_1615 = tpu.vector_load %arg15[%swap3A_1613, %swap3A_1614] {strides = array<i32>} : memref<128x128xf32, #tpu.memory_space<vmem>>, vector<1x16xf32>,
          %swap3A_1616 = vector.shape_cast %swap3A_1615 : vector<1x16xf32> to vector<16xf32>
          %swap3A_1617 = vector.shape_cast %mul3A_1612 : vector<16xf32> to vector<1x16xf32>
          tpu.vector_store %arg15[%swap3A_1613, %swap3A_1614], %swap3A_1617 {strides = array<i32>} : memref<128x128xf32, #tpu.memory_space<vmem>>, vector<1x16xf32>,
          %get3A_1618 = arith.index_cast %add3A_1557 : i32 to index
          %get3A_1619 = arith.constant 96 : index
          %get3A_1620 = tpu.vector_load %arg15[%get3A_1618, %get3A_1619] {strides = array<i32>} : memref<128x128xf32, #tpu.memory_space<vmem>>, vector<1x16xf32>,
          %get3A_1621 = vector.shape_cast %get3A_1620 : vector<1x16xf32> to vector<16xf32>
          %mul3A_1622 = arith.mulf %get3A_1621, %broadcast_in_dim3A_1553 : vector<16xf32>
          %swap3A_1623 = arith.index_cast %add3A_1557 : i32 to index
          %swap3A_1624 = arith.constant 96 : index
          %swap3A_1625 = tpu.vector_load %arg15[%swap3A_1623, %swap3A_1624] {strides = array<i32>} : memref<128x128xf32, #tpu.memory_space<vmem>>, vector<1x16xf32>,
          %swap3A_1626 = vector.shape_cast %swap3A_1625 : vector<1x16xf32> to vector<16xf32>
          %swap3A_1627 = vector.shape_cast %mul3A_1622 : vector<16xf32> to vector<1x16xf32>
          tpu.vector_store %arg15[%swap3A_1623, %swap3A_1624], %swap3A_1627 {strides = array<i32>} : memref<128x128xf32, #tpu.memory_space<vmem>>, vector<1x16xf32>,
          %get3A_1628 = arith.index_cast %add3A_1557 : i32 to index
          %get3A_1629 = arith.constant 112 : index
          %get3A_1630 = tpu.vector_load %arg15[%get3A_1628, %get3A_1629] {strides = array<i32>} : memref<128x128xf32, #tpu.memory_space<vmem>>, vector<1x16xf32>,
          %get3A_1631 = vector.shape_cast %get3A_1630 : vector<1x16xf32> to vector<16xf32>
          %mul3A_1632 = arith.mulf %get3A_1631, %broadcast_in_dim3A_1553 : vector<16xf32>
          %swap3A_1633 = arith.index_cast %add3A_1557 : i32 to index
          %swap3A_1634 = arith.constant 112 : index
          %swap3A_1635 = tpu.vector_load %arg15[%swap3A_1633, %swap3A_1634] {strides = array<i32>} : memref<128x128xf32, #tpu.memory_space<vmem>>, vector<1x16xf32>,
          %swap3A_1636 = vector.shape_cast %swap3A_1635 : vector<1x16xf32> to vector<16xf32>
          %swap3A_1637 = vector.shape_cast %mul3A_1632 : vector<16xf32> to vector<1x16xf32>
          tpu.vector_store %arg15[%swap3A_1633, %swap3A_1634], %swap3A_1637 {strides = array<i32>} : memref<128x128xf32, #tpu.memory_space<vmem>>, vector<1x16xf32>,
          %slice3A_1638 = vector.extract_strided_slice %get3A_335 {offsets = [15], sizes = [1], strides = [1]} : vector<16xf32> to vector<1xf32>
          %squeeze3A_1639 = vector.extract %slice3A_1638[0] : f32 from vector<1xf32>
          %broadcast_in_dim3A_1640 = vector.broadcast %squeeze3A_1639 : f32 to vector<16xf32>
          %mul3A_1641 = arith.constant 16 : i32
          %mul3A_1642 = arith.muli %scan3A_330, %mul3A_1641 : i32
          %add3A_1643 = arith.constant 15 : i32
          %add3A_1644 = arith.addi %mul3A_1642, %add3A_1643 : i32
          %get3A_1645 = arith.index_cast %add3A_1644 : i32 to index
          %get3A_1646 = arith.constant 0 : index
          %get3A_1647 = tpu.vector_load %arg15[%get3A_1645, %get3A_1646] {strides = array<i32>} : memref<128x128xf32, #tpu.memory_space<vmem>>, vector<1x16xf32>,
          %get3A_1648 = vector.shape_cast %get3A_1647 : vector<1x16xf32> to vector<16xf32>
          %mul3A_1649 = arith.mulf %get3A_1648, %broadcast_in_dim3A_1640 : vector<16xf32>
          %swap3A_1650 = arith.index_cast %add3A_1644 : i32 to index
          %swap3A_1651 = arith.constant 0 : index
          %swap3A_1652 = tpu.vector_load %arg15[%swap3A_1650, %swap3A_1651] {strides = array<i32>} : memref<128x128xf32, #tpu.memory_space<vmem>>, vector<1x16xf32>,
          %swap3A_1653 = vector.shape_cast %swap3A_1652 : vector<1x16xf32> to vector<16xf32>
          %swap3A_1654 = vector.shape_cast %mul3A_1649 : vector<16xf32> to vector<1x16xf32>
          tpu.vector_store %arg15[%swap3A_1650, %swap3A_1651], %swap3A_1654 {strides = array<i32>} : memref<128x128xf32, #tpu.memory_space<vmem>>, vector<1x16xf32>,
          %get3A_1655 = arith.index_cast %add3A_1644 : i32 to index
          %get3A_1656 = arith.constant 16 : index
          %get3A_1657 = tpu.vector_load %arg15[%get3A_1655, %get3A_1656] {strides = array<i32>} : memref<128x128xf32, #tpu.memory_space<vmem>>, vector<1x16xf32>,
          %get3A_1658 = vector.shape_cast %get3A_1657 : vector<1x16xf32> to vector<16xf32>
          %mul3A_1659 = arith.mulf %get3A_1658, %broadcast_in_dim3A_1640 : vector<16xf32>
          %swap3A_1660 = arith.index_cast %add3A_1644 : i32 to index
          %swap3A_1661 = arith.constant 16 : index
          %swap3A_1662 = tpu.vector_load %arg15[%swap3A_1660, %swap3A_1661] {strides = array<i32>} : memref<128x128xf32, #tpu.memory_space<vmem>>, vector<1x16xf32>,
          %swap3A_1663 = vector.shape_cast %swap3A_1662 : vector<1x16xf32> to vector<16xf32>
          %swap3A_1664 = vector.shape_cast %mul3A_1659 : vector<16xf32> to vector<1x16xf32>
          tpu.vector_store %arg15[%swap3A_1660, %swap3A_1661], %swap3A_1664 {strides = array<i32>} : memref<128x128xf32, #tpu.memory_space<vmem>>, vector<1x16xf32>,
          %get3A_1665 = arith.index_cast %add3A_1644 : i32 to index
          %get3A_1666 = arith.constant 32 : index
          %get3A_1667 = tpu.vector_load %arg15[%get3A_1665, %get3A_1666] {strides = array<i32>} : memref<128x128xf32, #tpu.memory_space<vmem>>, vector<1x16xf32>,
          %get3A_1668 = vector.shape_cast %get3A_1667 : vector<1x16xf32> to vector<16xf32>
          %mul3A_1669 = arith.mulf %get3A_1668, %broadcast_in_dim3A_1640 : vector<16xf32>
          %swap3A_1670 = arith.index_cast %add3A_1644 : i32 to index
          %swap3A_1671 = arith.constant 32 : index
          %swap3A_1672 = tpu.vector_load %arg15[%swap3A_1670, %swap3A_1671] {strides = array<i32>} : memref<128x128xf32, #tpu.memory_space<vmem>>, vector<1x16xf32>,
          %swap3A_1673 = vector.shape_cast %swap3A_1672 : vector<1x16xf32> to vector<16xf32>
          %swap3A_1674 = vector.shape_cast %mul3A_1669 : vector<16xf32> to vector<1x16xf32>
          tpu.vector_store %arg15[%swap3A_1670, %swap3A_1671], %swap3A_1674 {strides = array<i32>} : memref<128x128xf32, #tpu.memory_space<vmem>>, vector<1x16xf32>,
          %get3A_1675 = arith.index_cast %add3A_1644 : i32 to index
          %get3A_1676 = arith.constant 48 : index
          %get3A_1677 = tpu.vector_load %arg15[%get3A_1675, %get3A_1676] {strides = array<i32>} : memref<128x128xf32, #tpu.memory_space<vmem>>, vector<1x16xf32>,
          %get3A_1678 = vector.shape_cast %get3A_1677 : vector<1x16xf32> to vector<16xf32>
          %mul3A_1679 = arith.mulf %get3A_1678, %broadcast_in_dim3A_1640 : vector<16xf32>
          %swap3A_1680 = arith.index_cast %add3A_1644 : i32 to index
          %swap3A_1681 = arith.constant 48 : index
          %swap3A_1682 = tpu.vector_load %arg15[%swap3A_1680, %swap3A_1681] {strides = array<i32>} : memref<128x128xf32, #tpu.memory_space<vmem>>, vector<1x16xf32>,
          %swap3A_1683 = vector.shape_cast %swap3A_1682 : vector<1x16xf32> to vector<16xf32>
          %swap3A_1684 = vector.shape_cast %mul3A_1679 : vector<16xf32> to vector<1x16xf32>
          tpu.vector_store %arg15[%swap3A_1680, %swap3A_1681], %swap3A_1684 {strides = array<i32>} : memref<128x128xf32, #tpu.memory_space<vmem>>, vector<1x16xf32>,
          %get3A_1685 = arith.index_cast %add3A_1644 : i32 to index
          %get3A_1686 = arith.constant 64 : index
          %get3A_1687 = tpu.vector_load %arg15[%get3A_1685, %get3A_1686] {strides = array<i32>} : memref<128x128xf32, #tpu.memory_space<vmem>>, vector<1x16xf32>,
          %get3A_1688 = vector.shape_cast %get3A_1687 : vector<1x16xf32> to vector<16xf32>
          %mul3A_1689 = arith.mulf %get3A_1688, %broadcast_in_dim3A_1640 : vector<16xf32>
          %swap3A_1690 = arith.index_cast %add3A_1644 : i32 to index
          %swap3A_1691 = arith.constant 64 : index
          %swap3A_1692 = tpu.vector_load %arg15[%swap3A_1690, %swap3A_1691] {strides = array<i32>} : memref<128x128xf32, #tpu.memory_space<vmem>>, vector<1x16xf32>,
          %swap3A_1693 = vector.shape_cast %swap3A_1692 : vector<1x16xf32> to vector<16xf32>
          %swap3A_1694 = vector.shape_cast %mul3A_1689 : vector<16xf32> to vector<1x16xf32>
          tpu.vector_store %arg15[%swap3A_1690, %swap3A_1691], %swap3A_1694 {strides = array<i32>} : memref<128x128xf32, #tpu.memory_space<vmem>>, vector<1x16xf32>,
          %get3A_1695 = arith.index_cast %add3A_1644 : i32 to index
          %get3A_1696 = arith.constant 80 : index
          %get3A_1697 = tpu.vector_load %arg15[%get3A_1695, %get3A_1696] {strides = array<i32>} : memref<128x128xf32, #tpu.memory_space<vmem>>, vector<1x16xf32>,
          %get3A_1698 = vector.shape_cast %get3A_1697 : vector<1x16xf32> to vector<16xf32>
          %mul3A_1699 = arith.mulf %get3A_1698, %broadcast_in_dim3A_1640 : vector<16xf32>
          %swap3A_1700 = arith.index_cast %add3A_1644 : i32 to index
          %swap3A_1701 = arith.constant 80 : index
          %swap3A_1702 = tpu.vector_load %arg15[%swap3A_1700, %swap3A_1701] {strides = array<i32>} : memref<128x128xf32, #tpu.memory_space<vmem>>, vector<1x16xf32>,
          %swap3A_1703 = vector.shape_cast %swap3A_1702 : vector<1x16xf32> to vector<16xf32>
          %swap3A_1704 = vector.shape_cast %mul3A_1699 : vector<16xf32> to vector<1x16xf32>
          tpu.vector_store %arg15[%swap3A_1700, %swap3A_1701], %swap3A_1704 {strides = array<i32>} : memref<128x128xf32, #tpu.memory_space<vmem>>, vector<1x16xf32>,
          %get3A_1705 = arith.index_cast %add3A_1644 : i32 to index
          %get3A_1706 = arith.constant 96 : index
          %get3A_1707 = tpu.vector_load %arg15[%get3A_1705, %get3A_1706] {strides = array<i32>} : memref<128x128xf32, #tpu.memory_space<vmem>>, vector<1x16xf32>,
          %get3A_1708 = vector.shape_cast %get3A_1707 : vector<1x16xf32> to vector<16xf32>
          %mul3A_1709 = arith.mulf %get3A_1708, %broadcast_in_dim3A_1640 : vector<16xf32>
          %swap3A_1710 = arith.index_cast %add3A_1644 : i32 to index
          %swap3A_1711 = arith.constant 96 : index
          %swap3A_1712 = tpu.vector_load %arg15[%swap3A_1710, %swap3A_1711] {strides = array<i32>} : memref<128x128xf32, #tpu.memory_space<vmem>>, vector<1x16xf32>,
          %swap3A_1713 = vector.shape_cast %swap3A_1712 : vector<1x16xf32> to vector<16xf32>
          %swap3A_1714 = vector.shape_cast %mul3A_1709 : vector<16xf32> to vector<1x16xf32>
          tpu.vector_store %arg15[%swap3A_1710, %swap3A_1711], %swap3A_1714 {strides = array<i32>} : memref<128x128xf32, #tpu.memory_space<vmem>>, vector<1x16xf32>,
          %get3A_1715 = arith.index_cast %add3A_1644 : i32 to index
          %get3A_1716 = arith.constant 112 : index
          %get3A_1717 = tpu.vector_load %arg15[%get3A_1715, %get3A_1716] {strides = array<i32>} : memref<128x128xf32, #tpu.memory_space<vmem>>, vector<1x16xf32>,
          %get3A_1718 = vector.shape_cast %get3A_1717 : vector<1x16xf32> to vector<16xf32>
          %mul3A_1719 = arith.mulf %get3A_1718, %broadcast_in_dim3A_1640 : vector<16xf32>
          %swap3A_1720 = arith.index_cast %add3A_1644 : i32 to index
          %swap3A_1721 = arith.constant 112 : index
          %swap3A_1722 = tpu.vector_load %arg15[%swap3A_1720, %swap3A_1721] {strides = array<i32>} : memref<128x128xf32, #tpu.memory_space<vmem>>, vector<1x16xf32>,
          %swap3A_1723 = vector.shape_cast %swap3A_1722 : vector<1x16xf32> to vector<16xf32>
          %swap3A_1724 = vector.shape_cast %mul3A_1719 : vector<16xf32> to vector<1x16xf32>
          tpu.vector_store %arg15[%swap3A_1720, %swap3A_1721], %swap3A_1724 {strides = array<i32>} : memref<128x128xf32, #tpu.memory_space<vmem>>, vector<1x16xf32>,
        }
        %scan3A_325 = arith.constant 8 : i32
        %dma_start3A = arith.constant 0 : i32
        %dma_start3A_326 = arith.constant 0 : i32
        %dma_start3A_327 = tpu.memref_slice %arg25[%dma_start3A, %dma_start3A_326] : memref<10112x128xf32, #tpu.memory_space<vmem_shared>> -> memref<10112x128xf32, #tpu.memory_space<vmem_shared>>
        tpu.enqueue_indirect_dma source(%arg15 : memref<128x128xf32, #tpu.memory_space<vmem>>) target(%dma_start3A_327 : memref<10112x128xf32, #tpu.memory_space<vmem_shared>>) offsets(%arg17 : memref<128xi32, #tpu.memory_space<vmem>>) semaphore(%arg32 : memref<!tpu.dma_semaphore, #tpu.memory_space<semaphore_mem>>) {add = true}
        %dma_start3A_328 = arith.constant 0 : i32
        %dma_start3A_329 = tpu.memref_slice %arg26[%dma_start3A_328] : memref<161792xf32, #tpu.memory_space<vmem_shared>> -> memref<161792xf32, #tpu.memory_space<vmem_shared>>
        tpu.enqueue_indirect_dma source(%arg23 : memref<128xf32, #tpu.memory_space<vmem>>) target(%dma_start3A_329 : memref<161792xf32, #tpu.memory_space<vmem_shared>>) offsets(%arg21 : memref<128xi32, #tpu.memory_space<vmem>>) semaphore(%arg34 : memref<!tpu.dma_semaphore, #tpu.memory_space<semaphore_mem>>) {add = true}
      } else {
      }
      %lt3A_112 = arith.constant 2500 : i32
      %lt3A_113 = arith.cmpi slt, %add3A_101, %lt3A_112 : i32
      %convert_element_type3A_114 = arith.extui %lt3A_113 : i1 to i32
      %cond3A_115 = arith.constant 0 : i32
      %cond3A_116 = arith.cmpi ne, %convert_element_type3A_114, %cond3A_115 : i32
      scf.if %cond3A_116 {
        %mul3A_117 = arith.constant 128 : i32
        %mul3A_118 = arith.muli %add3A_101, %mul3A_117 : i32
        %dma_wait3A_119 = arith.constant 0 : i32
        %dma_wait3A_120 = tpu.memref_slice %arg2[%dma_wait3A_119, %mul3A_118] : memref<2x320000xi32, #tpu.memory_space<hbm>> -> memref<1x128xi32, #tpu.memory_space<hbm>>
        %dma_wait3A_121 = tpu.memref_squeeze %dma_wait3A_120 : memref<1x128xi32, #tpu.memory_space<hbm>> -> memref<128xi32, #tpu.memory_space<hbm>>
        %dma_wait3A_122 = tpu.memref_slice %arg2[%dma_wait3A_119, %mul3A_118] : memref<2x320000xi32, #tpu.memory_space<hbm>> -> memref<1x128xi32, #tpu.memory_space<hbm>>
        %dma_wait3A_123 = tpu.memref_squeeze %dma_wait3A_122 : memref<1x128xi32, #tpu.memory_space<hbm>> -> memref<128xi32, #tpu.memory_space<hbm>>
        tpu.wait_dma2 semaphore(%arg27 : memref<!tpu.dma_semaphore, #tpu.memory_space<semaphore_mem>>) src(%dma_wait3A_123 : memref<128xi32, #tpu.memory_space<hbm>>) dst(%arg8 : memref<128xi32, #tpu.memory_space<vmem>>)
        %dma_wait3A_124 = arith.constant 1 : i32
        %dma_wait3A_125 = tpu.memref_slice %arg2[%dma_wait3A_124, %mul3A_118] : memref<2x320000xi32, #tpu.memory_space<hbm>> -> memref<1x128xi32, #tpu.memory_space<hbm>>
        %dma_wait3A_126 = tpu.memref_squeeze %dma_wait3A_125 : memref<1x128xi32, #tpu.memory_space<hbm>> -> memref<128xi32, #tpu.memory_space<hbm>>
        %dma_wait3A_127 = tpu.memref_slice %arg2[%dma_wait3A_124, %mul3A_118] : memref<2x320000xi32, #tpu.memory_space<hbm>> -> memref<1x128xi32, #tpu.memory_space<hbm>>
        %dma_wait3A_128 = tpu.memref_squeeze %dma_wait3A_127 : memref<1x128xi32, #tpu.memory_space<hbm>> -> memref<128xi32, #tpu.memory_space<hbm>>
        tpu.wait_dma2 semaphore(%arg27 : memref<!tpu.dma_semaphore, #tpu.memory_space<semaphore_mem>>) src(%dma_wait3A_128 : memref<128xi32, #tpu.memory_space<hbm>>) dst(%arg9 : memref<128xi32, #tpu.memory_space<vmem>>)
        %dma_wait3A_129 = tpu.memref_slice %arg3[%mul3A_118] : memref<320000xf32, #tpu.memory_space<hbm>> -> memref<128xf32, #tpu.memory_space<hbm>>
        %dma_wait3A_130 = tpu.memref_slice %arg3[%mul3A_118] : memref<320000xf32, #tpu.memory_space<hbm>> -> memref<128xf32, #tpu.memory_space<hbm>>
        tpu.wait_dma2 semaphore(%arg27 : memref<!tpu.dma_semaphore, #tpu.memory_space<semaphore_mem>>) src(%dma_wait3A_130 : memref<128xf32, #tpu.memory_space<hbm>>) dst(%arg12 : memref<128xf32, #tpu.memory_space<vmem>>)
        %ge3A = arith.constant 1 : i32
        %ge3A_131 = arith.cmpi sge, %add3A_96, %ge3A : i32
        %convert_element_type3A_132 = arith.extui %ge3A_131 : i1 to i32
        %cond3A_133 = arith.constant 0 : i32
        %cond3A_134 = arith.cmpi ne, %convert_element_type3A_132, %cond3A_133 : i32
        scf.if %cond3A_134 {
          %dma_wait3A_139 = arith.constant 0 : i32
          %dma_wait3A_140 = arith.constant 0 : i32
          %dma_wait3A_141 = tpu.memref_slice %arg25[%dma_wait3A_139, %dma_wait3A_140] : memref<10112x128xf32, #tpu.memory_space<vmem_shared>> -> memref<10112x128xf32, #tpu.memory_space<vmem_shared>>
          tpu.wait_indirect_dma semaphore(%arg31 : memref<!tpu.dma_semaphore, #tpu.memory_space<semaphore_mem>>) src(%arg14 : memref<128x128xf32, #tpu.memory_space<vmem>>) dst(%dma_wait3A_141 : memref<10112x128xf32, #tpu.memory_space<vmem_shared>>)
          %dma_wait3A_142 = arith.constant 0 : i32
          %dma_wait3A_143 = tpu.memref_slice %arg26[%dma_wait3A_142] : memref<161792xf32, #tpu.memory_space<vmem_shared>> -> memref<161792xf32, #tpu.memory_space<vmem_shared>>
          tpu.wait_indirect_dma semaphore(%arg33 : memref<!tpu.dma_semaphore, #tpu.memory_space<semaphore_mem>>) src(%arg22 : memref<128xf32, #tpu.memory_space<vmem>>) dst(%dma_wait3A_143 : memref<161792xf32, #tpu.memory_space<vmem_shared>>)
        } else {
        }
        %dma_start3A = arith.constant 0 : i32
        %dma_start3A_135 = arith.constant 0 : i32
        %dma_start3A_136 = tpu.memref_slice %arg4[%dma_start3A, %dma_start3A_135] : memref<10000x128xf32, #tpu.memory_space<hbm>> -> memref<10000x128xf32, #tpu.memory_space<hbm>>
        tpu.enqueue_indirect_dma source(%dma_start3A_136 : memref<10000x128xf32, #tpu.memory_space<hbm>>) target(%arg14 : memref<128x128xf32, #tpu.memory_space<vmem>>) offsets(%arg9 : memref<128xi32, #tpu.memory_space<vmem>>) semaphore(%arg29 : memref<!tpu.dma_semaphore, #tpu.memory_space<semaphore_mem>>)
        %dma_start3A_137 = arith.constant 0 : i32
        %dma_start3A_138 = tpu.memref_slice %arg5[%dma_start3A_137] : memref<10000xi32, #tpu.memory_space<hbm>> -> memref<10000xi32, #tpu.memory_space<hbm>>
        tpu.enqueue_indirect_dma source(%dma_start3A_138 : memref<10000xi32, #tpu.memory_space<hbm>>) target(%arg18 : memref<128xi32, #tpu.memory_space<vmem>>) offsets(%arg9 : memref<128xi32, #tpu.memory_space<vmem>>) semaphore(%arg29 : memref<!tpu.dma_semaphore, #tpu.memory_space<semaphore_mem>>)
      } else {
      }
    }
    %scan3A_47 = arith.constant 40 : i32
    %dma_wait3A = arith.constant 0 : i32
    %dma_wait3A_48 = arith.constant 0 : i32
    %dma_wait3A_49 = tpu.memref_slice %arg25[%dma_wait3A, %dma_wait3A_48] : memref<10112x128xf32, #tpu.memory_space<vmem_shared>> -> memref<10112x128xf32, #tpu.memory_space<vmem_shared>>
    tpu.wait_indirect_dma semaphore(%arg31 : memref<!tpu.dma_semaphore, #tpu.memory_space<semaphore_mem>>) src(%arg14 : memref<128x128xf32, #tpu.memory_space<vmem>>) dst(%dma_wait3A_49 : memref<10112x128xf32, #tpu.memory_space<vmem_shared>>)
    %dma_wait3A_50 = arith.constant 0 : i32
    %dma_wait3A_51 = tpu.memref_slice %arg26[%dma_wait3A_50] : memref<161792xf32, #tpu.memory_space<vmem_shared>> -> memref<161792xf32, #tpu.memory_space<vmem_shared>>
    tpu.wait_indirect_dma semaphore(%arg33 : memref<!tpu.dma_semaphore, #tpu.memory_space<semaphore_mem>>) src(%arg22 : memref<128xf32, #tpu.memory_space<vmem>>) dst(%dma_wait3A_51 : memref<161792xf32, #tpu.memory_space<vmem_shared>>)
    %dma_wait3A_52 = arith.constant 0 : i32
    %dma_wait3A_53 = arith.constant 0 : i32
    %dma_wait3A_54 = tpu.memref_slice %arg25[%dma_wait3A_52, %dma_wait3A_53] : memref<10112x128xf32, #tpu.memory_space<vmem_shared>> -> memref<10112x128xf32, #tpu.memory_space<vmem_shared>>
    tpu.wait_indirect_dma semaphore(%arg32 : memref<!tpu.dma_semaphore, #tpu.memory_space<semaphore_mem>>) src(%arg15 : memref<128x128xf32, #tpu.memory_space<vmem>>) dst(%dma_wait3A_54 : memref<10112x128xf32, #tpu.memory_space<vmem_shared>>)
    %dma_wait3A_55 = arith.constant 0 : i32
    %dma_wait3A_56 = tpu.memref_slice %arg26[%dma_wait3A_55] : memref<161792xf32, #tpu.memory_space<vmem_shared>> -> memref<161792xf32, #tpu.memory_space<vmem_shared>>
    tpu.wait_indirect_dma semaphore(%arg34 : memref<!tpu.dma_semaphore, #tpu.memory_space<semaphore_mem>>) src(%arg23 : memref<128xf32, #tpu.memory_space<vmem>>) dst(%dma_wait3A_56 : memref<161792xf32, #tpu.memory_space<vmem_shared>>)
    %barrier3A_57 = arith.constant 0 : index
    tpu.barrier barrier_id(%barrier3A_57)
    %mul3A_58 = arith.constant 632 : i32
    %mul3A_59 = arith.muli %arg1, %mul3A_58 : i32
    %mul3A_60 = arith.constant 632 : i32
    %mul3A_61 = arith.muli %arg1, %mul3A_60 : i32
    "tpu.region"() ({
      %run_scoped3A = tpu.sem_alloc : memref<!tpu.dma_semaphore, #tpu.memory_space<semaphore_mem>>
      %dma_start3A = arith.constant 0 : i32
      %dma_start3A_70 = tpu.memref_slice %arg6[%arg0, %mul3A_61, %dma_start3A] : memref<2x10112x128xf32, #tpu.memory_space<hbm>> -> memref<1x632x128xf32, #tpu.memory_space<hbm>>
      %dma_start3A_71 = tpu.memref_squeeze %dma_start3A_70 : memref<1x632x128xf32, #tpu.memory_space<hbm>> -> memref<632x128xf32, #tpu.memory_space<hbm>>
      %dma_start3A_72 = arith.constant 0 : i32
      %dma_start3A_73 = tpu.memref_slice %arg25[%mul3A_59, %dma_start3A_72] : memref<10112x128xf32, #tpu.memory_space<vmem_shared>> -> memref<632x128xf32, #tpu.memory_space<vmem_shared>>
      tpu.enqueue_dma source(%dma_start3A_73 : memref<632x128xf32, #tpu.memory_space<vmem_shared>>) target(%dma_start3A_71 : memref<632x128xf32, #tpu.memory_space<hbm>>) target_semaphore(%run_scoped3A : memref<!tpu.dma_semaphore, #tpu.memory_space<semaphore_mem>>)
      %dma_wait3A_74 = arith.constant 0 : i32
      %dma_wait3A_75 = tpu.memref_slice %arg6[%arg0, %mul3A_61, %dma_wait3A_74] : memref<2x10112x128xf32, #tpu.memory_space<hbm>> -> memref<1x632x128xf32, #tpu.memory_space<hbm>>
      %dma_wait3A_76 = tpu.memref_squeeze %dma_wait3A_75 : memref<1x632x128xf32, #tpu.memory_space<hbm>> -> memref<632x128xf32, #tpu.memory_space<hbm>>
      %dma_wait3A_77 = arith.constant 0 : i32
      %dma_wait3A_78 = tpu.memref_slice %arg25[%mul3A_59, %dma_wait3A_77] : memref<10112x128xf32, #tpu.memory_space<vmem_shared>> -> memref<632x128xf32, #tpu.memory_space<vmem_shared>>
      tpu.wait_dma2 semaphore(%run_scoped3A : memref<!tpu.dma_semaphore, #tpu.memory_space<semaphore_mem>>) src(%dma_wait3A_78 : memref<632x128xf32, #tpu.memory_space<vmem_shared>>) dst(%dma_wait3A_76 : memref<632x128xf32, #tpu.memory_space<hbm>>)
      tpu.yield
    }) : () -> ()
    %mul3A_62 = arith.constant 632 : i32
    %mul3A_63 = arith.muli %arg1, %mul3A_62 : i32
    %mul3A_64 = arith.constant 16 : i32
    %mul3A_65 = arith.muli %mul3A_63, %mul3A_64 : i32
    %mul3A_66 = arith.constant 632 : i32
    %mul3A_67 = arith.muli %arg1, %mul3A_66 : i32
    %mul3A_68 = arith.constant 16 : i32
    %mul3A_69 = arith.muli %mul3A_67, %mul3A_68 : i32
    "tpu.region"() ({
      %run_scoped3A = tpu.sem_alloc : memref<!tpu.dma_semaphore, #tpu.memory_space<semaphore_mem>>
      %dma_start3A = tpu.memref_slice %arg7[%arg0, %mul3A_69] : memref<2x161792xf32, #tpu.memory_space<hbm>> -> memref<1x10112xf32, #tpu.memory_space<hbm>>
      %dma_start3A_70 = tpu.memref_squeeze %dma_start3A : memref<1x10112xf32, #tpu.memory_space<hbm>> -> memref<10112xf32, #tpu.memory_space<hbm>>
      %dma_start3A_71 = tpu.memref_slice %arg26[%mul3A_65] : memref<161792xf32, #tpu.memory_space<vmem_shared>> -> memref<10112xf32, #tpu.memory_space<vmem_shared>>
      tpu.enqueue_dma source(%dma_start3A_71 : memref<10112xf32, #tpu.memory_space<vmem_shared>>) target(%dma_start3A_70 : memref<10112xf32, #tpu.memory_space<hbm>>) target_semaphore(%run_scoped3A : memref<!tpu.dma_semaphore, #tpu.memory_space<semaphore_mem>>)
      %dma_wait3A_72 = tpu.memref_slice %arg7[%arg0, %mul3A_69] : memref<2x161792xf32, #tpu.memory_space<hbm>> -> memref<1x10112xf32, #tpu.memory_space<hbm>>
      %dma_wait3A_73 = tpu.memref_squeeze %dma_wait3A_72 : memref<1x10112xf32, #tpu.memory_space<hbm>> -> memref<10112xf32, #tpu.memory_space<hbm>>
      %dma_wait3A_74 = tpu.memref_slice %arg26[%mul3A_65] : memref<161792xf32, #tpu.memory_space<vmem_shared>> -> memref<10112xf32, #tpu.memory_space<vmem_shared>>
      tpu.wait_dma2 semaphore(%run_scoped3A : memref<!tpu.dma_semaphore, #tpu.memory_space<semaphore_mem>>) src(%dma_wait3A_74 : memref<10112xf32, #tpu.memory_space<vmem_shared>>) dst(%dma_wait3A_73 : memref<10112xf32, #tpu.memory_space<hbm>>)
      tpu.yield
    }) : () -> ()
    return
  }
}

</mosaic_0001>

<sc_bundles>
// kernel: _spmm_fused.3.cloned.1.call-start
scs
__scs_entry_jumppad:
0x0: {  	(pc) =	sbr.rel $0x88, $3  }
0x1: {  	(tag) =	ssettag $0x0;
	lr =	simm.s32 $0x1  }
0x2: {  	[smem:$0x3F9D] =	sst lr;
	_ =	strace $0xD0000000  }
0x3: {  	_ = 	snop  }
0x4: {  	_ = 	snop  }
0x5: {  	_ = 	snop  }
0x6: {  	_ = 	snop  }
0x7: {  	_ = 	snop  }
__scs_overlays_trampoline_lowered:
0x8: {  	[smem:$0x3FAC] =	sst s0  }
0x9: {  	[smem:$0x3FAD] =	sst s1  }
0xa: {  	[smem:$0x3FAE] =	sst s2  }
0xb: {  	[smem:$0x3FAF] =	sst s3  }
0xc: {  	[smem:$0x3FB0] =	sst s4  }
0xd: {  	[smem:$0x3FB1] =	sst s5  }
0xe: {  	[smem:$0x3FB2] =	sst s6  }
0xf: {  	[smem:$0x3FB3] =	sst s7  }
0x10: {  	[smem:$0x3FB4] =	sst s8  }
0x11: {  	[smem:$0x3FB5] =	sst s9;
	s0 =	simm.s32 @!p0 $0x0  }
0x12: {  	s1 =	sld [smem:$0x3F9B];
	s0 =	simm.s32 @p0 $0x1  }
0x13: {  	[smem:$0x3FB6] =	sst s0;
	s0 =	simm.s32 @!p1 $0x0  }
0x14: {  	s2 =	sld [smem:$0x3F9A];
	s0 =	simm.s32 @p1 $0x1  }
0x15: {  	[smem:$0x3FB7] =	sst s0;
	s0 =	simm.s32 @!p2 $0x0  }
0x16: {  	s3 =	sld [smem:$0x3FDB];
	s0 =	simm.s32 @p2 $0x1  }
0x17: {  	s4 =	simm.s32 $0x1BF5;
	[smem:$0x3FB9] =	sst s0  }
0x18: {  	s0 =	sld [smem:$0x3F9C];
	_ =	swait.ge [sflag:s4], $0x0  }
0x19: {  	s7 =	sld [smem:$0x3F9D]  }
0x1a: {  	s8 =	sadd.s32 $0xFFFFE003, lr  }
0x1b: {  	s9 =	sadd.s32 $0xFFFFFEF7, lr;
	s5 =	simm.s32 $0xFFFFFFFF;
	p2 =	slt.u32 s8, $0xFFFFF086  }
0x1c: {  	p1 =	slt.u32 s9, $0xF7A;
	s5 =	simm.s32 @!p2 $0x0  }
0x1d: {  	s5 =	simm.s32 @p1 $0x1;
	p0 =	seq.s32 s7, s2  }
0x1e: {  	s7 =	smul.u32 @!p0 $0xF7A, s2;
	p2 =	seq.s32 @!p0 s5, $0x0  }
0x1f: {  	s9 =	smul.u32 $0xF7A, s1;
	s8 =	simm.s32 @!p0 $0x1BF5;
	p2 =	por !p2, p0  }
0x20: {  	[sflag:s8] =	ssyncset.s32 @!p0 $0xFFFFF086;
	s6 =	sadd.s32 @!p0 s3, s7;
	s7 =	simm.s32 @!p0 $0x108  }
0x21: {  	s3 =	sadd.s32 s3, s9;
	s6 =	sadd.s32 @!p0 $0x88, s6;
	s7 =	simm.s32 @p2 $0x1082  }
0x22: {  	[simem:s7], [sflag:s8] =	dma.local @!p0 [hbm:s6], $0xF7A  }
0x23: {  	s9 =	sor.u32 $0xD0000000, s2;
	s6 =	simm.s32 $0x108;
	_ =	swait.ge @!p0 [sflag:s8], $0x0  }
0x24: {  	s3 =	sadd.s32 $0x88, s3;
	s6 =	simm.s32 @!p1 $0x1082;
	[sflag:s4] =	ssyncset.s32 $0xFFFFF086  }
0x25: {  	[simem:s6], [sflag:s4] =	dma.local [hbm:s3], $0xF7A  }
0x26: {  	[smem:$0x3F9D] =	sst s1;
	(tag) =	ssettag s2;
	_ =	strace s9  }
0x27: {  	s1 =	sld [smem:$0x3FAD]  }
0x28: {  	s2 =	sld [smem:$0x3FAE]  }
0x29: {  	s4 =	sld [smem:$0x3FB0]  }
0x2a: {  	p0 =	seq.s32 s5, $0x0;
	s5 =	sld [smem:$0x3FB1]  }
0x2b: {  	s6 =	sld [smem:$0x3FB2]  }
0x2c: {  	s7 =	sld [smem:$0x3FB3]  }
0x2d: {  	s3 =	simm.s32 $0x108;
	s8 =	sld [smem:$0x3FB4]  }
0x2e: {  	s3 =	simm.s32 @!p0 $0x1082;
	s9 =	sld [smem:$0x3FB5]  }
0x2f: {  	lr =	sadd.s32 s0, s3;
	s0 =	sld [smem:$0x3FAC]  }
0x30: {  	s3 =	sld [smem:$0x3FAF]  }
0x31: {  	[smem:$0x3FB8] =	sst s10  }
0x32: {  	s10 =	sld [smem:$0x3FB6];
	_ =	sdelay $0x3  }
0x33: {  	p0 =	seq.s32 s10, $0x1;
	s10 =	sld [smem:$0x3FB8];
	_ =	sdelay $0x3  }
0x34: {  	[smem:$0x3FB8] =	sst s10  }
0x35: {  	s10 =	sld [smem:$0x3FB7];
	_ =	sdelay $0x3  }
0x36: {  	p1 =	seq.s32 s10, $0x1;
	s10 =	sld [smem:$0x3FB8];
	_ =	sdelay $0x3  }
0x37: {  	[smem:$0x3FB8] =	sst s10  }
0x38: {  	s10 =	sld [smem:$0x3FB9]  }
0x39: {  	_ = 	snop;
	(pc) =	sbr.ind lr, $3  }
0x3a: {  	_ = 	snop  }
0x3b: {  	_ = 	snop  }
0x3c: {  	p2 =	seq.s32 s10, $0x1;
	s10 =	sld [smem:$0x3FB8]  }
0x3d: {  	_ =	shalt  }
0x3e: {  	_ =	shalt  }
0x3f: {  	_ =	shalt  }
0x40: {  	_ =	shalt  }
0x41: {  	_ =	shalt  }
0x42: {  	_ =	shalt  }
0x43: {  	_ =	shalt  }
0x44: {  	_ =	shalt  }
0x45: {  	_ =	shalt  }
0x46: {  	_ =	shalt  }
0x47: {  	_ =	shalt  }
0x48: {  	_ =	shalt  }
0x49: {  	_ =	shalt  }
0x4a: {  	_ =	shalt  }
0x4b: {  	_ =	shalt  }
0x4c: {  	_ =	shalt  }
0x4d: {  	_ =	shalt  }
0x4e: {  	_ =	shalt  }
0x4f: {  	_ =	shalt  }
0x50: {  	_ =	shalt  }
0x51: {  	_ =	shalt  }
0x52: {  	_ =	shalt  }
0x53: {  	_ =	shalt  }
0x54: {  	_ =	shalt  }
0x55: {  	_ =	shalt  }
0x56: {  	_ =	shalt  }
0x57: {  	_ =	shalt  }
0x58: {  	_ =	shalt  }
0x59: {  	_ =	shalt  }
0x5a: {  	_ =	shalt  }
0x5b: {  	_ =	shalt  }
0x5c: {  	_ =	shalt  }
0x5d: {  	_ =	shalt  }
0x5e: {  	_ =	shalt  }
0x5f: {  	_ =	shalt  }
0x60: {  	_ =	shalt  }
0x61: {  	_ =	shalt  }
0x62: {  	_ =	shalt  }
0x63: {  	_ =	shalt  }
0x64: {  	_ =	shalt  }
0x65: {  	_ =	shalt  }
0x66: {  	_ =	shalt  }
0x67: {  	_ =	shalt  }
0x68: {  	_ =	shalt  }
0x69: {  	_ =	shalt  }
0x6a: {  	_ =	shalt  }
0x6b: {  	_ =	shalt  }
0x6c: {  	_ =	shalt  }
0x6d: {  	_ =	shalt  }
0x6e: {  	_ =	shalt  }
0x6f: {  	_ =	shalt  }
0x70: {  	_ =	shalt  }
0x71: {  	_ =	shalt  }
0x72: {  	_ =	shalt  }
0x73: {  	_ =	shalt  }
0x74: {  	_ =	shalt  }
0x75: {  	_ =	shalt  }
0x76: {  	_ =	shalt  }
0x77: {  	_ =	shalt  }
0x78: {  	_ =	shalt  }
0x79: {  	_ =	shalt  }
0x7a: {  	_ =	shalt  }
0x7b: {  	_ =	shalt  }
0x7c: {  	_ =	shalt  }
0x7d: {  	_ =	shalt  }
0x7e: {  	_ =	shalt  }
0x7f: {  	_ =	shalt  }
0x80: {  	_ =	shalt  }
0x81: {  	_ =	shalt  }
0x82: {  	_ =	shalt  }
0x83: {  	_ =	shalt  }
0x84: {  	_ =	shalt  }
0x85: {  	_ =	shalt  }
0x86: {  	_ =	shalt  }
0x87: {  	_ =	shalt  }
.Lfunc_end0:
.L_simem_size_0:
called_computation_lowered:
.L_overlay_start_0:
0x88: {  	s2 =	sld [smem:$0x3FD9]  }
0x89: {  	s3 =	sld [smem:$0x3FFE];
	_ =	sdelay $0x1  }
0x8a: {  	s1 =	srdreg.scid  }
0x8b: {  	s0 =	sand.u32 $0x1, s1  }
0x8c: {  	s15 =	sshll.u32 s0, $0xA;
	s2 =	sadd.s32 s3, s2  }
0x8d: {  	s2 =	sadd.s32 s2, s15  }
0x8e: {  	[smem:$0x3FC4] =	sst s2  }
0x8f: {  	_ = 	snop  }
0x90: {  	s2 =	sld [smem:$0x3FC9]  }
0x91: {  	s16 =	sld [smem:$0x3FD0]  }
0x92: {  	s4 =	sld [smem:$0x3FC8]  }
0x93: {  	s5 =	sld [smem:$0x3FC7]  }
0x94: {  	s7 =	simm.s32 $0xA;
	s8 =	simm.s32 $0x10;
	s6 =	sld [smem:$0x3FC6]  }
0x95: {  	[smem:s8], [sflag:s7] =	dma.local [hbm:s16], $0x1  }
0x96: {  	_ =	swait.eq [sflag:s7], $0x1  }
0x97: {  	[sflag:s7] =	ssyncset.done $0x0  }
0x98: {  	s17 =	sld [smem:$0x10];
	[sflag:s7] =	ssyncadd.s32 $0xFFFFFFFF  }
0x99: {  	s18 =	sld [smem:$0x11];
	(tm) =	ssettm $0x1  }
0x9a: {  	s19 =	sld [smem:$0x3FFB];
	_ =	sdelay $0x3  }
0x9b: {  	_ =	strace s19  }
0x9c: {  	s8 =	sld [smem:$0x3FFC];
	_ =	sdelay $0x3  }
0x9d: {  	_ =	strace s8  }
0x9e: {  	s8 =	sld [smem:$0x3FFD];
	_ =	sdelay $0x3  }
0x9f: {  	_ =	strace s8  }
0xa0: {  	_ =	strace $0x8FFFFFFF  }
0xa1: {  	s20 =	sld [smem:$0x3FDB];
	_ =	sdelay $0x1  }
0xa2: {  	s9 =	simm.s32 $_scs_section_size  }
0xa3: {  	s10 =	simm.s32 $_size__tile_overlayer_lowered;
	s11 =	simm.s32 $_tile_overlayer_lowered  }
0xa4: {  	s23 =	simm.s32 $0x1BFF;
	s22 =	sshll.u32 s11, $0x1;
	s8 =	sadd.s32 s9, s20  }
0xa5: {  	s12 =	simm.s32 $0x0;
	s21 =	sshll.u32 s10, $0x1;
	s10 =	sadd.s32 s22, s8  }
0xa6: {  	[timem:s12], [sflag:s23] =	dma.local [hbm:s10], s21  }
0xa7: {  	_ =	swait.ge [sflag:s23], s21  }
0xa8: {  	s9 =	ssub.s32 $0x0, s21;
	[sflag:s23] =	ssyncset.done $0x0  }
0xa9: {  	[sflag:s23] =	ssyncadd.s32 s9;
	_ =	sdelay $0x1  }
0xaa: {  	s24 =	simm.s32 $0x1B8B  }
0xab: {  	_ =	swait.ge [sflag:s24], $0x1  }
0xac: {  	[sflag:s24] =	ssyncset.done $0x0  }
0xad: {  	s25 =	simm.s32 $0x1B8E;
	[sflag:s24] =	ssyncadd.s32 $0xFFFFFFFF  }
0xae: {  	s26 =	simm.s32 $execute0_lowered;
	[smem:$0x3FD2] =	sst s25  }
0xaf: {  	s9 =	sshll.u32 s26, $0x1;
	_ =	strace $0x80000046;
	[dreg:$0x1] =	wrdreg $0xFFFFFFFF  }
0xb0: {  	s28 =	simm.s32 $_size_execute0_lowered;
	s8 =	sadd.s32 s8, s9;
	[dreg:$0x0] =	wrdreg $0x0  }
0xb1: {  	s9 =	sshll.u32 s28, $0x1;
	[dreg:$0x2] =	wrdreg s8  }
0xb2: {  	[dreg:$0x3] =	wrdreg s9  }
0xb3: {  	[dreg:$0x4] =	wrdreg $0xC0  }
0xb4: {  	_ =	task [dreg:s12], $0x5FFFF  }
0xb5: {  	[dreg:$0x1] =	wrdreg $0xFFFFFFFF  }
0xb6: {  	[dreg:$0x0] =	wrdreg $0x60  }
0xb7: {  	[dreg:$0x2] =	wrdreg s2  }
0xb8: {  	[dreg:$0x3] =	wrdreg s4  }
0xb9: {  	[dreg:$0x4] =	wrdreg s5  }
0xba: {  	[dreg:$0x5] =	wrdreg s6  }
0xbb: {  	[dreg:$0x6] =	wrdreg s17  }
0xbc: {  	[dreg:$0x7] =	wrdreg s18  }
0xbd: {  	[dreg:$0x8] =	wrdreg $0x8F000  }
0xbe: {  	[dreg:$0x9] =	wrdreg $0x1CB000  }
0xbf: {  	[dreg:$0xa] =	wrdreg $0x9  }
0xc0: {  	_ =	task.clear_ibuf [dreg:s12], $0xBFFFF;
	_ =	strace $0x90000046  }
0xc1: {  	s29 =	simm.s32 $0x9;
	_ =	strace $0x80000048  }
0xc2: {  	_ =	swait.ge [sflag:s29], $0x1  }
0xc3: {  	[sflag:s29] =	ssyncadd.s32 $0xFFFFFFFF  }
0xc4: {  	_ =	strace $0x90000048  }
0xc5: {  	_ =	sfence  }
0xc6: {  	s30 =	sld [smem:$0x0];
	_ =	sdelay $0x2  }
0xc7: {  	s31 =	sshll.u32 s1, $0xD;
	s1 =	sshrl.u32 s1, $0x2  }
0xc8: {  	s3 =	sand.u32 $0x4000, s31;
	s1 =	sadd.s32 s1, s30  }
0xc9: {  	s0 =	sor.u32 s3, s0;
	s1 =	sshll.u32 s1, $0x11  }
0xca: {  	s0 =	sor.u32 s1, s0  }
0xcb: {  	s0 =	sadd.s32 $0x8F2B, s0  }
0xcc: {  	[sflag:s0] =	ssyncadd.remote.s32 $0x1  }
0xcd: {  	_ =	sfence.sel $0xFFFF  }
0xce: {  	[dreg:$0x0] =	wrdreg $0xFFFFFFFF;
	(pc) =	sbr.abs _section_cstart, $3  }
0xcf: {  	[dreg:$0x1] =	wrdreg $0xFFFFFFFF  }
0xd0: {  	_ =	task.clear_ibuf [dreg:s12], $0x2FFFF;
	_ =	strace $0x9FFFFFFF  }
0xd1: {  	(tm) =	ssettm $0x7FFFFFFF  }
tec
execute0_lowered:
.L_overlay_start_1:
0x0: {  	(tag) =	ssettag $0x1  }
0x1: {  	s0 =	rddreg [dreg:$0x0]  }
0x2: {  	s1 =	rddreg [dreg:$0x1]  }
0x3: {  	s3 =	rddreg [dreg:$0x2]  }
0x4: {  	s4 =	rddreg [dreg:$0x3]  }
0x5: {  	s2 =	rddreg [dreg:$0x4]  }
0x6: {  	s5 =	rddreg [dreg:$0x5]  }
0x7: {  	s6 =	rddreg [dreg:$0x6]  }
0x8: {  	s7 =	rddreg [dreg:$0x7]  }
0x9: {  	s9 =	srdreg.scid;
	s15 =	stileid.u32  }
0xa: {  	s8 =	simm.s32 $0x0;
	s28 =	simm.s32 $0x300;
	s10 =	smul.u32 $0x4F000, s15  }
0xb: {  	s29 =	simm.s32 $0x9;
	s31 =	simm.s32 $0x80;
	s14 =	smul.u32 $0x9E00, s15  }
0xc: {  	s9 =	sand.u32 $0x1, s9;
	[smem:$0x7FF] =	sst s8;
	s26 =	smul.u32 $0x13C00, s15  }
0xd: {  	s13 =	sshll.u32 s15, $0x1;
	s17 =	smul.u32 $0x4F00, s15;
	s15 =	simm.s32 $0x2  }
0xe: {  	s11 =	ssub.s32 $0x2, s9;
	_ =	strace $0x80000047;
	s24 =	smul.u32 $0x13C000, s9  }
0xf: {  	s12 =	sshrl.u32 s11, $0x1;
	s10 =	sshrl.u32 s10, $0x2;
	s23 =	sshrl.u32 s14, $0x2  }
0x10: {  	s18 =	sadd.s32 s10, s6;
	s11 =	ssub.s32 s11, s12;
	s10 =	sor.u32 s9, s13  }
0x11: {  	s9 =	sshll.u32 s9, $0x7;
	s21 =	sadd.s32 $0x4000, s18;
	[dreg:$0x9] =	wrdreg s18  }
0x12: {  	s12 =	sadd.s32 s26, s24;
	s22 =	sadd.s32 $0x8000, s18;
	[dreg:$0xa] =	wrdreg s21  }
0x13: {  	s13 =	simm.s32 $0x8600;
	s25 =	sadd.s32 $0xC000, s18;
	[dreg:$0xb] =	wrdreg s22  }
0x14: {  	s30 =	sadd.s32 $0x10000, s18;
	s9 =	sor.u32 s9, s17;
	[dreg:$0xc] =	wrdreg s25  }
0x15: {  	s12 =	sshrl.u32 s12, $0x3;
	s26 =	smax.u32 s11, $0x1;
	[dreg:$0xe] =	wrdreg s30  }
0x16: {  	s11 =	simm.s32 $0x8300;
	s2 =	sadd.s32 s2, s12;
	[dreg:$0x17] =	wrdreg s26  }
0x17: {  	s17 =	simm.s32 $0x4300;
	s25 =	sadd.s32 s23, s7;
	[dreg:$0x12] =	wrdreg s2  }
0x18: {  	s21 =	sshll.u32 s10, $0x5;
	s16 =	sadd.s32 $0x800, s25;
	[dreg:$0xd] =	wrdreg s25  }
0x19: {  	s9 =	sshrl.u32 s9, $0x3;
	s19 =	sadd.s32 $0x1000, s25;
	[dreg:$0xf] =	wrdreg s16  }
0x1a: {  	s22 =	sshll.u32 s10, $0x4;
	s20 =	sadd.s32 $0x1800, s25;
	[dreg:$0x10] =	wrdreg s19  }
0x1b: {  	s12 =	simm.s32 $0x8500;
	s5 =	sadd.s32 s5, s9;
	[dreg:$0x11] =	wrdreg s20  }
0x1c: {  	s23 =	sadd.s32 s0, s21;
	s2 =	sadd.s32 s1, s22;
	[dreg:$0x13] =	wrdreg s5  }
.Ltmp0:
0x1d: {  	s30 =	sadd.s32 $0x2000, s25;
	[dreg:$0x14] =	wrdreg s23;
	(pc) =	sbr.rel .LBB2_1-.Ltmp0, $4  }
0x1e: {  	s22 =	simm.s32 $0x8580;
	s19 =	sadd.s32 $0x10, s0;
	[dreg:$0x16] =	wrdreg s2  }
0x1f: {  	[dreg:$0x18] =	wrdreg s30;
	s2 =	simm.s32 $0x1;
	s5 =	simm.s32 $0x3  }
0x20: {  	s16 =	simm.s32 $0x180;
	s20 =	simm.s32 $0x4;
	s24 =	sadd.s32 s21, s19  }
0x21: {  	v0 =	vimm.f32 $0.0e+00;
	s23 =	simm.s32 $0x8680;
	s21 =	simm.s32 $0x8380;
	[dreg:$0x15] =	wrdreg s24  }
.LBB2_12:
0x22: {  	s9 =	simm.s32 $0x5  }
0x23: {  	_ =	swait.ge [sflag:s9], $0x4000  }
0x24: {  	[sflag:s9] =	ssyncset.done $0x0  }
0x25: {  	s18 =	simm.s32 $0x7;
	[sflag:s9] =	ssyncadd.s32 $0xFFFFC000  }
0x26: {  	_ =	swait.ge [sflag:s18], $0x80  }
0x27: {  	[sflag:s18] =	ssyncset.done $0x0  }
0x28: {  	s24 =	simm.s32 $0x6;
	[sflag:s18] =	ssyncadd.s32 $0xFFFFFF80  }
0x29: {  	_ =	swait.ge [sflag:s24], $0x4000  }
0x2a: {  	[sflag:s24] =	ssyncset.done $0x0  }
0x2b: {  	s25 =	simm.s32 $0x8;
	[sflag:s24] =	ssyncadd.s32 $0xFFFFC000  }
0x2c: {  	_ =	swait.ge [sflag:s25], $0x80  }
0x2d: {  	[sflag:s25] =	ssyncset.done $0x0  }
0x2e: {  	[sflag:s25] =	ssyncadd.s32 $0xFFFFFF80  }
0x2f: {  	s26 =	stileid.u32;
	[bflag:$0x0] =	sbarrier.arrive $0xFFFF  }
0x30: {  	s9 =	sshll.u32 s26, $0x6;
	s18 =	rddreg [dreg:$0x9]  }
0x31: {  	s9 =	sor.u32 $0x1C09, s9;
	s24 =	rddreg [dreg:$0x12];
	s14 =	sshrl.u32 s18, $0x3  }
0x32: {  	[hbm:s24], [sflag:s9] =	dma.local [spmem:s14], $0x2780  }
0x33: {  	s30 =	simm.s32 $0x10;
	_ =	swait.ge [sflag:s29], $0x2780  }
0x34: {  	s26 =	simm.s32 $0x20;
	[sflag:s29] =	ssyncset.done $0x0;
	s25 =	rddreg [dreg:$0xd]  }
0x35: {  	s24 =	rddreg [dreg:$0x13];
	[sflag:s29] =	ssyncadd.s32 $0xFFFFD880;
	s14 =	sshrl.u32 s25, $0x3  }
0x36: {  	[hbm:s24@s26], [sflag:s9] =	dma.strided [spmem:s14@s30], $0x4F0, s2, $0x10   }
0x37: {  	_ =	swait.ge [sflag:s29], $0x4F0  }
0x38: {  	s8 =	sadd.s32 $0x1, s8;
	s30 =	rddreg [dreg:$0x17]  }
0x39: {  	p0 =	sne.s32 s8, s30  }
.Ltmp1:
0x3a: {  	_ = 	snop;
	(pc) =	sbr.rel @!p0 .LBB2_13-.Ltmp1, $3  }
0x3b: {  	_ =	sdelay $0x1  }
0x3c: {  	[sflag:s29] =	ssyncset.done $0x0  }
0x3d: {  	[sflag:s29] =	ssyncadd.s32 $0xFFFFFB10  }
.LBB2_1:
0x3e: {  	s9 =	simm.s32 $0x340  }
0x3f: {  	[tilespmem:s9+$0xFFFFFFD0] =	vst v0  }
0x40: {  	[tilespmem:s9+$0xFFFFFFE0] =	vst v0  }
0x41: {  	[tilespmem:s9+$0xFFFFFFF0] =	vst v0  }
0x42: {  	[tilespmem:s9+$0x0] =	vst v0  }
0x43: {  	[tilespmem:s9+$0x10] =	vst v0  }
0x44: {  	[tilespmem:s9+$0x20] =	vst v0  }
0x45: {  	[tilespmem:s9+$0x30] =	vst v0  }
0x46: {  	s24 =	simm.s32 $0x0;
	s14 =	simm.s32 $0x40;
	[tilespmem:s9+$0xFFFFFFC0] =	vst v0  }
.LBB2_2:
0x47: {  	p0 =	sne.s32 s14, $0x1FC0;
	[tilespmem:s24+$0x8700] =	vst v0;
	s9 =	sadd.s32 $0x80, s9  }
0x48: {  	[tilespmem:s9+$0xFFFFFFD0] =	vst v0  }
0x49: {  	[tilespmem:s9+$0xFFFFFFE0] =	vst v0  }
0x4a: {  	[tilespmem:s9+$0xFFFFFFF0] =	vst v0  }
.Ltmp2:
0x4b: {  	[tilespmem:s9+$0x0] =	vst v0;
	(pc) =	sbr.rel @p0 .LBB2_2-.Ltmp2, $4  }
0x4c: {  	[tilespmem:s9+$0x10] =	vst v0  }
0x4d: {  	[tilespmem:s9+$0x20] =	vst v0  }
0x4e: {  	[tilespmem:s9+$0x30] =	vst v0  }
0x4f: {  	s24 =	sshra.s32 s14, $0x2;
	s14 =	sadd.s32 $0x40, s14;
	[tilespmem:s9+$0xFFFFFFC0] =	vst v0  }
0x50: {  	[tilespmem:s24+$0x8700] =	vst v0  }
0x51: {  	[spmem:s18] =	stream.linear.scatter [tilespmem:s28], [sflag:$0x9], $0x4000, $0x38;
	[tilespmem:$0x1F280] =	vst v63  }
0x52: {  	_ =	swait.ge [sflag:s29], $0x4000  }
0x53: {  	[sflag:s29] =	ssyncset.done $0x0  }
0x54: {  	s9 =	rddreg [dreg:$0xa];
	[sflag:s29] =	ssyncadd.s32 $0xFFFFC000  }
0x55: {  	[spmem:s9] =	stream.linear.scatter [tilespmem:s28], [sflag:$0x9], $0x4000, $0x38;
	[tilespmem:$0x1F280] =	vst v63  }
0x56: {  	_ =	swait.ge [sflag:s29], $0x4000  }
0x57: {  	[sflag:s29] =	ssyncset.done $0x0  }
0x58: {  	s30 =	rddreg [dreg:$0xb];
	[sflag:s29] =	ssyncadd.s32 $0xFFFFC000  }
0x59: {  	[spmem:s30] =	stream.linear.scatter [tilespmem:s28], [sflag:$0x9], $0x4000, $0x38;
	[tilespmem:$0x1F280] =	vst v63  }
0x5a: {  	_ =	swait.ge [sflag:s29], $0x4000  }
0x5b: {  	[sflag:s29] =	ssyncset.done $0x0  }
0x5c: {  	s14 =	rddreg [dreg:$0xc];
	[sflag:s29] =	ssyncadd.s32 $0xFFFFC000  }
0x5d: {  	[spmem:s14] =	stream.linear.scatter [tilespmem:s28], [sflag:$0x9], $0x4000, $0x38;
	[tilespmem:$0x1F280] =	vst v63  }
0x5e: {  	_ =	swait.ge [sflag:s29], $0x4000  }
0x5f: {  	[sflag:s29] =	ssyncset.done $0x0  }
0x60: {  	s18 =	rddreg [dreg:$0xe];
	[sflag:s29] =	ssyncadd.s32 $0xFFFFC000  }
0x61: {  	[spmem:s18] =	stream.linear.scatter [tilespmem:s28], [sflag:$0x9], $0x3C00, $0x38;
	[tilespmem:$0x1F280] =	vst v63  }
0x62: {  	_ =	swait.ge [sflag:s29], $0x3C00  }
0x63: {  	[sflag:s29] =	ssyncset.done $0x0  }
0x64: {  	s14 =	simm.s32 $0x8700;
	[sflag:s29] =	ssyncadd.s32 $0xFFFFC400  }
0x65: {  	[spmem:s25] =	stream.linear.scatter [tilespmem:s14], [sflag:$0x9], $0x800, $0x38;
	[tilespmem:$0x1F280] =	vst v63  }
0x66: {  	_ =	swait.ge [sflag:s29], $0x800  }
0x67: {  	[sflag:s29] =	ssyncset.done $0x0  }
0x68: {  	s24 =	rddreg [dreg:$0xf];
	[sflag:s29] =	ssyncadd.s32 $0xFFFFF800  }
0x69: {  	[spmem:s24] =	stream.linear.scatter [tilespmem:s14], [sflag:$0x9], $0x800, $0x38;
	[tilespmem:$0x1F280] =	vst v63  }
0x6a: {  	_ =	swait.ge [sflag:s29], $0x800  }
0x6b: {  	[sflag:s29] =	ssyncset.done $0x0  }
0x6c: {  	s25 =	rddreg [dreg:$0x10];
	[sflag:s29] =	ssyncadd.s32 $0xFFFFF800  }
0x6d: {  	[spmem:s25] =	stream.linear.scatter [tilespmem:s14], [sflag:$0x9], $0x800, $0x38;
	[tilespmem:$0x1F280] =	vst v63  }
0x6e: {  	_ =	swait.ge [sflag:s29], $0x800  }
0x6f: {  	[sflag:s29] =	ssyncset.done $0x0  }
0x70: {  	s26 =	rddreg [dreg:$0x11];
	[sflag:s29] =	ssyncadd.s32 $0xFFFFF800  }
0x71: {  	[spmem:s26] =	stream.linear.scatter [tilespmem:s14], [sflag:$0x9], $0x800, $0x38;
	[tilespmem:$0x1F280] =	vst v63  }
0x72: {  	_ =	swait.ge [sflag:s29], $0x800  }
0x73: {  	[sflag:s29] =	ssyncset.done $0x0  }
0x74: {  	s30 =	rddreg [dreg:$0x18];
	[sflag:s29] =	ssyncadd.s32 $0xFFFFF800  }
0x75: {  	[spmem:s30] =	stream.linear.scatter [tilespmem:s14], [sflag:$0x9], $0x780, $0x38;
	[tilespmem:$0x1F280] =	vst v63  }
0x76: {  	_ =	swait.ge [sflag:s29], $0x780  }
0x77: {  	[sflag:s29] =	ssyncset.done $0x0  }
0x78: {  	[sflag:s29] =	ssyncadd.s32 $0xFFFFF880  }
0x79: {  	[bflag:$0x0] =	sbarrier.arrive $0xFFFF  }
0x7a: {  	s25 =	simm.s32 $0x0;
	s14 =	rddreg [dreg:$0x14]  }
0x7b: {  	[tilespmem:s25], [sflag:$0x1] =	stream.linear.gather [hbm4b:s14+s25], $0x80, $0x38;
	[tilespmem:$0x1F280] =	vst v63  }
0x7c: {  	s18 =	rddreg [dreg:$0x15]  }
0x7d: {  	[tilespmem:s31], [sflag:$0x1] =	stream.linear.gather [hbm4b:s18+s25], $0x80, $0x38;
	[tilespmem:$0x1F280] =	vst v63  }
0x7e: {  	s26 =	simm.s32 $0x200;
	s24 =	rddreg [dreg:$0x16]  }
0x7f: {  	[tilespmem:s26], [sflag:$0x1] =	stream.linear.gather [hbm4b:s24+s25], $0x80, $0x38;
	[tilespmem:$0x1F280] =	vst v63  }
0x80: {  	_ =	swait.ge [sflag:s2], $0x80  }
0x81: {  	[sflag:s2] =	ssyncset.done $0x0  }
0x82: {  	[sflag:s2] =	ssyncadd.s32 $0xFFFFFF80  }
0x83: {  	_ =	swait.ge [sflag:s2], $0x80  }
0x84: {  	[sflag:s2] =	ssyncset.done $0x0  }
0x85: {  	[sflag:s2] =	ssyncadd.s32 $0xFFFFFF80  }
0x86: {  	_ =	swait.ge [sflag:s2], $0x80  }
.Ltmp3:
0x87: {  	[sflag:s2] =	ssyncset.done $0x0;
	(pc) =	sbr.rel .LBB2_4-.Ltmp3, $4  }
0x88: {  	[sflag:s2] =	ssyncadd.s32 $0xFFFFFF80  }
0x89: {  	[tilespmem:s28], [sflag:$0x3] =	stream.indirect.gather [hbm4b:s3+s31], $0x80, s31, s31, $0xb8;
	[tilespmem:$0x1F280] =	vst v63  }
0x8a: {  	s30 =	simm.s32 $0x8400  }
0x8b: {  	[tilespmem:s30], [sflag:$0x3] =	stream.indirect.gather [hbm4b:s4+s31], $0x1, s31, s31, $0xb8;
	[tilespmem:$0x1F280] =	vst v63  }
.LBB2_11:
0x8c: {  	s25 =	sadd.s32 $0x1, s25  }
0x8d: {  	p0 =	sne.s32 s25, $0x28  }
.Ltmp4:
0x8e: {  	_ = 	snop;
	(pc) =	sbr.rel @!p0 .LBB2_12-.Ltmp4, $1  }
0x8f: {  	_ =	sdelay $0x3  }
.LBB2_4:
0x90: {  	s9 =	sshll.u32 s25, $0x6  }
0x91: {  	s26 =	sor.u32 s10, s9  }
0x92: {  	s24 =	sor.u32 $0x20, s26  }
0x93: {  	p0 =	sgt.u32 s24, $0x9C3  }
0x94: {  	p1 =	sgt.u32 s26, $0x9C3;
	s9 =	sshll.u32 @!p0 s24, $0x5  }
0x95: {  	s30 =	simm.s32 @!p0 $0x0;
	s18 =	simm.s32 @!p0 $0x100;
	s14 =	sadd.s32 @!p0 s0, s9  }
0x96: {  	[tilespmem:s18], [sflag:$0x2] =	stream.linear.gather @!p0 [hbm4b:s14+s30], $0x80, $0x38;
	[tilespmem:$0x1F280] =	vst v63  }
.Ltmp5:
0x97: {  	s9 =	sadd.s32 @!p0 s9, s19;
	s14 =	simm.s32 @!p0 $0x180;
	(pc) =	sbr.rel @p1 .LBB2_11-.Ltmp5, $4  }
0x98: {  	[tilespmem:s14], [sflag:$0x2] =	stream.linear.gather @!p0 [hbm4b:s9+s30], $0x80, $0x38;
	[tilespmem:$0x1F280] =	vst v63  }
0x99: {  	s9 =	sshll.u32 @!p0 s24, $0x4  }
0x9a: {  	s14 =	simm.s32 @!p0 $0x280;
	s9 =	sadd.s32 @!p0 s1, s9  }
0x9b: {  	[tilespmem:s14], [sflag:$0x2] =	stream.linear.gather @!p0 [hbm4b:s9+s30], $0x80, $0x38;
	[tilespmem:$0x1F280] =	vst v63  }
0x9c: {  	_ =	swait.ge [sflag:s5], $0x4000  }
0x9d: {  	[sflag:s5] =	ssyncset.done $0x0  }
0x9e: {  	[sflag:s5] =	ssyncadd.s32 $0xFFFFC000  }
0x9f: {  	_ =	swait.ge [sflag:s5], $0x80  }
0xa0: {  	[sflag:s5] =	ssyncset.done $0x0  }
0xa1: {  	[sflag:s5] =	ssyncadd.s32 $0xFFFFFF80  }
0xa2: {  	v1 =	vld [tilespmem:$0x0]  }
0xa3: {  	v2 =	vld [tilespmem:$0x8400]  }
0xa4: {  	v3 =	vld [tilespmem:$0x200]  }
0xa5: {  	v4 =	vld [tilespmem:$0x10]  }
0xa6: {  	v5 =	vld [tilespmem:$0x8410]  }
0xa7: {  	v7 =	vld [tilespmem:$0x210]  }
0xa8: {  	v51 =	vld [tilespmem:$0x220];
	[tilespmem:$0x8300] =	vst v1  }
0xa9: {  	v52 =	vld [tilespmem:$0x30];
	v6 =	vshll.u32 v1, $0x4;
	[tilespmem:$0x8600] =	vst v3  }
0xaa: {  	v3 =	vshll.u32 v4, $0x4;
	[tilespmem:$0x8310] =	vst v4;
	v1 =	vadd.s32 v6, v2;
	v2 =	vld [tilespmem:$0x20]  }
0xab: {  	v3 =	vadd.s32 v3, v5;
	[tilespmem:$0x8500] =	vst v1;
	v1 =	vld [tilespmem:$0x8420]  }
0xac: {  	[tilespmem:$0x8510] =	vst v3;
	v3 =	vld [tilespmem:$0x8430]  }
0xad: {  	v54 =	vld [tilespmem:$0x230];
	[tilespmem:$0x8610] =	vst v7  }
0xae: {  	v56 =	vld [tilespmem:$0x240];
	[tilespmem:$0x8620] =	vst v51  }
0xaf: {  	v53 =	vshll.u32 v2, $0x4;
	[tilespmem:$0x8320] =	vst v2;
	v2 =	vld [tilespmem:$0x40]  }
0xb0: {  	v57 =	vld [tilespmem:$0x50];
	v55 =	vshll.u32 v52, $0x4;
	[tilespmem:$0x8330] =	vst v52;
	v1 =	vadd.s32 v53, v1  }
0xb1: {  	v3 =	vadd.s32 v55, v3;
	[tilespmem:$0x8520] =	vst v1;
	v1 =	vld [tilespmem:$0x8440]  }
0xb2: {  	[tilespmem:$0x8530] =	vst v3;
	v3 =	vld [tilespmem:$0x8450]  }
0xb3: {  	v59 =	vld [tilespmem:$0x250];
	[tilespmem:$0x8630] =	vst v54  }
0xb4: {  	v58 =	vshll.u32 v2, $0x4;
	[tilespmem:$0x8340] =	vst v2;
	v2 =	vld [tilespmem:$0x60]  }
0xb5: {  	v61 =	vld [tilespmem:$0x260];
	[tilespmem:$0x8640] =	vst v56  }
0xb6: {  	v62 =	vld [tilespmem:$0x70];
	v60 =	vshll.u32 v57, $0x4;
	[tilespmem:$0x8350] =	vst v57;
	v1 =	vadd.s32 v58, v1  }
0xb7: {  	v3 =	vadd.s32 v60, v3;
	[tilespmem:$0x8540] =	vst v1;
	v1 =	vld [tilespmem:$0x8460]  }
0xb8: {  	[tilespmem:$0x8550] =	vst v3;
	v3 =	vld [tilespmem:$0x8470]  }
0xb9: {  	v63 =	vshll.u32 v2, $0x4;
	[tilespmem:$0x8360] =	vst v2;
	v2 =	vld [tilespmem:$0x270]  }
0xba: {  	[tilespmem:$0x8650] =	vst v59  }
0xbb: {  	[tilespmem:$0x8660] =	vst v61  }
0xbc: {  	[tilespmem:$0x8370] =	vst v62;
	v1 =	vadd.s32 v63, v1  }
0xbd: {  	[tilespmem:$0x8560] =	vst v1;
	v1 =	vshll.u32 v62, $0x4  }
0xbe: {  	v1 =	vadd.s32 v1, v3;
	[tilespmem:$0x8670] =	vst v2  }
0xbf: {  	s9 =	simm.s32 $0x0;
	[tilespmem:$0x8570] =	vst v1  }
.LBB2_6:
0xc0: {  	s14 =	sshll.u32 s9, $0x4  }
0xc1: {  	s14 =	sand.u32 $0x3FFFFFF0, s14  }
0xc2: {  	s30 =	sshll.u32 s9, $0xB;
	v1 =	vld [tilespmem:s14+$0x200]  }
0xc3: {  	s14 =	sand.u32 $0x3FFFF800, s30  }
0xc4: {  	v2 =	vld [tilespmem:s14+$0x300]  }
0xc5: {  	v3 =	vld [tilespmem:s14+$0x310]  }
0xc6: {  	v4 =	vld [tilespmem:s14+$0x320]  }
0xc7: {  	v6 =	vld [tilespmem:s14+$0x330];
	v5 =	vbroadcast v1, $0x0  }
0xc8: {  	v7 =	vld [tilespmem:s14+$0x340]  }
0xc9: {  	v8 =	vld [tilespmem:s14+$0x350];
	v2 =	vmul.f32 v5, v2  }
0xca: {  	v9 =	vld [tilespmem:s14+$0x360];
	v3 =	vmul.f32 v3, v5  }
0xcb: {  	v34 =	vld [tilespmem:s14+$0x370];
	[tilespmem:s14+$0x300] =	vst v2;
	v2 =	vmul.f32 v4, v5  }
0xcc: {  	v35 =	vld [tilespmem:s14+$0x380];
	[tilespmem:s14+$0x310] =	vst v3;
	v3 =	vmul.f32 v6, v5  }
0xcd: {  	v36 =	vld [tilespmem:s14+$0x390];
	[tilespmem:s14+$0x320] =	vst v2;
	v2 =	vmul.f32 v7, v5  }
0xce: {  	v37 =	vld [tilespmem:s14+$0x3A0];
	[tilespmem:s14+$0x330] =	vst v3;
	v3 =	vmul.f32 v8, v5  }
0xcf: {  	v10 =	vld [tilespmem:s14+$0x3B0];
	v38 =	vbroadcast v1, $0x1;
	[tilespmem:s14+$0x340] =	vst v2;
	v2 =	vmul.f32 v9, v5  }
0xd0: {  	v39 =	vld [tilespmem:s14+$0x3C0];
	[tilespmem:s14+$0x350] =	vst v3;
	v3 =	vmul.f32 v34, v5  }
0xd1: {  	v40 =	vld [tilespmem:s14+$0x3D0];
	[tilespmem:s14+$0x360] =	vst v2;
	v2 =	vmul.f32 v35, v38  }
0xd2: {  	v41 =	vld [tilespmem:s14+$0x3E0];
	[tilespmem:s14+$0x370] =	vst v3;
	v3 =	vmul.f32 v36, v38  }
0xd3: {  	v42 =	vld [tilespmem:s14+$0x3F0];
	[tilespmem:s14+$0x380] =	vst v2;
	v2 =	vmul.f32 v37, v38  }
0xd4: {  	v43 =	vld [tilespmem:s14+$0x400];
	[tilespmem:s14+$0x390] =	vst v3;
	v3 =	vmul.f32 v10, v38  }
0xd5: {  	v44 =	vld [tilespmem:s14+$0x410];
	[tilespmem:s14+$0x3A0] =	vst v2;
	v2 =	vmul.f32 v39, v38  }
0xd6: {  	v45 =	vld [tilespmem:s14+$0x420];
	[tilespmem:s14+$0x3B0] =	vst v3;
	v3 =	vmul.f32 v40, v38  }
0xd7: {  	v47 =	vld [tilespmem:s14+$0x430];
	v46 =	vbroadcast v1, $0x2;
	[tilespmem:s14+$0x3C0] =	vst v2;
	v2 =	vmul.f32 v41, v38  }
0xd8: {  	v48 =	vld [tilespmem:s14+$0x440];
	[tilespmem:s14+$0x3D0] =	vst v3;
	v3 =	vmul.f32 v42, v38  }
0xd9: {  	v49 =	vld [tilespmem:s14+$0x450];
	[tilespmem:s14+$0x3E0] =	vst v2;
	v2 =	vmul.f32 v43, v46  }
0xda: {  	v50 =	vld [tilespmem:s14+$0x460];
	[tilespmem:s14+$0x3F0] =	vst v3;
	v3 =	vmul.f32 v44, v46  }
0xdb: {  	v51 =	vld [tilespmem:s14+$0x470];
	[tilespmem:s14+$0x400] =	vst v2;
	v2 =	vmul.f32 v45, v46  }
0xdc: {  	v52 =	vld [tilespmem:s14+$0x480];
	[tilespmem:s14+$0x410] =	vst v3;
	v3 =	vmul.f32 v47, v46  }
0xdd: {  	v53 =	vld [tilespmem:s14+$0x490];
	[tilespmem:s14+$0x420] =	vst v2;
	v2 =	vmul.f32 v48, v46  }
0xde: {  	v54 =	vld [tilespmem:s14+$0x4A0];
	[tilespmem:s14+$0x430] =	vst v3;
	v3 =	vmul.f32 v49, v46  }
0xdf: {  	v56 =	vld [tilespmem:s14+$0x4B0];
	v55 =	vbroadcast v1, $0x3;
	[tilespmem:s14+$0x440] =	vst v2;
	v2 =	vmul.f32 v50, v46  }
0xe0: {  	v57 =	vld [tilespmem:s14+$0x4C0];
	[tilespmem:s14+$0x450] =	vst v3;
	v3 =	vmul.f32 v51, v46  }
0xe1: {  	v58 =	vld [tilespmem:s14+$0x4D0];
	[tilespmem:s14+$0x460] =	vst v2;
	v2 =	vmul.f32 v52, v55  }
0xe2: {  	v59 =	vld [tilespmem:s14+$0x4E0];
	[tilespmem:s14+$0x470] =	vst v3;
	v3 =	vmul.f32 v53, v55  }
0xe3: {  	v60 =	vld [tilespmem:s14+$0x4F0];
	[tilespmem:s14+$0x480] =	vst v2;
	v2 =	vmul.f32 v54, v55  }
0xe4: {  	v61 =	vld [tilespmem:s14+$0x500];
	[tilespmem:s14+$0x490] =	vst v3;
	v3 =	vmul.f32 v56, v55  }
0xe5: {  	v62 =	vld [tilespmem:s14+$0x510];
	[tilespmem:s14+$0x4A0] =	vst v2;
	v2 =	vmul.f32 v57, v55  }
0xe6: {  	v63 =	vld [tilespmem:s14+$0x520];
	[tilespmem:s14+$0x4B0] =	vst v3;
	v3 =	vmul.f32 v58, v55  }
0xe7: {  	v13 =	vld [tilespmem:s14+$0x530];
	v12 =	vbroadcast v1, $0x4;
	[tilespmem:s14+$0x4C0] =	vst v2;
	v2 =	vmul.f32 v59, v55  }
0xe8: {  	v14 =	vld [tilespmem:s14+$0x540];
	[tilespmem:s14+$0x4D0] =	vst v3;
	v3 =	vmul.f32 v60, v55  }
0xe9: {  	v15 =	vld [tilespmem:s14+$0x550];
	[tilespmem:s14+$0x4E0] =	vst v2;
	v2 =	vmul.f32 v61, v12  }
0xea: {  	v16 =	vld [tilespmem:s14+$0x560];
	[tilespmem:s14+$0x4F0] =	vst v3;
	v3 =	vmul.f32 v62, v12  }
0xeb: {  	v17 =	vld [tilespmem:s14+$0x570];
	[tilespmem:s14+$0x500] =	vst v2;
	v2 =	vmul.f32 v63, v12  }
0xec: {  	v18 =	vld [tilespmem:s14+$0x580];
	[tilespmem:s14+$0x510] =	vst v3;
	v3 =	vmul.f32 v13, v12  }
0xed: {  	v19 =	vld [tilespmem:s14+$0x590];
	[tilespmem:s14+$0x520] =	vst v2;
	v2 =	vmul.f32 v14, v12  }
0xee: {  	v20 =	vld [tilespmem:s14+$0x5A0];
	[tilespmem:s14+$0x530] =	vst v3;
	v3 =	vmul.f32 v15, v12  }
0xef: {  	v22 =	vld [tilespmem:s14+$0x5B0];
	v21 =	vbroadcast v1, $0x5;
	[tilespmem:s14+$0x540] =	vst v2;
	v2 =	vmul.f32 v16, v12  }
0xf0: {  	v23 =	vld [tilespmem:s14+$0x5C0];
	[tilespmem:s14+$0x550] =	vst v3;
	v3 =	vmul.f32 v17, v12  }
0xf1: {  	v24 =	vld [tilespmem:s14+$0x5D0];
	[tilespmem:s14+$0x560] =	vst v2;
	v2 =	vmul.f32 v18, v21  }
0xf2: {  	v25 =	vld [tilespmem:s14+$0x5E0];
	[tilespmem:s14+$0x570] =	vst v3;
	v3 =	vmul.f32 v19, v21  }
0xf3: {  	v26 =	vld [tilespmem:s14+$0x5F0];
	[tilespmem:s14+$0x580] =	vst v2;
	v2 =	vmul.f32 v20, v21  }
0xf4: {  	v27 =	vld [tilespmem:s14+$0x600];
	[tilespmem:s14+$0x590] =	vst v3;
	v3 =	vmul.f32 v22, v21  }
0xf5: {  	v28 =	vld [tilespmem:s14+$0x610];
	[tilespmem:s14+$0x5A0] =	vst v2;
	v2 =	vmul.f32 v23, v21  }
0xf6: {  	v29 =	vld [tilespmem:s14+$0x620];
	[tilespmem:s14+$0x5B0] =	vst v3;
	v3 =	vmul.f32 v24, v21  }
0xf7: {  	v31 =	vld [tilespmem:s14+$0x630];
	v30 =	vbroadcast v1, $0x6;
	[tilespmem:s14+$0x5C0] =	vst v2;
	v2 =	vmul.f32 v25, v21  }
0xf8: {  	v32 =	vld [tilespmem:s14+$0x640];
	[tilespmem:s14+$0x5D0] =	vst v3;
	v3 =	vmul.f32 v26, v21  }
0xf9: {  	v33 =	vld [tilespmem:s14+$0x650];
	[tilespmem:s14+$0x5E0] =	vst v2;
	v2 =	vmul.f32 v27, v30  }
0xfa: {  	v34 =	vld [tilespmem:s14+$0x660];
	[tilespmem:s14+$0x5F0] =	vst v3;
	v3 =	vmul.f32 v28, v30  }
0xfb: {  	v35 =	vld [tilespmem:s14+$0x670];
	[tilespmem:s14+$0x600] =	vst v2;
	v2 =	vmul.f32 v29, v30  }
0xfc: {  	v36 =	vld [tilespmem:s14+$0x680];
	[tilespmem:s14+$0x610] =	vst v3;
	v3 =	vmul.f32 v31, v30  }
0xfd: {  	v37 =	vld [tilespmem:s14+$0x690];
	[tilespmem:s14+$0x620] =	vst v2;
	v2 =	vmul.f32 v32, v30  }
0xfe: {  	v38 =	vld [tilespmem:s14+$0x6A0];
	[tilespmem:s14+$0x630] =	vst v3;
	v3 =	vmul.f32 v33, v30  }
0xff: {  	v39 =	vbroadcast v1, $0x7;
	v40 =	vld [tilespmem:s14+$0x6B0];
	[tilespmem:s14+$0x640] =	vst v2;
	v2 =	vmul.f32 v34, v30  }
0x100: {  	v41 =	vld [tilespmem:s14+$0x6C0];
	[tilespmem:s14+$0x650] =	vst v3;
	v3 =	vmul.f32 v35, v30  }
0x101: {  	v42 =	vld [tilespmem:s14+$0x6D0];
	[tilespmem:s14+$0x660] =	vst v2;
	v2 =	vmul.f32 v36, v39  }
0x102: {  	v43 =	vld [tilespmem:s14+$0x6E0];
	[tilespmem:s14+$0x670] =	vst v3;
	v3 =	vmul.f32 v37, v39  }
0x103: {  	v44 =	vld [tilespmem:s14+$0x6F0];
	[tilespmem:s14+$0x680] =	vst v2;
	v2 =	vmul.f32 v38, v39  }
0x104: {  	v45 =	vld [tilespmem:s14+$0x700];
	[tilespmem:s14+$0x690] =	vst v3;
	v3 =	vmul.f32 v40, v39  }
0x105: {  	v46 =	vld [tilespmem:s14+$0x710];
	[tilespmem:s14+$0x6A0] =	vst v2;
	v2 =	vmul.f32 v41, v39  }
0x106: {  	v47 =	vld [tilespmem:s14+$0x720];
	[tilespmem:s14+$0x6B0] =	vst v3;
	v3 =	vmul.f32 v42, v39  }
0x107: {  	v48 =	vbroadcast v1, $0x8;
	v49 =	vld [tilespmem:s14+$0x730];
	[tilespmem:s14+$0x6C0] =	vst v2;
	v2 =	vmul.f32 v43, v39  }
0x108: {  	v50 =	vld [tilespmem:s14+$0x740];
	[tilespmem:s14+$0x6D0] =	vst v3;
	v3 =	vmul.f32 v44, v39  }
0x109: {  	v51 =	vld [tilespmem:s14+$0x750];
	[tilespmem:s14+$0x6E0] =	vst v2;
	v2 =	vmul.f32 v45, v48  }
0x10a: {  	v52 =	vld [tilespmem:s14+$0x760];
	[tilespmem:s14+$0x6F0] =	vst v3;
	v3 =	vmul.f32 v46, v48  }
0x10b: {  	v53 =	vld [tilespmem:s14+$0x770];
	[tilespmem:s14+$0x700] =	vst v2;
	v2 =	vmul.f32 v47, v48  }
0x10c: {  	v54 =	vld [tilespmem:s14+$0x780];
	[tilespmem:s14+$0x710] =	vst v3;
	v3 =	vmul.f32 v49, v48  }
0x10d: {  	v55 =	vld [tilespmem:s14+$0x790];
	[tilespmem:s14+$0x720] =	vst v2;
	v2 =	vmul.f32 v50, v48  }
0x10e: {  	v56 =	vld [tilespmem:s14+$0x7A0];
	[tilespmem:s14+$0x730] =	vst v3;
	v3 =	vmul.f32 v51, v48  }
0x10f: {  	v57 =	vbroadcast v1, $0x9;
	v58 =	vld [tilespmem:s14+$0x7B0];
	[tilespmem:s14+$0x740] =	vst v2;
	v2 =	vmul.f32 v52, v48  }
0x110: {  	v59 =	vld [tilespmem:s14+$0x7C0];
	[tilespmem:s14+$0x750] =	vst v3;
	v3 =	vmul.f32 v53, v48  }
0x111: {  	v60 =	vld [tilespmem:s14+$0x7D0];
	[tilespmem:s14+$0x760] =	vst v2;
	v2 =	vmul.f32 v54, v57  }
0x112: {  	v61 =	vld [tilespmem:s14+$0x7E0];
	[tilespmem:s14+$0x770] =	vst v3;
	v3 =	vmul.f32 v55, v57  }
0x113: {  	v62 =	vld [tilespmem:s14+$0x7F0];
	[tilespmem:s14+$0x780] =	vst v2;
	v2 =	vmul.f32 v56, v57  }
0x114: {  	v63 =	vld [tilespmem:s14+$0x800];
	[tilespmem:s14+$0x790] =	vst v3;
	v3 =	vmul.f32 v58, v57  }
0x115: {  	v12 =	vld [tilespmem:s14+$0x810];
	[tilespmem:s14+$0x7A0] =	vst v2;
	v2 =	vmul.f32 v59, v57  }
0x116: {  	v13 =	vld [tilespmem:s14+$0x820];
	[tilespmem:s14+$0x7B0] =	vst v3;
	v3 =	vmul.f32 v60, v57  }
0x117: {  	v14 =	vbroadcast v1, $0xA;
	v15 =	vld [tilespmem:s14+$0x830];
	[tilespmem:s14+$0x7C0] =	vst v2;
	v2 =	vmul.f32 v61, v57  }
0x118: {  	v16 =	vld [tilespmem:s14+$0x840];
	[tilespmem:s14+$0x7D0] =	vst v3;
	v3 =	vmul.f32 v62, v57  }
0x119: {  	v17 =	vld [tilespmem:s14+$0x850];
	[tilespmem:s14+$0x7E0] =	vst v2;
	v2 =	vmul.f32 v63, v14  }
0x11a: {  	v18 =	vld [tilespmem:s14+$0x860];
	[tilespmem:s14+$0x7F0] =	vst v3;
	v3 =	vmul.f32 v12, v14  }
0x11b: {  	v19 =	vld [tilespmem:s14+$0x870];
	[tilespmem:s14+$0x800] =	vst v2;
	v2 =	vmul.f32 v13, v14  }
0x11c: {  	v20 =	vld [tilespmem:s14+$0x880];
	[tilespmem:s14+$0x810] =	vst v3;
	v3 =	vmul.f32 v15, v14  }
0x11d: {  	v21 =	vld [tilespmem:s14+$0x890];
	[tilespmem:s14+$0x820] =	vst v2;
	v2 =	vmul.f32 v16, v14  }
0x11e: {  	v22 =	vld [tilespmem:s14+$0x8A0];
	[tilespmem:s14+$0x830] =	vst v3;
	v3 =	vmul.f32 v17, v14  }
0x11f: {  	v23 =	vbroadcast v1, $0xB;
	v24 =	vld [tilespmem:s14+$0x8B0];
	[tilespmem:s14+$0x840] =	vst v2;
	v2 =	vmul.f32 v18, v14  }
0x120: {  	v25 =	vld [tilespmem:s14+$0x8C0];
	[tilespmem:s14+$0x850] =	vst v3;
	v3 =	vmul.f32 v19, v14  }
0x121: {  	v26 =	vld [tilespmem:s14+$0x8D0];
	[tilespmem:s14+$0x860] =	vst v2;
	v2 =	vmul.f32 v20, v23  }
0x122: {  	v27 =	vld [tilespmem:s14+$0x8E0];
	[tilespmem:s14+$0x870] =	vst v3;
	v3 =	vmul.f32 v21, v23  }
0x123: {  	v28 =	vld [tilespmem:s14+$0x8F0];
	[tilespmem:s14+$0x880] =	vst v2;
	v2 =	vmul.f32 v22, v23  }
0x124: {  	v29 =	vld [tilespmem:s14+$0x900];
	[tilespmem:s14+$0x890] =	vst v3;
	v3 =	vmul.f32 v24, v23  }
0x125: {  	v30 =	vld [tilespmem:s14+$0x910];
	[tilespmem:s14+$0x8A0] =	vst v2;
	v2 =	vmul.f32 v25, v23  }
0x126: {  	v31 =	vld [tilespmem:s14+$0x920];
	[tilespmem:s14+$0x8B0] =	vst v3;
	v3 =	vmul.f32 v26, v23  }
0x127: {  	v32 =	vbroadcast v1, $0xC;
	v33 =	vld [tilespmem:s14+$0x930];
	[tilespmem:s14+$0x8C0] =	vst v2;
	v2 =	vmul.f32 v27, v23  }
0x128: {  	v34 =	vld [tilespmem:s14+$0x940];
	[tilespmem:s14+$0x8D0] =	vst v3;
	v3 =	vmul.f32 v28, v23  }
0x129: {  	v35 =	vld [tilespmem:s14+$0x950];
	[tilespmem:s14+$0x8E0] =	vst v2;
	v2 =	vmul.f32 v29, v32  }
0x12a: {  	v36 =	vld [tilespmem:s14+$0x960];
	[tilespmem:s14+$0x8F0] =	vst v3;
	v3 =	vmul.f32 v30, v32  }
0x12b: {  	v37 =	vld [tilespmem:s14+$0x970];
	[tilespmem:s14+$0x900] =	vst v2;
	v2 =	vmul.f32 v31, v32  }
0x12c: {  	v38 =	vld [tilespmem:s14+$0x980];
	[tilespmem:s14+$0x910] =	vst v3;
	v3 =	vmul.f32 v33, v32  }
0x12d: {  	v39 =	vld [tilespmem:s14+$0x990];
	[tilespmem:s14+$0x920] =	vst v2;
	v2 =	vmul.f32 v34, v32  }
0x12e: {  	v40 =	vld [tilespmem:s14+$0x9A0];
	[tilespmem:s14+$0x930] =	vst v3;
	v3 =	vmul.f32 v35, v32  }
0x12f: {  	v41 =	vbroadcast v1, $0xD;
	v42 =	vld [tilespmem:s14+$0x9B0];
	[tilespmem:s14+$0x940] =	vst v2;
	v2 =	vmul.f32 v36, v32  }
0x130: {  	v43 =	vld [tilespmem:s14+$0x9C0];
	[tilespmem:s14+$0x950] =	vst v3;
	v3 =	vmul.f32 v37, v32  }
0x131: {  	v44 =	vld [tilespmem:s14+$0x9D0];
	[tilespmem:s14+$0x960] =	vst v2;
	v2 =	vmul.f32 v38, v41  }
0x132: {  	v45 =	vld [tilespmem:s14+$0x9E0];
	[tilespmem:s14+$0x970] =	vst v3;
	v3 =	vmul.f32 v39, v41  }
0x133: {  	v46 =	vld [tilespmem:s14+$0x9F0];
	[tilespmem:s14+$0x980] =	vst v2;
	v2 =	vmul.f32 v40, v41  }
0x134: {  	v47 =	vld [tilespmem:s14+$0xA00];
	[tilespmem:s14+$0x990] =	vst v3;
	v3 =	vmul.f32 v42, v41  }
0x135: {  	v48 =	vld [tilespmem:s14+$0xA10];
	[tilespmem:s14+$0x9A0] =	vst v2;
	v2 =	vmul.f32 v43, v41  }
0x136: {  	v49 =	vld [tilespmem:s14+$0xA20];
	[tilespmem:s14+$0x9B0] =	vst v3;
	v3 =	vmul.f32 v44, v41  }
0x137: {  	v50 =	vbroadcast v1, $0xE;
	v51 =	vld [tilespmem:s14+$0xA30];
	[tilespmem:s14+$0x9C0] =	vst v2;
	v2 =	vmul.f32 v45, v41  }
0x138: {  	v52 =	vld [tilespmem:s14+$0xA40];
	[tilespmem:s14+$0x9D0] =	vst v3;
	v3 =	vmul.f32 v46, v41  }
0x139: {  	v53 =	vld [tilespmem:s14+$0xA50];
	[tilespmem:s14+$0x9E0] =	vst v2;
	v2 =	vmul.f32 v47, v50  }
0x13a: {  	v54 =	vld [tilespmem:s14+$0xA60];
	[tilespmem:s14+$0x9F0] =	vst v3;
	v3 =	vmul.f32 v48, v50  }
0x13b: {  	v55 =	vld [tilespmem:s14+$0xA70];
	[tilespmem:s14+$0xA00] =	vst v2;
	v2 =	vmul.f32 v49, v50  }
0x13c: {  	v56 =	vld [tilespmem:s14+$0xA80];
	[tilespmem:s14+$0xA10] =	vst v3;
	v3 =	vmul.f32 v51, v50  }
0x13d: {  	v57 =	vld [tilespmem:s14+$0xA90];
	[tilespmem:s14+$0xA20] =	vst v2;
	v2 =	vmul.f32 v52, v50  }
0x13e: {  	v58 =	vld [tilespmem:s14+$0xAA0];
	[tilespmem:s14+$0xA30] =	vst v3;
	v3 =	vmul.f32 v53, v50  }
0x13f: {  	v1 =	vbroadcast v1, $0xF;
	v59 =	vld [tilespmem:s14+$0xAB0];
	[tilespmem:s14+$0xA40] =	vst v2;
	v2 =	vmul.f32 v54, v50  }
0x140: {  	v60 =	vld [tilespmem:s14+$0xAC0];
	[tilespmem:s14+$0xA50] =	vst v3;
	v3 =	vmul.f32 v55, v50  }
0x141: {  	v61 =	vld [tilespmem:s14+$0xAD0];
	[tilespmem:s14+$0xA60] =	vst v2;
	v2 =	vmul.f32 v56, v1  }
0x142: {  	v62 =	vld [tilespmem:s14+$0xAE0];
	[tilespmem:s14+$0xA70] =	vst v3;
	v3 =	vmul.f32 v57, v1  }
0x143: {  	v63 =	vld [tilespmem:s14+$0xAF0];
	[tilespmem:s14+$0xA80] =	vst v2;
	v2 =	vmul.f32 v58, v1  }
0x144: {  	[tilespmem:s14+$0xA90] =	vst v3;
	v3 =	vmul.f32 v59, v1  }
0x145: {  	p1 =	sne.s32 s9, $0x7;
	[tilespmem:s14+$0xAA0] =	vst v2;
	v2 =	vmul.f32 v60, v1  }
.Ltmp6:
0x146: {  	[tilespmem:s14+$0xAB0] =	vst v3;
	v3 =	vmul.f32 v61, v1;
	(pc) =	sbr.rel @p1 .LBB2_6-.Ltmp6, $4  }
0x147: {  	[tilespmem:s14+$0xAC0] =	vst v2;
	v2 =	vmul.f32 v62, v1  }
0x148: {  	[tilespmem:s14+$0xAD0] =	vst v3;
	v1 =	vmul.f32 v63, v1  }
0x149: {  	[tilespmem:s14+$0xAE0] =	vst v2  }
0x14a: {  	s9 =	sadd.s32 $0x1, s9;
	[tilespmem:s14+$0xAF0] =	vst v1  }
.Ltmp7:
0x14b: {  	(pc) =	sbr.rel @p0 .LBB2_11-.Ltmp7, $4  }
0x14c: {  	_ = 	snop  }
0x14d: {  	[spmem:s6] =	stream.indirect.scatter.add.f32 [tilespmem:s28], [sflag:$0x5], $0x80, s11, s31, $0xb8;
	[tilespmem:$0x1F280] =	vst v63  }
0x14e: {  	_ = 	snop  }
0x14f: {  	[spmem:s7] =	stream.indirect.scatter.add.f32 [tilespmem:s13], [sflag:$0x7], $0x1, s12, s31, $0xb8;
	[tilespmem:$0x1F280] =	vst v63  }
0x150: {  	_ =	swait.ge [sflag:s15], $0x80  }
0x151: {  	[sflag:s15] =	ssyncset.done $0x0  }
0x152: {  	[sflag:s15] =	ssyncadd.s32 $0xFFFFFF80  }
0x153: {  	_ =	swait.ge [sflag:s15], $0x80  }
0x154: {  	[sflag:s15] =	ssyncset.done $0x0  }
0x155: {  	[sflag:s15] =	ssyncadd.s32 $0xFFFFFF80  }
0x156: {  	_ =	swait.ge [sflag:s15], $0x80  }
0x157: {  	p0 =	seq.s32 s25, $0x0;
	[sflag:s15] =	ssyncset.done $0x0  }
0x158: {  	s9 =	simm.s32 @!p0 $0x6;
	[sflag:s15] =	ssyncadd.s32 $0xFFFFFF80  }
0x159: {  	_ =	swait.ge @!p0 [sflag:s9], $0x4000  }
0x15a: {  	[sflag:s9] =	ssyncset.done @!p0 $0x0  }
0x15b: {  	[sflag:s9] =	ssyncadd.s32 @!p0 $0xFFFFC000;
	s9 =	simm.s32 @!p0 $0x8  }
0x15c: {  	_ =	swait.ge @!p0 [sflag:s9], $0x80  }
0x15d: {  	[sflag:s9] =	ssyncset.done @!p0 $0x0  }
0x15e: {  	[sflag:s9] =	ssyncadd.s32 @!p0 $0xFFFFFF80;
	p0 =	sgt.u32 s24, $0x9A3  }
0x15f: {  	[tilespmem:s17], [sflag:$0x4] =	stream.indirect.gather [hbm4b:s3+s31], $0x80, s16, s31, $0xb8;
	[tilespmem:$0x1F280] =	vst v63  }
0x160: {  	s9 =	sadd.s32 @!p0 $0x40, s26  }
0x161: {  	s30 =	simm.s32 $0x8480;
	s14 =	sshll.u32 @!p0 s9, $0x5  }
0x162: {  	[tilespmem:s30], [sflag:$0x4] =	stream.indirect.gather [hbm4b:s4+s31], $0x1, s16, s31, $0xb8;
	[tilespmem:$0x1F280] =	vst v63  }
0x163: {  	s24 =	simm.s32 @!p0 $0x0;
	s18 =	sadd.s32 @!p0 s0, s14  }
0x164: {  	[tilespmem:s24], [sflag:$0x1] =	stream.linear.gather @!p0 [hbm4b:s18+s24], $0x80, $0x38;
	[tilespmem:$0x1F280] =	vst v63  }
0x165: {  	s9 =	sshll.u32 @!p0 s9, $0x4;
	s14 =	sadd.s32 @!p0 s14, s19;
	s18 =	simm.s32 @!p0 $0x80  }
0x166: {  	[tilespmem:s18], [sflag:$0x1] =	stream.linear.gather @!p0 [hbm4b:s14+s24], $0x80, $0x38;
	[tilespmem:$0x1F280] =	vst v63  }
0x167: {  	s9 =	sadd.s32 @!p0 s1, s9;
	s14 =	simm.s32 @!p0 $0x200  }
0x168: {  	[tilespmem:s14], [sflag:$0x1] =	stream.linear.gather @!p0 [hbm4b:s9+s24], $0x80, $0x38;
	[tilespmem:$0x1F280] =	vst v63  }
0x169: {  	_ =	swait.ge [sflag:s20], $0x4000  }
0x16a: {  	[sflag:s20] =	ssyncset.done $0x0  }
0x16b: {  	[sflag:s20] =	ssyncadd.s32 $0xFFFFC000  }
0x16c: {  	_ =	swait.ge [sflag:s20], $0x80  }
0x16d: {  	[sflag:s20] =	ssyncset.done $0x0  }
0x16e: {  	[sflag:s20] =	ssyncadd.s32 $0xFFFFFF80  }
0x16f: {  	v1 =	vld [tilespmem:$0x100]  }
0x170: {  	v2 =	vld [tilespmem:$0x8480]  }
0x171: {  	v3 =	vld [tilespmem:$0x280]  }
0x172: {  	v4 =	vld [tilespmem:$0x110]  }
0x173: {  	v5 =	vld [tilespmem:$0x8490]  }
0x174: {  	v7 =	vld [tilespmem:$0x290]  }
0x175: {  	v51 =	vld [tilespmem:$0x2A0];
	[tilespmem:$0x8380] =	vst v1  }
0x176: {  	v52 =	vld [tilespmem:$0x130];
	v6 =	vshll.u32 v1, $0x4;
	[tilespmem:$0x8680] =	vst v3  }
0x177: {  	v3 =	vshll.u32 v4, $0x4;
	[tilespmem:$0x8390] =	vst v4;
	v1 =	vadd.s32 v6, v2;
	v2 =	vld [tilespmem:$0x120]  }
0x178: {  	v3 =	vadd.s32 v3, v5;
	[tilespmem:$0x8580] =	vst v1;
	v1 =	vld [tilespmem:$0x84A0]  }
0x179: {  	[tilespmem:$0x8590] =	vst v3;
	v3 =	vld [tilespmem:$0x84B0]  }
0x17a: {  	v54 =	vld [tilespmem:$0x2B0];
	[tilespmem:$0x8690] =	vst v7  }
0x17b: {  	v56 =	vld [tilespmem:$0x2C0];
	[tilespmem:$0x86A0] =	vst v51  }
0x17c: {  	v53 =	vshll.u32 v2, $0x4;
	[tilespmem:$0x83A0] =	vst v2;
	v2 =	vld [tilespmem:$0x140]  }
0x17d: {  	v57 =	vld [tilespmem:$0x150];
	v55 =	vshll.u32 v52, $0x4;
	[tilespmem:$0x83B0] =	vst v52;
	v1 =	vadd.s32 v53, v1  }
0x17e: {  	v3 =	vadd.s32 v55, v3;
	[tilespmem:$0x85A0] =	vst v1;
	v1 =	vld [tilespmem:$0x84C0]  }
0x17f: {  	[tilespmem:$0x85B0] =	vst v3;
	v3 =	vld [tilespmem:$0x84D0]  }
0x180: {  	v59 =	vld [tilespmem:$0x2D0];
	[tilespmem:$0x86B0] =	vst v54  }
0x181: {  	v58 =	vshll.u32 v2, $0x4;
	[tilespmem:$0x83C0] =	vst v2;
	v2 =	vld [tilespmem:$0x160]  }
0x182: {  	v61 =	vld [tilespmem:$0x2E0];
	[tilespmem:$0x86C0] =	vst v56  }
0x183: {  	v62 =	vld [tilespmem:$0x170];
	v60 =	vshll.u32 v57, $0x4;
	[tilespmem:$0x83D0] =	vst v57;
	v1 =	vadd.s32 v58, v1  }
0x184: {  	v3 =	vadd.s32 v60, v3;
	[tilespmem:$0x85C0] =	vst v1;
	v1 =	vld [tilespmem:$0x84E0]  }
0x185: {  	[tilespmem:$0x85D0] =	vst v3;
	v3 =	vld [tilespmem:$0x84F0]  }
0x186: {  	v63 =	vshll.u32 v2, $0x4;
	[tilespmem:$0x83E0] =	vst v2;
	v2 =	vld [tilespmem:$0x2F0]  }
0x187: {  	[tilespmem:$0x86D0] =	vst v59  }
0x188: {  	[tilespmem:$0x86E0] =	vst v61  }
0x189: {  	[tilespmem:$0x83F0] =	vst v62;
	v1 =	vadd.s32 v63, v1  }
0x18a: {  	[tilespmem:$0x85E0] =	vst v1;
	v1 =	vshll.u32 v62, $0x4  }
0x18b: {  	v1 =	vadd.s32 v1, v3;
	[tilespmem:$0x86F0] =	vst v2  }
0x18c: {  	s9 =	simm.s32 $0x0;
	[tilespmem:$0x85F0] =	vst v1  }
.LBB2_9:
0x18d: {  	s14 =	sshll.u32 s9, $0x4  }
0x18e: {  	s14 =	sand.u32 $0x3FFFFFF0, s14  }
0x18f: {  	s30 =	sshll.u32 s9, $0xB;
	v1 =	vld [tilespmem:s14+$0x280]  }
0x190: {  	s14 =	sand.u32 $0x3FFFF800, s30  }
0x191: {  	v2 =	vld [tilespmem:s14+$0x4300]  }
0x192: {  	v3 =	vld [tilespmem:s14+$0x4310]  }
0x193: {  	v4 =	vld [tilespmem:s14+$0x4320]  }
0x194: {  	v6 =	vld [tilespmem:s14+$0x4330];
	v5 =	vbroadcast v1, $0x0  }
0x195: {  	v7 =	vld [tilespmem:s14+$0x4340]  }
0x196: {  	v8 =	vld [tilespmem:s14+$0x4350];
	v2 =	vmul.f32 v5, v2  }
0x197: {  	v9 =	vld [tilespmem:s14+$0x4360];
	v3 =	vmul.f32 v3, v5  }
0x198: {  	v34 =	vld [tilespmem:s14+$0x4370];
	[tilespmem:s14+$0x4300] =	vst v2;
	v2 =	vmul.f32 v4, v5  }
0x199: {  	v35 =	vld [tilespmem:s14+$0x4380];
	[tilespmem:s14+$0x4310] =	vst v3;
	v3 =	vmul.f32 v6, v5  }
0x19a: {  	v36 =	vld [tilespmem:s14+$0x4390];
	[tilespmem:s14+$0x4320] =	vst v2;
	v2 =	vmul.f32 v7, v5  }
0x19b: {  	v37 =	vld [tilespmem:s14+$0x43A0];
	[tilespmem:s14+$0x4330] =	vst v3;
	v3 =	vmul.f32 v8, v5  }
0x19c: {  	v10 =	vld [tilespmem:s14+$0x43B0];
	v38 =	vbroadcast v1, $0x1;
	[tilespmem:s14+$0x4340] =	vst v2;
	v2 =	vmul.f32 v9, v5  }
0x19d: {  	v39 =	vld [tilespmem:s14+$0x43C0];
	[tilespmem:s14+$0x4350] =	vst v3;
	v3 =	vmul.f32 v34, v5  }
0x19e: {  	v40 =	vld [tilespmem:s14+$0x43D0];
	[tilespmem:s14+$0x4360] =	vst v2;
	v2 =	vmul.f32 v35, v38  }
0x19f: {  	v41 =	vld [tilespmem:s14+$0x43E0];
	[tilespmem:s14+$0x4370] =	vst v3;
	v3 =	vmul.f32 v36, v38  }
0x1a0: {  	v42 =	vld [tilespmem:s14+$0x43F0];
	[tilespmem:s14+$0x4380] =	vst v2;
	v2 =	vmul.f32 v37, v38  }
0x1a1: {  	v43 =	vld [tilespmem:s14+$0x4400];
	[tilespmem:s14+$0x4390] =	vst v3;
	v3 =	vmul.f32 v10, v38  }
0x1a2: {  	v44 =	vld [tilespmem:s14+$0x4410];
	[tilespmem:s14+$0x43A0] =	vst v2;
	v2 =	vmul.f32 v39, v38  }
0x1a3: {  	v45 =	vld [tilespmem:s14+$0x4420];
	[tilespmem:s14+$0x43B0] =	vst v3;
	v3 =	vmul.f32 v40, v38  }
0x1a4: {  	v47 =	vld [tilespmem:s14+$0x4430];
	v46 =	vbroadcast v1, $0x2;
	[tilespmem:s14+$0x43C0] =	vst v2;
	v2 =	vmul.f32 v41, v38  }
0x1a5: {  	v48 =	vld [tilespmem:s14+$0x4440];
	[tilespmem:s14+$0x43D0] =	vst v3;
	v3 =	vmul.f32 v42, v38  }
0x1a6: {  	v49 =	vld [tilespmem:s14+$0x4450];
	[tilespmem:s14+$0x43E0] =	vst v2;
	v2 =	vmul.f32 v43, v46  }
0x1a7: {  	v50 =	vld [tilespmem:s14+$0x4460];
	[tilespmem:s14+$0x43F0] =	vst v3;
	v3 =	vmul.f32 v44, v46  }
0x1a8: {  	v51 =	vld [tilespmem:s14+$0x4470];
	[tilespmem:s14+$0x4400] =	vst v2;
	v2 =	vmul.f32 v45, v46  }
0x1a9: {  	v52 =	vld [tilespmem:s14+$0x4480];
	[tilespmem:s14+$0x4410] =	vst v3;
	v3 =	vmul.f32 v47, v46  }
0x1aa: {  	v53 =	vld [tilespmem:s14+$0x4490];
	[tilespmem:s14+$0x4420] =	vst v2;
	v2 =	vmul.f32 v48, v46  }
0x1ab: {  	v54 =	vld [tilespmem:s14+$0x44A0];
	[tilespmem:s14+$0x4430] =	vst v3;
	v3 =	vmul.f32 v49, v46  }
0x1ac: {  	v56 =	vld [tilespmem:s14+$0x44B0];
	v55 =	vbroadcast v1, $0x3;
	[tilespmem:s14+$0x4440] =	vst v2;
	v2 =	vmul.f32 v50, v46  }
0x1ad: {  	v57 =	vld [tilespmem:s14+$0x44C0];
	[tilespmem:s14+$0x4450] =	vst v3;
	v3 =	vmul.f32 v51, v46  }
0x1ae: {  	v58 =	vld [tilespmem:s14+$0x44D0];
	[tilespmem:s14+$0x4460] =	vst v2;
	v2 =	vmul.f32 v52, v55  }
0x1af: {  	v59 =	vld [tilespmem:s14+$0x44E0];
	[tilespmem:s14+$0x4470] =	vst v3;
	v3 =	vmul.f32 v53, v55  }
0x1b0: {  	v60 =	vld [tilespmem:s14+$0x44F0];
	[tilespmem:s14+$0x4480] =	vst v2;
	v2 =	vmul.f32 v54, v55  }
0x1b1: {  	v61 =	vld [tilespmem:s14+$0x4500];
	[tilespmem:s14+$0x4490] =	vst v3;
	v3 =	vmul.f32 v56, v55  }
0x1b2: {  	v62 =	vld [tilespmem:s14+$0x4510];
	[tilespmem:s14+$0x44A0] =	vst v2;
	v2 =	vmul.f32 v57, v55  }
0x1b3: {  	v63 =	vld [tilespmem:s14+$0x4520];
	[tilespmem:s14+$0x44B0] =	vst v3;
	v3 =	vmul.f32 v58, v55  }
0x1b4: {  	v13 =	vld [tilespmem:s14+$0x4530];
	v12 =	vbroadcast v1, $0x4;
	[tilespmem:s14+$0x44C0] =	vst v2;
	v2 =	vmul.f32 v59, v55  }
0x1b5: {  	v14 =	vld [tilespmem:s14+$0x4540];
	[tilespmem:s14+$0x44D0] =	vst v3;
	v3 =	vmul.f32 v60, v55  }
0x1b6: {  	v15 =	vld [tilespmem:s14+$0x4550];
	[tilespmem:s14+$0x44E0] =	vst v2;
	v2 =	vmul.f32 v61, v12  }
0x1b7: {  	v16 =	vld [tilespmem:s14+$0x4560];
	[tilespmem:s14+$0x44F0] =	vst v3;
	v3 =	vmul.f32 v62, v12  }
0x1b8: {  	v17 =	vld [tilespmem:s14+$0x4570];
	[tilespmem:s14+$0x4500] =	vst v2;
	v2 =	vmul.f32 v63, v12  }
0x1b9: {  	v18 =	vld [tilespmem:s14+$0x4580];
	[tilespmem:s14+$0x4510] =	vst v3;
	v3 =	vmul.f32 v13, v12  }
0x1ba: {  	v19 =	vld [tilespmem:s14+$0x4590];
	[tilespmem:s14+$0x4520] =	vst v2;
	v2 =	vmul.f32 v14, v12  }
0x1bb: {  	v20 =	vld [tilespmem:s14+$0x45A0];
	[tilespmem:s14+$0x4530] =	vst v3;
	v3 =	vmul.f32 v15, v12  }
0x1bc: {  	v22 =	vld [tilespmem:s14+$0x45B0];
	v21 =	vbroadcast v1, $0x5;
	[tilespmem:s14+$0x4540] =	vst v2;
	v2 =	vmul.f32 v16, v12  }
0x1bd: {  	v23 =	vld [tilespmem:s14+$0x45C0];
	[tilespmem:s14+$0x4550] =	vst v3;
	v3 =	vmul.f32 v17, v12  }
0x1be: {  	v24 =	vld [tilespmem:s14+$0x45D0];
	[tilespmem:s14+$0x4560] =	vst v2;
	v2 =	vmul.f32 v18, v21  }
0x1bf: {  	v25 =	vld [tilespmem:s14+$0x45E0];
	[tilespmem:s14+$0x4570] =	vst v3;
	v3 =	vmul.f32 v19, v21  }
0x1c0: {  	v26 =	vld [tilespmem:s14+$0x45F0];
	[tilespmem:s14+$0x4580] =	vst v2;
	v2 =	vmul.f32 v20, v21  }
0x1c1: {  	v27 =	vld [tilespmem:s14+$0x4600];
	[tilespmem:s14+$0x4590] =	vst v3;
	v3 =	vmul.f32 v22, v21  }
0x1c2: {  	v28 =	vld [tilespmem:s14+$0x4610];
	[tilespmem:s14+$0x45A0] =	vst v2;
	v2 =	vmul.f32 v23, v21  }
0x1c3: {  	v29 =	vld [tilespmem:s14+$0x4620];
	[tilespmem:s14+$0x45B0] =	vst v3;
	v3 =	vmul.f32 v24, v21  }
0x1c4: {  	v31 =	vld [tilespmem:s14+$0x4630];
	v30 =	vbroadcast v1, $0x6;
	[tilespmem:s14+$0x45C0] =	vst v2;
	v2 =	vmul.f32 v25, v21  }
0x1c5: {  	v32 =	vld [tilespmem:s14+$0x4640];
	[tilespmem:s14+$0x45D0] =	vst v3;
	v3 =	vmul.f32 v26, v21  }
0x1c6: {  	v33 =	vld [tilespmem:s14+$0x4650];
	[tilespmem:s14+$0x45E0] =	vst v2;
	v2 =	vmul.f32 v27, v30  }
0x1c7: {  	v34 =	vld [tilespmem:s14+$0x4660];
	[tilespmem:s14+$0x45F0] =	vst v3;
	v3 =	vmul.f32 v28, v30  }
0x1c8: {  	v35 =	vld [tilespmem:s14+$0x4670];
	[tilespmem:s14+$0x4600] =	vst v2;
	v2 =	vmul.f32 v29, v30  }
0x1c9: {  	v36 =	vld [tilespmem:s14+$0x4680];
	[tilespmem:s14+$0x4610] =	vst v3;
	v3 =	vmul.f32 v31, v30  }
0x1ca: {  	v37 =	vld [tilespmem:s14+$0x4690];
	[tilespmem:s14+$0x4620] =	vst v2;
	v2 =	vmul.f32 v32, v30  }
0x1cb: {  	v38 =	vld [tilespmem:s14+$0x46A0];
	[tilespmem:s14+$0x4630] =	vst v3;
	v3 =	vmul.f32 v33, v30  }
0x1cc: {  	v39 =	vbroadcast v1, $0x7;
	v40 =	vld [tilespmem:s14+$0x46B0];
	[tilespmem:s14+$0x4640] =	vst v2;
	v2 =	vmul.f32 v34, v30  }
0x1cd: {  	v41 =	vld [tilespmem:s14+$0x46C0];
	[tilespmem:s14+$0x4650] =	vst v3;
	v3 =	vmul.f32 v35, v30  }
0x1ce: {  	v42 =	vld [tilespmem:s14+$0x46D0];
	[tilespmem:s14+$0x4660] =	vst v2;
	v2 =	vmul.f32 v36, v39  }
0x1cf: {  	v43 =	vld [tilespmem:s14+$0x46E0];
	[tilespmem:s14+$0x4670] =	vst v3;
	v3 =	vmul.f32 v37, v39  }
0x1d0: {  	v44 =	vld [tilespmem:s14+$0x46F0];
	[tilespmem:s14+$0x4680] =	vst v2;
	v2 =	vmul.f32 v38, v39  }
0x1d1: {  	v45 =	vld [tilespmem:s14+$0x4700];
	[tilespmem:s14+$0x4690] =	vst v3;
	v3 =	vmul.f32 v40, v39  }
0x1d2: {  	v46 =	vld [tilespmem:s14+$0x4710];
	[tilespmem:s14+$0x46A0] =	vst v2;
	v2 =	vmul.f32 v41, v39  }
0x1d3: {  	v47 =	vld [tilespmem:s14+$0x4720];
	[tilespmem:s14+$0x46B0] =	vst v3;
	v3 =	vmul.f32 v42, v39  }
0x1d4: {  	v48 =	vbroadcast v1, $0x8;
	v49 =	vld [tilespmem:s14+$0x4730];
	[tilespmem:s14+$0x46C0] =	vst v2;
	v2 =	vmul.f32 v43, v39  }
0x1d5: {  	v50 =	vld [tilespmem:s14+$0x4740];
	[tilespmem:s14+$0x46D0] =	vst v3;
	v3 =	vmul.f32 v44, v39  }
0x1d6: {  	v51 =	vld [tilespmem:s14+$0x4750];
	[tilespmem:s14+$0x46E0] =	vst v2;
	v2 =	vmul.f32 v45, v48  }
0x1d7: {  	v52 =	vld [tilespmem:s14+$0x4760];
	[tilespmem:s14+$0x46F0] =	vst v3;
	v3 =	vmul.f32 v46, v48  }
0x1d8: {  	v53 =	vld [tilespmem:s14+$0x4770];
	[tilespmem:s14+$0x4700] =	vst v2;
	v2 =	vmul.f32 v47, v48  }
0x1d9: {  	v54 =	vld [tilespmem:s14+$0x4780];
	[tilespmem:s14+$0x4710] =	vst v3;
	v3 =	vmul.f32 v49, v48  }
0x1da: {  	v55 =	vld [tilespmem:s14+$0x4790];
	[tilespmem:s14+$0x4720] =	vst v2;
	v2 =	vmul.f32 v50, v48  }
0x1db: {  	v56 =	vld [tilespmem:s14+$0x47A0];
	[tilespmem:s14+$0x4730] =	vst v3;
	v3 =	vmul.f32 v51, v48  }
0x1dc: {  	v57 =	vbroadcast v1, $0x9;
	v58 =	vld [tilespmem:s14+$0x47B0];
	[tilespmem:s14+$0x4740] =	vst v2;
	v2 =	vmul.f32 v52, v48  }
0x1dd: {  	v59 =	vld [tilespmem:s14+$0x47C0];
	[tilespmem:s14+$0x4750] =	vst v3;
	v3 =	vmul.f32 v53, v48  }
0x1de: {  	v60 =	vld [tilespmem:s14+$0x47D0];
	[tilespmem:s14+$0x4760] =	vst v2;
	v2 =	vmul.f32 v54, v57  }
0x1df: {  	v61 =	vld [tilespmem:s14+$0x47E0];
	[tilespmem:s14+$0x4770] =	vst v3;
	v3 =	vmul.f32 v55, v57  }
0x1e0: {  	v62 =	vld [tilespmem:s14+$0x47F0];
	[tilespmem:s14+$0x4780] =	vst v2;
	v2 =	vmul.f32 v56, v57  }
0x1e1: {  	v63 =	vld [tilespmem:s14+$0x4800];
	[tilespmem:s14+$0x4790] =	vst v3;
	v3 =	vmul.f32 v58, v57  }
0x1e2: {  	v12 =	vld [tilespmem:s14+$0x4810];
	[tilespmem:s14+$0x47A0] =	vst v2;
	v2 =	vmul.f32 v59, v57  }
0x1e3: {  	v13 =	vld [tilespmem:s14+$0x4820];
	[tilespmem:s14+$0x47B0] =	vst v3;
	v3 =	vmul.f32 v60, v57  }
0x1e4: {  	v14 =	vbroadcast v1, $0xA;
	v15 =	vld [tilespmem:s14+$0x4830];
	[tilespmem:s14+$0x47C0] =	vst v2;
	v2 =	vmul.f32 v61, v57  }
0x1e5: {  	v16 =	vld [tilespmem:s14+$0x4840];
	[tilespmem:s14+$0x47D0] =	vst v3;
	v3 =	vmul.f32 v62, v57  }
0x1e6: {  	v17 =	vld [tilespmem:s14+$0x4850];
	[tilespmem:s14+$0x47E0] =	vst v2;
	v2 =	vmul.f32 v63, v14  }
0x1e7: {  	v18 =	vld [tilespmem:s14+$0x4860];
	[tilespmem:s14+$0x47F0] =	vst v3;
	v3 =	vmul.f32 v12, v14  }
0x1e8: {  	v19 =	vld [tilespmem:s14+$0x4870];
	[tilespmem:s14+$0x4800] =	vst v2;
	v2 =	vmul.f32 v13, v14  }
0x1e9: {  	v20 =	vld [tilespmem:s14+$0x4880];
	[tilespmem:s14+$0x4810] =	vst v3;
	v3 =	vmul.f32 v15, v14  }
0x1ea: {  	v21 =	vld [tilespmem:s14+$0x4890];
	[tilespmem:s14+$0x4820] =	vst v2;
	v2 =	vmul.f32 v16, v14  }
0x1eb: {  	v22 =	vld [tilespmem:s14+$0x48A0];
	[tilespmem:s14+$0x4830] =	vst v3;
	v3 =	vmul.f32 v17, v14  }
0x1ec: {  	v23 =	vbroadcast v1, $0xB;
	v24 =	vld [tilespmem:s14+$0x48B0];
	[tilespmem:s14+$0x4840] =	vst v2;
	v2 =	vmul.f32 v18, v14  }
0x1ed: {  	v25 =	vld [tilespmem:s14+$0x48C0];
	[tilespmem:s14+$0x4850] =	vst v3;
	v3 =	vmul.f32 v19, v14  }
0x1ee: {  	v26 =	vld [tilespmem:s14+$0x48D0];
	[tilespmem:s14+$0x4860] =	vst v2;
	v2 =	vmul.f32 v20, v23  }
0x1ef: {  	v27 =	vld [tilespmem:s14+$0x48E0];
	[tilespmem:s14+$0x4870] =	vst v3;
	v3 =	vmul.f32 v21, v23  }
0x1f0: {  	v28 =	vld [tilespmem:s14+$0x48F0];
	[tilespmem:s14+$0x4880] =	vst v2;
	v2 =	vmul.f32 v22, v23  }
0x1f1: {  	v29 =	vld [tilespmem:s14+$0x4900];
	[tilespmem:s14+$0x4890] =	vst v3;
	v3 =	vmul.f32 v24, v23  }
0x1f2: {  	v30 =	vld [tilespmem:s14+$0x4910];
	[tilespmem:s14+$0x48A0] =	vst v2;
	v2 =	vmul.f32 v25, v23  }
0x1f3: {  	v31 =	vld [tilespmem:s14+$0x4920];
	[tilespmem:s14+$0x48B0] =	vst v3;
	v3 =	vmul.f32 v26, v23  }
0x1f4: {  	v32 =	vbroadcast v1, $0xC;
	v33 =	vld [tilespmem:s14+$0x4930];
	[tilespmem:s14+$0x48C0] =	vst v2;
	v2 =	vmul.f32 v27, v23  }
0x1f5: {  	v34 =	vld [tilespmem:s14+$0x4940];
	[tilespmem:s14+$0x48D0] =	vst v3;
	v3 =	vmul.f32 v28, v23  }
0x1f6: {  	v35 =	vld [tilespmem:s14+$0x4950];
	[tilespmem:s14+$0x48E0] =	vst v2;
	v2 =	vmul.f32 v29, v32  }
0x1f7: {  	v36 =	vld [tilespmem:s14+$0x4960];
	[tilespmem:s14+$0x48F0] =	vst v3;
	v3 =	vmul.f32 v30, v32  }
0x1f8: {  	v37 =	vld [tilespmem:s14+$0x4970];
	[tilespmem:s14+$0x4900] =	vst v2;
	v2 =	vmul.f32 v31, v32  }
0x1f9: {  	v38 =	vld [tilespmem:s14+$0x4980];
	[tilespmem:s14+$0x4910] =	vst v3;
	v3 =	vmul.f32 v33, v32  }
0x1fa: {  	v39 =	vld [tilespmem:s14+$0x4990];
	[tilespmem:s14+$0x4920] =	vst v2;
	v2 =	vmul.f32 v34, v32  }
0x1fb: {  	v40 =	vld [tilespmem:s14+$0x49A0];
	[tilespmem:s14+$0x4930] =	vst v3;
	v3 =	vmul.f32 v35, v32  }
0x1fc: {  	v41 =	vbroadcast v1, $0xD;
	v42 =	vld [tilespmem:s14+$0x49B0];
	[tilespmem:s14+$0x4940] =	vst v2;
	v2 =	vmul.f32 v36, v32  }
0x1fd: {  	v43 =	vld [tilespmem:s14+$0x49C0];
	[tilespmem:s14+$0x4950] =	vst v3;
	v3 =	vmul.f32 v37, v32  }
0x1fe: {  	v44 =	vld [tilespmem:s14+$0x49D0];
	[tilespmem:s14+$0x4960] =	vst v2;
	v2 =	vmul.f32 v38, v41  }
0x1ff: {  	v45 =	vld [tilespmem:s14+$0x49E0];
	[tilespmem:s14+$0x4970] =	vst v3;
	v3 =	vmul.f32 v39, v41  }
0x200: {  	v46 =	vld [tilespmem:s14+$0x49F0];
	[tilespmem:s14+$0x4980] =	vst v2;
	v2 =	vmul.f32 v40, v41  }
0x201: {  	v47 =	vld [tilespmem:s14+$0x4A00];
	[tilespmem:s14+$0x4990] =	vst v3;
	v3 =	vmul.f32 v42, v41  }
0x202: {  	v48 =	vld [tilespmem:s14+$0x4A10];
	[tilespmem:s14+$0x49A0] =	vst v2;
	v2 =	vmul.f32 v43, v41  }
0x203: {  	v49 =	vld [tilespmem:s14+$0x4A20];
	[tilespmem:s14+$0x49B0] =	vst v3;
	v3 =	vmul.f32 v44, v41  }
0x204: {  	v50 =	vbroadcast v1, $0xE;
	v51 =	vld [tilespmem:s14+$0x4A30];
	[tilespmem:s14+$0x49C0] =	vst v2;
	v2 =	vmul.f32 v45, v41  }
0x205: {  	v52 =	vld [tilespmem:s14+$0x4A40];
	[tilespmem:s14+$0x49D0] =	vst v3;
	v3 =	vmul.f32 v46, v41  }
0x206: {  	v53 =	vld [tilespmem:s14+$0x4A50];
	[tilespmem:s14+$0x49E0] =	vst v2;
	v2 =	vmul.f32 v47, v50  }
0x207: {  	v54 =	vld [tilespmem:s14+$0x4A60];
	[tilespmem:s14+$0x49F0] =	vst v3;
	v3 =	vmul.f32 v48, v50  }
0x208: {  	v55 =	vld [tilespmem:s14+$0x4A70];
	[tilespmem:s14+$0x4A00] =	vst v2;
	v2 =	vmul.f32 v49, v50  }
0x209: {  	v56 =	vld [tilespmem:s14+$0x4A80];
	[tilespmem:s14+$0x4A10] =	vst v3;
	v3 =	vmul.f32 v51, v50  }
0x20a: {  	v57 =	vld [tilespmem:s14+$0x4A90];
	[tilespmem:s14+$0x4A20] =	vst v2;
	v2 =	vmul.f32 v52, v50  }
0x20b: {  	v58 =	vld [tilespmem:s14+$0x4AA0];
	[tilespmem:s14+$0x4A30] =	vst v3;
	v3 =	vmul.f32 v53, v50  }
0x20c: {  	v1 =	vbroadcast v1, $0xF;
	v59 =	vld [tilespmem:s14+$0x4AB0];
	[tilespmem:s14+$0x4A40] =	vst v2;
	v2 =	vmul.f32 v54, v50  }
0x20d: {  	v60 =	vld [tilespmem:s14+$0x4AC0];
	[tilespmem:s14+$0x4A50] =	vst v3;
	v3 =	vmul.f32 v55, v50  }
0x20e: {  	v61 =	vld [tilespmem:s14+$0x4AD0];
	[tilespmem:s14+$0x4A60] =	vst v2;
	v2 =	vmul.f32 v56, v1  }
0x20f: {  	v62 =	vld [tilespmem:s14+$0x4AE0];
	[tilespmem:s14+$0x4A70] =	vst v3;
	v3 =	vmul.f32 v57, v1  }
0x210: {  	v63 =	vld [tilespmem:s14+$0x4AF0];
	[tilespmem:s14+$0x4A80] =	vst v2;
	v2 =	vmul.f32 v58, v1  }
0x211: {  	[tilespmem:s14+$0x4A90] =	vst v3;
	v3 =	vmul.f32 v59, v1  }
0x212: {  	p1 =	sne.s32 s9, $0x7;
	[tilespmem:s14+$0x4AA0] =	vst v2;
	v2 =	vmul.f32 v60, v1  }
.Ltmp8:
0x213: {  	[tilespmem:s14+$0x4AB0] =	vst v3;
	v3 =	vmul.f32 v61, v1;
	(pc) =	sbr.rel @p1 .LBB2_9-.Ltmp8, $4  }
0x214: {  	[tilespmem:s14+$0x4AC0] =	vst v2;
	v2 =	vmul.f32 v62, v1  }
0x215: {  	[tilespmem:s14+$0x4AD0] =	vst v3;
	v1 =	vmul.f32 v63, v1  }
0x216: {  	[tilespmem:s14+$0x4AE0] =	vst v2  }
0x217: {  	s9 =	sadd.s32 $0x1, s9;
	[tilespmem:s14+$0x4AF0] =	vst v1  }
0x218: {  	[spmem:s6] =	stream.indirect.scatter.add.f32 [tilespmem:s17], [sflag:$0x6], $0x80, s21, s31, $0xb8;
	[tilespmem:$0x1F280] =	vst v63  }
0x219: {  	s9 =	simm.s32 @!p0 $0x1  }
0x21a: {  	[spmem:s7] =	stream.indirect.scatter.add.f32 [tilespmem:s23], [sflag:$0x8], $0x1, s22, s31, $0xb8;
	[tilespmem:$0x1F280] =	vst v63  }
0x21b: {  	_ =	swait.ge @!p0 [sflag:s9], $0x80  }
0x21c: {  	[sflag:s9] =	ssyncset.done @!p0 $0x0  }
0x21d: {  	[sflag:s9] =	ssyncadd.s32 @!p0 $0xFFFFFF80  }
0x21e: {  	_ =	swait.ge @!p0 [sflag:s9], $0x80  }
0x21f: {  	[sflag:s9] =	ssyncset.done @!p0 $0x0  }
0x220: {  	[sflag:s9] =	ssyncadd.s32 @!p0 $0xFFFFFF80  }
0x221: {  	_ =	swait.ge @!p0 [sflag:s9], $0x80  }
0x222: {  	[sflag:s9] =	ssyncset.done @!p0 $0x0  }
0x223: {  	[sflag:s9] =	ssyncadd.s32 @!p0 $0xFFFFFF80;
	s9 =	simm.s32 @!p0 $0x5  }
0x224: {  	_ =	swait.ge @!p0 [sflag:s9], $0x4000  }
0x225: {  	[sflag:s9] =	ssyncset.done @!p0 $0x0  }
0x226: {  	[sflag:s9] =	ssyncadd.s32 @!p0 $0xFFFFC000;
	s9 =	simm.s32 @!p0 $0x7  }
0x227: {  	_ =	swait.ge @!p0 [sflag:s9], $0x80  }
.Ltmp9:
0x228: {  	[sflag:s9] =	ssyncset.done @!p0 $0x0;
	(pc) =	sbr.rel .LBB2_11-.Ltmp9, $4  }
0x229: {  	s14 =	simm.s32 @!p0 $0x300;
	[sflag:s9] =	ssyncadd.s32 @!p0 $0xFFFFFF80;
	s9 =	simm.s32 @!p0 $0x80  }
0x22a: {  	[tilespmem:s14], [sflag:$0x3] =	stream.indirect.gather @!p0 [hbm4b:s3+s9], $0x80, s9, s9, $0xb8;
	[tilespmem:$0x1F280] =	vst v63  }
0x22b: {  	s14 =	simm.s32 @!p0 $0x8400  }
0x22c: {  	[tilespmem:s14], [sflag:$0x3] =	stream.indirect.gather @!p0 [hbm4b:s4+s9], $0x1, s9, s9, $0xb8;
	[tilespmem:$0x1F280] =	vst v63  }
.LBB2_13:
0x22d: {  	_ =	sfence.sel $0x180000  }
0x22e: {  	[bflag:$0x0] =	sbarrier.arrive $0xFFFF  }
0x22f: {  	_ =	strace $0x90000047  }
0x230: {  	s0 =	stileid.u32;
	[bflag:$0x2] =	sbarrier.arrive $0xFFFF  }
0x231: {  	p0 =	sne.s32 s0, $0x0;
	s0 =	rddreg [dreg:$0x8]  }
0x232: {  	s0 =	sadd.s32 @!p0 $0x100000, s0  }
0x233: {  	[sflag:s0] =	ssyncadd.tile.s32 @!p0 $0x1;
	_ =	shalt  }
.Lfunc_end2:
_tile_overlayer_lowered:
.L_overlay_start_2:
0x234: {  	(tag) =	ssettag $0x2  }
0x235: {  	s0 =	rddreg [dreg:$0x0];
	s2 =	stileid.u32  }
0x236: {  	s1 =	rddreg [dreg:$0x1];
	p0 =	sne.s32 s2, $0x0  }
0x237: {  	s3 =	rddreg [dreg:$0x2];
	[bflag:$0x3] =	sbarrier.arrive $0xFFFF;
	s2 =	simm.s32 @!p0 $0x1C09  }
0x238: {  	[timem:s3], [sflag:s2] =	dma.local @!p0 [hbm:s0], s1  }
0x239: {  	s0 =	simm.s32 @!p0 $0x9  }
0x23a: {  	_ =	swait.ge @!p0 [sflag:s0], s1  }
0x23b: {  	s1 =	ssub.s32 @!p0 $0x0, s1;
	[sflag:s0] =	ssyncset.done @!p0 $0x0  }
0x23c: {  	[sflag:s0] =	ssyncadd.s32 @!p0 s1  }
0x23d: {  	[bflag:$0x3] =	sbarrier.arrive $0xFFFF  }
0x23e: {  	_ =	shalt  }

</sc_bundles>
